<compile_context>
chip_gen: v7x
topology: tpu7x:2x2x1
jax: 0.10.2.dev20260603
libtpu: 0.0.44.dev20260713+nightly
codegen_flags: <defaults>
</compile_context>

<pallas_src>
import functools

import jax
import jax.numpy as jnp
from jax.experimental import pallas as pl
from jax.experimental.pallas import tpu as pltpu
from jax.experimental.pallas import tpu_sc as plsc

K = 32


def _enc_topk_kernel(x_ref, w_ref, b_ref, z_ref, thr_ref, z_s, *, nd, dt):
    j = pl.program_id(1)
    x = x_ref[...]
    w = w_ref[...]
    z = jax.lax.dot_general(x, w, (((1,), (1,)), ((), ())),
                            preferred_element_type=jnp.float32)
    z = z + b_ref[...]
    z_s[j] = z
    z_ref[...] = z

    @pl.when(j == nd - 1)
    def _():
        zv = z_s[...]
        tb = zv.shape[1]

        qpt = -(-K // nd)
        cw = dt // qpt
        cms = []
        for jj in range(nd):
            zj = z_s[jj]
            for q in range(qpt):
                cms.append(jnp.max(zj[:, q * cw:(q + 1) * cw], axis=1,
                                   keepdims=True))
        lo0 = cms[0]
        hi0 = cms[0]
        for c in cms[1:]:
            lo0 = jnp.minimum(lo0, c)
            hi0 = jnp.maximum(hi0, c)

        kf = jnp.float32(K)

        def cond(c):
            i, lo, hi, cl = c
            return jnp.logical_and(i < 40, jnp.any(cl != kf))

        def body(c):
            i, lo, hi, cl = c
            mid = 0.5 * (lo + hi)
            m = (zv >= mid[None, :, :]).astype(jnp.float32)
            c1 = jnp.sum(m, axis=2)
            cnt = jnp.sum(c1, axis=0)[:, None]
            ge = cnt >= kf
            return (i + 1,
                    jnp.where(ge, mid, lo),
                    jnp.where(ge, hi, mid),
                    jnp.where(ge, cnt, cl))

        _, thr, _, _ = jax.lax.while_loop(
            cond, body,
            (jnp.int32(0), lo0, hi0, jnp.full((tb, 1), kf + 1.0, jnp.float32)))

        thr_ref[...] = jnp.broadcast_to(thr.reshape(1, tb, 1),
                                        thr_ref.shape)


def _dec_kernel(z_ref, thr_ref, w_ref, b_ref, out_ref, acc, *, nd):
    j = pl.program_id(1)

    @pl.when(j == 0)
    def _():
        acc[...] = jnp.zeros_like(acc)

    z = z_ref[...]
    thr = thr_ref[0, :, 0:1]
    zsp = jnp.where(z >= thr, z, 0.0)
    acc[...] += jax.lax.dot_general(zsp, w_ref[...],
                                    (((1,), (1,)), ((), ())),
                                    preferred_element_type=jnp.float32)

    @pl.when(j == nd - 1)
    def _():
        out_ref[...] = acc[...] + b_ref[...]


def _sc_mask_kernel(z_hbm, thr_hbm, out_hbm, row_v, thr_v, *, rows_per_w, rb):
    c = jax.lax.axis_index("c")
    s = jax.lax.axis_index("s")
    nc = jax.lax.axis_size("c")
    wid = s * nc + c
    base = wid * rows_per_w
    pltpu.sync_copy(thr_hbm.at[pl.ds(base * 16, rows_per_w * 16)], thr_v)

    def batch_body(b, carry):
        rbase = base + b * rb
        pltpu.sync_copy(z_hbm.at[pl.ds(rbase, rb)], row_v)
        for rr in range(rb):
            rl = b * rb + rr
            thrs = thr_v[pl.ds(rl * 16, 16)]

            def inner(v, _):
                for u in range(8):
                    idx = pl.ds((v * 8 + u) * 16, 16)
                    xv = row_v[rr, idx]
                    row_v[rr, idx] = jnp.where(xv >= thrs, xv, 0.0)
                return 0

            jax.lax.fori_loop(0, 64, inner, 0)
        pltpu.sync_copy(row_v, out_hbm.at[pl.ds(rbase, rb)])
        return carry

    jax.lax.fori_loop(0, rows_per_w // rb, batch_body, 0)


def kernel(x, W_enc, b_enc, W_dec, b_dec):
    n_chunks = 2
    nt_all = x.shape[0]
    cs = nt_all // n_chunks
    outs = [_chunk(x[c * cs:(c + 1) * cs], W_enc, b_enc, W_dec, b_dec)
            for c in range(n_chunks)]
    x_hat = jnp.concatenate([o[0] for o in outs], axis=0)
    z_sparse = jnp.concatenate([o[1] for o in outs], axis=0)
    return (x_hat, z_sparse)


def _chunk(x, W_enc, b_enc, W_dec, b_dec):
    n_tok, d_in = x.shape
    d_dict = W_enc.shape[0]
    tb = min(256, n_tok)
    dt = 1024
    nt = n_tok // tb
    nd = d_dict // dt
    b_enc2 = b_enc.reshape(1, d_dict)
    b_dec2 = b_dec.reshape(1, d_in)

    z, thr = pl.pallas_call(
        functools.partial(_enc_topk_kernel, nd=nd, dt=dt),
        grid=(nt, nd),
        in_specs=[
            pl.BlockSpec((tb, d_in), lambda i, j: (i, 0)),
            pl.BlockSpec((dt, d_in), lambda i, j: (j, 0)),
            pl.BlockSpec((1, dt), lambda i, j: (0, j)),
        ],
        out_specs=[
            pl.BlockSpec((tb, dt), lambda i, j: (i, j)),
            pl.BlockSpec((1, tb, 16), lambda i, j: (i, 0, 0)),
        ],
        out_shape=[
            jax.ShapeDtypeStruct((n_tok, d_dict), jnp.float32),
            jax.ShapeDtypeStruct((nt, tb, 16), jnp.float32),
        ],
        scratch_shapes=[pltpu.VMEM((nd, tb, dt), jnp.float32)],
    )(x, W_enc, b_enc2)

    thr_flat = thr.reshape(n_tok * 16)

    info = plsc.get_sparse_core_info()
    nw = info.num_cores * info.num_subcores
    rows_per_w = n_tok // nw
    rb = min(8, rows_per_w)

    mesh = plsc.VectorSubcoreMesh(core_axis_name="c", subcore_axis_name="s")
    sc_mask = functools.partial(
        pl.kernel,
        mesh=mesh,
        out_type=jax.ShapeDtypeStruct((n_tok, d_dict), jnp.float32),
        scratch_types=[
            pltpu.VMEM((rb, d_dict), jnp.float32),
            pltpu.VMEM((rows_per_w * 16,), jnp.float32),
        ],
    )(functools.partial(_sc_mask_kernel, rows_per_w=rows_per_w, rb=rb))
    z_sparse = sc_mask(z, thr_flat)

    x_hat = pl.pallas_call(
        functools.partial(_dec_kernel, nd=nd),
        grid=(nt, nd),
        in_specs=[
            pl.BlockSpec((tb, dt), lambda i, j: (i, j)),
            pl.BlockSpec((1, tb, 16), lambda i, j: (i, 0, 0)),
            pl.BlockSpec((d_in, dt), lambda i, j: (0, j)),
            pl.BlockSpec((1, d_in), lambda i, j: (0, 0)),
        ],
        out_specs=pl.BlockSpec((tb, d_in), lambda i, j: (i, 0)),
        out_shape=jax.ShapeDtypeStruct((n_tok, d_in), jnp.float32),
        scratch_shapes=[pltpu.VMEM((tb, d_in), jnp.float32)],
    )(z, thr, W_dec, b_dec2)

    return (x_hat, z_sparse)

# --- scband reference (transcript-rebuilt; emitter-appended) ---
"""Pipeline reference for scband-top-ksae-53618371723774 (READ-ONLY COPY).

The authoritative reference and input builder live on the scoring server;
editing this copy changes nothing except your own understanding.
"""

import jax, jax.numpy as jnp
import numpy as np

D_IN = 1024
D_DICT = 8192
K = 32
N_TOK = 4096

def setup_inputs(seed: int = 0) -> dict:
    key = jax.random.key(seed)
    k1, k2, k3, k4, k5 = jax.random.split(key, 5)
    x = jax.random.normal(k1, (N_TOK, D_IN), dtype=jnp.float32)
    # torch Linear params: weight [out, in], bias [out]
    W_enc = jax.random.normal(k2, (D_DICT, D_IN), dtype=jnp.float32) * (1.0 / np.sqrt(D_IN))
    b_enc = jax.random.normal(k3, (D_DICT,), dtype=jnp.float32) * 0.01
    W_dec = jax.random.normal(k4, (D_IN, D_DICT), dtype=jnp.float32) * (1.0 / np.sqrt(D_DICT))
    b_dec = jax.random.normal(k5, (D_IN,), dtype=jnp.float32) * 0.01
    return {"x": x, "W_enc": W_enc, "b_enc": b_enc, "W_dec": W_dec, "b_dec": b_dec}

def reference(x, W_enc, b_enc, W_dec, b_dec):
    # encode: z = Linear(x) -> x @ W_enc.T + b_enc
    z = x @ W_enc.T + b_enc
    # top-k mask along last dim
    _, idx = jax.lax.top_k(z, K)
    mask = jnp.zeros(z.shape, dtype=z.dtype)
    rows = jnp.arange(z.shape[0])[:, None]
    mask = mask.at[rows, idx].set(1.0)
    z_sparse = z * mask
    # decode
    x_hat = z_sparse @ W_dec.T + b_dec
    return (x_hat, z_sparse)

if __name__ == "__main__":
    import jax
    _d = setup_inputs()
    print(jax.jit(kernel)(*tuple(_d.values())))

</pallas_src>

<mosaic_0001>
#map = affine_map<(d0, d1) -> (0, 0)>
#map1 = affine_map<(d0, d1) -> (0)>
module attributes {stable_mosaic.version = 14 : i64} {
  func.func @_sc_mask_kernel(%arg0: i32, %arg1: i32, %arg2: memref<2048x8192xf32, #tpu.memory_space<hbm>>, %arg3: memref<32768xf32, #tpu.memory_space<hbm>>, %arg4: memref<2048x8192xf32, #tpu.memory_space<hbm>>, %arg5: memref<8x8192xf32, #tpu.memory_space<vmem>>, %arg6: memref<1024xf32, #tpu.memory_space<vmem>>) attributes {dimension_semantics = [#tpu.dimension_semantics<core_parallel>, #tpu.dimension_semantics<subcore_parallel>], iteration_bounds = array<i64: 2, 16>, scalar_prefetch = 0 : i64, scratch_operands = 2 : i64, tpu.core_type = #tpu.core_type<sc_vector_subcore>, window_params = [{transform_indices = #map}, {transform_indices = #map1}, {transform_indices = #map}]} {
    %mul3A = arith.constant 2 : i32
    %mul3A_0 = arith.muli %arg1, %mul3A : i32
    %add3A = arith.addi %mul3A_0, %arg0 : i32
    %mul3A_1 = arith.constant 64 : i32
    %mul3A_2 = arith.muli %add3A, %mul3A_1 : i32
    %mul3A_3 = arith.constant 16 : i32
    %mul3A_4 = arith.muli %mul3A_2, %mul3A_3 : i32
    "tpu.region"() ({
      %run_scoped3A = tpu.sem_alloc : memref<!tpu.dma_semaphore, #tpu.memory_space<semaphore_mem>>
      %dma_start3A = tpu.memref_slice %arg3[%mul3A_4] : memref<32768xf32, #tpu.memory_space<hbm>> -> memref<1024xf32, #tpu.memory_space<hbm>>
      %dma_start3A_10 = tpu.memref_slice %arg3[%mul3A_4] : memref<32768xf32, #tpu.memory_space<hbm>> -> memref<1024xf32, #tpu.memory_space<hbm>>
      tpu.enqueue_dma source(%dma_start3A_10 : memref<1024xf32, #tpu.memory_space<hbm>>) target(%arg6 : memref<1024xf32, #tpu.memory_space<vmem>>) target_semaphore(%run_scoped3A : memref<!tpu.dma_semaphore, #tpu.memory_space<semaphore_mem>>)
      %dma_wait3A = tpu.memref_slice %arg3[%mul3A_4] : memref<32768xf32, #tpu.memory_space<hbm>> -> memref<1024xf32, #tpu.memory_space<hbm>>
      %dma_wait3A_11 = tpu.memref_slice %arg3[%mul3A_4] : memref<32768xf32, #tpu.memory_space<hbm>> -> memref<1024xf32, #tpu.memory_space<hbm>>
      tpu.wait_dma2 semaphore(%run_scoped3A : memref<!tpu.dma_semaphore, #tpu.memory_space<semaphore_mem>>) src(%dma_wait3A_11 : memref<1024xf32, #tpu.memory_space<hbm>>) dst(%arg6 : memref<1024xf32, #tpu.memory_space<vmem>>)
      tpu.yield
    }) : () -> ()
    %scan3A = arith.constant 0 : i32
    %scan3A_5 = arith.constant 0 : i32
    %scan3A_6 = arith.constant 8 : i32
    %scan3A_7 = arith.addi %scan3A_5, %scan3A_6 : i32
    %scan3A_8 = arith.constant 1 : i32
    scf.for %scan3A_10 = %scan3A_5 to %scan3A_7 step %scan3A_8  : i32 {
      %mul3A_11 = arith.constant 8 : i32
      %mul3A_12 = arith.muli %scan3A_10, %mul3A_11 : i32
      %add3A_13 = arith.addi %mul3A_2, %mul3A_12 : i32
      "tpu.region"() ({
        %run_scoped3A = tpu.sem_alloc : memref<!tpu.dma_semaphore, #tpu.memory_space<semaphore_mem>>
        %dma_start3A = arith.constant 0 : i32
        %dma_start3A_141 = tpu.memref_slice %arg2[%add3A_13, %dma_start3A] : memref<2048x8192xf32, #tpu.memory_space<hbm>> -> memref<8x8192xf32, #tpu.memory_space<hbm>>
        %dma_start3A_142 = arith.constant 0 : i32
        %dma_start3A_143 = tpu.memref_slice %arg2[%add3A_13, %dma_start3A_142] : memref<2048x8192xf32, #tpu.memory_space<hbm>> -> memref<8x8192xf32, #tpu.memory_space<hbm>>
        tpu.enqueue_dma source(%dma_start3A_143 : memref<8x8192xf32, #tpu.memory_space<hbm>>) target(%arg5 : memref<8x8192xf32, #tpu.memory_space<vmem>>) target_semaphore(%run_scoped3A : memref<!tpu.dma_semaphore, #tpu.memory_space<semaphore_mem>>)
        %dma_wait3A = arith.constant 0 : i32
        %dma_wait3A_144 = tpu.memref_slice %arg2[%add3A_13, %dma_wait3A] : memref<2048x8192xf32, #tpu.memory_space<hbm>> -> memref<8x8192xf32, #tpu.memory_space<hbm>>
        %dma_wait3A_145 = arith.constant 0 : i32
        %dma_wait3A_146 = tpu.memref_slice %arg2[%add3A_13, %dma_wait3A_145] : memref<2048x8192xf32, #tpu.memory_space<hbm>> -> memref<8x8192xf32, #tpu.memory_space<hbm>>
        tpu.wait_dma2 semaphore(%run_scoped3A : memref<!tpu.dma_semaphore, #tpu.memory_space<semaphore_mem>>) src(%dma_wait3A_146 : memref<8x8192xf32, #tpu.memory_space<hbm>>) dst(%arg5 : memref<8x8192xf32, #tpu.memory_space<vmem>>)
        tpu.yield
      }) : () -> ()
      %mul3A_14 = arith.constant 8 : i32
      %mul3A_15 = arith.muli %scan3A_10, %mul3A_14 : i32
      %add3A_16 = arith.constant 0 : i32
      %add3A_17 = arith.addi %mul3A_15, %add3A_16 : i32
      %mul3A_18 = arith.constant 16 : i32
      %mul3A_19 = arith.muli %add3A_17, %mul3A_18 : i32
      %get3A = arith.index_cast %mul3A_19 : i32 to index
      %get3A_20 = tpu.vector_load %arg6[%get3A] {strides = array<i32>} : memref<1024xf32, #tpu.memory_space<vmem>>, vector<16xf32>,
      %get3A_21 = vector.shape_cast %get3A_20 : vector<16xf32> to vector<16xf32>
      %scan3A_22 = arith.constant 0 : i32
      %scan3A_23 = arith.constant 0 : i32
      %scan3A_24 = arith.constant 64 : i32
      %scan3A_25 = arith.addi %scan3A_23, %scan3A_24 : i32
      %scan3A_26 = arith.constant 1 : i32
      %scan3A_27 = scf.for %scan3A_141 = %scan3A_23 to %scan3A_25 step %scan3A_26 iter_args(%scan3A_142 = %scan3A_22) -> (i32)  : i32 {
        %mul3A_143 = arith.constant 8 : i32
        %mul3A_144 = arith.muli %scan3A_141, %mul3A_143 : i32
        %add3A_145 = arith.constant 0 : i32
        %add3A_146 = arith.addi %mul3A_144, %add3A_145 : i32
        %mul3A_147 = arith.constant 16 : i32
        %mul3A_148 = arith.muli %add3A_146, %mul3A_147 : i32
        %get3A_149 = arith.constant 0 : i32
        %get3A_150 = arith.index_cast %get3A_149 : i32 to index
        %get3A_151 = arith.index_cast %mul3A_148 : i32 to index
        %get3A_152 = tpu.vector_load %arg5[%get3A_150, %get3A_151] {strides = array<i32>} : memref<8x8192xf32, #tpu.memory_space<vmem>>, vector<1x16xf32>,
        %get3A_153 = vector.shape_cast %get3A_152 : vector<1x16xf32> to vector<16xf32>
        %ge3A = arith.cmpf oge, %get3A_153, %get3A_21 : vector<16xf32>
        %jit3A = arith.constant 0.000000e+00 : f32
        %broadcast_in_dim3A = vector.broadcast %jit3A : f32 to vector<16xf32>
        %select_n3A = arith.select %ge3A, %get3A_153, %broadcast_in_dim3A : vector<16xi1>, vector<16xf32>
        %swap3A = arith.constant 0 : i32
        %swap3A_154 = arith.index_cast %swap3A : i32 to index
        %swap3A_155 = arith.index_cast %mul3A_148 : i32 to index
        %swap3A_156 = tpu.vector_load %arg5[%swap3A_154, %swap3A_155] {strides = array<i32>} : memref<8x8192xf32, #tpu.memory_space<vmem>>, vector<1x16xf32>,
        %swap3A_157 = vector.shape_cast %swap3A_156 : vector<1x16xf32> to vector<16xf32>
        %swap3A_158 = vector.shape_cast %select_n3A : vector<16xf32> to vector<1x16xf32>
        tpu.vector_store %arg5[%swap3A_154, %swap3A_155], %swap3A_158 {strides = array<i32>} : memref<8x8192xf32, #tpu.memory_space<vmem>>, vector<1x16xf32>,
        %mul3A_159 = arith.constant 8 : i32
        %mul3A_160 = arith.muli %scan3A_141, %mul3A_159 : i32
        %add3A_161 = arith.constant 1 : i32
        %add3A_162 = arith.addi %mul3A_160, %add3A_161 : i32
        %mul3A_163 = arith.constant 16 : i32
        %mul3A_164 = arith.muli %add3A_162, %mul3A_163 : i32
        %get3A_165 = arith.constant 0 : i32
        %get3A_166 = arith.index_cast %get3A_165 : i32 to index
        %get3A_167 = arith.index_cast %mul3A_164 : i32 to index
        %get3A_168 = tpu.vector_load %arg5[%get3A_166, %get3A_167] {strides = array<i32>} : memref<8x8192xf32, #tpu.memory_space<vmem>>, vector<1x16xf32>,
        %get3A_169 = vector.shape_cast %get3A_168 : vector<1x16xf32> to vector<16xf32>
        %ge3A_170 = arith.cmpf oge, %get3A_169, %get3A_21 : vector<16xf32>
        %jit3A_171 = arith.constant 0.000000e+00 : f32
        %broadcast_in_dim3A_172 = vector.broadcast %jit3A_171 : f32 to vector<16xf32>
        %select_n3A_173 = arith.select %ge3A_170, %get3A_169, %broadcast_in_dim3A_172 : vector<16xi1>, vector<16xf32>
        %swap3A_174 = arith.constant 0 : i32
        %swap3A_175 = arith.index_cast %swap3A_174 : i32 to index
        %swap3A_176 = arith.index_cast %mul3A_164 : i32 to index
        %swap3A_177 = tpu.vector_load %arg5[%swap3A_175, %swap3A_176] {strides = array<i32>} : memref<8x8192xf32, #tpu.memory_space<vmem>>, vector<1x16xf32>,
        %swap3A_178 = vector.shape_cast %swap3A_177 : vector<1x16xf32> to vector<16xf32>
        %swap3A_179 = vector.shape_cast %select_n3A_173 : vector<16xf32> to vector<1x16xf32>
        tpu.vector_store %arg5[%swap3A_175, %swap3A_176], %swap3A_179 {strides = array<i32>} : memref<8x8192xf32, #tpu.memory_space<vmem>>, vector<1x16xf32>,
        %mul3A_180 = arith.constant 8 : i32
        %mul3A_181 = arith.muli %scan3A_141, %mul3A_180 : i32
        %add3A_182 = arith.constant 2 : i32
        %add3A_183 = arith.addi %mul3A_181, %add3A_182 : i32
        %mul3A_184 = arith.constant 16 : i32
        %mul3A_185 = arith.muli %add3A_183, %mul3A_184 : i32
        %get3A_186 = arith.constant 0 : i32
        %get3A_187 = arith.index_cast %get3A_186 : i32 to index
        %get3A_188 = arith.index_cast %mul3A_185 : i32 to index
        %get3A_189 = tpu.vector_load %arg5[%get3A_187, %get3A_188] {strides = array<i32>} : memref<8x8192xf32, #tpu.memory_space<vmem>>, vector<1x16xf32>,
        %get3A_190 = vector.shape_cast %get3A_189 : vector<1x16xf32> to vector<16xf32>
        %ge3A_191 = arith.cmpf oge, %get3A_190, %get3A_21 : vector<16xf32>
        %jit3A_192 = arith.constant 0.000000e+00 : f32
        %broadcast_in_dim3A_193 = vector.broadcast %jit3A_192 : f32 to vector<16xf32>
        %select_n3A_194 = arith.select %ge3A_191, %get3A_190, %broadcast_in_dim3A_193 : vector<16xi1>, vector<16xf32>
        %swap3A_195 = arith.constant 0 : i32
        %swap3A_196 = arith.index_cast %swap3A_195 : i32 to index
        %swap3A_197 = arith.index_cast %mul3A_185 : i32 to index
        %swap3A_198 = tpu.vector_load %arg5[%swap3A_196, %swap3A_197] {strides = array<i32>} : memref<8x8192xf32, #tpu.memory_space<vmem>>, vector<1x16xf32>,
        %swap3A_199 = vector.shape_cast %swap3A_198 : vector<1x16xf32> to vector<16xf32>
        %swap3A_200 = vector.shape_cast %select_n3A_194 : vector<16xf32> to vector<1x16xf32>
        tpu.vector_store %arg5[%swap3A_196, %swap3A_197], %swap3A_200 {strides = array<i32>} : memref<8x8192xf32, #tpu.memory_space<vmem>>, vector<1x16xf32>,
        %mul3A_201 = arith.constant 8 : i32
        %mul3A_202 = arith.muli %scan3A_141, %mul3A_201 : i32
        %add3A_203 = arith.constant 3 : i32
        %add3A_204 = arith.addi %mul3A_202, %add3A_203 : i32
        %mul3A_205 = arith.constant 16 : i32
        %mul3A_206 = arith.muli %add3A_204, %mul3A_205 : i32
        %get3A_207 = arith.constant 0 : i32
        %get3A_208 = arith.index_cast %get3A_207 : i32 to index
        %get3A_209 = arith.index_cast %mul3A_206 : i32 to index
        %get3A_210 = tpu.vector_load %arg5[%get3A_208, %get3A_209] {strides = array<i32>} : memref<8x8192xf32, #tpu.memory_space<vmem>>, vector<1x16xf32>,
        %get3A_211 = vector.shape_cast %get3A_210 : vector<1x16xf32> to vector<16xf32>
        %ge3A_212 = arith.cmpf oge, %get3A_211, %get3A_21 : vector<16xf32>
        %jit3A_213 = arith.constant 0.000000e+00 : f32
        %broadcast_in_dim3A_214 = vector.broadcast %jit3A_213 : f32 to vector<16xf32>
        %select_n3A_215 = arith.select %ge3A_212, %get3A_211, %broadcast_in_dim3A_214 : vector<16xi1>, vector<16xf32>
        %swap3A_216 = arith.constant 0 : i32
        %swap3A_217 = arith.index_cast %swap3A_216 : i32 to index
        %swap3A_218 = arith.index_cast %mul3A_206 : i32 to index
        %swap3A_219 = tpu.vector_load %arg5[%swap3A_217, %swap3A_218] {strides = array<i32>} : memref<8x8192xf32, #tpu.memory_space<vmem>>, vector<1x16xf32>,
        %swap3A_220 = vector.shape_cast %swap3A_219 : vector<1x16xf32> to vector<16xf32>
        %swap3A_221 = vector.shape_cast %select_n3A_215 : vector<16xf32> to vector<1x16xf32>
        tpu.vector_store %arg5[%swap3A_217, %swap3A_218], %swap3A_221 {strides = array<i32>} : memref<8x8192xf32, #tpu.memory_space<vmem>>, vector<1x16xf32>,
        %mul3A_222 = arith.constant 8 : i32
        %mul3A_223 = arith.muli %scan3A_141, %mul3A_222 : i32
        %add3A_224 = arith.constant 4 : i32
        %add3A_225 = arith.addi %mul3A_223, %add3A_224 : i32
        %mul3A_226 = arith.constant 16 : i32
        %mul3A_227 = arith.muli %add3A_225, %mul3A_226 : i32
        %get3A_228 = arith.constant 0 : i32
        %get3A_229 = arith.index_cast %get3A_228 : i32 to index
        %get3A_230 = arith.index_cast %mul3A_227 : i32 to index
        %get3A_231 = tpu.vector_load %arg5[%get3A_229, %get3A_230] {strides = array<i32>} : memref<8x8192xf32, #tpu.memory_space<vmem>>, vector<1x16xf32>,
        %get3A_232 = vector.shape_cast %get3A_231 : vector<1x16xf32> to vector<16xf32>
        %ge3A_233 = arith.cmpf oge, %get3A_232, %get3A_21 : vector<16xf32>
        %jit3A_234 = arith.constant 0.000000e+00 : f32
        %broadcast_in_dim3A_235 = vector.broadcast %jit3A_234 : f32 to vector<16xf32>
        %select_n3A_236 = arith.select %ge3A_233, %get3A_232, %broadcast_in_dim3A_235 : vector<16xi1>, vector<16xf32>
        %swap3A_237 = arith.constant 0 : i32
        %swap3A_238 = arith.index_cast %swap3A_237 : i32 to index
        %swap3A_239 = arith.index_cast %mul3A_227 : i32 to index
        %swap3A_240 = tpu.vector_load %arg5[%swap3A_238, %swap3A_239] {strides = array<i32>} : memref<8x8192xf32, #tpu.memory_space<vmem>>, vector<1x16xf32>,
        %swap3A_241 = vector.shape_cast %swap3A_240 : vector<1x16xf32> to vector<16xf32>
        %swap3A_242 = vector.shape_cast %select_n3A_236 : vector<16xf32> to vector<1x16xf32>
        tpu.vector_store %arg5[%swap3A_238, %swap3A_239], %swap3A_242 {strides = array<i32>} : memref<8x8192xf32, #tpu.memory_space<vmem>>, vector<1x16xf32>,
        %mul3A_243 = arith.constant 8 : i32
        %mul3A_244 = arith.muli %scan3A_141, %mul3A_243 : i32
        %add3A_245 = arith.constant 5 : i32
        %add3A_246 = arith.addi %mul3A_244, %add3A_245 : i32
        %mul3A_247 = arith.constant 16 : i32
        %mul3A_248 = arith.muli %add3A_246, %mul3A_247 : i32
        %get3A_249 = arith.constant 0 : i32
        %get3A_250 = arith.index_cast %get3A_249 : i32 to index
        %get3A_251 = arith.index_cast %mul3A_248 : i32 to index
        %get3A_252 = tpu.vector_load %arg5[%get3A_250, %get3A_251] {strides = array<i32>} : memref<8x8192xf32, #tpu.memory_space<vmem>>, vector<1x16xf32>,
        %get3A_253 = vector.shape_cast %get3A_252 : vector<1x16xf32> to vector<16xf32>
        %ge3A_254 = arith.cmpf oge, %get3A_253, %get3A_21 : vector<16xf32>
        %jit3A_255 = arith.constant 0.000000e+00 : f32
        %broadcast_in_dim3A_256 = vector.broadcast %jit3A_255 : f32 to vector<16xf32>
        %select_n3A_257 = arith.select %ge3A_254, %get3A_253, %broadcast_in_dim3A_256 : vector<16xi1>, vector<16xf32>
        %swap3A_258 = arith.constant 0 : i32
        %swap3A_259 = arith.index_cast %swap3A_258 : i32 to index
        %swap3A_260 = arith.index_cast %mul3A_248 : i32 to index
        %swap3A_261 = tpu.vector_load %arg5[%swap3A_259, %swap3A_260] {strides = array<i32>} : memref<8x8192xf32, #tpu.memory_space<vmem>>, vector<1x16xf32>,
        %swap3A_262 = vector.shape_cast %swap3A_261 : vector<1x16xf32> to vector<16xf32>
        %swap3A_263 = vector.shape_cast %select_n3A_257 : vector<16xf32> to vector<1x16xf32>
        tpu.vector_store %arg5[%swap3A_259, %swap3A_260], %swap3A_263 {strides = array<i32>} : memref<8x8192xf32, #tpu.memory_space<vmem>>, vector<1x16xf32>,
        %mul3A_264 = arith.constant 8 : i32
        %mul3A_265 = arith.muli %scan3A_141, %mul3A_264 : i32
        %add3A_266 = arith.constant 6 : i32
        %add3A_267 = arith.addi %mul3A_265, %add3A_266 : i32
        %mul3A_268 = arith.constant 16 : i32
        %mul3A_269 = arith.muli %add3A_267, %mul3A_268 : i32
        %get3A_270 = arith.constant 0 : i32
        %get3A_271 = arith.index_cast %get3A_270 : i32 to index
        %get3A_272 = arith.index_cast %mul3A_269 : i32 to index
        %get3A_273 = tpu.vector_load %arg5[%get3A_271, %get3A_272] {strides = array<i32>} : memref<8x8192xf32, #tpu.memory_space<vmem>>, vector<1x16xf32>,
        %get3A_274 = vector.shape_cast %get3A_273 : vector<1x16xf32> to vector<16xf32>
        %ge3A_275 = arith.cmpf oge, %get3A_274, %get3A_21 : vector<16xf32>
        %jit3A_276 = arith.constant 0.000000e+00 : f32
        %broadcast_in_dim3A_277 = vector.broadcast %jit3A_276 : f32 to vector<16xf32>
        %select_n3A_278 = arith.select %ge3A_275, %get3A_274, %broadcast_in_dim3A_277 : vector<16xi1>, vector<16xf32>
        %swap3A_279 = arith.constant 0 : i32
        %swap3A_280 = arith.index_cast %swap3A_279 : i32 to index
        %swap3A_281 = arith.index_cast %mul3A_269 : i32 to index
        %swap3A_282 = tpu.vector_load %arg5[%swap3A_280, %swap3A_281] {strides = array<i32>} : memref<8x8192xf32, #tpu.memory_space<vmem>>, vector<1x16xf32>,
        %swap3A_283 = vector.shape_cast %swap3A_282 : vector<1x16xf32> to vector<16xf32>
        %swap3A_284 = vector.shape_cast %select_n3A_278 : vector<16xf32> to vector<1x16xf32>
        tpu.vector_store %arg5[%swap3A_280, %swap3A_281], %swap3A_284 {strides = array<i32>} : memref<8x8192xf32, #tpu.memory_space<vmem>>, vector<1x16xf32>,
        %mul3A_285 = arith.constant 8 : i32
        %mul3A_286 = arith.muli %scan3A_141, %mul3A_285 : i32
        %add3A_287 = arith.constant 7 : i32
        %add3A_288 = arith.addi %mul3A_286, %add3A_287 : i32
        %mul3A_289 = arith.constant 16 : i32
        %mul3A_290 = arith.muli %add3A_288, %mul3A_289 : i32
        %get3A_291 = arith.constant 0 : i32
        %get3A_292 = arith.index_cast %get3A_291 : i32 to index
        %get3A_293 = arith.index_cast %mul3A_290 : i32 to index
        %get3A_294 = tpu.vector_load %arg5[%get3A_292, %get3A_293] {strides = array<i32>} : memref<8x8192xf32, #tpu.memory_space<vmem>>, vector<1x16xf32>,
        %get3A_295 = vector.shape_cast %get3A_294 : vector<1x16xf32> to vector<16xf32>
        %ge3A_296 = arith.cmpf oge, %get3A_295, %get3A_21 : vector<16xf32>
        %jit3A_297 = arith.constant 0.000000e+00 : f32
        %broadcast_in_dim3A_298 = vector.broadcast %jit3A_297 : f32 to vector<16xf32>
        %select_n3A_299 = arith.select %ge3A_296, %get3A_295, %broadcast_in_dim3A_298 : vector<16xi1>, vector<16xf32>
        %swap3A_300 = arith.constant 0 : i32
        %swap3A_301 = arith.index_cast %swap3A_300 : i32 to index
        %swap3A_302 = arith.index_cast %mul3A_290 : i32 to index
        %swap3A_303 = tpu.vector_load %arg5[%swap3A_301, %swap3A_302] {strides = array<i32>} : memref<8x8192xf32, #tpu.memory_space<vmem>>, vector<1x16xf32>,
        %swap3A_304 = vector.shape_cast %swap3A_303 : vector<1x16xf32> to vector<16xf32>
        %swap3A_305 = vector.shape_cast %select_n3A_299 : vector<16xf32> to vector<1x16xf32>
        tpu.vector_store %arg5[%swap3A_301, %swap3A_302], %swap3A_305 {strides = array<i32>} : memref<8x8192xf32, #tpu.memory_space<vmem>>, vector<1x16xf32>,
        %scan3A_306 = arith.constant 0 : i32
        scf.yield %scan3A_306 : i32
      }
      %scan3A_28 = arith.constant 64 : i32
      %mul3A_29 = arith.constant 8 : i32
      %mul3A_30 = arith.muli %scan3A_10, %mul3A_29 : i32
      %add3A_31 = arith.constant 1 : i32
      %add3A_32 = arith.addi %mul3A_30, %add3A_31 : i32
      %mul3A_33 = arith.constant 16 : i32
      %mul3A_34 = arith.muli %add3A_32, %mul3A_33 : i32
      %get3A_35 = arith.index_cast %mul3A_34 : i32 to index
      %get3A_36 = tpu.vector_load %arg6[%get3A_35] {strides = array<i32>} : memref<1024xf32, #tpu.memory_space<vmem>>, vector<16xf32>,
      %get3A_37 = vector.shape_cast %get3A_36 : vector<16xf32> to vector<16xf32>
      %scan3A_38 = arith.constant 0 : i32
      %scan3A_39 = arith.constant 0 : i32
      %scan3A_40 = arith.constant 64 : i32
      %scan3A_41 = arith.addi %scan3A_39, %scan3A_40 : i32
      %scan3A_42 = arith.constant 1 : i32
      %scan3A_43 = scf.for %scan3A_141 = %scan3A_39 to %scan3A_41 step %scan3A_42 iter_args(%scan3A_142 = %scan3A_38) -> (i32)  : i32 {
        %mul3A_143 = arith.constant 8 : i32
        %mul3A_144 = arith.muli %scan3A_141, %mul3A_143 : i32
        %add3A_145 = arith.constant 0 : i32
        %add3A_146 = arith.addi %mul3A_144, %add3A_145 : i32
        %mul3A_147 = arith.constant 16 : i32
        %mul3A_148 = arith.muli %add3A_146, %mul3A_147 : i32
        %get3A_149 = arith.constant 1 : i32
        %get3A_150 = arith.index_cast %get3A_149 : i32 to index
        %get3A_151 = arith.index_cast %mul3A_148 : i32 to index
        %get3A_152 = tpu.vector_load %arg5[%get3A_150, %get3A_151] {strides = array<i32>} : memref<8x8192xf32, #tpu.memory_space<vmem>>, vector<1x16xf32>,
        %get3A_153 = vector.shape_cast %get3A_152 : vector<1x16xf32> to vector<16xf32>
        %ge3A = arith.cmpf oge, %get3A_153, %get3A_37 : vector<16xf32>
        %jit3A = arith.constant 0.000000e+00 : f32
        %broadcast_in_dim3A = vector.broadcast %jit3A : f32 to vector<16xf32>
        %select_n3A = arith.select %ge3A, %get3A_153, %broadcast_in_dim3A : vector<16xi1>, vector<16xf32>
        %swap3A = arith.constant 1 : i32
        %swap3A_154 = arith.index_cast %swap3A : i32 to index
        %swap3A_155 = arith.index_cast %mul3A_148 : i32 to index
        %swap3A_156 = tpu.vector_load %arg5[%swap3A_154, %swap3A_155] {strides = array<i32>} : memref<8x8192xf32, #tpu.memory_space<vmem>>, vector<1x16xf32>,
        %swap3A_157 = vector.shape_cast %swap3A_156 : vector<1x16xf32> to vector<16xf32>
        %swap3A_158 = vector.shape_cast %select_n3A : vector<16xf32> to vector<1x16xf32>
        tpu.vector_store %arg5[%swap3A_154, %swap3A_155], %swap3A_158 {strides = array<i32>} : memref<8x8192xf32, #tpu.memory_space<vmem>>, vector<1x16xf32>,
        %mul3A_159 = arith.constant 8 : i32
        %mul3A_160 = arith.muli %scan3A_141, %mul3A_159 : i32
        %add3A_161 = arith.constant 1 : i32
        %add3A_162 = arith.addi %mul3A_160, %add3A_161 : i32
        %mul3A_163 = arith.constant 16 : i32
        %mul3A_164 = arith.muli %add3A_162, %mul3A_163 : i32
        %get3A_165 = arith.constant 1 : i32
        %get3A_166 = arith.index_cast %get3A_165 : i32 to index
        %get3A_167 = arith.index_cast %mul3A_164 : i32 to index
        %get3A_168 = tpu.vector_load %arg5[%get3A_166, %get3A_167] {strides = array<i32>} : memref<8x8192xf32, #tpu.memory_space<vmem>>, vector<1x16xf32>,
        %get3A_169 = vector.shape_cast %get3A_168 : vector<1x16xf32> to vector<16xf32>
        %ge3A_170 = arith.cmpf oge, %get3A_169, %get3A_37 : vector<16xf32>
        %jit3A_171 = arith.constant 0.000000e+00 : f32
        %broadcast_in_dim3A_172 = vector.broadcast %jit3A_171 : f32 to vector<16xf32>
        %select_n3A_173 = arith.select %ge3A_170, %get3A_169, %broadcast_in_dim3A_172 : vector<16xi1>, vector<16xf32>
        %swap3A_174 = arith.constant 1 : i32
        %swap3A_175 = arith.index_cast %swap3A_174 : i32 to index
        %swap3A_176 = arith.index_cast %mul3A_164 : i32 to index
        %swap3A_177 = tpu.vector_load %arg5[%swap3A_175, %swap3A_176] {strides = array<i32>} : memref<8x8192xf32, #tpu.memory_space<vmem>>, vector<1x16xf32>,
        %swap3A_178 = vector.shape_cast %swap3A_177 : vector<1x16xf32> to vector<16xf32>
        %swap3A_179 = vector.shape_cast %select_n3A_173 : vector<16xf32> to vector<1x16xf32>
        tpu.vector_store %arg5[%swap3A_175, %swap3A_176], %swap3A_179 {strides = array<i32>} : memref<8x8192xf32, #tpu.memory_space<vmem>>, vector<1x16xf32>,
        %mul3A_180 = arith.constant 8 : i32
        %mul3A_181 = arith.muli %scan3A_141, %mul3A_180 : i32
        %add3A_182 = arith.constant 2 : i32
        %add3A_183 = arith.addi %mul3A_181, %add3A_182 : i32
        %mul3A_184 = arith.constant 16 : i32
        %mul3A_185 = arith.muli %add3A_183, %mul3A_184 : i32
        %get3A_186 = arith.constant 1 : i32
        %get3A_187 = arith.index_cast %get3A_186 : i32 to index
        %get3A_188 = arith.index_cast %mul3A_185 : i32 to index
        %get3A_189 = tpu.vector_load %arg5[%get3A_187, %get3A_188] {strides = array<i32>} : memref<8x8192xf32, #tpu.memory_space<vmem>>, vector<1x16xf32>,
        %get3A_190 = vector.shape_cast %get3A_189 : vector<1x16xf32> to vector<16xf32>
        %ge3A_191 = arith.cmpf oge, %get3A_190, %get3A_37 : vector<16xf32>
        %jit3A_192 = arith.constant 0.000000e+00 : f32
        %broadcast_in_dim3A_193 = vector.broadcast %jit3A_192 : f32 to vector<16xf32>
        %select_n3A_194 = arith.select %ge3A_191, %get3A_190, %broadcast_in_dim3A_193 : vector<16xi1>, vector<16xf32>
        %swap3A_195 = arith.constant 1 : i32
        %swap3A_196 = arith.index_cast %swap3A_195 : i32 to index
        %swap3A_197 = arith.index_cast %mul3A_185 : i32 to index
        %swap3A_198 = tpu.vector_load %arg5[%swap3A_196, %swap3A_197] {strides = array<i32>} : memref<8x8192xf32, #tpu.memory_space<vmem>>, vector<1x16xf32>,
        %swap3A_199 = vector.shape_cast %swap3A_198 : vector<1x16xf32> to vector<16xf32>
        %swap3A_200 = vector.shape_cast %select_n3A_194 : vector<16xf32> to vector<1x16xf32>
        tpu.vector_store %arg5[%swap3A_196, %swap3A_197], %swap3A_200 {strides = array<i32>} : memref<8x8192xf32, #tpu.memory_space<vmem>>, vector<1x16xf32>,
        %mul3A_201 = arith.constant 8 : i32
        %mul3A_202 = arith.muli %scan3A_141, %mul3A_201 : i32
        %add3A_203 = arith.constant 3 : i32
        %add3A_204 = arith.addi %mul3A_202, %add3A_203 : i32
        %mul3A_205 = arith.constant 16 : i32
        %mul3A_206 = arith.muli %add3A_204, %mul3A_205 : i32
        %get3A_207 = arith.constant 1 : i32
        %get3A_208 = arith.index_cast %get3A_207 : i32 to index
        %get3A_209 = arith.index_cast %mul3A_206 : i32 to index
        %get3A_210 = tpu.vector_load %arg5[%get3A_208, %get3A_209] {strides = array<i32>} : memref<8x8192xf32, #tpu.memory_space<vmem>>, vector<1x16xf32>,
        %get3A_211 = vector.shape_cast %get3A_210 : vector<1x16xf32> to vector<16xf32>
        %ge3A_212 = arith.cmpf oge, %get3A_211, %get3A_37 : vector<16xf32>
        %jit3A_213 = arith.constant 0.000000e+00 : f32
        %broadcast_in_dim3A_214 = vector.broadcast %jit3A_213 : f32 to vector<16xf32>
        %select_n3A_215 = arith.select %ge3A_212, %get3A_211, %broadcast_in_dim3A_214 : vector<16xi1>, vector<16xf32>
        %swap3A_216 = arith.constant 1 : i32
        %swap3A_217 = arith.index_cast %swap3A_216 : i32 to index
        %swap3A_218 = arith.index_cast %mul3A_206 : i32 to index
        %swap3A_219 = tpu.vector_load %arg5[%swap3A_217, %swap3A_218] {strides = array<i32>} : memref<8x8192xf32, #tpu.memory_space<vmem>>, vector<1x16xf32>,
        %swap3A_220 = vector.shape_cast %swap3A_219 : vector<1x16xf32> to vector<16xf32>
        %swap3A_221 = vector.shape_cast %select_n3A_215 : vector<16xf32> to vector<1x16xf32>
        tpu.vector_store %arg5[%swap3A_217, %swap3A_218], %swap3A_221 {strides = array<i32>} : memref<8x8192xf32, #tpu.memory_space<vmem>>, vector<1x16xf32>,
        %mul3A_222 = arith.constant 8 : i32
        %mul3A_223 = arith.muli %scan3A_141, %mul3A_222 : i32
        %add3A_224 = arith.constant 4 : i32
        %add3A_225 = arith.addi %mul3A_223, %add3A_224 : i32
        %mul3A_226 = arith.constant 16 : i32
        %mul3A_227 = arith.muli %add3A_225, %mul3A_226 : i32
        %get3A_228 = arith.constant 1 : i32
        %get3A_229 = arith.index_cast %get3A_228 : i32 to index
        %get3A_230 = arith.index_cast %mul3A_227 : i32 to index
        %get3A_231 = tpu.vector_load %arg5[%get3A_229, %get3A_230] {strides = array<i32>} : memref<8x8192xf32, #tpu.memory_space<vmem>>, vector<1x16xf32>,
        %get3A_232 = vector.shape_cast %get3A_231 : vector<1x16xf32> to vector<16xf32>
        %ge3A_233 = arith.cmpf oge, %get3A_232, %get3A_37 : vector<16xf32>
        %jit3A_234 = arith.constant 0.000000e+00 : f32
        %broadcast_in_dim3A_235 = vector.broadcast %jit3A_234 : f32 to vector<16xf32>
        %select_n3A_236 = arith.select %ge3A_233, %get3A_232, %broadcast_in_dim3A_235 : vector<16xi1>, vector<16xf32>
        %swap3A_237 = arith.constant 1 : i32
        %swap3A_238 = arith.index_cast %swap3A_237 : i32 to index
        %swap3A_239 = arith.index_cast %mul3A_227 : i32 to index
        %swap3A_240 = tpu.vector_load %arg5[%swap3A_238, %swap3A_239] {strides = array<i32>} : memref<8x8192xf32, #tpu.memory_space<vmem>>, vector<1x16xf32>,
        %swap3A_241 = vector.shape_cast %swap3A_240 : vector<1x16xf32> to vector<16xf32>
        %swap3A_242 = vector.shape_cast %select_n3A_236 : vector<16xf32> to vector<1x16xf32>
        tpu.vector_store %arg5[%swap3A_238, %swap3A_239], %swap3A_242 {strides = array<i32>} : memref<8x8192xf32, #tpu.memory_space<vmem>>, vector<1x16xf32>,
        %mul3A_243 = arith.constant 8 : i32
        %mul3A_244 = arith.muli %scan3A_141, %mul3A_243 : i32
        %add3A_245 = arith.constant 5 : i32
        %add3A_246 = arith.addi %mul3A_244, %add3A_245 : i32
        %mul3A_247 = arith.constant 16 : i32
        %mul3A_248 = arith.muli %add3A_246, %mul3A_247 : i32
        %get3A_249 = arith.constant 1 : i32
        %get3A_250 = arith.index_cast %get3A_249 : i32 to index
        %get3A_251 = arith.index_cast %mul3A_248 : i32 to index
        %get3A_252 = tpu.vector_load %arg5[%get3A_250, %get3A_251] {strides = array<i32>} : memref<8x8192xf32, #tpu.memory_space<vmem>>, vector<1x16xf32>,
        %get3A_253 = vector.shape_cast %get3A_252 : vector<1x16xf32> to vector<16xf32>
        %ge3A_254 = arith.cmpf oge, %get3A_253, %get3A_37 : vector<16xf32>
        %jit3A_255 = arith.constant 0.000000e+00 : f32
        %broadcast_in_dim3A_256 = vector.broadcast %jit3A_255 : f32 to vector<16xf32>
        %select_n3A_257 = arith.select %ge3A_254, %get3A_253, %broadcast_in_dim3A_256 : vector<16xi1>, vector<16xf32>
        %swap3A_258 = arith.constant 1 : i32
        %swap3A_259 = arith.index_cast %swap3A_258 : i32 to index
        %swap3A_260 = arith.index_cast %mul3A_248 : i32 to index
        %swap3A_261 = tpu.vector_load %arg5[%swap3A_259, %swap3A_260] {strides = array<i32>} : memref<8x8192xf32, #tpu.memory_space<vmem>>, vector<1x16xf32>,
        %swap3A_262 = vector.shape_cast %swap3A_261 : vector<1x16xf32> to vector<16xf32>
        %swap3A_263 = vector.shape_cast %select_n3A_257 : vector<16xf32> to vector<1x16xf32>
        tpu.vector_store %arg5[%swap3A_259, %swap3A_260], %swap3A_263 {strides = array<i32>} : memref<8x8192xf32, #tpu.memory_space<vmem>>, vector<1x16xf32>,
        %mul3A_264 = arith.constant 8 : i32
        %mul3A_265 = arith.muli %scan3A_141, %mul3A_264 : i32
        %add3A_266 = arith.constant 6 : i32
        %add3A_267 = arith.addi %mul3A_265, %add3A_266 : i32
        %mul3A_268 = arith.constant 16 : i32
        %mul3A_269 = arith.muli %add3A_267, %mul3A_268 : i32
        %get3A_270 = arith.constant 1 : i32
        %get3A_271 = arith.index_cast %get3A_270 : i32 to index
        %get3A_272 = arith.index_cast %mul3A_269 : i32 to index
        %get3A_273 = tpu.vector_load %arg5[%get3A_271, %get3A_272] {strides = array<i32>} : memref<8x8192xf32, #tpu.memory_space<vmem>>, vector<1x16xf32>,
        %get3A_274 = vector.shape_cast %get3A_273 : vector<1x16xf32> to vector<16xf32>
        %ge3A_275 = arith.cmpf oge, %get3A_274, %get3A_37 : vector<16xf32>
        %jit3A_276 = arith.constant 0.000000e+00 : f32
        %broadcast_in_dim3A_277 = vector.broadcast %jit3A_276 : f32 to vector<16xf32>
        %select_n3A_278 = arith.select %ge3A_275, %get3A_274, %broadcast_in_dim3A_277 : vector<16xi1>, vector<16xf32>
        %swap3A_279 = arith.constant 1 : i32
        %swap3A_280 = arith.index_cast %swap3A_279 : i32 to index
        %swap3A_281 = arith.index_cast %mul3A_269 : i32 to index
        %swap3A_282 = tpu.vector_load %arg5[%swap3A_280, %swap3A_281] {strides = array<i32>} : memref<8x8192xf32, #tpu.memory_space<vmem>>, vector<1x16xf32>,
        %swap3A_283 = vector.shape_cast %swap3A_282 : vector<1x16xf32> to vector<16xf32>
        %swap3A_284 = vector.shape_cast %select_n3A_278 : vector<16xf32> to vector<1x16xf32>
        tpu.vector_store %arg5[%swap3A_280, %swap3A_281], %swap3A_284 {strides = array<i32>} : memref<8x8192xf32, #tpu.memory_space<vmem>>, vector<1x16xf32>,
        %mul3A_285 = arith.constant 8 : i32
        %mul3A_286 = arith.muli %scan3A_141, %mul3A_285 : i32
        %add3A_287 = arith.constant 7 : i32
        %add3A_288 = arith.addi %mul3A_286, %add3A_287 : i32
        %mul3A_289 = arith.constant 16 : i32
        %mul3A_290 = arith.muli %add3A_288, %mul3A_289 : i32
        %get3A_291 = arith.constant 1 : i32
        %get3A_292 = arith.index_cast %get3A_291 : i32 to index
        %get3A_293 = arith.index_cast %mul3A_290 : i32 to index
        %get3A_294 = tpu.vector_load %arg5[%get3A_292, %get3A_293] {strides = array<i32>} : memref<8x8192xf32, #tpu.memory_space<vmem>>, vector<1x16xf32>,
        %get3A_295 = vector.shape_cast %get3A_294 : vector<1x16xf32> to vector<16xf32>
        %ge3A_296 = arith.cmpf oge, %get3A_295, %get3A_37 : vector<16xf32>
        %jit3A_297 = arith.constant 0.000000e+00 : f32
        %broadcast_in_dim3A_298 = vector.broadcast %jit3A_297 : f32 to vector<16xf32>
        %select_n3A_299 = arith.select %ge3A_296, %get3A_295, %broadcast_in_dim3A_298 : vector<16xi1>, vector<16xf32>
        %swap3A_300 = arith.constant 1 : i32
        %swap3A_301 = arith.index_cast %swap3A_300 : i32 to index
        %swap3A_302 = arith.index_cast %mul3A_290 : i32 to index
        %swap3A_303 = tpu.vector_load %arg5[%swap3A_301, %swap3A_302] {strides = array<i32>} : memref<8x8192xf32, #tpu.memory_space<vmem>>, vector<1x16xf32>,
        %swap3A_304 = vector.shape_cast %swap3A_303 : vector<1x16xf32> to vector<16xf32>
        %swap3A_305 = vector.shape_cast %select_n3A_299 : vector<16xf32> to vector<1x16xf32>
        tpu.vector_store %arg5[%swap3A_301, %swap3A_302], %swap3A_305 {strides = array<i32>} : memref<8x8192xf32, #tpu.memory_space<vmem>>, vector<1x16xf32>,
        %scan3A_306 = arith.constant 0 : i32
        scf.yield %scan3A_306 : i32
      }
      %scan3A_44 = arith.constant 64 : i32
      %mul3A_45 = arith.constant 8 : i32
      %mul3A_46 = arith.muli %scan3A_10, %mul3A_45 : i32
      %add3A_47 = arith.constant 2 : i32
      %add3A_48 = arith.addi %mul3A_46, %add3A_47 : i32
      %mul3A_49 = arith.constant 16 : i32
      %mul3A_50 = arith.muli %add3A_48, %mul3A_49 : i32
      %get3A_51 = arith.index_cast %mul3A_50 : i32 to index
      %get3A_52 = tpu.vector_load %arg6[%get3A_51] {strides = array<i32>} : memref<1024xf32, #tpu.memory_space<vmem>>, vector<16xf32>,
      %get3A_53 = vector.shape_cast %get3A_52 : vector<16xf32> to vector<16xf32>
      %scan3A_54 = arith.constant 0 : i32
      %scan3A_55 = arith.constant 0 : i32
      %scan3A_56 = arith.constant 64 : i32
      %scan3A_57 = arith.addi %scan3A_55, %scan3A_56 : i32
      %scan3A_58 = arith.constant 1 : i32
      %scan3A_59 = scf.for %scan3A_141 = %scan3A_55 to %scan3A_57 step %scan3A_58 iter_args(%scan3A_142 = %scan3A_54) -> (i32)  : i32 {
        %mul3A_143 = arith.constant 8 : i32
        %mul3A_144 = arith.muli %scan3A_141, %mul3A_143 : i32
        %add3A_145 = arith.constant 0 : i32
        %add3A_146 = arith.addi %mul3A_144, %add3A_145 : i32
        %mul3A_147 = arith.constant 16 : i32
        %mul3A_148 = arith.muli %add3A_146, %mul3A_147 : i32
        %get3A_149 = arith.constant 2 : i32
        %get3A_150 = arith.index_cast %get3A_149 : i32 to index
        %get3A_151 = arith.index_cast %mul3A_148 : i32 to index
        %get3A_152 = tpu.vector_load %arg5[%get3A_150, %get3A_151] {strides = array<i32>} : memref<8x8192xf32, #tpu.memory_space<vmem>>, vector<1x16xf32>,
        %get3A_153 = vector.shape_cast %get3A_152 : vector<1x16xf32> to vector<16xf32>
        %ge3A = arith.cmpf oge, %get3A_153, %get3A_53 : vector<16xf32>
        %jit3A = arith.constant 0.000000e+00 : f32
        %broadcast_in_dim3A = vector.broadcast %jit3A : f32 to vector<16xf32>
        %select_n3A = arith.select %ge3A, %get3A_153, %broadcast_in_dim3A : vector<16xi1>, vector<16xf32>
        %swap3A = arith.constant 2 : i32
        %swap3A_154 = arith.index_cast %swap3A : i32 to index
        %swap3A_155 = arith.index_cast %mul3A_148 : i32 to index
        %swap3A_156 = tpu.vector_load %arg5[%swap3A_154, %swap3A_155] {strides = array<i32>} : memref<8x8192xf32, #tpu.memory_space<vmem>>, vector<1x16xf32>,
        %swap3A_157 = vector.shape_cast %swap3A_156 : vector<1x16xf32> to vector<16xf32>
        %swap3A_158 = vector.shape_cast %select_n3A : vector<16xf32> to vector<1x16xf32>
        tpu.vector_store %arg5[%swap3A_154, %swap3A_155], %swap3A_158 {strides = array<i32>} : memref<8x8192xf32, #tpu.memory_space<vmem>>, vector<1x16xf32>,
        %mul3A_159 = arith.constant 8 : i32
        %mul3A_160 = arith.muli %scan3A_141, %mul3A_159 : i32
        %add3A_161 = arith.constant 1 : i32
        %add3A_162 = arith.addi %mul3A_160, %add3A_161 : i32
        %mul3A_163 = arith.constant 16 : i32
        %mul3A_164 = arith.muli %add3A_162, %mul3A_163 : i32
        %get3A_165 = arith.constant 2 : i32
        %get3A_166 = arith.index_cast %get3A_165 : i32 to index
        %get3A_167 = arith.index_cast %mul3A_164 : i32 to index
        %get3A_168 = tpu.vector_load %arg5[%get3A_166, %get3A_167] {strides = array<i32>} : memref<8x8192xf32, #tpu.memory_space<vmem>>, vector<1x16xf32>,
        %get3A_169 = vector.shape_cast %get3A_168 : vector<1x16xf32> to vector<16xf32>
        %ge3A_170 = arith.cmpf oge, %get3A_169, %get3A_53 : vector<16xf32>
        %jit3A_171 = arith.constant 0.000000e+00 : f32
        %broadcast_in_dim3A_172 = vector.broadcast %jit3A_171 : f32 to vector<16xf32>
        %select_n3A_173 = arith.select %ge3A_170, %get3A_169, %broadcast_in_dim3A_172 : vector<16xi1>, vector<16xf32>
        %swap3A_174 = arith.constant 2 : i32
        %swap3A_175 = arith.index_cast %swap3A_174 : i32 to index
        %swap3A_176 = arith.index_cast %mul3A_164 : i32 to index
        %swap3A_177 = tpu.vector_load %arg5[%swap3A_175, %swap3A_176] {strides = array<i32>} : memref<8x8192xf32, #tpu.memory_space<vmem>>, vector<1x16xf32>,
        %swap3A_178 = vector.shape_cast %swap3A_177 : vector<1x16xf32> to vector<16xf32>
        %swap3A_179 = vector.shape_cast %select_n3A_173 : vector<16xf32> to vector<1x16xf32>
        tpu.vector_store %arg5[%swap3A_175, %swap3A_176], %swap3A_179 {strides = array<i32>} : memref<8x8192xf32, #tpu.memory_space<vmem>>, vector<1x16xf32>,
        %mul3A_180 = arith.constant 8 : i32
        %mul3A_181 = arith.muli %scan3A_141, %mul3A_180 : i32
        %add3A_182 = arith.constant 2 : i32
        %add3A_183 = arith.addi %mul3A_181, %add3A_182 : i32
        %mul3A_184 = arith.constant 16 : i32
        %mul3A_185 = arith.muli %add3A_183, %mul3A_184 : i32
        %get3A_186 = arith.constant 2 : i32
        %get3A_187 = arith.index_cast %get3A_186 : i32 to index
        %get3A_188 = arith.index_cast %mul3A_185 : i32 to index
        %get3A_189 = tpu.vector_load %arg5[%get3A_187, %get3A_188] {strides = array<i32>} : memref<8x8192xf32, #tpu.memory_space<vmem>>, vector<1x16xf32>,
        %get3A_190 = vector.shape_cast %get3A_189 : vector<1x16xf32> to vector<16xf32>
        %ge3A_191 = arith.cmpf oge, %get3A_190, %get3A_53 : vector<16xf32>
        %jit3A_192 = arith.constant 0.000000e+00 : f32
        %broadcast_in_dim3A_193 = vector.broadcast %jit3A_192 : f32 to vector<16xf32>
        %select_n3A_194 = arith.select %ge3A_191, %get3A_190, %broadcast_in_dim3A_193 : vector<16xi1>, vector<16xf32>
        %swap3A_195 = arith.constant 2 : i32
        %swap3A_196 = arith.index_cast %swap3A_195 : i32 to index
        %swap3A_197 = arith.index_cast %mul3A_185 : i32 to index
        %swap3A_198 = tpu.vector_load %arg5[%swap3A_196, %swap3A_197] {strides = array<i32>} : memref<8x8192xf32, #tpu.memory_space<vmem>>, vector<1x16xf32>,
        %swap3A_199 = vector.shape_cast %swap3A_198 : vector<1x16xf32> to vector<16xf32>
        %swap3A_200 = vector.shape_cast %select_n3A_194 : vector<16xf32> to vector<1x16xf32>
        tpu.vector_store %arg5[%swap3A_196, %swap3A_197], %swap3A_200 {strides = array<i32>} : memref<8x8192xf32, #tpu.memory_space<vmem>>, vector<1x16xf32>,
        %mul3A_201 = arith.constant 8 : i32
        %mul3A_202 = arith.muli %scan3A_141, %mul3A_201 : i32
        %add3A_203 = arith.constant 3 : i32
        %add3A_204 = arith.addi %mul3A_202, %add3A_203 : i32
        %mul3A_205 = arith.constant 16 : i32
        %mul3A_206 = arith.muli %add3A_204, %mul3A_205 : i32
        %get3A_207 = arith.constant 2 : i32
        %get3A_208 = arith.index_cast %get3A_207 : i32 to index
        %get3A_209 = arith.index_cast %mul3A_206 : i32 to index
        %get3A_210 = tpu.vector_load %arg5[%get3A_208, %get3A_209] {strides = array<i32>} : memref<8x8192xf32, #tpu.memory_space<vmem>>, vector<1x16xf32>,
        %get3A_211 = vector.shape_cast %get3A_210 : vector<1x16xf32> to vector<16xf32>
        %ge3A_212 = arith.cmpf oge, %get3A_211, %get3A_53 : vector<16xf32>
        %jit3A_213 = arith.constant 0.000000e+00 : f32
        %broadcast_in_dim3A_214 = vector.broadcast %jit3A_213 : f32 to vector<16xf32>
        %select_n3A_215 = arith.select %ge3A_212, %get3A_211, %broadcast_in_dim3A_214 : vector<16xi1>, vector<16xf32>
        %swap3A_216 = arith.constant 2 : i32
        %swap3A_217 = arith.index_cast %swap3A_216 : i32 to index
        %swap3A_218 = arith.index_cast %mul3A_206 : i32 to index
        %swap3A_219 = tpu.vector_load %arg5[%swap3A_217, %swap3A_218] {strides = array<i32>} : memref<8x8192xf32, #tpu.memory_space<vmem>>, vector<1x16xf32>,
        %swap3A_220 = vector.shape_cast %swap3A_219 : vector<1x16xf32> to vector<16xf32>
        %swap3A_221 = vector.shape_cast %select_n3A_215 : vector<16xf32> to vector<1x16xf32>
        tpu.vector_store %arg5[%swap3A_217, %swap3A_218], %swap3A_221 {strides = array<i32>} : memref<8x8192xf32, #tpu.memory_space<vmem>>, vector<1x16xf32>,
        %mul3A_222 = arith.constant 8 : i32
        %mul3A_223 = arith.muli %scan3A_141, %mul3A_222 : i32
        %add3A_224 = arith.constant 4 : i32
        %add3A_225 = arith.addi %mul3A_223, %add3A_224 : i32
        %mul3A_226 = arith.constant 16 : i32
        %mul3A_227 = arith.muli %add3A_225, %mul3A_226 : i32
        %get3A_228 = arith.constant 2 : i32
        %get3A_229 = arith.index_cast %get3A_228 : i32 to index
        %get3A_230 = arith.index_cast %mul3A_227 : i32 to index
        %get3A_231 = tpu.vector_load %arg5[%get3A_229, %get3A_230] {strides = array<i32>} : memref<8x8192xf32, #tpu.memory_space<vmem>>, vector<1x16xf32>,
        %get3A_232 = vector.shape_cast %get3A_231 : vector<1x16xf32> to vector<16xf32>
        %ge3A_233 = arith.cmpf oge, %get3A_232, %get3A_53 : vector<16xf32>
        %jit3A_234 = arith.constant 0.000000e+00 : f32
        %broadcast_in_dim3A_235 = vector.broadcast %jit3A_234 : f32 to vector<16xf32>
        %select_n3A_236 = arith.select %ge3A_233, %get3A_232, %broadcast_in_dim3A_235 : vector<16xi1>, vector<16xf32>
        %swap3A_237 = arith.constant 2 : i32
        %swap3A_238 = arith.index_cast %swap3A_237 : i32 to index
        %swap3A_239 = arith.index_cast %mul3A_227 : i32 to index
        %swap3A_240 = tpu.vector_load %arg5[%swap3A_238, %swap3A_239] {strides = array<i32>} : memref<8x8192xf32, #tpu.memory_space<vmem>>, vector<1x16xf32>,
        %swap3A_241 = vector.shape_cast %swap3A_240 : vector<1x16xf32> to vector<16xf32>
        %swap3A_242 = vector.shape_cast %select_n3A_236 : vector<16xf32> to vector<1x16xf32>
        tpu.vector_store %arg5[%swap3A_238, %swap3A_239], %swap3A_242 {strides = array<i32>} : memref<8x8192xf32, #tpu.memory_space<vmem>>, vector<1x16xf32>,
        %mul3A_243 = arith.constant 8 : i32
        %mul3A_244 = arith.muli %scan3A_141, %mul3A_243 : i32
        %add3A_245 = arith.constant 5 : i32
        %add3A_246 = arith.addi %mul3A_244, %add3A_245 : i32
        %mul3A_247 = arith.constant 16 : i32
        %mul3A_248 = arith.muli %add3A_246, %mul3A_247 : i32
        %get3A_249 = arith.constant 2 : i32
        %get3A_250 = arith.index_cast %get3A_249 : i32 to index
        %get3A_251 = arith.index_cast %mul3A_248 : i32 to index
        %get3A_252 = tpu.vector_load %arg5[%get3A_250, %get3A_251] {strides = array<i32>} : memref<8x8192xf32, #tpu.memory_space<vmem>>, vector<1x16xf32>,
        %get3A_253 = vector.shape_cast %get3A_252 : vector<1x16xf32> to vector<16xf32>
        %ge3A_254 = arith.cmpf oge, %get3A_253, %get3A_53 : vector<16xf32>
        %jit3A_255 = arith.constant 0.000000e+00 : f32
        %broadcast_in_dim3A_256 = vector.broadcast %jit3A_255 : f32 to vector<16xf32>
        %select_n3A_257 = arith.select %ge3A_254, %get3A_253, %broadcast_in_dim3A_256 : vector<16xi1>, vector<16xf32>
        %swap3A_258 = arith.constant 2 : i32
        %swap3A_259 = arith.index_cast %swap3A_258 : i32 to index
        %swap3A_260 = arith.index_cast %mul3A_248 : i32 to index
        %swap3A_261 = tpu.vector_load %arg5[%swap3A_259, %swap3A_260] {strides = array<i32>} : memref<8x8192xf32, #tpu.memory_space<vmem>>, vector<1x16xf32>,
        %swap3A_262 = vector.shape_cast %swap3A_261 : vector<1x16xf32> to vector<16xf32>
        %swap3A_263 = vector.shape_cast %select_n3A_257 : vector<16xf32> to vector<1x16xf32>
        tpu.vector_store %arg5[%swap3A_259, %swap3A_260], %swap3A_263 {strides = array<i32>} : memref<8x8192xf32, #tpu.memory_space<vmem>>, vector<1x16xf32>,
        %mul3A_264 = arith.constant 8 : i32
        %mul3A_265 = arith.muli %scan3A_141, %mul3A_264 : i32
        %add3A_266 = arith.constant 6 : i32
        %add3A_267 = arith.addi %mul3A_265, %add3A_266 : i32
        %mul3A_268 = arith.constant 16 : i32
        %mul3A_269 = arith.muli %add3A_267, %mul3A_268 : i32
        %get3A_270 = arith.constant 2 : i32
        %get3A_271 = arith.index_cast %get3A_270 : i32 to index
        %get3A_272 = arith.index_cast %mul3A_269 : i32 to index
        %get3A_273 = tpu.vector_load %arg5[%get3A_271, %get3A_272] {strides = array<i32>} : memref<8x8192xf32, #tpu.memory_space<vmem>>, vector<1x16xf32>,
        %get3A_274 = vector.shape_cast %get3A_273 : vector<1x16xf32> to vector<16xf32>
        %ge3A_275 = arith.cmpf oge, %get3A_274, %get3A_53 : vector<16xf32>
        %jit3A_276 = arith.constant 0.000000e+00 : f32
        %broadcast_in_dim3A_277 = vector.broadcast %jit3A_276 : f32 to vector<16xf32>
        %select_n3A_278 = arith.select %ge3A_275, %get3A_274, %broadcast_in_dim3A_277 : vector<16xi1>, vector<16xf32>
        %swap3A_279 = arith.constant 2 : i32
        %swap3A_280 = arith.index_cast %swap3A_279 : i32 to index
        %swap3A_281 = arith.index_cast %mul3A_269 : i32 to index
        %swap3A_282 = tpu.vector_load %arg5[%swap3A_280, %swap3A_281] {strides = array<i32>} : memref<8x8192xf32, #tpu.memory_space<vmem>>, vector<1x16xf32>,
        %swap3A_283 = vector.shape_cast %swap3A_282 : vector<1x16xf32> to vector<16xf32>
        %swap3A_284 = vector.shape_cast %select_n3A_278 : vector<16xf32> to vector<1x16xf32>
        tpu.vector_store %arg5[%swap3A_280, %swap3A_281], %swap3A_284 {strides = array<i32>} : memref<8x8192xf32, #tpu.memory_space<vmem>>, vector<1x16xf32>,
        %mul3A_285 = arith.constant 8 : i32
        %mul3A_286 = arith.muli %scan3A_141, %mul3A_285 : i32
        %add3A_287 = arith.constant 7 : i32
        %add3A_288 = arith.addi %mul3A_286, %add3A_287 : i32
        %mul3A_289 = arith.constant 16 : i32
        %mul3A_290 = arith.muli %add3A_288, %mul3A_289 : i32
        %get3A_291 = arith.constant 2 : i32
        %get3A_292 = arith.index_cast %get3A_291 : i32 to index
        %get3A_293 = arith.index_cast %mul3A_290 : i32 to index
        %get3A_294 = tpu.vector_load %arg5[%get3A_292, %get3A_293] {strides = array<i32>} : memref<8x8192xf32, #tpu.memory_space<vmem>>, vector<1x16xf32>,
        %get3A_295 = vector.shape_cast %get3A_294 : vector<1x16xf32> to vector<16xf32>
        %ge3A_296 = arith.cmpf oge, %get3A_295, %get3A_53 : vector<16xf32>
        %jit3A_297 = arith.constant 0.000000e+00 : f32
        %broadcast_in_dim3A_298 = vector.broadcast %jit3A_297 : f32 to vector<16xf32>
        %select_n3A_299 = arith.select %ge3A_296, %get3A_295, %broadcast_in_dim3A_298 : vector<16xi1>, vector<16xf32>
        %swap3A_300 = arith.constant 2 : i32
        %swap3A_301 = arith.index_cast %swap3A_300 : i32 to index
        %swap3A_302 = arith.index_cast %mul3A_290 : i32 to index
        %swap3A_303 = tpu.vector_load %arg5[%swap3A_301, %swap3A_302] {strides = array<i32>} : memref<8x8192xf32, #tpu.memory_space<vmem>>, vector<1x16xf32>,
        %swap3A_304 = vector.shape_cast %swap3A_303 : vector<1x16xf32> to vector<16xf32>
        %swap3A_305 = vector.shape_cast %select_n3A_299 : vector<16xf32> to vector<1x16xf32>
        tpu.vector_store %arg5[%swap3A_301, %swap3A_302], %swap3A_305 {strides = array<i32>} : memref<8x8192xf32, #tpu.memory_space<vmem>>, vector<1x16xf32>,
        %scan3A_306 = arith.constant 0 : i32
        scf.yield %scan3A_306 : i32
      }
      %scan3A_60 = arith.constant 64 : i32
      %mul3A_61 = arith.constant 8 : i32
      %mul3A_62 = arith.muli %scan3A_10, %mul3A_61 : i32
      %add3A_63 = arith.constant 3 : i32
      %add3A_64 = arith.addi %mul3A_62, %add3A_63 : i32
      %mul3A_65 = arith.constant 16 : i32
      %mul3A_66 = arith.muli %add3A_64, %mul3A_65 : i32
      %get3A_67 = arith.index_cast %mul3A_66 : i32 to index
      %get3A_68 = tpu.vector_load %arg6[%get3A_67] {strides = array<i32>} : memref<1024xf32, #tpu.memory_space<vmem>>, vector<16xf32>,
      %get3A_69 = vector.shape_cast %get3A_68 : vector<16xf32> to vector<16xf32>
      %scan3A_70 = arith.constant 0 : i32
      %scan3A_71 = arith.constant 0 : i32
      %scan3A_72 = arith.constant 64 : i32
      %scan3A_73 = arith.addi %scan3A_71, %scan3A_72 : i32
      %scan3A_74 = arith.constant 1 : i32
      %scan3A_75 = scf.for %scan3A_141 = %scan3A_71 to %scan3A_73 step %scan3A_74 iter_args(%scan3A_142 = %scan3A_70) -> (i32)  : i32 {
        %mul3A_143 = arith.constant 8 : i32
        %mul3A_144 = arith.muli %scan3A_141, %mul3A_143 : i32
        %add3A_145 = arith.constant 0 : i32
        %add3A_146 = arith.addi %mul3A_144, %add3A_145 : i32
        %mul3A_147 = arith.constant 16 : i32
        %mul3A_148 = arith.muli %add3A_146, %mul3A_147 : i32
        %get3A_149 = arith.constant 3 : i32
        %get3A_150 = arith.index_cast %get3A_149 : i32 to index
        %get3A_151 = arith.index_cast %mul3A_148 : i32 to index
        %get3A_152 = tpu.vector_load %arg5[%get3A_150, %get3A_151] {strides = array<i32>} : memref<8x8192xf32, #tpu.memory_space<vmem>>, vector<1x16xf32>,
        %get3A_153 = vector.shape_cast %get3A_152 : vector<1x16xf32> to vector<16xf32>
        %ge3A = arith.cmpf oge, %get3A_153, %get3A_69 : vector<16xf32>
        %jit3A = arith.constant 0.000000e+00 : f32
        %broadcast_in_dim3A = vector.broadcast %jit3A : f32 to vector<16xf32>
        %select_n3A = arith.select %ge3A, %get3A_153, %broadcast_in_dim3A : vector<16xi1>, vector<16xf32>
        %swap3A = arith.constant 3 : i32
        %swap3A_154 = arith.index_cast %swap3A : i32 to index
        %swap3A_155 = arith.index_cast %mul3A_148 : i32 to index
        %swap3A_156 = tpu.vector_load %arg5[%swap3A_154, %swap3A_155] {strides = array<i32>} : memref<8x8192xf32, #tpu.memory_space<vmem>>, vector<1x16xf32>,
        %swap3A_157 = vector.shape_cast %swap3A_156 : vector<1x16xf32> to vector<16xf32>
        %swap3A_158 = vector.shape_cast %select_n3A : vector<16xf32> to vector<1x16xf32>
        tpu.vector_store %arg5[%swap3A_154, %swap3A_155], %swap3A_158 {strides = array<i32>} : memref<8x8192xf32, #tpu.memory_space<vmem>>, vector<1x16xf32>,
        %mul3A_159 = arith.constant 8 : i32
        %mul3A_160 = arith.muli %scan3A_141, %mul3A_159 : i32
        %add3A_161 = arith.constant 1 : i32
        %add3A_162 = arith.addi %mul3A_160, %add3A_161 : i32
        %mul3A_163 = arith.constant 16 : i32
        %mul3A_164 = arith.muli %add3A_162, %mul3A_163 : i32
        %get3A_165 = arith.constant 3 : i32
        %get3A_166 = arith.index_cast %get3A_165 : i32 to index
        %get3A_167 = arith.index_cast %mul3A_164 : i32 to index
        %get3A_168 = tpu.vector_load %arg5[%get3A_166, %get3A_167] {strides = array<i32>} : memref<8x8192xf32, #tpu.memory_space<vmem>>, vector<1x16xf32>,
        %get3A_169 = vector.shape_cast %get3A_168 : vector<1x16xf32> to vector<16xf32>
        %ge3A_170 = arith.cmpf oge, %get3A_169, %get3A_69 : vector<16xf32>
        %jit3A_171 = arith.constant 0.000000e+00 : f32
        %broadcast_in_dim3A_172 = vector.broadcast %jit3A_171 : f32 to vector<16xf32>
        %select_n3A_173 = arith.select %ge3A_170, %get3A_169, %broadcast_in_dim3A_172 : vector<16xi1>, vector<16xf32>
        %swap3A_174 = arith.constant 3 : i32
        %swap3A_175 = arith.index_cast %swap3A_174 : i32 to index
        %swap3A_176 = arith.index_cast %mul3A_164 : i32 to index
        %swap3A_177 = tpu.vector_load %arg5[%swap3A_175, %swap3A_176] {strides = array<i32>} : memref<8x8192xf32, #tpu.memory_space<vmem>>, vector<1x16xf32>,
        %swap3A_178 = vector.shape_cast %swap3A_177 : vector<1x16xf32> to vector<16xf32>
        %swap3A_179 = vector.shape_cast %select_n3A_173 : vector<16xf32> to vector<1x16xf32>
        tpu.vector_store %arg5[%swap3A_175, %swap3A_176], %swap3A_179 {strides = array<i32>} : memref<8x8192xf32, #tpu.memory_space<vmem>>, vector<1x16xf32>,
        %mul3A_180 = arith.constant 8 : i32
        %mul3A_181 = arith.muli %scan3A_141, %mul3A_180 : i32
        %add3A_182 = arith.constant 2 : i32
        %add3A_183 = arith.addi %mul3A_181, %add3A_182 : i32
        %mul3A_184 = arith.constant 16 : i32
        %mul3A_185 = arith.muli %add3A_183, %mul3A_184 : i32
        %get3A_186 = arith.constant 3 : i32
        %get3A_187 = arith.index_cast %get3A_186 : i32 to index
        %get3A_188 = arith.index_cast %mul3A_185 : i32 to index
        %get3A_189 = tpu.vector_load %arg5[%get3A_187, %get3A_188] {strides = array<i32>} : memref<8x8192xf32, #tpu.memory_space<vmem>>, vector<1x16xf32>,
        %get3A_190 = vector.shape_cast %get3A_189 : vector<1x16xf32> to vector<16xf32>
        %ge3A_191 = arith.cmpf oge, %get3A_190, %get3A_69 : vector<16xf32>
        %jit3A_192 = arith.constant 0.000000e+00 : f32
        %broadcast_in_dim3A_193 = vector.broadcast %jit3A_192 : f32 to vector<16xf32>
        %select_n3A_194 = arith.select %ge3A_191, %get3A_190, %broadcast_in_dim3A_193 : vector<16xi1>, vector<16xf32>
        %swap3A_195 = arith.constant 3 : i32
        %swap3A_196 = arith.index_cast %swap3A_195 : i32 to index
        %swap3A_197 = arith.index_cast %mul3A_185 : i32 to index
        %swap3A_198 = tpu.vector_load %arg5[%swap3A_196, %swap3A_197] {strides = array<i32>} : memref<8x8192xf32, #tpu.memory_space<vmem>>, vector<1x16xf32>,
        %swap3A_199 = vector.shape_cast %swap3A_198 : vector<1x16xf32> to vector<16xf32>
        %swap3A_200 = vector.shape_cast %select_n3A_194 : vector<16xf32> to vector<1x16xf32>
        tpu.vector_store %arg5[%swap3A_196, %swap3A_197], %swap3A_200 {strides = array<i32>} : memref<8x8192xf32, #tpu.memory_space<vmem>>, vector<1x16xf32>,
        %mul3A_201 = arith.constant 8 : i32
        %mul3A_202 = arith.muli %scan3A_141, %mul3A_201 : i32
        %add3A_203 = arith.constant 3 : i32
        %add3A_204 = arith.addi %mul3A_202, %add3A_203 : i32
        %mul3A_205 = arith.constant 16 : i32
        %mul3A_206 = arith.muli %add3A_204, %mul3A_205 : i32
        %get3A_207 = arith.constant 3 : i32
        %get3A_208 = arith.index_cast %get3A_207 : i32 to index
        %get3A_209 = arith.index_cast %mul3A_206 : i32 to index
        %get3A_210 = tpu.vector_load %arg5[%get3A_208, %get3A_209] {strides = array<i32>} : memref<8x8192xf32, #tpu.memory_space<vmem>>, vector<1x16xf32>,
        %get3A_211 = vector.shape_cast %get3A_210 : vector<1x16xf32> to vector<16xf32>
        %ge3A_212 = arith.cmpf oge, %get3A_211, %get3A_69 : vector<16xf32>
        %jit3A_213 = arith.constant 0.000000e+00 : f32
        %broadcast_in_dim3A_214 = vector.broadcast %jit3A_213 : f32 to vector<16xf32>
        %select_n3A_215 = arith.select %ge3A_212, %get3A_211, %broadcast_in_dim3A_214 : vector<16xi1>, vector<16xf32>
        %swap3A_216 = arith.constant 3 : i32
        %swap3A_217 = arith.index_cast %swap3A_216 : i32 to index
        %swap3A_218 = arith.index_cast %mul3A_206 : i32 to index
        %swap3A_219 = tpu.vector_load %arg5[%swap3A_217, %swap3A_218] {strides = array<i32>} : memref<8x8192xf32, #tpu.memory_space<vmem>>, vector<1x16xf32>,
        %swap3A_220 = vector.shape_cast %swap3A_219 : vector<1x16xf32> to vector<16xf32>
        %swap3A_221 = vector.shape_cast %select_n3A_215 : vector<16xf32> to vector<1x16xf32>
        tpu.vector_store %arg5[%swap3A_217, %swap3A_218], %swap3A_221 {strides = array<i32>} : memref<8x8192xf32, #tpu.memory_space<vmem>>, vector<1x16xf32>,
        %mul3A_222 = arith.constant 8 : i32
        %mul3A_223 = arith.muli %scan3A_141, %mul3A_222 : i32
        %add3A_224 = arith.constant 4 : i32
        %add3A_225 = arith.addi %mul3A_223, %add3A_224 : i32
        %mul3A_226 = arith.constant 16 : i32
        %mul3A_227 = arith.muli %add3A_225, %mul3A_226 : i32
        %get3A_228 = arith.constant 3 : i32
        %get3A_229 = arith.index_cast %get3A_228 : i32 to index
        %get3A_230 = arith.index_cast %mul3A_227 : i32 to index
        %get3A_231 = tpu.vector_load %arg5[%get3A_229, %get3A_230] {strides = array<i32>} : memref<8x8192xf32, #tpu.memory_space<vmem>>, vector<1x16xf32>,
        %get3A_232 = vector.shape_cast %get3A_231 : vector<1x16xf32> to vector<16xf32>
        %ge3A_233 = arith.cmpf oge, %get3A_232, %get3A_69 : vector<16xf32>
        %jit3A_234 = arith.constant 0.000000e+00 : f32
        %broadcast_in_dim3A_235 = vector.broadcast %jit3A_234 : f32 to vector<16xf32>
        %select_n3A_236 = arith.select %ge3A_233, %get3A_232, %broadcast_in_dim3A_235 : vector<16xi1>, vector<16xf32>
        %swap3A_237 = arith.constant 3 : i32
        %swap3A_238 = arith.index_cast %swap3A_237 : i32 to index
        %swap3A_239 = arith.index_cast %mul3A_227 : i32 to index
        %swap3A_240 = tpu.vector_load %arg5[%swap3A_238, %swap3A_239] {strides = array<i32>} : memref<8x8192xf32, #tpu.memory_space<vmem>>, vector<1x16xf32>,
        %swap3A_241 = vector.shape_cast %swap3A_240 : vector<1x16xf32> to vector<16xf32>
        %swap3A_242 = vector.shape_cast %select_n3A_236 : vector<16xf32> to vector<1x16xf32>
        tpu.vector_store %arg5[%swap3A_238, %swap3A_239], %swap3A_242 {strides = array<i32>} : memref<8x8192xf32, #tpu.memory_space<vmem>>, vector<1x16xf32>,
        %mul3A_243 = arith.constant 8 : i32
        %mul3A_244 = arith.muli %scan3A_141, %mul3A_243 : i32
        %add3A_245 = arith.constant 5 : i32
        %add3A_246 = arith.addi %mul3A_244, %add3A_245 : i32
        %mul3A_247 = arith.constant 16 : i32
        %mul3A_248 = arith.muli %add3A_246, %mul3A_247 : i32
        %get3A_249 = arith.constant 3 : i32
        %get3A_250 = arith.index_cast %get3A_249 : i32 to index
        %get3A_251 = arith.index_cast %mul3A_248 : i32 to index
        %get3A_252 = tpu.vector_load %arg5[%get3A_250, %get3A_251] {strides = array<i32>} : memref<8x8192xf32, #tpu.memory_space<vmem>>, vector<1x16xf32>,
        %get3A_253 = vector.shape_cast %get3A_252 : vector<1x16xf32> to vector<16xf32>
        %ge3A_254 = arith.cmpf oge, %get3A_253, %get3A_69 : vector<16xf32>
        %jit3A_255 = arith.constant 0.000000e+00 : f32
        %broadcast_in_dim3A_256 = vector.broadcast %jit3A_255 : f32 to vector<16xf32>
        %select_n3A_257 = arith.select %ge3A_254, %get3A_253, %broadcast_in_dim3A_256 : vector<16xi1>, vector<16xf32>
        %swap3A_258 = arith.constant 3 : i32
        %swap3A_259 = arith.index_cast %swap3A_258 : i32 to index
        %swap3A_260 = arith.index_cast %mul3A_248 : i32 to index
        %swap3A_261 = tpu.vector_load %arg5[%swap3A_259, %swap3A_260] {strides = array<i32>} : memref<8x8192xf32, #tpu.memory_space<vmem>>, vector<1x16xf32>,
        %swap3A_262 = vector.shape_cast %swap3A_261 : vector<1x16xf32> to vector<16xf32>
        %swap3A_263 = vector.shape_cast %select_n3A_257 : vector<16xf32> to vector<1x16xf32>
        tpu.vector_store %arg5[%swap3A_259, %swap3A_260], %swap3A_263 {strides = array<i32>} : memref<8x8192xf32, #tpu.memory_space<vmem>>, vector<1x16xf32>,
        %mul3A_264 = arith.constant 8 : i32
        %mul3A_265 = arith.muli %scan3A_141, %mul3A_264 : i32
        %add3A_266 = arith.constant 6 : i32
        %add3A_267 = arith.addi %mul3A_265, %add3A_266 : i32
        %mul3A_268 = arith.constant 16 : i32
        %mul3A_269 = arith.muli %add3A_267, %mul3A_268 : i32
        %get3A_270 = arith.constant 3 : i32
        %get3A_271 = arith.index_cast %get3A_270 : i32 to index
        %get3A_272 = arith.index_cast %mul3A_269 : i32 to index
        %get3A_273 = tpu.vector_load %arg5[%get3A_271, %get3A_272] {strides = array<i32>} : memref<8x8192xf32, #tpu.memory_space<vmem>>, vector<1x16xf32>,
        %get3A_274 = vector.shape_cast %get3A_273 : vector<1x16xf32> to vector<16xf32>
        %ge3A_275 = arith.cmpf oge, %get3A_274, %get3A_69 : vector<16xf32>
        %jit3A_276 = arith.constant 0.000000e+00 : f32
        %broadcast_in_dim3A_277 = vector.broadcast %jit3A_276 : f32 to vector<16xf32>
        %select_n3A_278 = arith.select %ge3A_275, %get3A_274, %broadcast_in_dim3A_277 : vector<16xi1>, vector<16xf32>
        %swap3A_279 = arith.constant 3 : i32
        %swap3A_280 = arith.index_cast %swap3A_279 : i32 to index
        %swap3A_281 = arith.index_cast %mul3A_269 : i32 to index
        %swap3A_282 = tpu.vector_load %arg5[%swap3A_280, %swap3A_281] {strides = array<i32>} : memref<8x8192xf32, #tpu.memory_space<vmem>>, vector<1x16xf32>,
        %swap3A_283 = vector.shape_cast %swap3A_282 : vector<1x16xf32> to vector<16xf32>
        %swap3A_284 = vector.shape_cast %select_n3A_278 : vector<16xf32> to vector<1x16xf32>
        tpu.vector_store %arg5[%swap3A_280, %swap3A_281], %swap3A_284 {strides = array<i32>} : memref<8x8192xf32, #tpu.memory_space<vmem>>, vector<1x16xf32>,
        %mul3A_285 = arith.constant 8 : i32
        %mul3A_286 = arith.muli %scan3A_141, %mul3A_285 : i32
        %add3A_287 = arith.constant 7 : i32
        %add3A_288 = arith.addi %mul3A_286, %add3A_287 : i32
        %mul3A_289 = arith.constant 16 : i32
        %mul3A_290 = arith.muli %add3A_288, %mul3A_289 : i32
        %get3A_291 = arith.constant 3 : i32
        %get3A_292 = arith.index_cast %get3A_291 : i32 to index
        %get3A_293 = arith.index_cast %mul3A_290 : i32 to index
        %get3A_294 = tpu.vector_load %arg5[%get3A_292, %get3A_293] {strides = array<i32>} : memref<8x8192xf32, #tpu.memory_space<vmem>>, vector<1x16xf32>,
        %get3A_295 = vector.shape_cast %get3A_294 : vector<1x16xf32> to vector<16xf32>
        %ge3A_296 = arith.cmpf oge, %get3A_295, %get3A_69 : vector<16xf32>
        %jit3A_297 = arith.constant 0.000000e+00 : f32
        %broadcast_in_dim3A_298 = vector.broadcast %jit3A_297 : f32 to vector<16xf32>
        %select_n3A_299 = arith.select %ge3A_296, %get3A_295, %broadcast_in_dim3A_298 : vector<16xi1>, vector<16xf32>
        %swap3A_300 = arith.constant 3 : i32
        %swap3A_301 = arith.index_cast %swap3A_300 : i32 to index
        %swap3A_302 = arith.index_cast %mul3A_290 : i32 to index
        %swap3A_303 = tpu.vector_load %arg5[%swap3A_301, %swap3A_302] {strides = array<i32>} : memref<8x8192xf32, #tpu.memory_space<vmem>>, vector<1x16xf32>,
        %swap3A_304 = vector.shape_cast %swap3A_303 : vector<1x16xf32> to vector<16xf32>
        %swap3A_305 = vector.shape_cast %select_n3A_299 : vector<16xf32> to vector<1x16xf32>
        tpu.vector_store %arg5[%swap3A_301, %swap3A_302], %swap3A_305 {strides = array<i32>} : memref<8x8192xf32, #tpu.memory_space<vmem>>, vector<1x16xf32>,
        %scan3A_306 = arith.constant 0 : i32
        scf.yield %scan3A_306 : i32
      }
      %scan3A_76 = arith.constant 64 : i32
      %mul3A_77 = arith.constant 8 : i32
      %mul3A_78 = arith.muli %scan3A_10, %mul3A_77 : i32
      %add3A_79 = arith.constant 4 : i32
      %add3A_80 = arith.addi %mul3A_78, %add3A_79 : i32
      %mul3A_81 = arith.constant 16 : i32
      %mul3A_82 = arith.muli %add3A_80, %mul3A_81 : i32
      %get3A_83 = arith.index_cast %mul3A_82 : i32 to index
      %get3A_84 = tpu.vector_load %arg6[%get3A_83] {strides = array<i32>} : memref<1024xf32, #tpu.memory_space<vmem>>, vector<16xf32>,
      %get3A_85 = vector.shape_cast %get3A_84 : vector<16xf32> to vector<16xf32>
      %scan3A_86 = arith.constant 0 : i32
      %scan3A_87 = arith.constant 0 : i32
      %scan3A_88 = arith.constant 64 : i32
      %scan3A_89 = arith.addi %scan3A_87, %scan3A_88 : i32
      %scan3A_90 = arith.constant 1 : i32
      %scan3A_91 = scf.for %scan3A_141 = %scan3A_87 to %scan3A_89 step %scan3A_90 iter_args(%scan3A_142 = %scan3A_86) -> (i32)  : i32 {
        %mul3A_143 = arith.constant 8 : i32
        %mul3A_144 = arith.muli %scan3A_141, %mul3A_143 : i32
        %add3A_145 = arith.constant 0 : i32
        %add3A_146 = arith.addi %mul3A_144, %add3A_145 : i32
        %mul3A_147 = arith.constant 16 : i32
        %mul3A_148 = arith.muli %add3A_146, %mul3A_147 : i32
        %get3A_149 = arith.constant 4 : i32
        %get3A_150 = arith.index_cast %get3A_149 : i32 to index
        %get3A_151 = arith.index_cast %mul3A_148 : i32 to index
        %get3A_152 = tpu.vector_load %arg5[%get3A_150, %get3A_151] {strides = array<i32>} : memref<8x8192xf32, #tpu.memory_space<vmem>>, vector<1x16xf32>,
        %get3A_153 = vector.shape_cast %get3A_152 : vector<1x16xf32> to vector<16xf32>
        %ge3A = arith.cmpf oge, %get3A_153, %get3A_85 : vector<16xf32>
        %jit3A = arith.constant 0.000000e+00 : f32
        %broadcast_in_dim3A = vector.broadcast %jit3A : f32 to vector<16xf32>
        %select_n3A = arith.select %ge3A, %get3A_153, %broadcast_in_dim3A : vector<16xi1>, vector<16xf32>
        %swap3A = arith.constant 4 : i32
        %swap3A_154 = arith.index_cast %swap3A : i32 to index
        %swap3A_155 = arith.index_cast %mul3A_148 : i32 to index
        %swap3A_156 = tpu.vector_load %arg5[%swap3A_154, %swap3A_155] {strides = array<i32>} : memref<8x8192xf32, #tpu.memory_space<vmem>>, vector<1x16xf32>,
        %swap3A_157 = vector.shape_cast %swap3A_156 : vector<1x16xf32> to vector<16xf32>
        %swap3A_158 = vector.shape_cast %select_n3A : vector<16xf32> to vector<1x16xf32>
        tpu.vector_store %arg5[%swap3A_154, %swap3A_155], %swap3A_158 {strides = array<i32>} : memref<8x8192xf32, #tpu.memory_space<vmem>>, vector<1x16xf32>,
        %mul3A_159 = arith.constant 8 : i32
        %mul3A_160 = arith.muli %scan3A_141, %mul3A_159 : i32
        %add3A_161 = arith.constant 1 : i32
        %add3A_162 = arith.addi %mul3A_160, %add3A_161 : i32
        %mul3A_163 = arith.constant 16 : i32
        %mul3A_164 = arith.muli %add3A_162, %mul3A_163 : i32
        %get3A_165 = arith.constant 4 : i32
        %get3A_166 = arith.index_cast %get3A_165 : i32 to index
        %get3A_167 = arith.index_cast %mul3A_164 : i32 to index
        %get3A_168 = tpu.vector_load %arg5[%get3A_166, %get3A_167] {strides = array<i32>} : memref<8x8192xf32, #tpu.memory_space<vmem>>, vector<1x16xf32>,
        %get3A_169 = vector.shape_cast %get3A_168 : vector<1x16xf32> to vector<16xf32>
        %ge3A_170 = arith.cmpf oge, %get3A_169, %get3A_85 : vector<16xf32>
        %jit3A_171 = arith.constant 0.000000e+00 : f32
        %broadcast_in_dim3A_172 = vector.broadcast %jit3A_171 : f32 to vector<16xf32>
        %select_n3A_173 = arith.select %ge3A_170, %get3A_169, %broadcast_in_dim3A_172 : vector<16xi1>, vector<16xf32>
        %swap3A_174 = arith.constant 4 : i32
        %swap3A_175 = arith.index_cast %swap3A_174 : i32 to index
        %swap3A_176 = arith.index_cast %mul3A_164 : i32 to index
        %swap3A_177 = tpu.vector_load %arg5[%swap3A_175, %swap3A_176] {strides = array<i32>} : memref<8x8192xf32, #tpu.memory_space<vmem>>, vector<1x16xf32>,
        %swap3A_178 = vector.shape_cast %swap3A_177 : vector<1x16xf32> to vector<16xf32>
        %swap3A_179 = vector.shape_cast %select_n3A_173 : vector<16xf32> to vector<1x16xf32>
        tpu.vector_store %arg5[%swap3A_175, %swap3A_176], %swap3A_179 {strides = array<i32>} : memref<8x8192xf32, #tpu.memory_space<vmem>>, vector<1x16xf32>,
        %mul3A_180 = arith.constant 8 : i32
        %mul3A_181 = arith.muli %scan3A_141, %mul3A_180 : i32
        %add3A_182 = arith.constant 2 : i32
        %add3A_183 = arith.addi %mul3A_181, %add3A_182 : i32
        %mul3A_184 = arith.constant 16 : i32
        %mul3A_185 = arith.muli %add3A_183, %mul3A_184 : i32
        %get3A_186 = arith.constant 4 : i32
        %get3A_187 = arith.index_cast %get3A_186 : i32 to index
        %get3A_188 = arith.index_cast %mul3A_185 : i32 to index
        %get3A_189 = tpu.vector_load %arg5[%get3A_187, %get3A_188] {strides = array<i32>} : memref<8x8192xf32, #tpu.memory_space<vmem>>, vector<1x16xf32>,
        %get3A_190 = vector.shape_cast %get3A_189 : vector<1x16xf32> to vector<16xf32>
        %ge3A_191 = arith.cmpf oge, %get3A_190, %get3A_85 : vector<16xf32>
        %jit3A_192 = arith.constant 0.000000e+00 : f32
        %broadcast_in_dim3A_193 = vector.broadcast %jit3A_192 : f32 to vector<16xf32>
        %select_n3A_194 = arith.select %ge3A_191, %get3A_190, %broadcast_in_dim3A_193 : vector<16xi1>, vector<16xf32>
        %swap3A_195 = arith.constant 4 : i32
        %swap3A_196 = arith.index_cast %swap3A_195 : i32 to index
        %swap3A_197 = arith.index_cast %mul3A_185 : i32 to index
        %swap3A_198 = tpu.vector_load %arg5[%swap3A_196, %swap3A_197] {strides = array<i32>} : memref<8x8192xf32, #tpu.memory_space<vmem>>, vector<1x16xf32>,
        %swap3A_199 = vector.shape_cast %swap3A_198 : vector<1x16xf32> to vector<16xf32>
        %swap3A_200 = vector.shape_cast %select_n3A_194 : vector<16xf32> to vector<1x16xf32>
        tpu.vector_store %arg5[%swap3A_196, %swap3A_197], %swap3A_200 {strides = array<i32>} : memref<8x8192xf32, #tpu.memory_space<vmem>>, vector<1x16xf32>,
        %mul3A_201 = arith.constant 8 : i32
        %mul3A_202 = arith.muli %scan3A_141, %mul3A_201 : i32
        %add3A_203 = arith.constant 3 : i32
        %add3A_204 = arith.addi %mul3A_202, %add3A_203 : i32
        %mul3A_205 = arith.constant 16 : i32
        %mul3A_206 = arith.muli %add3A_204, %mul3A_205 : i32
        %get3A_207 = arith.constant 4 : i32
        %get3A_208 = arith.index_cast %get3A_207 : i32 to index
        %get3A_209 = arith.index_cast %mul3A_206 : i32 to index
        %get3A_210 = tpu.vector_load %arg5[%get3A_208, %get3A_209] {strides = array<i32>} : memref<8x8192xf32, #tpu.memory_space<vmem>>, vector<1x16xf32>,
        %get3A_211 = vector.shape_cast %get3A_210 : vector<1x16xf32> to vector<16xf32>
        %ge3A_212 = arith.cmpf oge, %get3A_211, %get3A_85 : vector<16xf32>
        %jit3A_213 = arith.constant 0.000000e+00 : f32
        %broadcast_in_dim3A_214 = vector.broadcast %jit3A_213 : f32 to vector<16xf32>
        %select_n3A_215 = arith.select %ge3A_212, %get3A_211, %broadcast_in_dim3A_214 : vector<16xi1>, vector<16xf32>
        %swap3A_216 = arith.constant 4 : i32
        %swap3A_217 = arith.index_cast %swap3A_216 : i32 to index
        %swap3A_218 = arith.index_cast %mul3A_206 : i32 to index
        %swap3A_219 = tpu.vector_load %arg5[%swap3A_217, %swap3A_218] {strides = array<i32>} : memref<8x8192xf32, #tpu.memory_space<vmem>>, vector<1x16xf32>,
        %swap3A_220 = vector.shape_cast %swap3A_219 : vector<1x16xf32> to vector<16xf32>
        %swap3A_221 = vector.shape_cast %select_n3A_215 : vector<16xf32> to vector<1x16xf32>
        tpu.vector_store %arg5[%swap3A_217, %swap3A_218], %swap3A_221 {strides = array<i32>} : memref<8x8192xf32, #tpu.memory_space<vmem>>, vector<1x16xf32>,
        %mul3A_222 = arith.constant 8 : i32
        %mul3A_223 = arith.muli %scan3A_141, %mul3A_222 : i32
        %add3A_224 = arith.constant 4 : i32
        %add3A_225 = arith.addi %mul3A_223, %add3A_224 : i32
        %mul3A_226 = arith.constant 16 : i32
        %mul3A_227 = arith.muli %add3A_225, %mul3A_226 : i32
        %get3A_228 = arith.constant 4 : i32
        %get3A_229 = arith.index_cast %get3A_228 : i32 to index
        %get3A_230 = arith.index_cast %mul3A_227 : i32 to index
        %get3A_231 = tpu.vector_load %arg5[%get3A_229, %get3A_230] {strides = array<i32>} : memref<8x8192xf32, #tpu.memory_space<vmem>>, vector<1x16xf32>,
        %get3A_232 = vector.shape_cast %get3A_231 : vector<1x16xf32> to vector<16xf32>
        %ge3A_233 = arith.cmpf oge, %get3A_232, %get3A_85 : vector<16xf32>
        %jit3A_234 = arith.constant 0.000000e+00 : f32
        %broadcast_in_dim3A_235 = vector.broadcast %jit3A_234 : f32 to vector<16xf32>
        %select_n3A_236 = arith.select %ge3A_233, %get3A_232, %broadcast_in_dim3A_235 : vector<16xi1>, vector<16xf32>
        %swap3A_237 = arith.constant 4 : i32
        %swap3A_238 = arith.index_cast %swap3A_237 : i32 to index
        %swap3A_239 = arith.index_cast %mul3A_227 : i32 to index
        %swap3A_240 = tpu.vector_load %arg5[%swap3A_238, %swap3A_239] {strides = array<i32>} : memref<8x8192xf32, #tpu.memory_space<vmem>>, vector<1x16xf32>,
        %swap3A_241 = vector.shape_cast %swap3A_240 : vector<1x16xf32> to vector<16xf32>
        %swap3A_242 = vector.shape_cast %select_n3A_236 : vector<16xf32> to vector<1x16xf32>
        tpu.vector_store %arg5[%swap3A_238, %swap3A_239], %swap3A_242 {strides = array<i32>} : memref<8x8192xf32, #tpu.memory_space<vmem>>, vector<1x16xf32>,
        %mul3A_243 = arith.constant 8 : i32
        %mul3A_244 = arith.muli %scan3A_141, %mul3A_243 : i32
        %add3A_245 = arith.constant 5 : i32
        %add3A_246 = arith.addi %mul3A_244, %add3A_245 : i32
        %mul3A_247 = arith.constant 16 : i32
        %mul3A_248 = arith.muli %add3A_246, %mul3A_247 : i32
        %get3A_249 = arith.constant 4 : i32
        %get3A_250 = arith.index_cast %get3A_249 : i32 to index
        %get3A_251 = arith.index_cast %mul3A_248 : i32 to index
        %get3A_252 = tpu.vector_load %arg5[%get3A_250, %get3A_251] {strides = array<i32>} : memref<8x8192xf32, #tpu.memory_space<vmem>>, vector<1x16xf32>,
        %get3A_253 = vector.shape_cast %get3A_252 : vector<1x16xf32> to vector<16xf32>
        %ge3A_254 = arith.cmpf oge, %get3A_253, %get3A_85 : vector<16xf32>
        %jit3A_255 = arith.constant 0.000000e+00 : f32
        %broadcast_in_dim3A_256 = vector.broadcast %jit3A_255 : f32 to vector<16xf32>
        %select_n3A_257 = arith.select %ge3A_254, %get3A_253, %broadcast_in_dim3A_256 : vector<16xi1>, vector<16xf32>
        %swap3A_258 = arith.constant 4 : i32
        %swap3A_259 = arith.index_cast %swap3A_258 : i32 to index
        %swap3A_260 = arith.index_cast %mul3A_248 : i32 to index
        %swap3A_261 = tpu.vector_load %arg5[%swap3A_259, %swap3A_260] {strides = array<i32>} : memref<8x8192xf32, #tpu.memory_space<vmem>>, vector<1x16xf32>,
        %swap3A_262 = vector.shape_cast %swap3A_261 : vector<1x16xf32> to vector<16xf32>
        %swap3A_263 = vector.shape_cast %select_n3A_257 : vector<16xf32> to vector<1x16xf32>
        tpu.vector_store %arg5[%swap3A_259, %swap3A_260], %swap3A_263 {strides = array<i32>} : memref<8x8192xf32, #tpu.memory_space<vmem>>, vector<1x16xf32>,
        %mul3A_264 = arith.constant 8 : i32
        %mul3A_265 = arith.muli %scan3A_141, %mul3A_264 : i32
        %add3A_266 = arith.constant 6 : i32
        %add3A_267 = arith.addi %mul3A_265, %add3A_266 : i32
        %mul3A_268 = arith.constant 16 : i32
        %mul3A_269 = arith.muli %add3A_267, %mul3A_268 : i32
        %get3A_270 = arith.constant 4 : i32
        %get3A_271 = arith.index_cast %get3A_270 : i32 to index
        %get3A_272 = arith.index_cast %mul3A_269 : i32 to index
        %get3A_273 = tpu.vector_load %arg5[%get3A_271, %get3A_272] {strides = array<i32>} : memref<8x8192xf32, #tpu.memory_space<vmem>>, vector<1x16xf32>,
        %get3A_274 = vector.shape_cast %get3A_273 : vector<1x16xf32> to vector<16xf32>
        %ge3A_275 = arith.cmpf oge, %get3A_274, %get3A_85 : vector<16xf32>
        %jit3A_276 = arith.constant 0.000000e+00 : f32
        %broadcast_in_dim3A_277 = vector.broadcast %jit3A_276 : f32 to vector<16xf32>
        %select_n3A_278 = arith.select %ge3A_275, %get3A_274, %broadcast_in_dim3A_277 : vector<16xi1>, vector<16xf32>
        %swap3A_279 = arith.constant 4 : i32
        %swap3A_280 = arith.index_cast %swap3A_279 : i32 to index
        %swap3A_281 = arith.index_cast %mul3A_269 : i32 to index
        %swap3A_282 = tpu.vector_load %arg5[%swap3A_280, %swap3A_281] {strides = array<i32>} : memref<8x8192xf32, #tpu.memory_space<vmem>>, vector<1x16xf32>,
        %swap3A_283 = vector.shape_cast %swap3A_282 : vector<1x16xf32> to vector<16xf32>
        %swap3A_284 = vector.shape_cast %select_n3A_278 : vector<16xf32> to vector<1x16xf32>
        tpu.vector_store %arg5[%swap3A_280, %swap3A_281], %swap3A_284 {strides = array<i32>} : memref<8x8192xf32, #tpu.memory_space<vmem>>, vector<1x16xf32>,
        %mul3A_285 = arith.constant 8 : i32
        %mul3A_286 = arith.muli %scan3A_141, %mul3A_285 : i32
        %add3A_287 = arith.constant 7 : i32
        %add3A_288 = arith.addi %mul3A_286, %add3A_287 : i32
        %mul3A_289 = arith.constant 16 : i32
        %mul3A_290 = arith.muli %add3A_288, %mul3A_289 : i32
        %get3A_291 = arith.constant 4 : i32
        %get3A_292 = arith.index_cast %get3A_291 : i32 to index
        %get3A_293 = arith.index_cast %mul3A_290 : i32 to index
        %get3A_294 = tpu.vector_load %arg5[%get3A_292, %get3A_293] {strides = array<i32>} : memref<8x8192xf32, #tpu.memory_space<vmem>>, vector<1x16xf32>,
        %get3A_295 = vector.shape_cast %get3A_294 : vector<1x16xf32> to vector<16xf32>
        %ge3A_296 = arith.cmpf oge, %get3A_295, %get3A_85 : vector<16xf32>
        %jit3A_297 = arith.constant 0.000000e+00 : f32
        %broadcast_in_dim3A_298 = vector.broadcast %jit3A_297 : f32 to vector<16xf32>
        %select_n3A_299 = arith.select %ge3A_296, %get3A_295, %broadcast_in_dim3A_298 : vector<16xi1>, vector<16xf32>
        %swap3A_300 = arith.constant 4 : i32
        %swap3A_301 = arith.index_cast %swap3A_300 : i32 to index
        %swap3A_302 = arith.index_cast %mul3A_290 : i32 to index
        %swap3A_303 = tpu.vector_load %arg5[%swap3A_301, %swap3A_302] {strides = array<i32>} : memref<8x8192xf32, #tpu.memory_space<vmem>>, vector<1x16xf32>,
        %swap3A_304 = vector.shape_cast %swap3A_303 : vector<1x16xf32> to vector<16xf32>
        %swap3A_305 = vector.shape_cast %select_n3A_299 : vector<16xf32> to vector<1x16xf32>
        tpu.vector_store %arg5[%swap3A_301, %swap3A_302], %swap3A_305 {strides = array<i32>} : memref<8x8192xf32, #tpu.memory_space<vmem>>, vector<1x16xf32>,
        %scan3A_306 = arith.constant 0 : i32
        scf.yield %scan3A_306 : i32
      }
      %scan3A_92 = arith.constant 64 : i32
      %mul3A_93 = arith.constant 8 : i32
      %mul3A_94 = arith.muli %scan3A_10, %mul3A_93 : i32
      %add3A_95 = arith.constant 5 : i32
      %add3A_96 = arith.addi %mul3A_94, %add3A_95 : i32
      %mul3A_97 = arith.constant 16 : i32
      %mul3A_98 = arith.muli %add3A_96, %mul3A_97 : i32
      %get3A_99 = arith.index_cast %mul3A_98 : i32 to index
      %get3A_100 = tpu.vector_load %arg6[%get3A_99] {strides = array<i32>} : memref<1024xf32, #tpu.memory_space<vmem>>, vector<16xf32>,
      %get3A_101 = vector.shape_cast %get3A_100 : vector<16xf32> to vector<16xf32>
      %scan3A_102 = arith.constant 0 : i32
      %scan3A_103 = arith.constant 0 : i32
      %scan3A_104 = arith.constant 64 : i32
      %scan3A_105 = arith.addi %scan3A_103, %scan3A_104 : i32
      %scan3A_106 = arith.constant 1 : i32
      %scan3A_107 = scf.for %scan3A_141 = %scan3A_103 to %scan3A_105 step %scan3A_106 iter_args(%scan3A_142 = %scan3A_102) -> (i32)  : i32 {
        %mul3A_143 = arith.constant 8 : i32
        %mul3A_144 = arith.muli %scan3A_141, %mul3A_143 : i32
        %add3A_145 = arith.constant 0 : i32
        %add3A_146 = arith.addi %mul3A_144, %add3A_145 : i32
        %mul3A_147 = arith.constant 16 : i32
        %mul3A_148 = arith.muli %add3A_146, %mul3A_147 : i32
        %get3A_149 = arith.constant 5 : i32
        %get3A_150 = arith.index_cast %get3A_149 : i32 to index
        %get3A_151 = arith.index_cast %mul3A_148 : i32 to index
        %get3A_152 = tpu.vector_load %arg5[%get3A_150, %get3A_151] {strides = array<i32>} : memref<8x8192xf32, #tpu.memory_space<vmem>>, vector<1x16xf32>,
        %get3A_153 = vector.shape_cast %get3A_152 : vector<1x16xf32> to vector<16xf32>
        %ge3A = arith.cmpf oge, %get3A_153, %get3A_101 : vector<16xf32>
        %jit3A = arith.constant 0.000000e+00 : f32
        %broadcast_in_dim3A = vector.broadcast %jit3A : f32 to vector<16xf32>
        %select_n3A = arith.select %ge3A, %get3A_153, %broadcast_in_dim3A : vector<16xi1>, vector<16xf32>
        %swap3A = arith.constant 5 : i32
        %swap3A_154 = arith.index_cast %swap3A : i32 to index
        %swap3A_155 = arith.index_cast %mul3A_148 : i32 to index
        %swap3A_156 = tpu.vector_load %arg5[%swap3A_154, %swap3A_155] {strides = array<i32>} : memref<8x8192xf32, #tpu.memory_space<vmem>>, vector<1x16xf32>,
        %swap3A_157 = vector.shape_cast %swap3A_156 : vector<1x16xf32> to vector<16xf32>
        %swap3A_158 = vector.shape_cast %select_n3A : vector<16xf32> to vector<1x16xf32>
        tpu.vector_store %arg5[%swap3A_154, %swap3A_155], %swap3A_158 {strides = array<i32>} : memref<8x8192xf32, #tpu.memory_space<vmem>>, vector<1x16xf32>,
        %mul3A_159 = arith.constant 8 : i32
        %mul3A_160 = arith.muli %scan3A_141, %mul3A_159 : i32
        %add3A_161 = arith.constant 1 : i32
        %add3A_162 = arith.addi %mul3A_160, %add3A_161 : i32
        %mul3A_163 = arith.constant 16 : i32
        %mul3A_164 = arith.muli %add3A_162, %mul3A_163 : i32
        %get3A_165 = arith.constant 5 : i32
        %get3A_166 = arith.index_cast %get3A_165 : i32 to index
        %get3A_167 = arith.index_cast %mul3A_164 : i32 to index
        %get3A_168 = tpu.vector_load %arg5[%get3A_166, %get3A_167] {strides = array<i32>} : memref<8x8192xf32, #tpu.memory_space<vmem>>, vector<1x16xf32>,
        %get3A_169 = vector.shape_cast %get3A_168 : vector<1x16xf32> to vector<16xf32>
        %ge3A_170 = arith.cmpf oge, %get3A_169, %get3A_101 : vector<16xf32>
        %jit3A_171 = arith.constant 0.000000e+00 : f32
        %broadcast_in_dim3A_172 = vector.broadcast %jit3A_171 : f32 to vector<16xf32>
        %select_n3A_173 = arith.select %ge3A_170, %get3A_169, %broadcast_in_dim3A_172 : vector<16xi1>, vector<16xf32>
        %swap3A_174 = arith.constant 5 : i32
        %swap3A_175 = arith.index_cast %swap3A_174 : i32 to index
        %swap3A_176 = arith.index_cast %mul3A_164 : i32 to index
        %swap3A_177 = tpu.vector_load %arg5[%swap3A_175, %swap3A_176] {strides = array<i32>} : memref<8x8192xf32, #tpu.memory_space<vmem>>, vector<1x16xf32>,
        %swap3A_178 = vector.shape_cast %swap3A_177 : vector<1x16xf32> to vector<16xf32>
        %swap3A_179 = vector.shape_cast %select_n3A_173 : vector<16xf32> to vector<1x16xf32>
        tpu.vector_store %arg5[%swap3A_175, %swap3A_176], %swap3A_179 {strides = array<i32>} : memref<8x8192xf32, #tpu.memory_space<vmem>>, vector<1x16xf32>,
        %mul3A_180 = arith.constant 8 : i32
        %mul3A_181 = arith.muli %scan3A_141, %mul3A_180 : i32
        %add3A_182 = arith.constant 2 : i32
        %add3A_183 = arith.addi %mul3A_181, %add3A_182 : i32
        %mul3A_184 = arith.constant 16 : i32
        %mul3A_185 = arith.muli %add3A_183, %mul3A_184 : i32
        %get3A_186 = arith.constant 5 : i32
        %get3A_187 = arith.index_cast %get3A_186 : i32 to index
        %get3A_188 = arith.index_cast %mul3A_185 : i32 to index
        %get3A_189 = tpu.vector_load %arg5[%get3A_187, %get3A_188] {strides = array<i32>} : memref<8x8192xf32, #tpu.memory_space<vmem>>, vector<1x16xf32>,
        %get3A_190 = vector.shape_cast %get3A_189 : vector<1x16xf32> to vector<16xf32>
        %ge3A_191 = arith.cmpf oge, %get3A_190, %get3A_101 : vector<16xf32>
        %jit3A_192 = arith.constant 0.000000e+00 : f32
        %broadcast_in_dim3A_193 = vector.broadcast %jit3A_192 : f32 to vector<16xf32>
        %select_n3A_194 = arith.select %ge3A_191, %get3A_190, %broadcast_in_dim3A_193 : vector<16xi1>, vector<16xf32>
        %swap3A_195 = arith.constant 5 : i32
        %swap3A_196 = arith.index_cast %swap3A_195 : i32 to index
        %swap3A_197 = arith.index_cast %mul3A_185 : i32 to index
        %swap3A_198 = tpu.vector_load %arg5[%swap3A_196, %swap3A_197] {strides = array<i32>} : memref<8x8192xf32, #tpu.memory_space<vmem>>, vector<1x16xf32>,
        %swap3A_199 = vector.shape_cast %swap3A_198 : vector<1x16xf32> to vector<16xf32>
        %swap3A_200 = vector.shape_cast %select_n3A_194 : vector<16xf32> to vector<1x16xf32>
        tpu.vector_store %arg5[%swap3A_196, %swap3A_197], %swap3A_200 {strides = array<i32>} : memref<8x8192xf32, #tpu.memory_space<vmem>>, vector<1x16xf32>,
        %mul3A_201 = arith.constant 8 : i32
        %mul3A_202 = arith.muli %scan3A_141, %mul3A_201 : i32
        %add3A_203 = arith.constant 3 : i32
        %add3A_204 = arith.addi %mul3A_202, %add3A_203 : i32
        %mul3A_205 = arith.constant 16 : i32
        %mul3A_206 = arith.muli %add3A_204, %mul3A_205 : i32
        %get3A_207 = arith.constant 5 : i32
        %get3A_208 = arith.index_cast %get3A_207 : i32 to index
        %get3A_209 = arith.index_cast %mul3A_206 : i32 to index
        %get3A_210 = tpu.vector_load %arg5[%get3A_208, %get3A_209] {strides = array<i32>} : memref<8x8192xf32, #tpu.memory_space<vmem>>, vector<1x16xf32>,
        %get3A_211 = vector.shape_cast %get3A_210 : vector<1x16xf32> to vector<16xf32>
        %ge3A_212 = arith.cmpf oge, %get3A_211, %get3A_101 : vector<16xf32>
        %jit3A_213 = arith.constant 0.000000e+00 : f32
        %broadcast_in_dim3A_214 = vector.broadcast %jit3A_213 : f32 to vector<16xf32>
        %select_n3A_215 = arith.select %ge3A_212, %get3A_211, %broadcast_in_dim3A_214 : vector<16xi1>, vector<16xf32>
        %swap3A_216 = arith.constant 5 : i32
        %swap3A_217 = arith.index_cast %swap3A_216 : i32 to index
        %swap3A_218 = arith.index_cast %mul3A_206 : i32 to index
        %swap3A_219 = tpu.vector_load %arg5[%swap3A_217, %swap3A_218] {strides = array<i32>} : memref<8x8192xf32, #tpu.memory_space<vmem>>, vector<1x16xf32>,
        %swap3A_220 = vector.shape_cast %swap3A_219 : vector<1x16xf32> to vector<16xf32>
        %swap3A_221 = vector.shape_cast %select_n3A_215 : vector<16xf32> to vector<1x16xf32>
        tpu.vector_store %arg5[%swap3A_217, %swap3A_218], %swap3A_221 {strides = array<i32>} : memref<8x8192xf32, #tpu.memory_space<vmem>>, vector<1x16xf32>,
        %mul3A_222 = arith.constant 8 : i32
        %mul3A_223 = arith.muli %scan3A_141, %mul3A_222 : i32
        %add3A_224 = arith.constant 4 : i32
        %add3A_225 = arith.addi %mul3A_223, %add3A_224 : i32
        %mul3A_226 = arith.constant 16 : i32
        %mul3A_227 = arith.muli %add3A_225, %mul3A_226 : i32
        %get3A_228 = arith.constant 5 : i32
        %get3A_229 = arith.index_cast %get3A_228 : i32 to index
        %get3A_230 = arith.index_cast %mul3A_227 : i32 to index
        %get3A_231 = tpu.vector_load %arg5[%get3A_229, %get3A_230] {strides = array<i32>} : memref<8x8192xf32, #tpu.memory_space<vmem>>, vector<1x16xf32>,
        %get3A_232 = vector.shape_cast %get3A_231 : vector<1x16xf32> to vector<16xf32>
        %ge3A_233 = arith.cmpf oge, %get3A_232, %get3A_101 : vector<16xf32>
        %jit3A_234 = arith.constant 0.000000e+00 : f32
        %broadcast_in_dim3A_235 = vector.broadcast %jit3A_234 : f32 to vector<16xf32>
        %select_n3A_236 = arith.select %ge3A_233, %get3A_232, %broadcast_in_dim3A_235 : vector<16xi1>, vector<16xf32>
        %swap3A_237 = arith.constant 5 : i32
        %swap3A_238 = arith.index_cast %swap3A_237 : i32 to index
        %swap3A_239 = arith.index_cast %mul3A_227 : i32 to index
        %swap3A_240 = tpu.vector_load %arg5[%swap3A_238, %swap3A_239] {strides = array<i32>} : memref<8x8192xf32, #tpu.memory_space<vmem>>, vector<1x16xf32>,
        %swap3A_241 = vector.shape_cast %swap3A_240 : vector<1x16xf32> to vector<16xf32>
        %swap3A_242 = vector.shape_cast %select_n3A_236 : vector<16xf32> to vector<1x16xf32>
        tpu.vector_store %arg5[%swap3A_238, %swap3A_239], %swap3A_242 {strides = array<i32>} : memref<8x8192xf32, #tpu.memory_space<vmem>>, vector<1x16xf32>,
        %mul3A_243 = arith.constant 8 : i32
        %mul3A_244 = arith.muli %scan3A_141, %mul3A_243 : i32
        %add3A_245 = arith.constant 5 : i32
        %add3A_246 = arith.addi %mul3A_244, %add3A_245 : i32
        %mul3A_247 = arith.constant 16 : i32
        %mul3A_248 = arith.muli %add3A_246, %mul3A_247 : i32
        %get3A_249 = arith.constant 5 : i32
        %get3A_250 = arith.index_cast %get3A_249 : i32 to index
        %get3A_251 = arith.index_cast %mul3A_248 : i32 to index
        %get3A_252 = tpu.vector_load %arg5[%get3A_250, %get3A_251] {strides = array<i32>} : memref<8x8192xf32, #tpu.memory_space<vmem>>, vector<1x16xf32>,
        %get3A_253 = vector.shape_cast %get3A_252 : vector<1x16xf32> to vector<16xf32>
        %ge3A_254 = arith.cmpf oge, %get3A_253, %get3A_101 : vector<16xf32>
        %jit3A_255 = arith.constant 0.000000e+00 : f32
        %broadcast_in_dim3A_256 = vector.broadcast %jit3A_255 : f32 to vector<16xf32>
        %select_n3A_257 = arith.select %ge3A_254, %get3A_253, %broadcast_in_dim3A_256 : vector<16xi1>, vector<16xf32>
        %swap3A_258 = arith.constant 5 : i32
        %swap3A_259 = arith.index_cast %swap3A_258 : i32 to index
        %swap3A_260 = arith.index_cast %mul3A_248 : i32 to index
        %swap3A_261 = tpu.vector_load %arg5[%swap3A_259, %swap3A_260] {strides = array<i32>} : memref<8x8192xf32, #tpu.memory_space<vmem>>, vector<1x16xf32>,
        %swap3A_262 = vector.shape_cast %swap3A_261 : vector<1x16xf32> to vector<16xf32>
        %swap3A_263 = vector.shape_cast %select_n3A_257 : vector<16xf32> to vector<1x16xf32>
        tpu.vector_store %arg5[%swap3A_259, %swap3A_260], %swap3A_263 {strides = array<i32>} : memref<8x8192xf32, #tpu.memory_space<vmem>>, vector<1x16xf32>,
        %mul3A_264 = arith.constant 8 : i32
        %mul3A_265 = arith.muli %scan3A_141, %mul3A_264 : i32
        %add3A_266 = arith.constant 6 : i32
        %add3A_267 = arith.addi %mul3A_265, %add3A_266 : i32
        %mul3A_268 = arith.constant 16 : i32
        %mul3A_269 = arith.muli %add3A_267, %mul3A_268 : i32
        %get3A_270 = arith.constant 5 : i32
        %get3A_271 = arith.index_cast %get3A_270 : i32 to index
        %get3A_272 = arith.index_cast %mul3A_269 : i32 to index
        %get3A_273 = tpu.vector_load %arg5[%get3A_271, %get3A_272] {strides = array<i32>} : memref<8x8192xf32, #tpu.memory_space<vmem>>, vector<1x16xf32>,
        %get3A_274 = vector.shape_cast %get3A_273 : vector<1x16xf32> to vector<16xf32>
        %ge3A_275 = arith.cmpf oge, %get3A_274, %get3A_101 : vector<16xf32>
        %jit3A_276 = arith.constant 0.000000e+00 : f32
        %broadcast_in_dim3A_277 = vector.broadcast %jit3A_276 : f32 to vector<16xf32>
        %select_n3A_278 = arith.select %ge3A_275, %get3A_274, %broadcast_in_dim3A_277 : vector<16xi1>, vector<16xf32>
        %swap3A_279 = arith.constant 5 : i32
        %swap3A_280 = arith.index_cast %swap3A_279 : i32 to index
        %swap3A_281 = arith.index_cast %mul3A_269 : i32 to index
        %swap3A_282 = tpu.vector_load %arg5[%swap3A_280, %swap3A_281] {strides = array<i32>} : memref<8x8192xf32, #tpu.memory_space<vmem>>, vector<1x16xf32>,
        %swap3A_283 = vector.shape_cast %swap3A_282 : vector<1x16xf32> to vector<16xf32>
        %swap3A_284 = vector.shape_cast %select_n3A_278 : vector<16xf32> to vector<1x16xf32>
        tpu.vector_store %arg5[%swap3A_280, %swap3A_281], %swap3A_284 {strides = array<i32>} : memref<8x8192xf32, #tpu.memory_space<vmem>>, vector<1x16xf32>,
        %mul3A_285 = arith.constant 8 : i32
        %mul3A_286 = arith.muli %scan3A_141, %mul3A_285 : i32
        %add3A_287 = arith.constant 7 : i32
        %add3A_288 = arith.addi %mul3A_286, %add3A_287 : i32
        %mul3A_289 = arith.constant 16 : i32
        %mul3A_290 = arith.muli %add3A_288, %mul3A_289 : i32
        %get3A_291 = arith.constant 5 : i32
        %get3A_292 = arith.index_cast %get3A_291 : i32 to index
        %get3A_293 = arith.index_cast %mul3A_290 : i32 to index
        %get3A_294 = tpu.vector_load %arg5[%get3A_292, %get3A_293] {strides = array<i32>} : memref<8x8192xf32, #tpu.memory_space<vmem>>, vector<1x16xf32>,
        %get3A_295 = vector.shape_cast %get3A_294 : vector<1x16xf32> to vector<16xf32>
        %ge3A_296 = arith.cmpf oge, %get3A_295, %get3A_101 : vector<16xf32>
        %jit3A_297 = arith.constant 0.000000e+00 : f32
        %broadcast_in_dim3A_298 = vector.broadcast %jit3A_297 : f32 to vector<16xf32>
        %select_n3A_299 = arith.select %ge3A_296, %get3A_295, %broadcast_in_dim3A_298 : vector<16xi1>, vector<16xf32>
        %swap3A_300 = arith.constant 5 : i32
        %swap3A_301 = arith.index_cast %swap3A_300 : i32 to index
        %swap3A_302 = arith.index_cast %mul3A_290 : i32 to index
        %swap3A_303 = tpu.vector_load %arg5[%swap3A_301, %swap3A_302] {strides = array<i32>} : memref<8x8192xf32, #tpu.memory_space<vmem>>, vector<1x16xf32>,
        %swap3A_304 = vector.shape_cast %swap3A_303 : vector<1x16xf32> to vector<16xf32>
        %swap3A_305 = vector.shape_cast %select_n3A_299 : vector<16xf32> to vector<1x16xf32>
        tpu.vector_store %arg5[%swap3A_301, %swap3A_302], %swap3A_305 {strides = array<i32>} : memref<8x8192xf32, #tpu.memory_space<vmem>>, vector<1x16xf32>,
        %scan3A_306 = arith.constant 0 : i32
        scf.yield %scan3A_306 : i32
      }
      %scan3A_108 = arith.constant 64 : i32
      %mul3A_109 = arith.constant 8 : i32
      %mul3A_110 = arith.muli %scan3A_10, %mul3A_109 : i32
      %add3A_111 = arith.constant 6 : i32
      %add3A_112 = arith.addi %mul3A_110, %add3A_111 : i32
      %mul3A_113 = arith.constant 16 : i32
      %mul3A_114 = arith.muli %add3A_112, %mul3A_113 : i32
      %get3A_115 = arith.index_cast %mul3A_114 : i32 to index
      %get3A_116 = tpu.vector_load %arg6[%get3A_115] {strides = array<i32>} : memref<1024xf32, #tpu.memory_space<vmem>>, vector<16xf32>,
      %get3A_117 = vector.shape_cast %get3A_116 : vector<16xf32> to vector<16xf32>
      %scan3A_118 = arith.constant 0 : i32
      %scan3A_119 = arith.constant 0 : i32
      %scan3A_120 = arith.constant 64 : i32
      %scan3A_121 = arith.addi %scan3A_119, %scan3A_120 : i32
      %scan3A_122 = arith.constant 1 : i32
      %scan3A_123 = scf.for %scan3A_141 = %scan3A_119 to %scan3A_121 step %scan3A_122 iter_args(%scan3A_142 = %scan3A_118) -> (i32)  : i32 {
        %mul3A_143 = arith.constant 8 : i32
        %mul3A_144 = arith.muli %scan3A_141, %mul3A_143 : i32
        %add3A_145 = arith.constant 0 : i32
        %add3A_146 = arith.addi %mul3A_144, %add3A_145 : i32
        %mul3A_147 = arith.constant 16 : i32
        %mul3A_148 = arith.muli %add3A_146, %mul3A_147 : i32
        %get3A_149 = arith.constant 6 : i32
        %get3A_150 = arith.index_cast %get3A_149 : i32 to index
        %get3A_151 = arith.index_cast %mul3A_148 : i32 to index
        %get3A_152 = tpu.vector_load %arg5[%get3A_150, %get3A_151] {strides = array<i32>} : memref<8x8192xf32, #tpu.memory_space<vmem>>, vector<1x16xf32>,
        %get3A_153 = vector.shape_cast %get3A_152 : vector<1x16xf32> to vector<16xf32>
        %ge3A = arith.cmpf oge, %get3A_153, %get3A_117 : vector<16xf32>
        %jit3A = arith.constant 0.000000e+00 : f32
        %broadcast_in_dim3A = vector.broadcast %jit3A : f32 to vector<16xf32>
        %select_n3A = arith.select %ge3A, %get3A_153, %broadcast_in_dim3A : vector<16xi1>, vector<16xf32>
        %swap3A = arith.constant 6 : i32
        %swap3A_154 = arith.index_cast %swap3A : i32 to index
        %swap3A_155 = arith.index_cast %mul3A_148 : i32 to index
        %swap3A_156 = tpu.vector_load %arg5[%swap3A_154, %swap3A_155] {strides = array<i32>} : memref<8x8192xf32, #tpu.memory_space<vmem>>, vector<1x16xf32>,
        %swap3A_157 = vector.shape_cast %swap3A_156 : vector<1x16xf32> to vector<16xf32>
        %swap3A_158 = vector.shape_cast %select_n3A : vector<16xf32> to vector<1x16xf32>
        tpu.vector_store %arg5[%swap3A_154, %swap3A_155], %swap3A_158 {strides = array<i32>} : memref<8x8192xf32, #tpu.memory_space<vmem>>, vector<1x16xf32>,
        %mul3A_159 = arith.constant 8 : i32
        %mul3A_160 = arith.muli %scan3A_141, %mul3A_159 : i32
        %add3A_161 = arith.constant 1 : i32
        %add3A_162 = arith.addi %mul3A_160, %add3A_161 : i32
        %mul3A_163 = arith.constant 16 : i32
        %mul3A_164 = arith.muli %add3A_162, %mul3A_163 : i32
        %get3A_165 = arith.constant 6 : i32
        %get3A_166 = arith.index_cast %get3A_165 : i32 to index
        %get3A_167 = arith.index_cast %mul3A_164 : i32 to index
        %get3A_168 = tpu.vector_load %arg5[%get3A_166, %get3A_167] {strides = array<i32>} : memref<8x8192xf32, #tpu.memory_space<vmem>>, vector<1x16xf32>,
        %get3A_169 = vector.shape_cast %get3A_168 : vector<1x16xf32> to vector<16xf32>
        %ge3A_170 = arith.cmpf oge, %get3A_169, %get3A_117 : vector<16xf32>
        %jit3A_171 = arith.constant 0.000000e+00 : f32
        %broadcast_in_dim3A_172 = vector.broadcast %jit3A_171 : f32 to vector<16xf32>
        %select_n3A_173 = arith.select %ge3A_170, %get3A_169, %broadcast_in_dim3A_172 : vector<16xi1>, vector<16xf32>
        %swap3A_174 = arith.constant 6 : i32
        %swap3A_175 = arith.index_cast %swap3A_174 : i32 to index
        %swap3A_176 = arith.index_cast %mul3A_164 : i32 to index
        %swap3A_177 = tpu.vector_load %arg5[%swap3A_175, %swap3A_176] {strides = array<i32>} : memref<8x8192xf32, #tpu.memory_space<vmem>>, vector<1x16xf32>,
        %swap3A_178 = vector.shape_cast %swap3A_177 : vector<1x16xf32> to vector<16xf32>
        %swap3A_179 = vector.shape_cast %select_n3A_173 : vector<16xf32> to vector<1x16xf32>
        tpu.vector_store %arg5[%swap3A_175, %swap3A_176], %swap3A_179 {strides = array<i32>} : memref<8x8192xf32, #tpu.memory_space<vmem>>, vector<1x16xf32>,
        %mul3A_180 = arith.constant 8 : i32
        %mul3A_181 = arith.muli %scan3A_141, %mul3A_180 : i32
        %add3A_182 = arith.constant 2 : i32
        %add3A_183 = arith.addi %mul3A_181, %add3A_182 : i32
        %mul3A_184 = arith.constant 16 : i32
        %mul3A_185 = arith.muli %add3A_183, %mul3A_184 : i32
        %get3A_186 = arith.constant 6 : i32
        %get3A_187 = arith.index_cast %get3A_186 : i32 to index
        %get3A_188 = arith.index_cast %mul3A_185 : i32 to index
        %get3A_189 = tpu.vector_load %arg5[%get3A_187, %get3A_188] {strides = array<i32>} : memref<8x8192xf32, #tpu.memory_space<vmem>>, vector<1x16xf32>,
        %get3A_190 = vector.shape_cast %get3A_189 : vector<1x16xf32> to vector<16xf32>
        %ge3A_191 = arith.cmpf oge, %get3A_190, %get3A_117 : vector<16xf32>
        %jit3A_192 = arith.constant 0.000000e+00 : f32
        %broadcast_in_dim3A_193 = vector.broadcast %jit3A_192 : f32 to vector<16xf32>
        %select_n3A_194 = arith.select %ge3A_191, %get3A_190, %broadcast_in_dim3A_193 : vector<16xi1>, vector<16xf32>
        %swap3A_195 = arith.constant 6 : i32
        %swap3A_196 = arith.index_cast %swap3A_195 : i32 to index
        %swap3A_197 = arith.index_cast %mul3A_185 : i32 to index
        %swap3A_198 = tpu.vector_load %arg5[%swap3A_196, %swap3A_197] {strides = array<i32>} : memref<8x8192xf32, #tpu.memory_space<vmem>>, vector<1x16xf32>,
        %swap3A_199 = vector.shape_cast %swap3A_198 : vector<1x16xf32> to vector<16xf32>
        %swap3A_200 = vector.shape_cast %select_n3A_194 : vector<16xf32> to vector<1x16xf32>
        tpu.vector_store %arg5[%swap3A_196, %swap3A_197], %swap3A_200 {strides = array<i32>} : memref<8x8192xf32, #tpu.memory_space<vmem>>, vector<1x16xf32>,
        %mul3A_201 = arith.constant 8 : i32
        %mul3A_202 = arith.muli %scan3A_141, %mul3A_201 : i32
        %add3A_203 = arith.constant 3 : i32
        %add3A_204 = arith.addi %mul3A_202, %add3A_203 : i32
        %mul3A_205 = arith.constant 16 : i32
        %mul3A_206 = arith.muli %add3A_204, %mul3A_205 : i32
        %get3A_207 = arith.constant 6 : i32
        %get3A_208 = arith.index_cast %get3A_207 : i32 to index
        %get3A_209 = arith.index_cast %mul3A_206 : i32 to index
        %get3A_210 = tpu.vector_load %arg5[%get3A_208, %get3A_209] {strides = array<i32>} : memref<8x8192xf32, #tpu.memory_space<vmem>>, vector<1x16xf32>,
        %get3A_211 = vector.shape_cast %get3A_210 : vector<1x16xf32> to vector<16xf32>
        %ge3A_212 = arith.cmpf oge, %get3A_211, %get3A_117 : vector<16xf32>
        %jit3A_213 = arith.constant 0.000000e+00 : f32
        %broadcast_in_dim3A_214 = vector.broadcast %jit3A_213 : f32 to vector<16xf32>
        %select_n3A_215 = arith.select %ge3A_212, %get3A_211, %broadcast_in_dim3A_214 : vector<16xi1>, vector<16xf32>
        %swap3A_216 = arith.constant 6 : i32
        %swap3A_217 = arith.index_cast %swap3A_216 : i32 to index
        %swap3A_218 = arith.index_cast %mul3A_206 : i32 to index
        %swap3A_219 = tpu.vector_load %arg5[%swap3A_217, %swap3A_218] {strides = array<i32>} : memref<8x8192xf32, #tpu.memory_space<vmem>>, vector<1x16xf32>,
        %swap3A_220 = vector.shape_cast %swap3A_219 : vector<1x16xf32> to vector<16xf32>
        %swap3A_221 = vector.shape_cast %select_n3A_215 : vector<16xf32> to vector<1x16xf32>
        tpu.vector_store %arg5[%swap3A_217, %swap3A_218], %swap3A_221 {strides = array<i32>} : memref<8x8192xf32, #tpu.memory_space<vmem>>, vector<1x16xf32>,
        %mul3A_222 = arith.constant 8 : i32
        %mul3A_223 = arith.muli %scan3A_141, %mul3A_222 : i32
        %add3A_224 = arith.constant 4 : i32
        %add3A_225 = arith.addi %mul3A_223, %add3A_224 : i32
        %mul3A_226 = arith.constant 16 : i32
        %mul3A_227 = arith.muli %add3A_225, %mul3A_226 : i32
        %get3A_228 = arith.constant 6 : i32
        %get3A_229 = arith.index_cast %get3A_228 : i32 to index
        %get3A_230 = arith.index_cast %mul3A_227 : i32 to index
        %get3A_231 = tpu.vector_load %arg5[%get3A_229, %get3A_230] {strides = array<i32>} : memref<8x8192xf32, #tpu.memory_space<vmem>>, vector<1x16xf32>,
        %get3A_232 = vector.shape_cast %get3A_231 : vector<1x16xf32> to vector<16xf32>
        %ge3A_233 = arith.cmpf oge, %get3A_232, %get3A_117 : vector<16xf32>
        %jit3A_234 = arith.constant 0.000000e+00 : f32
        %broadcast_in_dim3A_235 = vector.broadcast %jit3A_234 : f32 to vector<16xf32>
        %select_n3A_236 = arith.select %ge3A_233, %get3A_232, %broadcast_in_dim3A_235 : vector<16xi1>, vector<16xf32>
        %swap3A_237 = arith.constant 6 : i32
        %swap3A_238 = arith.index_cast %swap3A_237 : i32 to index
        %swap3A_239 = arith.index_cast %mul3A_227 : i32 to index
        %swap3A_240 = tpu.vector_load %arg5[%swap3A_238, %swap3A_239] {strides = array<i32>} : memref<8x8192xf32, #tpu.memory_space<vmem>>, vector<1x16xf32>,
        %swap3A_241 = vector.shape_cast %swap3A_240 : vector<1x16xf32> to vector<16xf32>
        %swap3A_242 = vector.shape_cast %select_n3A_236 : vector<16xf32> to vector<1x16xf32>
        tpu.vector_store %arg5[%swap3A_238, %swap3A_239], %swap3A_242 {strides = array<i32>} : memref<8x8192xf32, #tpu.memory_space<vmem>>, vector<1x16xf32>,
        %mul3A_243 = arith.constant 8 : i32
        %mul3A_244 = arith.muli %scan3A_141, %mul3A_243 : i32
        %add3A_245 = arith.constant 5 : i32
        %add3A_246 = arith.addi %mul3A_244, %add3A_245 : i32
        %mul3A_247 = arith.constant 16 : i32
        %mul3A_248 = arith.muli %add3A_246, %mul3A_247 : i32
        %get3A_249 = arith.constant 6 : i32
        %get3A_250 = arith.index_cast %get3A_249 : i32 to index
        %get3A_251 = arith.index_cast %mul3A_248 : i32 to index
        %get3A_252 = tpu.vector_load %arg5[%get3A_250, %get3A_251] {strides = array<i32>} : memref<8x8192xf32, #tpu.memory_space<vmem>>, vector<1x16xf32>,
        %get3A_253 = vector.shape_cast %get3A_252 : vector<1x16xf32> to vector<16xf32>
        %ge3A_254 = arith.cmpf oge, %get3A_253, %get3A_117 : vector<16xf32>
        %jit3A_255 = arith.constant 0.000000e+00 : f32
        %broadcast_in_dim3A_256 = vector.broadcast %jit3A_255 : f32 to vector<16xf32>
        %select_n3A_257 = arith.select %ge3A_254, %get3A_253, %broadcast_in_dim3A_256 : vector<16xi1>, vector<16xf32>
        %swap3A_258 = arith.constant 6 : i32
        %swap3A_259 = arith.index_cast %swap3A_258 : i32 to index
        %swap3A_260 = arith.index_cast %mul3A_248 : i32 to index
        %swap3A_261 = tpu.vector_load %arg5[%swap3A_259, %swap3A_260] {strides = array<i32>} : memref<8x8192xf32, #tpu.memory_space<vmem>>, vector<1x16xf32>,
        %swap3A_262 = vector.shape_cast %swap3A_261 : vector<1x16xf32> to vector<16xf32>
        %swap3A_263 = vector.shape_cast %select_n3A_257 : vector<16xf32> to vector<1x16xf32>
        tpu.vector_store %arg5[%swap3A_259, %swap3A_260], %swap3A_263 {strides = array<i32>} : memref<8x8192xf32, #tpu.memory_space<vmem>>, vector<1x16xf32>,
        %mul3A_264 = arith.constant 8 : i32
        %mul3A_265 = arith.muli %scan3A_141, %mul3A_264 : i32
        %add3A_266 = arith.constant 6 : i32
        %add3A_267 = arith.addi %mul3A_265, %add3A_266 : i32
        %mul3A_268 = arith.constant 16 : i32
        %mul3A_269 = arith.muli %add3A_267, %mul3A_268 : i32
        %get3A_270 = arith.constant 6 : i32
        %get3A_271 = arith.index_cast %get3A_270 : i32 to index
        %get3A_272 = arith.index_cast %mul3A_269 : i32 to index
        %get3A_273 = tpu.vector_load %arg5[%get3A_271, %get3A_272] {strides = array<i32>} : memref<8x8192xf32, #tpu.memory_space<vmem>>, vector<1x16xf32>,
        %get3A_274 = vector.shape_cast %get3A_273 : vector<1x16xf32> to vector<16xf32>
        %ge3A_275 = arith.cmpf oge, %get3A_274, %get3A_117 : vector<16xf32>
        %jit3A_276 = arith.constant 0.000000e+00 : f32
        %broadcast_in_dim3A_277 = vector.broadcast %jit3A_276 : f32 to vector<16xf32>
        %select_n3A_278 = arith.select %ge3A_275, %get3A_274, %broadcast_in_dim3A_277 : vector<16xi1>, vector<16xf32>
        %swap3A_279 = arith.constant 6 : i32
        %swap3A_280 = arith.index_cast %swap3A_279 : i32 to index
        %swap3A_281 = arith.index_cast %mul3A_269 : i32 to index
        %swap3A_282 = tpu.vector_load %arg5[%swap3A_280, %swap3A_281] {strides = array<i32>} : memref<8x8192xf32, #tpu.memory_space<vmem>>, vector<1x16xf32>,
        %swap3A_283 = vector.shape_cast %swap3A_282 : vector<1x16xf32> to vector<16xf32>
        %swap3A_284 = vector.shape_cast %select_n3A_278 : vector<16xf32> to vector<1x16xf32>
        tpu.vector_store %arg5[%swap3A_280, %swap3A_281], %swap3A_284 {strides = array<i32>} : memref<8x8192xf32, #tpu.memory_space<vmem>>, vector<1x16xf32>,
        %mul3A_285 = arith.constant 8 : i32
        %mul3A_286 = arith.muli %scan3A_141, %mul3A_285 : i32
        %add3A_287 = arith.constant 7 : i32
        %add3A_288 = arith.addi %mul3A_286, %add3A_287 : i32
        %mul3A_289 = arith.constant 16 : i32
        %mul3A_290 = arith.muli %add3A_288, %mul3A_289 : i32
        %get3A_291 = arith.constant 6 : i32
        %get3A_292 = arith.index_cast %get3A_291 : i32 to index
        %get3A_293 = arith.index_cast %mul3A_290 : i32 to index
        %get3A_294 = tpu.vector_load %arg5[%get3A_292, %get3A_293] {strides = array<i32>} : memref<8x8192xf32, #tpu.memory_space<vmem>>, vector<1x16xf32>,
        %get3A_295 = vector.shape_cast %get3A_294 : vector<1x16xf32> to vector<16xf32>
        %ge3A_296 = arith.cmpf oge, %get3A_295, %get3A_117 : vector<16xf32>
        %jit3A_297 = arith.constant 0.000000e+00 : f32
        %broadcast_in_dim3A_298 = vector.broadcast %jit3A_297 : f32 to vector<16xf32>
        %select_n3A_299 = arith.select %ge3A_296, %get3A_295, %broadcast_in_dim3A_298 : vector<16xi1>, vector<16xf32>
        %swap3A_300 = arith.constant 6 : i32
        %swap3A_301 = arith.index_cast %swap3A_300 : i32 to index
        %swap3A_302 = arith.index_cast %mul3A_290 : i32 to index
        %swap3A_303 = tpu.vector_load %arg5[%swap3A_301, %swap3A_302] {strides = array<i32>} : memref<8x8192xf32, #tpu.memory_space<vmem>>, vector<1x16xf32>,
        %swap3A_304 = vector.shape_cast %swap3A_303 : vector<1x16xf32> to vector<16xf32>
        %swap3A_305 = vector.shape_cast %select_n3A_299 : vector<16xf32> to vector<1x16xf32>
        tpu.vector_store %arg5[%swap3A_301, %swap3A_302], %swap3A_305 {strides = array<i32>} : memref<8x8192xf32, #tpu.memory_space<vmem>>, vector<1x16xf32>,
        %scan3A_306 = arith.constant 0 : i32
        scf.yield %scan3A_306 : i32
      }
      %scan3A_124 = arith.constant 64 : i32
      %mul3A_125 = arith.constant 8 : i32
      %mul3A_126 = arith.muli %scan3A_10, %mul3A_125 : i32
      %add3A_127 = arith.constant 7 : i32
      %add3A_128 = arith.addi %mul3A_126, %add3A_127 : i32
      %mul3A_129 = arith.constant 16 : i32
      %mul3A_130 = arith.muli %add3A_128, %mul3A_129 : i32
      %get3A_131 = arith.index_cast %mul3A_130 : i32 to index
      %get3A_132 = tpu.vector_load %arg6[%get3A_131] {strides = array<i32>} : memref<1024xf32, #tpu.memory_space<vmem>>, vector<16xf32>,
      %get3A_133 = vector.shape_cast %get3A_132 : vector<16xf32> to vector<16xf32>
      %scan3A_134 = arith.constant 0 : i32
      %scan3A_135 = arith.constant 0 : i32
      %scan3A_136 = arith.constant 64 : i32
      %scan3A_137 = arith.addi %scan3A_135, %scan3A_136 : i32
      %scan3A_138 = arith.constant 1 : i32
      %scan3A_139 = scf.for %scan3A_141 = %scan3A_135 to %scan3A_137 step %scan3A_138 iter_args(%scan3A_142 = %scan3A_134) -> (i32)  : i32 {
        %mul3A_143 = arith.constant 8 : i32
        %mul3A_144 = arith.muli %scan3A_141, %mul3A_143 : i32
        %add3A_145 = arith.constant 0 : i32
        %add3A_146 = arith.addi %mul3A_144, %add3A_145 : i32
        %mul3A_147 = arith.constant 16 : i32
        %mul3A_148 = arith.muli %add3A_146, %mul3A_147 : i32
        %get3A_149 = arith.constant 7 : i32
        %get3A_150 = arith.index_cast %get3A_149 : i32 to index
        %get3A_151 = arith.index_cast %mul3A_148 : i32 to index
        %get3A_152 = tpu.vector_load %arg5[%get3A_150, %get3A_151] {strides = array<i32>} : memref<8x8192xf32, #tpu.memory_space<vmem>>, vector<1x16xf32>,
        %get3A_153 = vector.shape_cast %get3A_152 : vector<1x16xf32> to vector<16xf32>
        %ge3A = arith.cmpf oge, %get3A_153, %get3A_133 : vector<16xf32>
        %jit3A = arith.constant 0.000000e+00 : f32
        %broadcast_in_dim3A = vector.broadcast %jit3A : f32 to vector<16xf32>
        %select_n3A = arith.select %ge3A, %get3A_153, %broadcast_in_dim3A : vector<16xi1>, vector<16xf32>
        %swap3A = arith.constant 7 : i32
        %swap3A_154 = arith.index_cast %swap3A : i32 to index
        %swap3A_155 = arith.index_cast %mul3A_148 : i32 to index
        %swap3A_156 = tpu.vector_load %arg5[%swap3A_154, %swap3A_155] {strides = array<i32>} : memref<8x8192xf32, #tpu.memory_space<vmem>>, vector<1x16xf32>,
        %swap3A_157 = vector.shape_cast %swap3A_156 : vector<1x16xf32> to vector<16xf32>
        %swap3A_158 = vector.shape_cast %select_n3A : vector<16xf32> to vector<1x16xf32>
        tpu.vector_store %arg5[%swap3A_154, %swap3A_155], %swap3A_158 {strides = array<i32>} : memref<8x8192xf32, #tpu.memory_space<vmem>>, vector<1x16xf32>,
        %mul3A_159 = arith.constant 8 : i32
        %mul3A_160 = arith.muli %scan3A_141, %mul3A_159 : i32
        %add3A_161 = arith.constant 1 : i32
        %add3A_162 = arith.addi %mul3A_160, %add3A_161 : i32
        %mul3A_163 = arith.constant 16 : i32
        %mul3A_164 = arith.muli %add3A_162, %mul3A_163 : i32
        %get3A_165 = arith.constant 7 : i32
        %get3A_166 = arith.index_cast %get3A_165 : i32 to index
        %get3A_167 = arith.index_cast %mul3A_164 : i32 to index
        %get3A_168 = tpu.vector_load %arg5[%get3A_166, %get3A_167] {strides = array<i32>} : memref<8x8192xf32, #tpu.memory_space<vmem>>, vector<1x16xf32>,
        %get3A_169 = vector.shape_cast %get3A_168 : vector<1x16xf32> to vector<16xf32>
        %ge3A_170 = arith.cmpf oge, %get3A_169, %get3A_133 : vector<16xf32>
        %jit3A_171 = arith.constant 0.000000e+00 : f32
        %broadcast_in_dim3A_172 = vector.broadcast %jit3A_171 : f32 to vector<16xf32>
        %select_n3A_173 = arith.select %ge3A_170, %get3A_169, %broadcast_in_dim3A_172 : vector<16xi1>, vector<16xf32>
        %swap3A_174 = arith.constant 7 : i32
        %swap3A_175 = arith.index_cast %swap3A_174 : i32 to index
        %swap3A_176 = arith.index_cast %mul3A_164 : i32 to index
        %swap3A_177 = tpu.vector_load %arg5[%swap3A_175, %swap3A_176] {strides = array<i32>} : memref<8x8192xf32, #tpu.memory_space<vmem>>, vector<1x16xf32>,
        %swap3A_178 = vector.shape_cast %swap3A_177 : vector<1x16xf32> to vector<16xf32>
        %swap3A_179 = vector.shape_cast %select_n3A_173 : vector<16xf32> to vector<1x16xf32>
        tpu.vector_store %arg5[%swap3A_175, %swap3A_176], %swap3A_179 {strides = array<i32>} : memref<8x8192xf32, #tpu.memory_space<vmem>>, vector<1x16xf32>,
        %mul3A_180 = arith.constant 8 : i32
        %mul3A_181 = arith.muli %scan3A_141, %mul3A_180 : i32
        %add3A_182 = arith.constant 2 : i32
        %add3A_183 = arith.addi %mul3A_181, %add3A_182 : i32
        %mul3A_184 = arith.constant 16 : i32
        %mul3A_185 = arith.muli %add3A_183, %mul3A_184 : i32
        %get3A_186 = arith.constant 7 : i32
        %get3A_187 = arith.index_cast %get3A_186 : i32 to index
        %get3A_188 = arith.index_cast %mul3A_185 : i32 to index
        %get3A_189 = tpu.vector_load %arg5[%get3A_187, %get3A_188] {strides = array<i32>} : memref<8x8192xf32, #tpu.memory_space<vmem>>, vector<1x16xf32>,
        %get3A_190 = vector.shape_cast %get3A_189 : vector<1x16xf32> to vector<16xf32>
        %ge3A_191 = arith.cmpf oge, %get3A_190, %get3A_133 : vector<16xf32>
        %jit3A_192 = arith.constant 0.000000e+00 : f32
        %broadcast_in_dim3A_193 = vector.broadcast %jit3A_192 : f32 to vector<16xf32>
        %select_n3A_194 = arith.select %ge3A_191, %get3A_190, %broadcast_in_dim3A_193 : vector<16xi1>, vector<16xf32>
        %swap3A_195 = arith.constant 7 : i32
        %swap3A_196 = arith.index_cast %swap3A_195 : i32 to index
        %swap3A_197 = arith.index_cast %mul3A_185 : i32 to index
        %swap3A_198 = tpu.vector_load %arg5[%swap3A_196, %swap3A_197] {strides = array<i32>} : memref<8x8192xf32, #tpu.memory_space<vmem>>, vector<1x16xf32>,
        %swap3A_199 = vector.shape_cast %swap3A_198 : vector<1x16xf32> to vector<16xf32>
        %swap3A_200 = vector.shape_cast %select_n3A_194 : vector<16xf32> to vector<1x16xf32>
        tpu.vector_store %arg5[%swap3A_196, %swap3A_197], %swap3A_200 {strides = array<i32>} : memref<8x8192xf32, #tpu.memory_space<vmem>>, vector<1x16xf32>,
        %mul3A_201 = arith.constant 8 : i32
        %mul3A_202 = arith.muli %scan3A_141, %mul3A_201 : i32
        %add3A_203 = arith.constant 3 : i32
        %add3A_204 = arith.addi %mul3A_202, %add3A_203 : i32
        %mul3A_205 = arith.constant 16 : i32
        %mul3A_206 = arith.muli %add3A_204, %mul3A_205 : i32
        %get3A_207 = arith.constant 7 : i32
        %get3A_208 = arith.index_cast %get3A_207 : i32 to index
        %get3A_209 = arith.index_cast %mul3A_206 : i32 to index
        %get3A_210 = tpu.vector_load %arg5[%get3A_208, %get3A_209] {strides = array<i32>} : memref<8x8192xf32, #tpu.memory_space<vmem>>, vector<1x16xf32>,
        %get3A_211 = vector.shape_cast %get3A_210 : vector<1x16xf32> to vector<16xf32>
        %ge3A_212 = arith.cmpf oge, %get3A_211, %get3A_133 : vector<16xf32>
        %jit3A_213 = arith.constant 0.000000e+00 : f32
        %broadcast_in_dim3A_214 = vector.broadcast %jit3A_213 : f32 to vector<16xf32>
        %select_n3A_215 = arith.select %ge3A_212, %get3A_211, %broadcast_in_dim3A_214 : vector<16xi1>, vector<16xf32>
        %swap3A_216 = arith.constant 7 : i32
        %swap3A_217 = arith.index_cast %swap3A_216 : i32 to index
        %swap3A_218 = arith.index_cast %mul3A_206 : i32 to index
        %swap3A_219 = tpu.vector_load %arg5[%swap3A_217, %swap3A_218] {strides = array<i32>} : memref<8x8192xf32, #tpu.memory_space<vmem>>, vector<1x16xf32>,
        %swap3A_220 = vector.shape_cast %swap3A_219 : vector<1x16xf32> to vector<16xf32>
        %swap3A_221 = vector.shape_cast %select_n3A_215 : vector<16xf32> to vector<1x16xf32>
        tpu.vector_store %arg5[%swap3A_217, %swap3A_218], %swap3A_221 {strides = array<i32>} : memref<8x8192xf32, #tpu.memory_space<vmem>>, vector<1x16xf32>,
        %mul3A_222 = arith.constant 8 : i32
        %mul3A_223 = arith.muli %scan3A_141, %mul3A_222 : i32
        %add3A_224 = arith.constant 4 : i32
        %add3A_225 = arith.addi %mul3A_223, %add3A_224 : i32
        %mul3A_226 = arith.constant 16 : i32
        %mul3A_227 = arith.muli %add3A_225, %mul3A_226 : i32
        %get3A_228 = arith.constant 7 : i32
        %get3A_229 = arith.index_cast %get3A_228 : i32 to index
        %get3A_230 = arith.index_cast %mul3A_227 : i32 to index
        %get3A_231 = tpu.vector_load %arg5[%get3A_229, %get3A_230] {strides = array<i32>} : memref<8x8192xf32, #tpu.memory_space<vmem>>, vector<1x16xf32>,
        %get3A_232 = vector.shape_cast %get3A_231 : vector<1x16xf32> to vector<16xf32>
        %ge3A_233 = arith.cmpf oge, %get3A_232, %get3A_133 : vector<16xf32>
        %jit3A_234 = arith.constant 0.000000e+00 : f32
        %broadcast_in_dim3A_235 = vector.broadcast %jit3A_234 : f32 to vector<16xf32>
        %select_n3A_236 = arith.select %ge3A_233, %get3A_232, %broadcast_in_dim3A_235 : vector<16xi1>, vector<16xf32>
        %swap3A_237 = arith.constant 7 : i32
        %swap3A_238 = arith.index_cast %swap3A_237 : i32 to index
        %swap3A_239 = arith.index_cast %mul3A_227 : i32 to index
        %swap3A_240 = tpu.vector_load %arg5[%swap3A_238, %swap3A_239] {strides = array<i32>} : memref<8x8192xf32, #tpu.memory_space<vmem>>, vector<1x16xf32>,
        %swap3A_241 = vector.shape_cast %swap3A_240 : vector<1x16xf32> to vector<16xf32>
        %swap3A_242 = vector.shape_cast %select_n3A_236 : vector<16xf32> to vector<1x16xf32>
        tpu.vector_store %arg5[%swap3A_238, %swap3A_239], %swap3A_242 {strides = array<i32>} : memref<8x8192xf32, #tpu.memory_space<vmem>>, vector<1x16xf32>,
        %mul3A_243 = arith.constant 8 : i32
        %mul3A_244 = arith.muli %scan3A_141, %mul3A_243 : i32
        %add3A_245 = arith.constant 5 : i32
        %add3A_246 = arith.addi %mul3A_244, %add3A_245 : i32
        %mul3A_247 = arith.constant 16 : i32
        %mul3A_248 = arith.muli %add3A_246, %mul3A_247 : i32
        %get3A_249 = arith.constant 7 : i32
        %get3A_250 = arith.index_cast %get3A_249 : i32 to index
        %get3A_251 = arith.index_cast %mul3A_248 : i32 to index
        %get3A_252 = tpu.vector_load %arg5[%get3A_250, %get3A_251] {strides = array<i32>} : memref<8x8192xf32, #tpu.memory_space<vmem>>, vector<1x16xf32>,
        %get3A_253 = vector.shape_cast %get3A_252 : vector<1x16xf32> to vector<16xf32>
        %ge3A_254 = arith.cmpf oge, %get3A_253, %get3A_133 : vector<16xf32>
        %jit3A_255 = arith.constant 0.000000e+00 : f32
        %broadcast_in_dim3A_256 = vector.broadcast %jit3A_255 : f32 to vector<16xf32>
        %select_n3A_257 = arith.select %ge3A_254, %get3A_253, %broadcast_in_dim3A_256 : vector<16xi1>, vector<16xf32>
        %swap3A_258 = arith.constant 7 : i32
        %swap3A_259 = arith.index_cast %swap3A_258 : i32 to index
        %swap3A_260 = arith.index_cast %mul3A_248 : i32 to index
        %swap3A_261 = tpu.vector_load %arg5[%swap3A_259, %swap3A_260] {strides = array<i32>} : memref<8x8192xf32, #tpu.memory_space<vmem>>, vector<1x16xf32>,
        %swap3A_262 = vector.shape_cast %swap3A_261 : vector<1x16xf32> to vector<16xf32>
        %swap3A_263 = vector.shape_cast %select_n3A_257 : vector<16xf32> to vector<1x16xf32>
        tpu.vector_store %arg5[%swap3A_259, %swap3A_260], %swap3A_263 {strides = array<i32>} : memref<8x8192xf32, #tpu.memory_space<vmem>>, vector<1x16xf32>,
        %mul3A_264 = arith.constant 8 : i32
        %mul3A_265 = arith.muli %scan3A_141, %mul3A_264 : i32
        %add3A_266 = arith.constant 6 : i32
        %add3A_267 = arith.addi %mul3A_265, %add3A_266 : i32
        %mul3A_268 = arith.constant 16 : i32
        %mul3A_269 = arith.muli %add3A_267, %mul3A_268 : i32
        %get3A_270 = arith.constant 7 : i32
        %get3A_271 = arith.index_cast %get3A_270 : i32 to index
        %get3A_272 = arith.index_cast %mul3A_269 : i32 to index
        %get3A_273 = tpu.vector_load %arg5[%get3A_271, %get3A_272] {strides = array<i32>} : memref<8x8192xf32, #tpu.memory_space<vmem>>, vector<1x16xf32>,
        %get3A_274 = vector.shape_cast %get3A_273 : vector<1x16xf32> to vector<16xf32>
        %ge3A_275 = arith.cmpf oge, %get3A_274, %get3A_133 : vector<16xf32>
        %jit3A_276 = arith.constant 0.000000e+00 : f32
        %broadcast_in_dim3A_277 = vector.broadcast %jit3A_276 : f32 to vector<16xf32>
        %select_n3A_278 = arith.select %ge3A_275, %get3A_274, %broadcast_in_dim3A_277 : vector<16xi1>, vector<16xf32>
        %swap3A_279 = arith.constant 7 : i32
        %swap3A_280 = arith.index_cast %swap3A_279 : i32 to index
        %swap3A_281 = arith.index_cast %mul3A_269 : i32 to index
        %swap3A_282 = tpu.vector_load %arg5[%swap3A_280, %swap3A_281] {strides = array<i32>} : memref<8x8192xf32, #tpu.memory_space<vmem>>, vector<1x16xf32>,
        %swap3A_283 = vector.shape_cast %swap3A_282 : vector<1x16xf32> to vector<16xf32>
        %swap3A_284 = vector.shape_cast %select_n3A_278 : vector<16xf32> to vector<1x16xf32>
        tpu.vector_store %arg5[%swap3A_280, %swap3A_281], %swap3A_284 {strides = array<i32>} : memref<8x8192xf32, #tpu.memory_space<vmem>>, vector<1x16xf32>,
        %mul3A_285 = arith.constant 8 : i32
        %mul3A_286 = arith.muli %scan3A_141, %mul3A_285 : i32
        %add3A_287 = arith.constant 7 : i32
        %add3A_288 = arith.addi %mul3A_286, %add3A_287 : i32
        %mul3A_289 = arith.constant 16 : i32
        %mul3A_290 = arith.muli %add3A_288, %mul3A_289 : i32
        %get3A_291 = arith.constant 7 : i32
        %get3A_292 = arith.index_cast %get3A_291 : i32 to index
        %get3A_293 = arith.index_cast %mul3A_290 : i32 to index
        %get3A_294 = tpu.vector_load %arg5[%get3A_292, %get3A_293] {strides = array<i32>} : memref<8x8192xf32, #tpu.memory_space<vmem>>, vector<1x16xf32>,
        %get3A_295 = vector.shape_cast %get3A_294 : vector<1x16xf32> to vector<16xf32>
        %ge3A_296 = arith.cmpf oge, %get3A_295, %get3A_133 : vector<16xf32>
        %jit3A_297 = arith.constant 0.000000e+00 : f32
        %broadcast_in_dim3A_298 = vector.broadcast %jit3A_297 : f32 to vector<16xf32>
        %select_n3A_299 = arith.select %ge3A_296, %get3A_295, %broadcast_in_dim3A_298 : vector<16xi1>, vector<16xf32>
        %swap3A_300 = arith.constant 7 : i32
        %swap3A_301 = arith.index_cast %swap3A_300 : i32 to index
        %swap3A_302 = arith.index_cast %mul3A_290 : i32 to index
        %swap3A_303 = tpu.vector_load %arg5[%swap3A_301, %swap3A_302] {strides = array<i32>} : memref<8x8192xf32, #tpu.memory_space<vmem>>, vector<1x16xf32>,
        %swap3A_304 = vector.shape_cast %swap3A_303 : vector<1x16xf32> to vector<16xf32>
        %swap3A_305 = vector.shape_cast %select_n3A_299 : vector<16xf32> to vector<1x16xf32>
        tpu.vector_store %arg5[%swap3A_301, %swap3A_302], %swap3A_305 {strides = array<i32>} : memref<8x8192xf32, #tpu.memory_space<vmem>>, vector<1x16xf32>,
        %scan3A_306 = arith.constant 0 : i32
        scf.yield %scan3A_306 : i32
      }
      %scan3A_140 = arith.constant 64 : i32
      "tpu.region"() ({
        %run_scoped3A = tpu.sem_alloc : memref<!tpu.dma_semaphore, #tpu.memory_space<semaphore_mem>>
        %dma_start3A = arith.constant 0 : i32
        %dma_start3A_141 = tpu.memref_slice %arg4[%add3A_13, %dma_start3A] : memref<2048x8192xf32, #tpu.memory_space<hbm>> -> memref<8x8192xf32, #tpu.memory_space<hbm>>
        %dma_start3A_142 = arith.constant 0 : i32
        %dma_start3A_143 = tpu.memref_slice %arg4[%add3A_13, %dma_start3A_142] : memref<2048x8192xf32, #tpu.memory_space<hbm>> -> memref<8x8192xf32, #tpu.memory_space<hbm>>
        tpu.enqueue_dma source(%arg5 : memref<8x8192xf32, #tpu.memory_space<vmem>>) target(%dma_start3A_143 : memref<8x8192xf32, #tpu.memory_space<hbm>>) target_semaphore(%run_scoped3A : memref<!tpu.dma_semaphore, #tpu.memory_space<semaphore_mem>>)
        %dma_wait3A = arith.constant 0 : i32
        %dma_wait3A_144 = tpu.memref_slice %arg4[%add3A_13, %dma_wait3A] : memref<2048x8192xf32, #tpu.memory_space<hbm>> -> memref<8x8192xf32, #tpu.memory_space<hbm>>
        %dma_wait3A_145 = arith.constant 0 : i32
        %dma_wait3A_146 = tpu.memref_slice %arg4[%add3A_13, %dma_wait3A_145] : memref<2048x8192xf32, #tpu.memory_space<hbm>> -> memref<8x8192xf32, #tpu.memory_space<hbm>>
        tpu.wait_dma2 semaphore(%run_scoped3A : memref<!tpu.dma_semaphore, #tpu.memory_space<semaphore_mem>>) src(%arg5 : memref<8x8192xf32, #tpu.memory_space<vmem>>) dst(%dma_wait3A_146 : memref<8x8192xf32, #tpu.memory_space<hbm>>)
        tpu.yield
      }) : () -> ()
    }
    %scan3A_9 = arith.constant 8 : i32
    return
  }
}

#map = affine_map<(d0, d1) -> (0, 0)>
#map1 = affine_map<(d0, d1) -> (0)>
module attributes {stable_mosaic.version = 14 : i64} {
  func.func @_sc_mask_kernel(%arg0: i32, %arg1: i32, %arg2: memref<2048x8192xf32, #tpu.memory_space<hbm>>, %arg3: memref<32768xf32, #tpu.memory_space<hbm>>, %arg4: memref<2048x8192xf32, #tpu.memory_space<hbm>>, %arg5: memref<8x8192xf32, #tpu.memory_space<vmem>>, %arg6: memref<1024xf32, #tpu.memory_space<vmem>>) attributes {dimension_semantics = [#tpu.dimension_semantics<core_parallel>, #tpu.dimension_semantics<subcore_parallel>], iteration_bounds = array<i64: 2, 16>, scalar_prefetch = 0 : i64, scratch_operands = 2 : i64, tpu.core_type = #tpu.core_type<sc_vector_subcore>, window_params = [{transform_indices = #map}, {transform_indices = #map1}, {transform_indices = #map}]} {
    %mul3A = arith.constant 2 : i32
    %mul3A_0 = arith.muli %arg1, %mul3A : i32
    %add3A = arith.addi %mul3A_0, %arg0 : i32
    %mul3A_1 = arith.constant 64 : i32
    %mul3A_2 = arith.muli %add3A, %mul3A_1 : i32
    %mul3A_3 = arith.constant 16 : i32
    %mul3A_4 = arith.muli %mul3A_2, %mul3A_3 : i32
    "tpu.region"() ({
      %run_scoped3A = tpu.sem_alloc : memref<!tpu.dma_semaphore, #tpu.memory_space<semaphore_mem>>
      %dma_start3A = tpu.memref_slice %arg3[%mul3A_4] : memref<32768xf32, #tpu.memory_space<hbm>> -> memref<1024xf32, #tpu.memory_space<hbm>>
      %dma_start3A_10 = tpu.memref_slice %arg3[%mul3A_4] : memref<32768xf32, #tpu.memory_space<hbm>> -> memref<1024xf32, #tpu.memory_space<hbm>>
      tpu.enqueue_dma source(%dma_start3A_10 : memref<1024xf32, #tpu.memory_space<hbm>>) target(%arg6 : memref<1024xf32, #tpu.memory_space<vmem>>) target_semaphore(%run_scoped3A : memref<!tpu.dma_semaphore, #tpu.memory_space<semaphore_mem>>)
      %dma_wait3A = tpu.memref_slice %arg3[%mul3A_4] : memref<32768xf32, #tpu.memory_space<hbm>> -> memref<1024xf32, #tpu.memory_space<hbm>>
      %dma_wait3A_11 = tpu.memref_slice %arg3[%mul3A_4] : memref<32768xf32, #tpu.memory_space<hbm>> -> memref<1024xf32, #tpu.memory_space<hbm>>
      tpu.wait_dma2 semaphore(%run_scoped3A : memref<!tpu.dma_semaphore, #tpu.memory_space<semaphore_mem>>) src(%dma_wait3A_11 : memref<1024xf32, #tpu.memory_space<hbm>>) dst(%arg6 : memref<1024xf32, #tpu.memory_space<vmem>>)
      tpu.yield
    }) : () -> ()
    %scan3A = arith.constant 0 : i32
    %scan3A_5 = arith.constant 0 : i32
    %scan3A_6 = arith.constant 8 : i32
    %scan3A_7 = arith.addi %scan3A_5, %scan3A_6 : i32
    %scan3A_8 = arith.constant 1 : i32
    scf.for %scan3A_10 = %scan3A_5 to %scan3A_7 step %scan3A_8  : i32 {
      %mul3A_11 = arith.constant 8 : i32
      %mul3A_12 = arith.muli %scan3A_10, %mul3A_11 : i32
      %add3A_13 = arith.addi %mul3A_2, %mul3A_12 : i32
      "tpu.region"() ({
        %run_scoped3A = tpu.sem_alloc : memref<!tpu.dma_semaphore, #tpu.memory_space<semaphore_mem>>
        %dma_start3A = arith.constant 0 : i32
        %dma_start3A_141 = tpu.memref_slice %arg2[%add3A_13, %dma_start3A] : memref<2048x8192xf32, #tpu.memory_space<hbm>> -> memref<8x8192xf32, #tpu.memory_space<hbm>>
        %dma_start3A_142 = arith.constant 0 : i32
        %dma_start3A_143 = tpu.memref_slice %arg2[%add3A_13, %dma_start3A_142] : memref<2048x8192xf32, #tpu.memory_space<hbm>> -> memref<8x8192xf32, #tpu.memory_space<hbm>>
        tpu.enqueue_dma source(%dma_start3A_143 : memref<8x8192xf32, #tpu.memory_space<hbm>>) target(%arg5 : memref<8x8192xf32, #tpu.memory_space<vmem>>) target_semaphore(%run_scoped3A : memref<!tpu.dma_semaphore, #tpu.memory_space<semaphore_mem>>)
        %dma_wait3A = arith.constant 0 : i32
        %dma_wait3A_144 = tpu.memref_slice %arg2[%add3A_13, %dma_wait3A] : memref<2048x8192xf32, #tpu.memory_space<hbm>> -> memref<8x8192xf32, #tpu.memory_space<hbm>>
        %dma_wait3A_145 = arith.constant 0 : i32
        %dma_wait3A_146 = tpu.memref_slice %arg2[%add3A_13, %dma_wait3A_145] : memref<2048x8192xf32, #tpu.memory_space<hbm>> -> memref<8x8192xf32, #tpu.memory_space<hbm>>
        tpu.wait_dma2 semaphore(%run_scoped3A : memref<!tpu.dma_semaphore, #tpu.memory_space<semaphore_mem>>) src(%dma_wait3A_146 : memref<8x8192xf32, #tpu.memory_space<hbm>>) dst(%arg5 : memref<8x8192xf32, #tpu.memory_space<vmem>>)
        tpu.yield
      }) : () -> ()
      %mul3A_14 = arith.constant 8 : i32
      %mul3A_15 = arith.muli %scan3A_10, %mul3A_14 : i32
      %add3A_16 = arith.constant 0 : i32
      %add3A_17 = arith.addi %mul3A_15, %add3A_16 : i32
      %mul3A_18 = arith.constant 16 : i32
      %mul3A_19 = arith.muli %add3A_17, %mul3A_18 : i32
      %get3A = arith.index_cast %mul3A_19 : i32 to index
      %get3A_20 = tpu.vector_load %arg6[%get3A] {strides = array<i32>} : memref<1024xf32, #tpu.memory_space<vmem>>, vector<16xf32>,
      %get3A_21 = vector.shape_cast %get3A_20 : vector<16xf32> to vector<16xf32>
      %scan3A_22 = arith.constant 0 : i32
      %scan3A_23 = arith.constant 0 : i32
      %scan3A_24 = arith.constant 64 : i32
      %scan3A_25 = arith.addi %scan3A_23, %scan3A_24 : i32
      %scan3A_26 = arith.constant 1 : i32
      %scan3A_27 = scf.for %scan3A_141 = %scan3A_23 to %scan3A_25 step %scan3A_26 iter_args(%scan3A_142 = %scan3A_22) -> (i32)  : i32 {
        %mul3A_143 = arith.constant 8 : i32
        %mul3A_144 = arith.muli %scan3A_141, %mul3A_143 : i32
        %add3A_145 = arith.constant 0 : i32
        %add3A_146 = arith.addi %mul3A_144, %add3A_145 : i32
        %mul3A_147 = arith.constant 16 : i32
        %mul3A_148 = arith.muli %add3A_146, %mul3A_147 : i32
        %get3A_149 = arith.constant 0 : i32
        %get3A_150 = arith.index_cast %get3A_149 : i32 to index
        %get3A_151 = arith.index_cast %mul3A_148 : i32 to index
        %get3A_152 = tpu.vector_load %arg5[%get3A_150, %get3A_151] {strides = array<i32>} : memref<8x8192xf32, #tpu.memory_space<vmem>>, vector<1x16xf32>,
        %get3A_153 = vector.shape_cast %get3A_152 : vector<1x16xf32> to vector<16xf32>
        %ge3A = arith.cmpf oge, %get3A_153, %get3A_21 : vector<16xf32>
        %jit3A = arith.constant 0.000000e+00 : f32
        %broadcast_in_dim3A = vector.broadcast %jit3A : f32 to vector<16xf32>
        %select_n3A = arith.select %ge3A, %get3A_153, %broadcast_in_dim3A : vector<16xi1>, vector<16xf32>
        %swap3A = arith.constant 0 : i32
        %swap3A_154 = arith.index_cast %swap3A : i32 to index
        %swap3A_155 = arith.index_cast %mul3A_148 : i32 to index
        %swap3A_156 = tpu.vector_load %arg5[%swap3A_154, %swap3A_155] {strides = array<i32>} : memref<8x8192xf32, #tpu.memory_space<vmem>>, vector<1x16xf32>,
        %swap3A_157 = vector.shape_cast %swap3A_156 : vector<1x16xf32> to vector<16xf32>
        %swap3A_158 = vector.shape_cast %select_n3A : vector<16xf32> to vector<1x16xf32>
        tpu.vector_store %arg5[%swap3A_154, %swap3A_155], %swap3A_158 {strides = array<i32>} : memref<8x8192xf32, #tpu.memory_space<vmem>>, vector<1x16xf32>,
        %mul3A_159 = arith.constant 8 : i32
        %mul3A_160 = arith.muli %scan3A_141, %mul3A_159 : i32
        %add3A_161 = arith.constant 1 : i32
        %add3A_162 = arith.addi %mul3A_160, %add3A_161 : i32
        %mul3A_163 = arith.constant 16 : i32
        %mul3A_164 = arith.muli %add3A_162, %mul3A_163 : i32
        %get3A_165 = arith.constant 0 : i32
        %get3A_166 = arith.index_cast %get3A_165 : i32 to index
        %get3A_167 = arith.index_cast %mul3A_164 : i32 to index
        %get3A_168 = tpu.vector_load %arg5[%get3A_166, %get3A_167] {strides = array<i32>} : memref<8x8192xf32, #tpu.memory_space<vmem>>, vector<1x16xf32>,
        %get3A_169 = vector.shape_cast %get3A_168 : vector<1x16xf32> to vector<16xf32>
        %ge3A_170 = arith.cmpf oge, %get3A_169, %get3A_21 : vector<16xf32>
        %jit3A_171 = arith.constant 0.000000e+00 : f32
        %broadcast_in_dim3A_172 = vector.broadcast %jit3A_171 : f32 to vector<16xf32>
        %select_n3A_173 = arith.select %ge3A_170, %get3A_169, %broadcast_in_dim3A_172 : vector<16xi1>, vector<16xf32>
        %swap3A_174 = arith.constant 0 : i32
        %swap3A_175 = arith.index_cast %swap3A_174 : i32 to index
        %swap3A_176 = arith.index_cast %mul3A_164 : i32 to index
        %swap3A_177 = tpu.vector_load %arg5[%swap3A_175, %swap3A_176] {strides = array<i32>} : memref<8x8192xf32, #tpu.memory_space<vmem>>, vector<1x16xf32>,
        %swap3A_178 = vector.shape_cast %swap3A_177 : vector<1x16xf32> to vector<16xf32>
        %swap3A_179 = vector.shape_cast %select_n3A_173 : vector<16xf32> to vector<1x16xf32>
        tpu.vector_store %arg5[%swap3A_175, %swap3A_176], %swap3A_179 {strides = array<i32>} : memref<8x8192xf32, #tpu.memory_space<vmem>>, vector<1x16xf32>,
        %mul3A_180 = arith.constant 8 : i32
        %mul3A_181 = arith.muli %scan3A_141, %mul3A_180 : i32
        %add3A_182 = arith.constant 2 : i32
        %add3A_183 = arith.addi %mul3A_181, %add3A_182 : i32
        %mul3A_184 = arith.constant 16 : i32
        %mul3A_185 = arith.muli %add3A_183, %mul3A_184 : i32
        %get3A_186 = arith.constant 0 : i32
        %get3A_187 = arith.index_cast %get3A_186 : i32 to index
        %get3A_188 = arith.index_cast %mul3A_185 : i32 to index
        %get3A_189 = tpu.vector_load %arg5[%get3A_187, %get3A_188] {strides = array<i32>} : memref<8x8192xf32, #tpu.memory_space<vmem>>, vector<1x16xf32>,
        %get3A_190 = vector.shape_cast %get3A_189 : vector<1x16xf32> to vector<16xf32>
        %ge3A_191 = arith.cmpf oge, %get3A_190, %get3A_21 : vector<16xf32>
        %jit3A_192 = arith.constant 0.000000e+00 : f32
        %broadcast_in_dim3A_193 = vector.broadcast %jit3A_192 : f32 to vector<16xf32>
        %select_n3A_194 = arith.select %ge3A_191, %get3A_190, %broadcast_in_dim3A_193 : vector<16xi1>, vector<16xf32>
        %swap3A_195 = arith.constant 0 : i32
        %swap3A_196 = arith.index_cast %swap3A_195 : i32 to index
        %swap3A_197 = arith.index_cast %mul3A_185 : i32 to index
        %swap3A_198 = tpu.vector_load %arg5[%swap3A_196, %swap3A_197] {strides = array<i32>} : memref<8x8192xf32, #tpu.memory_space<vmem>>, vector<1x16xf32>,
        %swap3A_199 = vector.shape_cast %swap3A_198 : vector<1x16xf32> to vector<16xf32>
        %swap3A_200 = vector.shape_cast %select_n3A_194 : vector<16xf32> to vector<1x16xf32>
        tpu.vector_store %arg5[%swap3A_196, %swap3A_197], %swap3A_200 {strides = array<i32>} : memref<8x8192xf32, #tpu.memory_space<vmem>>, vector<1x16xf32>,
        %mul3A_201 = arith.constant 8 : i32
        %mul3A_202 = arith.muli %scan3A_141, %mul3A_201 : i32
        %add3A_203 = arith.constant 3 : i32
        %add3A_204 = arith.addi %mul3A_202, %add3A_203 : i32
        %mul3A_205 = arith.constant 16 : i32
        %mul3A_206 = arith.muli %add3A_204, %mul3A_205 : i32
        %get3A_207 = arith.constant 0 : i32
        %get3A_208 = arith.index_cast %get3A_207 : i32 to index
        %get3A_209 = arith.index_cast %mul3A_206 : i32 to index
        %get3A_210 = tpu.vector_load %arg5[%get3A_208, %get3A_209] {strides = array<i32>} : memref<8x8192xf32, #tpu.memory_space<vmem>>, vector<1x16xf32>,
        %get3A_211 = vector.shape_cast %get3A_210 : vector<1x16xf32> to vector<16xf32>
        %ge3A_212 = arith.cmpf oge, %get3A_211, %get3A_21 : vector<16xf32>
        %jit3A_213 = arith.constant 0.000000e+00 : f32
        %broadcast_in_dim3A_214 = vector.broadcast %jit3A_213 : f32 to vector<16xf32>
        %select_n3A_215 = arith.select %ge3A_212, %get3A_211, %broadcast_in_dim3A_214 : vector<16xi1>, vector<16xf32>
        %swap3A_216 = arith.constant 0 : i32
        %swap3A_217 = arith.index_cast %swap3A_216 : i32 to index
        %swap3A_218 = arith.index_cast %mul3A_206 : i32 to index
        %swap3A_219 = tpu.vector_load %arg5[%swap3A_217, %swap3A_218] {strides = array<i32>} : memref<8x8192xf32, #tpu.memory_space<vmem>>, vector<1x16xf32>,
        %swap3A_220 = vector.shape_cast %swap3A_219 : vector<1x16xf32> to vector<16xf32>
        %swap3A_221 = vector.shape_cast %select_n3A_215 : vector<16xf32> to vector<1x16xf32>
        tpu.vector_store %arg5[%swap3A_217, %swap3A_218], %swap3A_221 {strides = array<i32>} : memref<8x8192xf32, #tpu.memory_space<vmem>>, vector<1x16xf32>,
        %mul3A_222 = arith.constant 8 : i32
        %mul3A_223 = arith.muli %scan3A_141, %mul3A_222 : i32
        %add3A_224 = arith.constant 4 : i32
        %add3A_225 = arith.addi %mul3A_223, %add3A_224 : i32
        %mul3A_226 = arith.constant 16 : i32
        %mul3A_227 = arith.muli %add3A_225, %mul3A_226 : i32
        %get3A_228 = arith.constant 0 : i32
        %get3A_229 = arith.index_cast %get3A_228 : i32 to index
        %get3A_230 = arith.index_cast %mul3A_227 : i32 to index
        %get3A_231 = tpu.vector_load %arg5[%get3A_229, %get3A_230] {strides = array<i32>} : memref<8x8192xf32, #tpu.memory_space<vmem>>, vector<1x16xf32>,
        %get3A_232 = vector.shape_cast %get3A_231 : vector<1x16xf32> to vector<16xf32>
        %ge3A_233 = arith.cmpf oge, %get3A_232, %get3A_21 : vector<16xf32>
        %jit3A_234 = arith.constant 0.000000e+00 : f32
        %broadcast_in_dim3A_235 = vector.broadcast %jit3A_234 : f32 to vector<16xf32>
        %select_n3A_236 = arith.select %ge3A_233, %get3A_232, %broadcast_in_dim3A_235 : vector<16xi1>, vector<16xf32>
        %swap3A_237 = arith.constant 0 : i32
        %swap3A_238 = arith.index_cast %swap3A_237 : i32 to index
        %swap3A_239 = arith.index_cast %mul3A_227 : i32 to index
        %swap3A_240 = tpu.vector_load %arg5[%swap3A_238, %swap3A_239] {strides = array<i32>} : memref<8x8192xf32, #tpu.memory_space<vmem>>, vector<1x16xf32>,
        %swap3A_241 = vector.shape_cast %swap3A_240 : vector<1x16xf32> to vector<16xf32>
        %swap3A_242 = vector.shape_cast %select_n3A_236 : vector<16xf32> to vector<1x16xf32>
        tpu.vector_store %arg5[%swap3A_238, %swap3A_239], %swap3A_242 {strides = array<i32>} : memref<8x8192xf32, #tpu.memory_space<vmem>>, vector<1x16xf32>,
        %mul3A_243 = arith.constant 8 : i32
        %mul3A_244 = arith.muli %scan3A_141, %mul3A_243 : i32
        %add3A_245 = arith.constant 5 : i32
        %add3A_246 = arith.addi %mul3A_244, %add3A_245 : i32
        %mul3A_247 = arith.constant 16 : i32
        %mul3A_248 = arith.muli %add3A_246, %mul3A_247 : i32
        %get3A_249 = arith.constant 0 : i32
        %get3A_250 = arith.index_cast %get3A_249 : i32 to index
        %get3A_251 = arith.index_cast %mul3A_248 : i32 to index
        %get3A_252 = tpu.vector_load %arg5[%get3A_250, %get3A_251] {strides = array<i32>} : memref<8x8192xf32, #tpu.memory_space<vmem>>, vector<1x16xf32>,
        %get3A_253 = vector.shape_cast %get3A_252 : vector<1x16xf32> to vector<16xf32>
        %ge3A_254 = arith.cmpf oge, %get3A_253, %get3A_21 : vector<16xf32>
        %jit3A_255 = arith.constant 0.000000e+00 : f32
        %broadcast_in_dim3A_256 = vector.broadcast %jit3A_255 : f32 to vector<16xf32>
        %select_n3A_257 = arith.select %ge3A_254, %get3A_253, %broadcast_in_dim3A_256 : vector<16xi1>, vector<16xf32>
        %swap3A_258 = arith.constant 0 : i32
        %swap3A_259 = arith.index_cast %swap3A_258 : i32 to index
        %swap3A_260 = arith.index_cast %mul3A_248 : i32 to index
        %swap3A_261 = tpu.vector_load %arg5[%swap3A_259, %swap3A_260] {strides = array<i32>} : memref<8x8192xf32, #tpu.memory_space<vmem>>, vector<1x16xf32>,
        %swap3A_262 = vector.shape_cast %swap3A_261 : vector<1x16xf32> to vector<16xf32>
        %swap3A_263 = vector.shape_cast %select_n3A_257 : vector<16xf32> to vector<1x16xf32>
        tpu.vector_store %arg5[%swap3A_259, %swap3A_260], %swap3A_263 {strides = array<i32>} : memref<8x8192xf32, #tpu.memory_space<vmem>>, vector<1x16xf32>,
        %mul3A_264 = arith.constant 8 : i32
        %mul3A_265 = arith.muli %scan3A_141, %mul3A_264 : i32
        %add3A_266 = arith.constant 6 : i32
        %add3A_267 = arith.addi %mul3A_265, %add3A_266 : i32
        %mul3A_268 = arith.constant 16 : i32
        %mul3A_269 = arith.muli %add3A_267, %mul3A_268 : i32
        %get3A_270 = arith.constant 0 : i32
        %get3A_271 = arith.index_cast %get3A_270 : i32 to index
        %get3A_272 = arith.index_cast %mul3A_269 : i32 to index
        %get3A_273 = tpu.vector_load %arg5[%get3A_271, %get3A_272] {strides = array<i32>} : memref<8x8192xf32, #tpu.memory_space<vmem>>, vector<1x16xf32>,
        %get3A_274 = vector.shape_cast %get3A_273 : vector<1x16xf32> to vector<16xf32>
        %ge3A_275 = arith.cmpf oge, %get3A_274, %get3A_21 : vector<16xf32>
        %jit3A_276 = arith.constant 0.000000e+00 : f32
        %broadcast_in_dim3A_277 = vector.broadcast %jit3A_276 : f32 to vector<16xf32>
        %select_n3A_278 = arith.select %ge3A_275, %get3A_274, %broadcast_in_dim3A_277 : vector<16xi1>, vector<16xf32>
        %swap3A_279 = arith.constant 0 : i32
        %swap3A_280 = arith.index_cast %swap3A_279 : i32 to index
        %swap3A_281 = arith.index_cast %mul3A_269 : i32 to index
        %swap3A_282 = tpu.vector_load %arg5[%swap3A_280, %swap3A_281] {strides = array<i32>} : memref<8x8192xf32, #tpu.memory_space<vmem>>, vector<1x16xf32>,
        %swap3A_283 = vector.shape_cast %swap3A_282 : vector<1x16xf32> to vector<16xf32>
        %swap3A_284 = vector.shape_cast %select_n3A_278 : vector<16xf32> to vector<1x16xf32>
        tpu.vector_store %arg5[%swap3A_280, %swap3A_281], %swap3A_284 {strides = array<i32>} : memref<8x8192xf32, #tpu.memory_space<vmem>>, vector<1x16xf32>,
        %mul3A_285 = arith.constant 8 : i32
        %mul3A_286 = arith.muli %scan3A_141, %mul3A_285 : i32
        %add3A_287 = arith.constant 7 : i32
        %add3A_288 = arith.addi %mul3A_286, %add3A_287 : i32
        %mul3A_289 = arith.constant 16 : i32
        %mul3A_290 = arith.muli %add3A_288, %mul3A_289 : i32
        %get3A_291 = arith.constant 0 : i32
        %get3A_292 = arith.index_cast %get3A_291 : i32 to index
        %get3A_293 = arith.index_cast %mul3A_290 : i32 to index
        %get3A_294 = tpu.vector_load %arg5[%get3A_292, %get3A_293] {strides = array<i32>} : memref<8x8192xf32, #tpu.memory_space<vmem>>, vector<1x16xf32>,
        %get3A_295 = vector.shape_cast %get3A_294 : vector<1x16xf32> to vector<16xf32>
        %ge3A_296 = arith.cmpf oge, %get3A_295, %get3A_21 : vector<16xf32>
        %jit3A_297 = arith.constant 0.000000e+00 : f32
        %broadcast_in_dim3A_298 = vector.broadcast %jit3A_297 : f32 to vector<16xf32>
        %select_n3A_299 = arith.select %ge3A_296, %get3A_295, %broadcast_in_dim3A_298 : vector<16xi1>, vector<16xf32>
        %swap3A_300 = arith.constant 0 : i32
        %swap3A_301 = arith.index_cast %swap3A_300 : i32 to index
        %swap3A_302 = arith.index_cast %mul3A_290 : i32 to index
        %swap3A_303 = tpu.vector_load %arg5[%swap3A_301, %swap3A_302] {strides = array<i32>} : memref<8x8192xf32, #tpu.memory_space<vmem>>, vector<1x16xf32>,
        %swap3A_304 = vector.shape_cast %swap3A_303 : vector<1x16xf32> to vector<16xf32>
        %swap3A_305 = vector.shape_cast %select_n3A_299 : vector<16xf32> to vector<1x16xf32>
        tpu.vector_store %arg5[%swap3A_301, %swap3A_302], %swap3A_305 {strides = array<i32>} : memref<8x8192xf32, #tpu.memory_space<vmem>>, vector<1x16xf32>,
        %scan3A_306 = arith.constant 0 : i32
        scf.yield %scan3A_306 : i32
      }
      %scan3A_28 = arith.constant 64 : i32
      %mul3A_29 = arith.constant 8 : i32
      %mul3A_30 = arith.muli %scan3A_10, %mul3A_29 : i32
      %add3A_31 = arith.constant 1 : i32
      %add3A_32 = arith.addi %mul3A_30, %add3A_31 : i32
      %mul3A_33 = arith.constant 16 : i32
      %mul3A_34 = arith.muli %add3A_32, %mul3A_33 : i32
      %get3A_35 = arith.index_cast %mul3A_34 : i32 to index
      %get3A_36 = tpu.vector_load %arg6[%get3A_35] {strides = array<i32>} : memref<1024xf32, #tpu.memory_space<vmem>>, vector<16xf32>,
      %get3A_37 = vector.shape_cast %get3A_36 : vector<16xf32> to vector<16xf32>
      %scan3A_38 = arith.constant 0 : i32
      %scan3A_39 = arith.constant 0 : i32
      %scan3A_40 = arith.constant 64 : i32
      %scan3A_41 = arith.addi %scan3A_39, %scan3A_40 : i32
      %scan3A_42 = arith.constant 1 : i32
      %scan3A_43 = scf.for %scan3A_141 = %scan3A_39 to %scan3A_41 step %scan3A_42 iter_args(%scan3A_142 = %scan3A_38) -> (i32)  : i32 {
        %mul3A_143 = arith.constant 8 : i32
        %mul3A_144 = arith.muli %scan3A_141, %mul3A_143 : i32
        %add3A_145 = arith.constant 0 : i32
        %add3A_146 = arith.addi %mul3A_144, %add3A_145 : i32
        %mul3A_147 = arith.constant 16 : i32
        %mul3A_148 = arith.muli %add3A_146, %mul3A_147 : i32
        %get3A_149 = arith.constant 1 : i32
        %get3A_150 = arith.index_cast %get3A_149 : i32 to index
        %get3A_151 = arith.index_cast %mul3A_148 : i32 to index
        %get3A_152 = tpu.vector_load %arg5[%get3A_150, %get3A_151] {strides = array<i32>} : memref<8x8192xf32, #tpu.memory_space<vmem>>, vector<1x16xf32>,
        %get3A_153 = vector.shape_cast %get3A_152 : vector<1x16xf32> to vector<16xf32>
        %ge3A = arith.cmpf oge, %get3A_153, %get3A_37 : vector<16xf32>
        %jit3A = arith.constant 0.000000e+00 : f32
        %broadcast_in_dim3A = vector.broadcast %jit3A : f32 to vector<16xf32>
        %select_n3A = arith.select %ge3A, %get3A_153, %broadcast_in_dim3A : vector<16xi1>, vector<16xf32>
        %swap3A = arith.constant 1 : i32
        %swap3A_154 = arith.index_cast %swap3A : i32 to index
        %swap3A_155 = arith.index_cast %mul3A_148 : i32 to index
        %swap3A_156 = tpu.vector_load %arg5[%swap3A_154, %swap3A_155] {strides = array<i32>} : memref<8x8192xf32, #tpu.memory_space<vmem>>, vector<1x16xf32>,
        %swap3A_157 = vector.shape_cast %swap3A_156 : vector<1x16xf32> to vector<16xf32>
        %swap3A_158 = vector.shape_cast %select_n3A : vector<16xf32> to vector<1x16xf32>
        tpu.vector_store %arg5[%swap3A_154, %swap3A_155], %swap3A_158 {strides = array<i32>} : memref<8x8192xf32, #tpu.memory_space<vmem>>, vector<1x16xf32>,
        %mul3A_159 = arith.constant 8 : i32
        %mul3A_160 = arith.muli %scan3A_141, %mul3A_159 : i32
        %add3A_161 = arith.constant 1 : i32
        %add3A_162 = arith.addi %mul3A_160, %add3A_161 : i32
        %mul3A_163 = arith.constant 16 : i32
        %mul3A_164 = arith.muli %add3A_162, %mul3A_163 : i32
        %get3A_165 = arith.constant 1 : i32
        %get3A_166 = arith.index_cast %get3A_165 : i32 to index
        %get3A_167 = arith.index_cast %mul3A_164 : i32 to index
        %get3A_168 = tpu.vector_load %arg5[%get3A_166, %get3A_167] {strides = array<i32>} : memref<8x8192xf32, #tpu.memory_space<vmem>>, vector<1x16xf32>,
        %get3A_169 = vector.shape_cast %get3A_168 : vector<1x16xf32> to vector<16xf32>
        %ge3A_170 = arith.cmpf oge, %get3A_169, %get3A_37 : vector<16xf32>
        %jit3A_171 = arith.constant 0.000000e+00 : f32
        %broadcast_in_dim3A_172 = vector.broadcast %jit3A_171 : f32 to vector<16xf32>
        %select_n3A_173 = arith.select %ge3A_170, %get3A_169, %broadcast_in_dim3A_172 : vector<16xi1>, vector<16xf32>
        %swap3A_174 = arith.constant 1 : i32
        %swap3A_175 = arith.index_cast %swap3A_174 : i32 to index
        %swap3A_176 = arith.index_cast %mul3A_164 : i32 to index
        %swap3A_177 = tpu.vector_load %arg5[%swap3A_175, %swap3A_176] {strides = array<i32>} : memref<8x8192xf32, #tpu.memory_space<vmem>>, vector<1x16xf32>,
        %swap3A_178 = vector.shape_cast %swap3A_177 : vector<1x16xf32> to vector<16xf32>
        %swap3A_179 = vector.shape_cast %select_n3A_173 : vector<16xf32> to vector<1x16xf32>
        tpu.vector_store %arg5[%swap3A_175, %swap3A_176], %swap3A_179 {strides = array<i32>} : memref<8x8192xf32, #tpu.memory_space<vmem>>, vector<1x16xf32>,
        %mul3A_180 = arith.constant 8 : i32
        %mul3A_181 = arith.muli %scan3A_141, %mul3A_180 : i32
        %add3A_182 = arith.constant 2 : i32
        %add3A_183 = arith.addi %mul3A_181, %add3A_182 : i32
        %mul3A_184 = arith.constant 16 : i32
        %mul3A_185 = arith.muli %add3A_183, %mul3A_184 : i32
        %get3A_186 = arith.constant 1 : i32
        %get3A_187 = arith.index_cast %get3A_186 : i32 to index
        %get3A_188 = arith.index_cast %mul3A_185 : i32 to index
        %get3A_189 = tpu.vector_load %arg5[%get3A_187, %get3A_188] {strides = array<i32>} : memref<8x8192xf32, #tpu.memory_space<vmem>>, vector<1x16xf32>,
        %get3A_190 = vector.shape_cast %get3A_189 : vector<1x16xf32> to vector<16xf32>
        %ge3A_191 = arith.cmpf oge, %get3A_190, %get3A_37 : vector<16xf32>
        %jit3A_192 = arith.constant 0.000000e+00 : f32
        %broadcast_in_dim3A_193 = vector.broadcast %jit3A_192 : f32 to vector<16xf32>
        %select_n3A_194 = arith.select %ge3A_191, %get3A_190, %broadcast_in_dim3A_193 : vector<16xi1>, vector<16xf32>
        %swap3A_195 = arith.constant 1 : i32
        %swap3A_196 = arith.index_cast %swap3A_195 : i32 to index
        %swap3A_197 = arith.index_cast %mul3A_185 : i32 to index
        %swap3A_198 = tpu.vector_load %arg5[%swap3A_196, %swap3A_197] {strides = array<i32>} : memref<8x8192xf32, #tpu.memory_space<vmem>>, vector<1x16xf32>,
        %swap3A_199 = vector.shape_cast %swap3A_198 : vector<1x16xf32> to vector<16xf32>
        %swap3A_200 = vector.shape_cast %select_n3A_194 : vector<16xf32> to vector<1x16xf32>
        tpu.vector_store %arg5[%swap3A_196, %swap3A_197], %swap3A_200 {strides = array<i32>} : memref<8x8192xf32, #tpu.memory_space<vmem>>, vector<1x16xf32>,
        %mul3A_201 = arith.constant 8 : i32
        %mul3A_202 = arith.muli %scan3A_141, %mul3A_201 : i32
        %add3A_203 = arith.constant 3 : i32
        %add3A_204 = arith.addi %mul3A_202, %add3A_203 : i32
        %mul3A_205 = arith.constant 16 : i32
        %mul3A_206 = arith.muli %add3A_204, %mul3A_205 : i32
        %get3A_207 = arith.constant 1 : i32
        %get3A_208 = arith.index_cast %get3A_207 : i32 to index
        %get3A_209 = arith.index_cast %mul3A_206 : i32 to index
        %get3A_210 = tpu.vector_load %arg5[%get3A_208, %get3A_209] {strides = array<i32>} : memref<8x8192xf32, #tpu.memory_space<vmem>>, vector<1x16xf32>,
        %get3A_211 = vector.shape_cast %get3A_210 : vector<1x16xf32> to vector<16xf32>
        %ge3A_212 = arith.cmpf oge, %get3A_211, %get3A_37 : vector<16xf32>
        %jit3A_213 = arith.constant 0.000000e+00 : f32
        %broadcast_in_dim3A_214 = vector.broadcast %jit3A_213 : f32 to vector<16xf32>
        %select_n3A_215 = arith.select %ge3A_212, %get3A_211, %broadcast_in_dim3A_214 : vector<16xi1>, vector<16xf32>
        %swap3A_216 = arith.constant 1 : i32
        %swap3A_217 = arith.index_cast %swap3A_216 : i32 to index
        %swap3A_218 = arith.index_cast %mul3A_206 : i32 to index
        %swap3A_219 = tpu.vector_load %arg5[%swap3A_217, %swap3A_218] {strides = array<i32>} : memref<8x8192xf32, #tpu.memory_space<vmem>>, vector<1x16xf32>,
        %swap3A_220 = vector.shape_cast %swap3A_219 : vector<1x16xf32> to vector<16xf32>
        %swap3A_221 = vector.shape_cast %select_n3A_215 : vector<16xf32> to vector<1x16xf32>
        tpu.vector_store %arg5[%swap3A_217, %swap3A_218], %swap3A_221 {strides = array<i32>} : memref<8x8192xf32, #tpu.memory_space<vmem>>, vector<1x16xf32>,
        %mul3A_222 = arith.constant 8 : i32
        %mul3A_223 = arith.muli %scan3A_141, %mul3A_222 : i32
        %add3A_224 = arith.constant 4 : i32
        %add3A_225 = arith.addi %mul3A_223, %add3A_224 : i32
        %mul3A_226 = arith.constant 16 : i32
        %mul3A_227 = arith.muli %add3A_225, %mul3A_226 : i32
        %get3A_228 = arith.constant 1 : i32
        %get3A_229 = arith.index_cast %get3A_228 : i32 to index
        %get3A_230 = arith.index_cast %mul3A_227 : i32 to index
        %get3A_231 = tpu.vector_load %arg5[%get3A_229, %get3A_230] {strides = array<i32>} : memref<8x8192xf32, #tpu.memory_space<vmem>>, vector<1x16xf32>,
        %get3A_232 = vector.shape_cast %get3A_231 : vector<1x16xf32> to vector<16xf32>
        %ge3A_233 = arith.cmpf oge, %get3A_232, %get3A_37 : vector<16xf32>
        %jit3A_234 = arith.constant 0.000000e+00 : f32
        %broadcast_in_dim3A_235 = vector.broadcast %jit3A_234 : f32 to vector<16xf32>
        %select_n3A_236 = arith.select %ge3A_233, %get3A_232, %broadcast_in_dim3A_235 : vector<16xi1>, vector<16xf32>
        %swap3A_237 = arith.constant 1 : i32
        %swap3A_238 = arith.index_cast %swap3A_237 : i32 to index
        %swap3A_239 = arith.index_cast %mul3A_227 : i32 to index
        %swap3A_240 = tpu.vector_load %arg5[%swap3A_238, %swap3A_239] {strides = array<i32>} : memref<8x8192xf32, #tpu.memory_space<vmem>>, vector<1x16xf32>,
        %swap3A_241 = vector.shape_cast %swap3A_240 : vector<1x16xf32> to vector<16xf32>
        %swap3A_242 = vector.shape_cast %select_n3A_236 : vector<16xf32> to vector<1x16xf32>
        tpu.vector_store %arg5[%swap3A_238, %swap3A_239], %swap3A_242 {strides = array<i32>} : memref<8x8192xf32, #tpu.memory_space<vmem>>, vector<1x16xf32>,
        %mul3A_243 = arith.constant 8 : i32
        %mul3A_244 = arith.muli %scan3A_141, %mul3A_243 : i32
        %add3A_245 = arith.constant 5 : i32
        %add3A_246 = arith.addi %mul3A_244, %add3A_245 : i32
        %mul3A_247 = arith.constant 16 : i32
        %mul3A_248 = arith.muli %add3A_246, %mul3A_247 : i32
        %get3A_249 = arith.constant 1 : i32
        %get3A_250 = arith.index_cast %get3A_249 : i32 to index
        %get3A_251 = arith.index_cast %mul3A_248 : i32 to index
        %get3A_252 = tpu.vector_load %arg5[%get3A_250, %get3A_251] {strides = array<i32>} : memref<8x8192xf32, #tpu.memory_space<vmem>>, vector<1x16xf32>,
        %get3A_253 = vector.shape_cast %get3A_252 : vector<1x16xf32> to vector<16xf32>
        %ge3A_254 = arith.cmpf oge, %get3A_253, %get3A_37 : vector<16xf32>
        %jit3A_255 = arith.constant 0.000000e+00 : f32
        %broadcast_in_dim3A_256 = vector.broadcast %jit3A_255 : f32 to vector<16xf32>
        %select_n3A_257 = arith.select %ge3A_254, %get3A_253, %broadcast_in_dim3A_256 : vector<16xi1>, vector<16xf32>
        %swap3A_258 = arith.constant 1 : i32
        %swap3A_259 = arith.index_cast %swap3A_258 : i32 to index
        %swap3A_260 = arith.index_cast %mul3A_248 : i32 to index
        %swap3A_261 = tpu.vector_load %arg5[%swap3A_259, %swap3A_260] {strides = array<i32>} : memref<8x8192xf32, #tpu.memory_space<vmem>>, vector<1x16xf32>,
        %swap3A_262 = vector.shape_cast %swap3A_261 : vector<1x16xf32> to vector<16xf32>
        %swap3A_263 = vector.shape_cast %select_n3A_257 : vector<16xf32> to vector<1x16xf32>
        tpu.vector_store %arg5[%swap3A_259, %swap3A_260], %swap3A_263 {strides = array<i32>} : memref<8x8192xf32, #tpu.memory_space<vmem>>, vector<1x16xf32>,
        %mul3A_264 = arith.constant 8 : i32
        %mul3A_265 = arith.muli %scan3A_141, %mul3A_264 : i32
        %add3A_266 = arith.constant 6 : i32
        %add3A_267 = arith.addi %mul3A_265, %add3A_266 : i32
        %mul3A_268 = arith.constant 16 : i32
        %mul3A_269 = arith.muli %add3A_267, %mul3A_268 : i32
        %get3A_270 = arith.constant 1 : i32
        %get3A_271 = arith.index_cast %get3A_270 : i32 to index
        %get3A_272 = arith.index_cast %mul3A_269 : i32 to index
        %get3A_273 = tpu.vector_load %arg5[%get3A_271, %get3A_272] {strides = array<i32>} : memref<8x8192xf32, #tpu.memory_space<vmem>>, vector<1x16xf32>,
        %get3A_274 = vector.shape_cast %get3A_273 : vector<1x16xf32> to vector<16xf32>
        %ge3A_275 = arith.cmpf oge, %get3A_274, %get3A_37 : vector<16xf32>
        %jit3A_276 = arith.constant 0.000000e+00 : f32
        %broadcast_in_dim3A_277 = vector.broadcast %jit3A_276 : f32 to vector<16xf32>
        %select_n3A_278 = arith.select %ge3A_275, %get3A_274, %broadcast_in_dim3A_277 : vector<16xi1>, vector<16xf32>
        %swap3A_279 = arith.constant 1 : i32
        %swap3A_280 = arith.index_cast %swap3A_279 : i32 to index
        %swap3A_281 = arith.index_cast %mul3A_269 : i32 to index
        %swap3A_282 = tpu.vector_load %arg5[%swap3A_280, %swap3A_281] {strides = array<i32>} : memref<8x8192xf32, #tpu.memory_space<vmem>>, vector<1x16xf32>,
        %swap3A_283 = vector.shape_cast %swap3A_282 : vector<1x16xf32> to vector<16xf32>
        %swap3A_284 = vector.shape_cast %select_n3A_278 : vector<16xf32> to vector<1x16xf32>
        tpu.vector_store %arg5[%swap3A_280, %swap3A_281], %swap3A_284 {strides = array<i32>} : memref<8x8192xf32, #tpu.memory_space<vmem>>, vector<1x16xf32>,
        %mul3A_285 = arith.constant 8 : i32
        %mul3A_286 = arith.muli %scan3A_141, %mul3A_285 : i32
        %add3A_287 = arith.constant 7 : i32
        %add3A_288 = arith.addi %mul3A_286, %add3A_287 : i32
        %mul3A_289 = arith.constant 16 : i32
        %mul3A_290 = arith.muli %add3A_288, %mul3A_289 : i32
        %get3A_291 = arith.constant 1 : i32
        %get3A_292 = arith.index_cast %get3A_291 : i32 to index
        %get3A_293 = arith.index_cast %mul3A_290 : i32 to index
        %get3A_294 = tpu.vector_load %arg5[%get3A_292, %get3A_293] {strides = array<i32>} : memref<8x8192xf32, #tpu.memory_space<vmem>>, vector<1x16xf32>,
        %get3A_295 = vector.shape_cast %get3A_294 : vector<1x16xf32> to vector<16xf32>
        %ge3A_296 = arith.cmpf oge, %get3A_295, %get3A_37 : vector<16xf32>
        %jit3A_297 = arith.constant 0.000000e+00 : f32
        %broadcast_in_dim3A_298 = vector.broadcast %jit3A_297 : f32 to vector<16xf32>
        %select_n3A_299 = arith.select %ge3A_296, %get3A_295, %broadcast_in_dim3A_298 : vector<16xi1>, vector<16xf32>
        %swap3A_300 = arith.constant 1 : i32
        %swap3A_301 = arith.index_cast %swap3A_300 : i32 to index
        %swap3A_302 = arith.index_cast %mul3A_290 : i32 to index
        %swap3A_303 = tpu.vector_load %arg5[%swap3A_301, %swap3A_302] {strides = array<i32>} : memref<8x8192xf32, #tpu.memory_space<vmem>>, vector<1x16xf32>,
        %swap3A_304 = vector.shape_cast %swap3A_303 : vector<1x16xf32> to vector<16xf32>
        %swap3A_305 = vector.shape_cast %select_n3A_299 : vector<16xf32> to vector<1x16xf32>
        tpu.vector_store %arg5[%swap3A_301, %swap3A_302], %swap3A_305 {strides = array<i32>} : memref<8x8192xf32, #tpu.memory_space<vmem>>, vector<1x16xf32>,
        %scan3A_306 = arith.constant 0 : i32
        scf.yield %scan3A_306 : i32
      }
      %scan3A_44 = arith.constant 64 : i32
      %mul3A_45 = arith.constant 8 : i32
      %mul3A_46 = arith.muli %scan3A_10, %mul3A_45 : i32
      %add3A_47 = arith.constant 2 : i32
      %add3A_48 = arith.addi %mul3A_46, %add3A_47 : i32
      %mul3A_49 = arith.constant 16 : i32
      %mul3A_50 = arith.muli %add3A_48, %mul3A_49 : i32
      %get3A_51 = arith.index_cast %mul3A_50 : i32 to index
      %get3A_52 = tpu.vector_load %arg6[%get3A_51] {strides = array<i32>} : memref<1024xf32, #tpu.memory_space<vmem>>, vector<16xf32>,
      %get3A_53 = vector.shape_cast %get3A_52 : vector<16xf32> to vector<16xf32>
      %scan3A_54 = arith.constant 0 : i32
      %scan3A_55 = arith.constant 0 : i32
      %scan3A_56 = arith.constant 64 : i32
      %scan3A_57 = arith.addi %scan3A_55, %scan3A_56 : i32
      %scan3A_58 = arith.constant 1 : i32
      %scan3A_59 = scf.for %scan3A_141 = %scan3A_55 to %scan3A_57 step %scan3A_58 iter_args(%scan3A_142 = %scan3A_54) -> (i32)  : i32 {
        %mul3A_143 = arith.constant 8 : i32
        %mul3A_144 = arith.muli %scan3A_141, %mul3A_143 : i32
        %add3A_145 = arith.constant 0 : i32
        %add3A_146 = arith.addi %mul3A_144, %add3A_145 : i32
        %mul3A_147 = arith.constant 16 : i32
        %mul3A_148 = arith.muli %add3A_146, %mul3A_147 : i32
        %get3A_149 = arith.constant 2 : i32
        %get3A_150 = arith.index_cast %get3A_149 : i32 to index
        %get3A_151 = arith.index_cast %mul3A_148 : i32 to index
        %get3A_152 = tpu.vector_load %arg5[%get3A_150, %get3A_151] {strides = array<i32>} : memref<8x8192xf32, #tpu.memory_space<vmem>>, vector<1x16xf32>,
        %get3A_153 = vector.shape_cast %get3A_152 : vector<1x16xf32> to vector<16xf32>
        %ge3A = arith.cmpf oge, %get3A_153, %get3A_53 : vector<16xf32>
        %jit3A = arith.constant 0.000000e+00 : f32
        %broadcast_in_dim3A = vector.broadcast %jit3A : f32 to vector<16xf32>
        %select_n3A = arith.select %ge3A, %get3A_153, %broadcast_in_dim3A : vector<16xi1>, vector<16xf32>
        %swap3A = arith.constant 2 : i32
        %swap3A_154 = arith.index_cast %swap3A : i32 to index
        %swap3A_155 = arith.index_cast %mul3A_148 : i32 to index
        %swap3A_156 = tpu.vector_load %arg5[%swap3A_154, %swap3A_155] {strides = array<i32>} : memref<8x8192xf32, #tpu.memory_space<vmem>>, vector<1x16xf32>,
        %swap3A_157 = vector.shape_cast %swap3A_156 : vector<1x16xf32> to vector<16xf32>
        %swap3A_158 = vector.shape_cast %select_n3A : vector<16xf32> to vector<1x16xf32>
        tpu.vector_store %arg5[%swap3A_154, %swap3A_155], %swap3A_158 {strides = array<i32>} : memref<8x8192xf32, #tpu.memory_space<vmem>>, vector<1x16xf32>,
        %mul3A_159 = arith.constant 8 : i32
        %mul3A_160 = arith.muli %scan3A_141, %mul3A_159 : i32
        %add3A_161 = arith.constant 1 : i32
        %add3A_162 = arith.addi %mul3A_160, %add3A_161 : i32
        %mul3A_163 = arith.constant 16 : i32
        %mul3A_164 = arith.muli %add3A_162, %mul3A_163 : i32
        %get3A_165 = arith.constant 2 : i32
        %get3A_166 = arith.index_cast %get3A_165 : i32 to index
        %get3A_167 = arith.index_cast %mul3A_164 : i32 to index
        %get3A_168 = tpu.vector_load %arg5[%get3A_166, %get3A_167] {strides = array<i32>} : memref<8x8192xf32, #tpu.memory_space<vmem>>, vector<1x16xf32>,
        %get3A_169 = vector.shape_cast %get3A_168 : vector<1x16xf32> to vector<16xf32>
        %ge3A_170 = arith.cmpf oge, %get3A_169, %get3A_53 : vector<16xf32>
        %jit3A_171 = arith.constant 0.000000e+00 : f32
        %broadcast_in_dim3A_172 = vector.broadcast %jit3A_171 : f32 to vector<16xf32>
        %select_n3A_173 = arith.select %ge3A_170, %get3A_169, %broadcast_in_dim3A_172 : vector<16xi1>, vector<16xf32>
        %swap3A_174 = arith.constant 2 : i32
        %swap3A_175 = arith.index_cast %swap3A_174 : i32 to index
        %swap3A_176 = arith.index_cast %mul3A_164 : i32 to index
        %swap3A_177 = tpu.vector_load %arg5[%swap3A_175, %swap3A_176] {strides = array<i32>} : memref<8x8192xf32, #tpu.memory_space<vmem>>, vector<1x16xf32>,
        %swap3A_178 = vector.shape_cast %swap3A_177 : vector<1x16xf32> to vector<16xf32>
        %swap3A_179 = vector.shape_cast %select_n3A_173 : vector<16xf32> to vector<1x16xf32>
        tpu.vector_store %arg5[%swap3A_175, %swap3A_176], %swap3A_179 {strides = array<i32>} : memref<8x8192xf32, #tpu.memory_space<vmem>>, vector<1x16xf32>,
        %mul3A_180 = arith.constant 8 : i32
        %mul3A_181 = arith.muli %scan3A_141, %mul3A_180 : i32
        %add3A_182 = arith.constant 2 : i32
        %add3A_183 = arith.addi %mul3A_181, %add3A_182 : i32
        %mul3A_184 = arith.constant 16 : i32
        %mul3A_185 = arith.muli %add3A_183, %mul3A_184 : i32
        %get3A_186 = arith.constant 2 : i32
        %get3A_187 = arith.index_cast %get3A_186 : i32 to index
        %get3A_188 = arith.index_cast %mul3A_185 : i32 to index
        %get3A_189 = tpu.vector_load %arg5[%get3A_187, %get3A_188] {strides = array<i32>} : memref<8x8192xf32, #tpu.memory_space<vmem>>, vector<1x16xf32>,
        %get3A_190 = vector.shape_cast %get3A_189 : vector<1x16xf32> to vector<16xf32>
        %ge3A_191 = arith.cmpf oge, %get3A_190, %get3A_53 : vector<16xf32>
        %jit3A_192 = arith.constant 0.000000e+00 : f32
        %broadcast_in_dim3A_193 = vector.broadcast %jit3A_192 : f32 to vector<16xf32>
        %select_n3A_194 = arith.select %ge3A_191, %get3A_190, %broadcast_in_dim3A_193 : vector<16xi1>, vector<16xf32>
        %swap3A_195 = arith.constant 2 : i32
        %swap3A_196 = arith.index_cast %swap3A_195 : i32 to index
        %swap3A_197 = arith.index_cast %mul3A_185 : i32 to index
        %swap3A_198 = tpu.vector_load %arg5[%swap3A_196, %swap3A_197] {strides = array<i32>} : memref<8x8192xf32, #tpu.memory_space<vmem>>, vector<1x16xf32>,
        %swap3A_199 = vector.shape_cast %swap3A_198 : vector<1x16xf32> to vector<16xf32>
        %swap3A_200 = vector.shape_cast %select_n3A_194 : vector<16xf32> to vector<1x16xf32>
        tpu.vector_store %arg5[%swap3A_196, %swap3A_197], %swap3A_200 {strides = array<i32>} : memref<8x8192xf32, #tpu.memory_space<vmem>>, vector<1x16xf32>,
        %mul3A_201 = arith.constant 8 : i32
        %mul3A_202 = arith.muli %scan3A_141, %mul3A_201 : i32
        %add3A_203 = arith.constant 3 : i32
        %add3A_204 = arith.addi %mul3A_202, %add3A_203 : i32
        %mul3A_205 = arith.constant 16 : i32
        %mul3A_206 = arith.muli %add3A_204, %mul3A_205 : i32
        %get3A_207 = arith.constant 2 : i32
        %get3A_208 = arith.index_cast %get3A_207 : i32 to index
        %get3A_209 = arith.index_cast %mul3A_206 : i32 to index
        %get3A_210 = tpu.vector_load %arg5[%get3A_208, %get3A_209] {strides = array<i32>} : memref<8x8192xf32, #tpu.memory_space<vmem>>, vector<1x16xf32>,
        %get3A_211 = vector.shape_cast %get3A_210 : vector<1x16xf32> to vector<16xf32>
        %ge3A_212 = arith.cmpf oge, %get3A_211, %get3A_53 : vector<16xf32>
        %jit3A_213 = arith.constant 0.000000e+00 : f32
        %broadcast_in_dim3A_214 = vector.broadcast %jit3A_213 : f32 to vector<16xf32>
        %select_n3A_215 = arith.select %ge3A_212, %get3A_211, %broadcast_in_dim3A_214 : vector<16xi1>, vector<16xf32>
        %swap3A_216 = arith.constant 2 : i32
        %swap3A_217 = arith.index_cast %swap3A_216 : i32 to index
        %swap3A_218 = arith.index_cast %mul3A_206 : i32 to index
        %swap3A_219 = tpu.vector_load %arg5[%swap3A_217, %swap3A_218] {strides = array<i32>} : memref<8x8192xf32, #tpu.memory_space<vmem>>, vector<1x16xf32>,
        %swap3A_220 = vector.shape_cast %swap3A_219 : vector<1x16xf32> to vector<16xf32>
        %swap3A_221 = vector.shape_cast %select_n3A_215 : vector<16xf32> to vector<1x16xf32>
        tpu.vector_store %arg5[%swap3A_217, %swap3A_218], %swap3A_221 {strides = array<i32>} : memref<8x8192xf32, #tpu.memory_space<vmem>>, vector<1x16xf32>,
        %mul3A_222 = arith.constant 8 : i32
        %mul3A_223 = arith.muli %scan3A_141, %mul3A_222 : i32
        %add3A_224 = arith.constant 4 : i32
        %add3A_225 = arith.addi %mul3A_223, %add3A_224 : i32
        %mul3A_226 = arith.constant 16 : i32
        %mul3A_227 = arith.muli %add3A_225, %mul3A_226 : i32
        %get3A_228 = arith.constant 2 : i32
        %get3A_229 = arith.index_cast %get3A_228 : i32 to index
        %get3A_230 = arith.index_cast %mul3A_227 : i32 to index
        %get3A_231 = tpu.vector_load %arg5[%get3A_229, %get3A_230] {strides = array<i32>} : memref<8x8192xf32, #tpu.memory_space<vmem>>, vector<1x16xf32>,
        %get3A_232 = vector.shape_cast %get3A_231 : vector<1x16xf32> to vector<16xf32>
        %ge3A_233 = arith.cmpf oge, %get3A_232, %get3A_53 : vector<16xf32>
        %jit3A_234 = arith.constant 0.000000e+00 : f32
        %broadcast_in_dim3A_235 = vector.broadcast %jit3A_234 : f32 to vector<16xf32>
        %select_n3A_236 = arith.select %ge3A_233, %get3A_232, %broadcast_in_dim3A_235 : vector<16xi1>, vector<16xf32>
        %swap3A_237 = arith.constant 2 : i32
        %swap3A_238 = arith.index_cast %swap3A_237 : i32 to index
        %swap3A_239 = arith.index_cast %mul3A_227 : i32 to index
        %swap3A_240 = tpu.vector_load %arg5[%swap3A_238, %swap3A_239] {strides = array<i32>} : memref<8x8192xf32, #tpu.memory_space<vmem>>, vector<1x16xf32>,
        %swap3A_241 = vector.shape_cast %swap3A_240 : vector<1x16xf32> to vector<16xf32>
        %swap3A_242 = vector.shape_cast %select_n3A_236 : vector<16xf32> to vector<1x16xf32>
        tpu.vector_store %arg5[%swap3A_238, %swap3A_239], %swap3A_242 {strides = array<i32>} : memref<8x8192xf32, #tpu.memory_space<vmem>>, vector<1x16xf32>,
        %mul3A_243 = arith.constant 8 : i32
        %mul3A_244 = arith.muli %scan3A_141, %mul3A_243 : i32
        %add3A_245 = arith.constant 5 : i32
        %add3A_246 = arith.addi %mul3A_244, %add3A_245 : i32
        %mul3A_247 = arith.constant 16 : i32
        %mul3A_248 = arith.muli %add3A_246, %mul3A_247 : i32
        %get3A_249 = arith.constant 2 : i32
        %get3A_250 = arith.index_cast %get3A_249 : i32 to index
        %get3A_251 = arith.index_cast %mul3A_248 : i32 to index
        %get3A_252 = tpu.vector_load %arg5[%get3A_250, %get3A_251] {strides = array<i32>} : memref<8x8192xf32, #tpu.memory_space<vmem>>, vector<1x16xf32>,
        %get3A_253 = vector.shape_cast %get3A_252 : vector<1x16xf32> to vector<16xf32>
        %ge3A_254 = arith.cmpf oge, %get3A_253, %get3A_53 : vector<16xf32>
        %jit3A_255 = arith.constant 0.000000e+00 : f32
        %broadcast_in_dim3A_256 = vector.broadcast %jit3A_255 : f32 to vector<16xf32>
        %select_n3A_257 = arith.select %ge3A_254, %get3A_253, %broadcast_in_dim3A_256 : vector<16xi1>, vector<16xf32>
        %swap3A_258 = arith.constant 2 : i32
        %swap3A_259 = arith.index_cast %swap3A_258 : i32 to index
        %swap3A_260 = arith.index_cast %mul3A_248 : i32 to index
        %swap3A_261 = tpu.vector_load %arg5[%swap3A_259, %swap3A_260] {strides = array<i32>} : memref<8x8192xf32, #tpu.memory_space<vmem>>, vector<1x16xf32>,
        %swap3A_262 = vector.shape_cast %swap3A_261 : vector<1x16xf32> to vector<16xf32>
        %swap3A_263 = vector.shape_cast %select_n3A_257 : vector<16xf32> to vector<1x16xf32>
        tpu.vector_store %arg5[%swap3A_259, %swap3A_260], %swap3A_263 {strides = array<i32>} : memref<8x8192xf32, #tpu.memory_space<vmem>>, vector<1x16xf32>,
        %mul3A_264 = arith.constant 8 : i32
        %mul3A_265 = arith.muli %scan3A_141, %mul3A_264 : i32
        %add3A_266 = arith.constant 6 : i32
        %add3A_267 = arith.addi %mul3A_265, %add3A_266 : i32
        %mul3A_268 = arith.constant 16 : i32
        %mul3A_269 = arith.muli %add3A_267, %mul3A_268 : i32
        %get3A_270 = arith.constant 2 : i32
        %get3A_271 = arith.index_cast %get3A_270 : i32 to index
        %get3A_272 = arith.index_cast %mul3A_269 : i32 to index
        %get3A_273 = tpu.vector_load %arg5[%get3A_271, %get3A_272] {strides = array<i32>} : memref<8x8192xf32, #tpu.memory_space<vmem>>, vector<1x16xf32>,
        %get3A_274 = vector.shape_cast %get3A_273 : vector<1x16xf32> to vector<16xf32>
        %ge3A_275 = arith.cmpf oge, %get3A_274, %get3A_53 : vector<16xf32>
        %jit3A_276 = arith.constant 0.000000e+00 : f32
        %broadcast_in_dim3A_277 = vector.broadcast %jit3A_276 : f32 to vector<16xf32>
        %select_n3A_278 = arith.select %ge3A_275, %get3A_274, %broadcast_in_dim3A_277 : vector<16xi1>, vector<16xf32>
        %swap3A_279 = arith.constant 2 : i32
        %swap3A_280 = arith.index_cast %swap3A_279 : i32 to index
        %swap3A_281 = arith.index_cast %mul3A_269 : i32 to index
        %swap3A_282 = tpu.vector_load %arg5[%swap3A_280, %swap3A_281] {strides = array<i32>} : memref<8x8192xf32, #tpu.memory_space<vmem>>, vector<1x16xf32>,
        %swap3A_283 = vector.shape_cast %swap3A_282 : vector<1x16xf32> to vector<16xf32>
        %swap3A_284 = vector.shape_cast %select_n3A_278 : vector<16xf32> to vector<1x16xf32>
        tpu.vector_store %arg5[%swap3A_280, %swap3A_281], %swap3A_284 {strides = array<i32>} : memref<8x8192xf32, #tpu.memory_space<vmem>>, vector<1x16xf32>,
        %mul3A_285 = arith.constant 8 : i32
        %mul3A_286 = arith.muli %scan3A_141, %mul3A_285 : i32
        %add3A_287 = arith.constant 7 : i32
        %add3A_288 = arith.addi %mul3A_286, %add3A_287 : i32
        %mul3A_289 = arith.constant 16 : i32
        %mul3A_290 = arith.muli %add3A_288, %mul3A_289 : i32
        %get3A_291 = arith.constant 2 : i32
        %get3A_292 = arith.index_cast %get3A_291 : i32 to index
        %get3A_293 = arith.index_cast %mul3A_290 : i32 to index
        %get3A_294 = tpu.vector_load %arg5[%get3A_292, %get3A_293] {strides = array<i32>} : memref<8x8192xf32, #tpu.memory_space<vmem>>, vector<1x16xf32>,
        %get3A_295 = vector.shape_cast %get3A_294 : vector<1x16xf32> to vector<16xf32>
        %ge3A_296 = arith.cmpf oge, %get3A_295, %get3A_53 : vector<16xf32>
        %jit3A_297 = arith.constant 0.000000e+00 : f32
        %broadcast_in_dim3A_298 = vector.broadcast %jit3A_297 : f32 to vector<16xf32>
        %select_n3A_299 = arith.select %ge3A_296, %get3A_295, %broadcast_in_dim3A_298 : vector<16xi1>, vector<16xf32>
        %swap3A_300 = arith.constant 2 : i32
        %swap3A_301 = arith.index_cast %swap3A_300 : i32 to index
        %swap3A_302 = arith.index_cast %mul3A_290 : i32 to index
        %swap3A_303 = tpu.vector_load %arg5[%swap3A_301, %swap3A_302] {strides = array<i32>} : memref<8x8192xf32, #tpu.memory_space<vmem>>, vector<1x16xf32>,
        %swap3A_304 = vector.shape_cast %swap3A_303 : vector<1x16xf32> to vector<16xf32>
        %swap3A_305 = vector.shape_cast %select_n3A_299 : vector<16xf32> to vector<1x16xf32>
        tpu.vector_store %arg5[%swap3A_301, %swap3A_302], %swap3A_305 {strides = array<i32>} : memref<8x8192xf32, #tpu.memory_space<vmem>>, vector<1x16xf32>,
        %scan3A_306 = arith.constant 0 : i32
        scf.yield %scan3A_306 : i32
      }
      %scan3A_60 = arith.constant 64 : i32
      %mul3A_61 = arith.constant 8 : i32
      %mul3A_62 = arith.muli %scan3A_10, %mul3A_61 : i32
      %add3A_63 = arith.constant 3 : i32
      %add3A_64 = arith.addi %mul3A_62, %add3A_63 : i32
      %mul3A_65 = arith.constant 16 : i32
      %mul3A_66 = arith.muli %add3A_64, %mul3A_65 : i32
      %get3A_67 = arith.index_cast %mul3A_66 : i32 to index
      %get3A_68 = tpu.vector_load %arg6[%get3A_67] {strides = array<i32>} : memref<1024xf32, #tpu.memory_space<vmem>>, vector<16xf32>,
      %get3A_69 = vector.shape_cast %get3A_68 : vector<16xf32> to vector<16xf32>
      %scan3A_70 = arith.constant 0 : i32
      %scan3A_71 = arith.constant 0 : i32
      %scan3A_72 = arith.constant 64 : i32
      %scan3A_73 = arith.addi %scan3A_71, %scan3A_72 : i32
      %scan3A_74 = arith.constant 1 : i32
      %scan3A_75 = scf.for %scan3A_141 = %scan3A_71 to %scan3A_73 step %scan3A_74 iter_args(%scan3A_142 = %scan3A_70) -> (i32)  : i32 {
        %mul3A_143 = arith.constant 8 : i32
        %mul3A_144 = arith.muli %scan3A_141, %mul3A_143 : i32
        %add3A_145 = arith.constant 0 : i32
        %add3A_146 = arith.addi %mul3A_144, %add3A_145 : i32
        %mul3A_147 = arith.constant 16 : i32
        %mul3A_148 = arith.muli %add3A_146, %mul3A_147 : i32
        %get3A_149 = arith.constant 3 : i32
        %get3A_150 = arith.index_cast %get3A_149 : i32 to index
        %get3A_151 = arith.index_cast %mul3A_148 : i32 to index
        %get3A_152 = tpu.vector_load %arg5[%get3A_150, %get3A_151] {strides = array<i32>} : memref<8x8192xf32, #tpu.memory_space<vmem>>, vector<1x16xf32>,
        %get3A_153 = vector.shape_cast %get3A_152 : vector<1x16xf32> to vector<16xf32>
        %ge3A = arith.cmpf oge, %get3A_153, %get3A_69 : vector<16xf32>
        %jit3A = arith.constant 0.000000e+00 : f32
        %broadcast_in_dim3A = vector.broadcast %jit3A : f32 to vector<16xf32>
        %select_n3A = arith.select %ge3A, %get3A_153, %broadcast_in_dim3A : vector<16xi1>, vector<16xf32>
        %swap3A = arith.constant 3 : i32
        %swap3A_154 = arith.index_cast %swap3A : i32 to index
        %swap3A_155 = arith.index_cast %mul3A_148 : i32 to index
        %swap3A_156 = tpu.vector_load %arg5[%swap3A_154, %swap3A_155] {strides = array<i32>} : memref<8x8192xf32, #tpu.memory_space<vmem>>, vector<1x16xf32>,
        %swap3A_157 = vector.shape_cast %swap3A_156 : vector<1x16xf32> to vector<16xf32>
        %swap3A_158 = vector.shape_cast %select_n3A : vector<16xf32> to vector<1x16xf32>
        tpu.vector_store %arg5[%swap3A_154, %swap3A_155], %swap3A_158 {strides = array<i32>} : memref<8x8192xf32, #tpu.memory_space<vmem>>, vector<1x16xf32>,
        %mul3A_159 = arith.constant 8 : i32
        %mul3A_160 = arith.muli %scan3A_141, %mul3A_159 : i32
        %add3A_161 = arith.constant 1 : i32
        %add3A_162 = arith.addi %mul3A_160, %add3A_161 : i32
        %mul3A_163 = arith.constant 16 : i32
        %mul3A_164 = arith.muli %add3A_162, %mul3A_163 : i32
        %get3A_165 = arith.constant 3 : i32
        %get3A_166 = arith.index_cast %get3A_165 : i32 to index
        %get3A_167 = arith.index_cast %mul3A_164 : i32 to index
        %get3A_168 = tpu.vector_load %arg5[%get3A_166, %get3A_167] {strides = array<i32>} : memref<8x8192xf32, #tpu.memory_space<vmem>>, vector<1x16xf32>,
        %get3A_169 = vector.shape_cast %get3A_168 : vector<1x16xf32> to vector<16xf32>
        %ge3A_170 = arith.cmpf oge, %get3A_169, %get3A_69 : vector<16xf32>
        %jit3A_171 = arith.constant 0.000000e+00 : f32
        %broadcast_in_dim3A_172 = vector.broadcast %jit3A_171 : f32 to vector<16xf32>
        %select_n3A_173 = arith.select %ge3A_170, %get3A_169, %broadcast_in_dim3A_172 : vector<16xi1>, vector<16xf32>
        %swap3A_174 = arith.constant 3 : i32
        %swap3A_175 = arith.index_cast %swap3A_174 : i32 to index
        %swap3A_176 = arith.index_cast %mul3A_164 : i32 to index
        %swap3A_177 = tpu.vector_load %arg5[%swap3A_175, %swap3A_176] {strides = array<i32>} : memref<8x8192xf32, #tpu.memory_space<vmem>>, vector<1x16xf32>,
        %swap3A_178 = vector.shape_cast %swap3A_177 : vector<1x16xf32> to vector<16xf32>
        %swap3A_179 = vector.shape_cast %select_n3A_173 : vector<16xf32> to vector<1x16xf32>
        tpu.vector_store %arg5[%swap3A_175, %swap3A_176], %swap3A_179 {strides = array<i32>} : memref<8x8192xf32, #tpu.memory_space<vmem>>, vector<1x16xf32>,
        %mul3A_180 = arith.constant 8 : i32
        %mul3A_181 = arith.muli %scan3A_141, %mul3A_180 : i32
        %add3A_182 = arith.constant 2 : i32
        %add3A_183 = arith.addi %mul3A_181, %add3A_182 : i32
        %mul3A_184 = arith.constant 16 : i32
        %mul3A_185 = arith.muli %add3A_183, %mul3A_184 : i32
        %get3A_186 = arith.constant 3 : i32
        %get3A_187 = arith.index_cast %get3A_186 : i32 to index
        %get3A_188 = arith.index_cast %mul3A_185 : i32 to index
        %get3A_189 = tpu.vector_load %arg5[%get3A_187, %get3A_188] {strides = array<i32>} : memref<8x8192xf32, #tpu.memory_space<vmem>>, vector<1x16xf32>,
        %get3A_190 = vector.shape_cast %get3A_189 : vector<1x16xf32> to vector<16xf32>
        %ge3A_191 = arith.cmpf oge, %get3A_190, %get3A_69 : vector<16xf32>
        %jit3A_192 = arith.constant 0.000000e+00 : f32
        %broadcast_in_dim3A_193 = vector.broadcast %jit3A_192 : f32 to vector<16xf32>
        %select_n3A_194 = arith.select %ge3A_191, %get3A_190, %broadcast_in_dim3A_193 : vector<16xi1>, vector<16xf32>
        %swap3A_195 = arith.constant 3 : i32
        %swap3A_196 = arith.index_cast %swap3A_195 : i32 to index
        %swap3A_197 = arith.index_cast %mul3A_185 : i32 to index
        %swap3A_198 = tpu.vector_load %arg5[%swap3A_196, %swap3A_197] {strides = array<i32>} : memref<8x8192xf32, #tpu.memory_space<vmem>>, vector<1x16xf32>,
        %swap3A_199 = vector.shape_cast %swap3A_198 : vector<1x16xf32> to vector<16xf32>
        %swap3A_200 = vector.shape_cast %select_n3A_194 : vector<16xf32> to vector<1x16xf32>
        tpu.vector_store %arg5[%swap3A_196, %swap3A_197], %swap3A_200 {strides = array<i32>} : memref<8x8192xf32, #tpu.memory_space<vmem>>, vector<1x16xf32>,
        %mul3A_201 = arith.constant 8 : i32
        %mul3A_202 = arith.muli %scan3A_141, %mul3A_201 : i32
        %add3A_203 = arith.constant 3 : i32
        %add3A_204 = arith.addi %mul3A_202, %add3A_203 : i32
        %mul3A_205 = arith.constant 16 : i32
        %mul3A_206 = arith.muli %add3A_204, %mul3A_205 : i32
        %get3A_207 = arith.constant 3 : i32
        %get3A_208 = arith.index_cast %get3A_207 : i32 to index
        %get3A_209 = arith.index_cast %mul3A_206 : i32 to index
        %get3A_210 = tpu.vector_load %arg5[%get3A_208, %get3A_209] {strides = array<i32>} : memref<8x8192xf32, #tpu.memory_space<vmem>>, vector<1x16xf32>,
        %get3A_211 = vector.shape_cast %get3A_210 : vector<1x16xf32> to vector<16xf32>
        %ge3A_212 = arith.cmpf oge, %get3A_211, %get3A_69 : vector<16xf32>
        %jit3A_213 = arith.constant 0.000000e+00 : f32
        %broadcast_in_dim3A_214 = vector.broadcast %jit3A_213 : f32 to vector<16xf32>
        %select_n3A_215 = arith.select %ge3A_212, %get3A_211, %broadcast_in_dim3A_214 : vector<16xi1>, vector<16xf32>
        %swap3A_216 = arith.constant 3 : i32
        %swap3A_217 = arith.index_cast %swap3A_216 : i32 to index
        %swap3A_218 = arith.index_cast %mul3A_206 : i32 to index
        %swap3A_219 = tpu.vector_load %arg5[%swap3A_217, %swap3A_218] {strides = array<i32>} : memref<8x8192xf32, #tpu.memory_space<vmem>>, vector<1x16xf32>,
        %swap3A_220 = vector.shape_cast %swap3A_219 : vector<1x16xf32> to vector<16xf32>
        %swap3A_221 = vector.shape_cast %select_n3A_215 : vector<16xf32> to vector<1x16xf32>
        tpu.vector_store %arg5[%swap3A_217, %swap3A_218], %swap3A_221 {strides = array<i32>} : memref<8x8192xf32, #tpu.memory_space<vmem>>, vector<1x16xf32>,
        %mul3A_222 = arith.constant 8 : i32
        %mul3A_223 = arith.muli %scan3A_141, %mul3A_222 : i32
        %add3A_224 = arith.constant 4 : i32
        %add3A_225 = arith.addi %mul3A_223, %add3A_224 : i32
        %mul3A_226 = arith.constant 16 : i32
        %mul3A_227 = arith.muli %add3A_225, %mul3A_226 : i32
        %get3A_228 = arith.constant 3 : i32
        %get3A_229 = arith.index_cast %get3A_228 : i32 to index
        %get3A_230 = arith.index_cast %mul3A_227 : i32 to index
        %get3A_231 = tpu.vector_load %arg5[%get3A_229, %get3A_230] {strides = array<i32>} : memref<8x8192xf32, #tpu.memory_space<vmem>>, vector<1x16xf32>,
        %get3A_232 = vector.shape_cast %get3A_231 : vector<1x16xf32> to vector<16xf32>
        %ge3A_233 = arith.cmpf oge, %get3A_232, %get3A_69 : vector<16xf32>
        %jit3A_234 = arith.constant 0.000000e+00 : f32
        %broadcast_in_dim3A_235 = vector.broadcast %jit3A_234 : f32 to vector<16xf32>
        %select_n3A_236 = arith.select %ge3A_233, %get3A_232, %broadcast_in_dim3A_235 : vector<16xi1>, vector<16xf32>
        %swap3A_237 = arith.constant 3 : i32
        %swap3A_238 = arith.index_cast %swap3A_237 : i32 to index
        %swap3A_239 = arith.index_cast %mul3A_227 : i32 to index
        %swap3A_240 = tpu.vector_load %arg5[%swap3A_238, %swap3A_239] {strides = array<i32>} : memref<8x8192xf32, #tpu.memory_space<vmem>>, vector<1x16xf32>,
        %swap3A_241 = vector.shape_cast %swap3A_240 : vector<1x16xf32> to vector<16xf32>
        %swap3A_242 = vector.shape_cast %select_n3A_236 : vector<16xf32> to vector<1x16xf32>
        tpu.vector_store %arg5[%swap3A_238, %swap3A_239], %swap3A_242 {strides = array<i32>} : memref<8x8192xf32, #tpu.memory_space<vmem>>, vector<1x16xf32>,
        %mul3A_243 = arith.constant 8 : i32
        %mul3A_244 = arith.muli %scan3A_141, %mul3A_243 : i32
        %add3A_245 = arith.constant 5 : i32
        %add3A_246 = arith.addi %mul3A_244, %add3A_245 : i32
        %mul3A_247 = arith.constant 16 : i32
        %mul3A_248 = arith.muli %add3A_246, %mul3A_247 : i32
        %get3A_249 = arith.constant 3 : i32
        %get3A_250 = arith.index_cast %get3A_249 : i32 to index
        %get3A_251 = arith.index_cast %mul3A_248 : i32 to index
        %get3A_252 = tpu.vector_load %arg5[%get3A_250, %get3A_251] {strides = array<i32>} : memref<8x8192xf32, #tpu.memory_space<vmem>>, vector<1x16xf32>,
        %get3A_253 = vector.shape_cast %get3A_252 : vector<1x16xf32> to vector<16xf32>
        %ge3A_254 = arith.cmpf oge, %get3A_253, %get3A_69 : vector<16xf32>
        %jit3A_255 = arith.constant 0.000000e+00 : f32
        %broadcast_in_dim3A_256 = vector.broadcast %jit3A_255 : f32 to vector<16xf32>
        %select_n3A_257 = arith.select %ge3A_254, %get3A_253, %broadcast_in_dim3A_256 : vector<16xi1>, vector<16xf32>
        %swap3A_258 = arith.constant 3 : i32
        %swap3A_259 = arith.index_cast %swap3A_258 : i32 to index
        %swap3A_260 = arith.index_cast %mul3A_248 : i32 to index
        %swap3A_261 = tpu.vector_load %arg5[%swap3A_259, %swap3A_260] {strides = array<i32>} : memref<8x8192xf32, #tpu.memory_space<vmem>>, vector<1x16xf32>,
        %swap3A_262 = vector.shape_cast %swap3A_261 : vector<1x16xf32> to vector<16xf32>
        %swap3A_263 = vector.shape_cast %select_n3A_257 : vector<16xf32> to vector<1x16xf32>
        tpu.vector_store %arg5[%swap3A_259, %swap3A_260], %swap3A_263 {strides = array<i32>} : memref<8x8192xf32, #tpu.memory_space<vmem>>, vector<1x16xf32>,
        %mul3A_264 = arith.constant 8 : i32
        %mul3A_265 = arith.muli %scan3A_141, %mul3A_264 : i32
        %add3A_266 = arith.constant 6 : i32
        %add3A_267 = arith.addi %mul3A_265, %add3A_266 : i32
        %mul3A_268 = arith.constant 16 : i32
        %mul3A_269 = arith.muli %add3A_267, %mul3A_268 : i32
        %get3A_270 = arith.constant 3 : i32
        %get3A_271 = arith.index_cast %get3A_270 : i32 to index
        %get3A_272 = arith.index_cast %mul3A_269 : i32 to index
        %get3A_273 = tpu.vector_load %arg5[%get3A_271, %get3A_272] {strides = array<i32>} : memref<8x8192xf32, #tpu.memory_space<vmem>>, vector<1x16xf32>,
        %get3A_274 = vector.shape_cast %get3A_273 : vector<1x16xf32> to vector<16xf32>
        %ge3A_275 = arith.cmpf oge, %get3A_274, %get3A_69 : vector<16xf32>
        %jit3A_276 = arith.constant 0.000000e+00 : f32
        %broadcast_in_dim3A_277 = vector.broadcast %jit3A_276 : f32 to vector<16xf32>
        %select_n3A_278 = arith.select %ge3A_275, %get3A_274, %broadcast_in_dim3A_277 : vector<16xi1>, vector<16xf32>
        %swap3A_279 = arith.constant 3 : i32
        %swap3A_280 = arith.index_cast %swap3A_279 : i32 to index
        %swap3A_281 = arith.index_cast %mul3A_269 : i32 to index
        %swap3A_282 = tpu.vector_load %arg5[%swap3A_280, %swap3A_281] {strides = array<i32>} : memref<8x8192xf32, #tpu.memory_space<vmem>>, vector<1x16xf32>,
        %swap3A_283 = vector.shape_cast %swap3A_282 : vector<1x16xf32> to vector<16xf32>
        %swap3A_284 = vector.shape_cast %select_n3A_278 : vector<16xf32> to vector<1x16xf32>
        tpu.vector_store %arg5[%swap3A_280, %swap3A_281], %swap3A_284 {strides = array<i32>} : memref<8x8192xf32, #tpu.memory_space<vmem>>, vector<1x16xf32>,
        %mul3A_285 = arith.constant 8 : i32
        %mul3A_286 = arith.muli %scan3A_141, %mul3A_285 : i32
        %add3A_287 = arith.constant 7 : i32
        %add3A_288 = arith.addi %mul3A_286, %add3A_287 : i32
        %mul3A_289 = arith.constant 16 : i32
        %mul3A_290 = arith.muli %add3A_288, %mul3A_289 : i32
        %get3A_291 = arith.constant 3 : i32
        %get3A_292 = arith.index_cast %get3A_291 : i32 to index
        %get3A_293 = arith.index_cast %mul3A_290 : i32 to index
        %get3A_294 = tpu.vector_load %arg5[%get3A_292, %get3A_293] {strides = array<i32>} : memref<8x8192xf32, #tpu.memory_space<vmem>>, vector<1x16xf32>,
        %get3A_295 = vector.shape_cast %get3A_294 : vector<1x16xf32> to vector<16xf32>
        %ge3A_296 = arith.cmpf oge, %get3A_295, %get3A_69 : vector<16xf32>
        %jit3A_297 = arith.constant 0.000000e+00 : f32
        %broadcast_in_dim3A_298 = vector.broadcast %jit3A_297 : f32 to vector<16xf32>
        %select_n3A_299 = arith.select %ge3A_296, %get3A_295, %broadcast_in_dim3A_298 : vector<16xi1>, vector<16xf32>
        %swap3A_300 = arith.constant 3 : i32
        %swap3A_301 = arith.index_cast %swap3A_300 : i32 to index
        %swap3A_302 = arith.index_cast %mul3A_290 : i32 to index
        %swap3A_303 = tpu.vector_load %arg5[%swap3A_301, %swap3A_302] {strides = array<i32>} : memref<8x8192xf32, #tpu.memory_space<vmem>>, vector<1x16xf32>,
        %swap3A_304 = vector.shape_cast %swap3A_303 : vector<1x16xf32> to vector<16xf32>
        %swap3A_305 = vector.shape_cast %select_n3A_299 : vector<16xf32> to vector<1x16xf32>
        tpu.vector_store %arg5[%swap3A_301, %swap3A_302], %swap3A_305 {strides = array<i32>} : memref<8x8192xf32, #tpu.memory_space<vmem>>, vector<1x16xf32>,
        %scan3A_306 = arith.constant 0 : i32
        scf.yield %scan3A_306 : i32
      }
      %scan3A_76 = arith.constant 64 : i32
      %mul3A_77 = arith.constant 8 : i32
      %mul3A_78 = arith.muli %scan3A_10, %mul3A_77 : i32
      %add3A_79 = arith.constant 4 : i32
      %add3A_80 = arith.addi %mul3A_78, %add3A_79 : i32
      %mul3A_81 = arith.constant 16 : i32
      %mul3A_82 = arith.muli %add3A_80, %mul3A_81 : i32
      %get3A_83 = arith.index_cast %mul3A_82 : i32 to index
      %get3A_84 = tpu.vector_load %arg6[%get3A_83] {strides = array<i32>} : memref<1024xf32, #tpu.memory_space<vmem>>, vector<16xf32>,
      %get3A_85 = vector.shape_cast %get3A_84 : vector<16xf32> to vector<16xf32>
      %scan3A_86 = arith.constant 0 : i32
      %scan3A_87 = arith.constant 0 : i32
      %scan3A_88 = arith.constant 64 : i32
      %scan3A_89 = arith.addi %scan3A_87, %scan3A_88 : i32
      %scan3A_90 = arith.constant 1 : i32
      %scan3A_91 = scf.for %scan3A_141 = %scan3A_87 to %scan3A_89 step %scan3A_90 iter_args(%scan3A_142 = %scan3A_86) -> (i32)  : i32 {
        %mul3A_143 = arith.constant 8 : i32
        %mul3A_144 = arith.muli %scan3A_141, %mul3A_143 : i32
        %add3A_145 = arith.constant 0 : i32
        %add3A_146 = arith.addi %mul3A_144, %add3A_145 : i32
        %mul3A_147 = arith.constant 16 : i32
        %mul3A_148 = arith.muli %add3A_146, %mul3A_147 : i32
        %get3A_149 = arith.constant 4 : i32
        %get3A_150 = arith.index_cast %get3A_149 : i32 to index
        %get3A_151 = arith.index_cast %mul3A_148 : i32 to index
        %get3A_152 = tpu.vector_load %arg5[%get3A_150, %get3A_151] {strides = array<i32>} : memref<8x8192xf32, #tpu.memory_space<vmem>>, vector<1x16xf32>,
        %get3A_153 = vector.shape_cast %get3A_152 : vector<1x16xf32> to vector<16xf32>
        %ge3A = arith.cmpf oge, %get3A_153, %get3A_85 : vector<16xf32>
        %jit3A = arith.constant 0.000000e+00 : f32
        %broadcast_in_dim3A = vector.broadcast %jit3A : f32 to vector<16xf32>
        %select_n3A = arith.select %ge3A, %get3A_153, %broadcast_in_dim3A : vector<16xi1>, vector<16xf32>
        %swap3A = arith.constant 4 : i32
        %swap3A_154 = arith.index_cast %swap3A : i32 to index
        %swap3A_155 = arith.index_cast %mul3A_148 : i32 to index
        %swap3A_156 = tpu.vector_load %arg5[%swap3A_154, %swap3A_155] {strides = array<i32>} : memref<8x8192xf32, #tpu.memory_space<vmem>>, vector<1x16xf32>,
        %swap3A_157 = vector.shape_cast %swap3A_156 : vector<1x16xf32> to vector<16xf32>
        %swap3A_158 = vector.shape_cast %select_n3A : vector<16xf32> to vector<1x16xf32>
        tpu.vector_store %arg5[%swap3A_154, %swap3A_155], %swap3A_158 {strides = array<i32>} : memref<8x8192xf32, #tpu.memory_space<vmem>>, vector<1x16xf32>,
        %mul3A_159 = arith.constant 8 : i32
        %mul3A_160 = arith.muli %scan3A_141, %mul3A_159 : i32
        %add3A_161 = arith.constant 1 : i32
        %add3A_162 = arith.addi %mul3A_160, %add3A_161 : i32
        %mul3A_163 = arith.constant 16 : i32
        %mul3A_164 = arith.muli %add3A_162, %mul3A_163 : i32
        %get3A_165 = arith.constant 4 : i32
        %get3A_166 = arith.index_cast %get3A_165 : i32 to index
        %get3A_167 = arith.index_cast %mul3A_164 : i32 to index
        %get3A_168 = tpu.vector_load %arg5[%get3A_166, %get3A_167] {strides = array<i32>} : memref<8x8192xf32, #tpu.memory_space<vmem>>, vector<1x16xf32>,
        %get3A_169 = vector.shape_cast %get3A_168 : vector<1x16xf32> to vector<16xf32>
        %ge3A_170 = arith.cmpf oge, %get3A_169, %get3A_85 : vector<16xf32>
        %jit3A_171 = arith.constant 0.000000e+00 : f32
        %broadcast_in_dim3A_172 = vector.broadcast %jit3A_171 : f32 to vector<16xf32>
        %select_n3A_173 = arith.select %ge3A_170, %get3A_169, %broadcast_in_dim3A_172 : vector<16xi1>, vector<16xf32>
        %swap3A_174 = arith.constant 4 : i32
        %swap3A_175 = arith.index_cast %swap3A_174 : i32 to index
        %swap3A_176 = arith.index_cast %mul3A_164 : i32 to index
        %swap3A_177 = tpu.vector_load %arg5[%swap3A_175, %swap3A_176] {strides = array<i32>} : memref<8x8192xf32, #tpu.memory_space<vmem>>, vector<1x16xf32>,
        %swap3A_178 = vector.shape_cast %swap3A_177 : vector<1x16xf32> to vector<16xf32>
        %swap3A_179 = vector.shape_cast %select_n3A_173 : vector<16xf32> to vector<1x16xf32>
        tpu.vector_store %arg5[%swap3A_175, %swap3A_176], %swap3A_179 {strides = array<i32>} : memref<8x8192xf32, #tpu.memory_space<vmem>>, vector<1x16xf32>,
        %mul3A_180 = arith.constant 8 : i32
        %mul3A_181 = arith.muli %scan3A_141, %mul3A_180 : i32
        %add3A_182 = arith.constant 2 : i32
        %add3A_183 = arith.addi %mul3A_181, %add3A_182 : i32
        %mul3A_184 = arith.constant 16 : i32
        %mul3A_185 = arith.muli %add3A_183, %mul3A_184 : i32
        %get3A_186 = arith.constant 4 : i32
        %get3A_187 = arith.index_cast %get3A_186 : i32 to index
        %get3A_188 = arith.index_cast %mul3A_185 : i32 to index
        %get3A_189 = tpu.vector_load %arg5[%get3A_187, %get3A_188] {strides = array<i32>} : memref<8x8192xf32, #tpu.memory_space<vmem>>, vector<1x16xf32>,
        %get3A_190 = vector.shape_cast %get3A_189 : vector<1x16xf32> to vector<16xf32>
        %ge3A_191 = arith.cmpf oge, %get3A_190, %get3A_85 : vector<16xf32>
        %jit3A_192 = arith.constant 0.000000e+00 : f32
        %broadcast_in_dim3A_193 = vector.broadcast %jit3A_192 : f32 to vector<16xf32>
        %select_n3A_194 = arith.select %ge3A_191, %get3A_190, %broadcast_in_dim3A_193 : vector<16xi1>, vector<16xf32>
        %swap3A_195 = arith.constant 4 : i32
        %swap3A_196 = arith.index_cast %swap3A_195 : i32 to index
        %swap3A_197 = arith.index_cast %mul3A_185 : i32 to index
        %swap3A_198 = tpu.vector_load %arg5[%swap3A_196, %swap3A_197] {strides = array<i32>} : memref<8x8192xf32, #tpu.memory_space<vmem>>, vector<1x16xf32>,
        %swap3A_199 = vector.shape_cast %swap3A_198 : vector<1x16xf32> to vector<16xf32>
        %swap3A_200 = vector.shape_cast %select_n3A_194 : vector<16xf32> to vector<1x16xf32>
        tpu.vector_store %arg5[%swap3A_196, %swap3A_197], %swap3A_200 {strides = array<i32>} : memref<8x8192xf32, #tpu.memory_space<vmem>>, vector<1x16xf32>,
        %mul3A_201 = arith.constant 8 : i32
        %mul3A_202 = arith.muli %scan3A_141, %mul3A_201 : i32
        %add3A_203 = arith.constant 3 : i32
        %add3A_204 = arith.addi %mul3A_202, %add3A_203 : i32
        %mul3A_205 = arith.constant 16 : i32
        %mul3A_206 = arith.muli %add3A_204, %mul3A_205 : i32
        %get3A_207 = arith.constant 4 : i32
        %get3A_208 = arith.index_cast %get3A_207 : i32 to index
        %get3A_209 = arith.index_cast %mul3A_206 : i32 to index
        %get3A_210 = tpu.vector_load %arg5[%get3A_208, %get3A_209] {strides = array<i32>} : memref<8x8192xf32, #tpu.memory_space<vmem>>, vector<1x16xf32>,
        %get3A_211 = vector.shape_cast %get3A_210 : vector<1x16xf32> to vector<16xf32>
        %ge3A_212 = arith.cmpf oge, %get3A_211, %get3A_85 : vector<16xf32>
        %jit3A_213 = arith.constant 0.000000e+00 : f32
        %broadcast_in_dim3A_214 = vector.broadcast %jit3A_213 : f32 to vector<16xf32>
        %select_n3A_215 = arith.select %ge3A_212, %get3A_211, %broadcast_in_dim3A_214 : vector<16xi1>, vector<16xf32>
        %swap3A_216 = arith.constant 4 : i32
        %swap3A_217 = arith.index_cast %swap3A_216 : i32 to index
        %swap3A_218 = arith.index_cast %mul3A_206 : i32 to index
        %swap3A_219 = tpu.vector_load %arg5[%swap3A_217, %swap3A_218] {strides = array<i32>} : memref<8x8192xf32, #tpu.memory_space<vmem>>, vector<1x16xf32>,
        %swap3A_220 = vector.shape_cast %swap3A_219 : vector<1x16xf32> to vector<16xf32>
        %swap3A_221 = vector.shape_cast %select_n3A_215 : vector<16xf32> to vector<1x16xf32>
        tpu.vector_store %arg5[%swap3A_217, %swap3A_218], %swap3A_221 {strides = array<i32>} : memref<8x8192xf32, #tpu.memory_space<vmem>>, vector<1x16xf32>,
        %mul3A_222 = arith.constant 8 : i32
        %mul3A_223 = arith.muli %scan3A_141, %mul3A_222 : i32
        %add3A_224 = arith.constant 4 : i32
        %add3A_225 = arith.addi %mul3A_223, %add3A_224 : i32
        %mul3A_226 = arith.constant 16 : i32
        %mul3A_227 = arith.muli %add3A_225, %mul3A_226 : i32
        %get3A_228 = arith.constant 4 : i32
        %get3A_229 = arith.index_cast %get3A_228 : i32 to index
        %get3A_230 = arith.index_cast %mul3A_227 : i32 to index
        %get3A_231 = tpu.vector_load %arg5[%get3A_229, %get3A_230] {strides = array<i32>} : memref<8x8192xf32, #tpu.memory_space<vmem>>, vector<1x16xf32>,
        %get3A_232 = vector.shape_cast %get3A_231 : vector<1x16xf32> to vector<16xf32>
        %ge3A_233 = arith.cmpf oge, %get3A_232, %get3A_85 : vector<16xf32>
        %jit3A_234 = arith.constant 0.000000e+00 : f32
        %broadcast_in_dim3A_235 = vector.broadcast %jit3A_234 : f32 to vector<16xf32>
        %select_n3A_236 = arith.select %ge3A_233, %get3A_232, %broadcast_in_dim3A_235 : vector<16xi1>, vector<16xf32>
        %swap3A_237 = arith.constant 4 : i32
        %swap3A_238 = arith.index_cast %swap3A_237 : i32 to index
        %swap3A_239 = arith.index_cast %mul3A_227 : i32 to index
        %swap3A_240 = tpu.vector_load %arg5[%swap3A_238, %swap3A_239] {strides = array<i32>} : memref<8x8192xf32, #tpu.memory_space<vmem>>, vector<1x16xf32>,
        %swap3A_241 = vector.shape_cast %swap3A_240 : vector<1x16xf32> to vector<16xf32>
        %swap3A_242 = vector.shape_cast %select_n3A_236 : vector<16xf32> to vector<1x16xf32>
        tpu.vector_store %arg5[%swap3A_238, %swap3A_239], %swap3A_242 {strides = array<i32>} : memref<8x8192xf32, #tpu.memory_space<vmem>>, vector<1x16xf32>,
        %mul3A_243 = arith.constant 8 : i32
        %mul3A_244 = arith.muli %scan3A_141, %mul3A_243 : i32
        %add3A_245 = arith.constant 5 : i32
        %add3A_246 = arith.addi %mul3A_244, %add3A_245 : i32
        %mul3A_247 = arith.constant 16 : i32
        %mul3A_248 = arith.muli %add3A_246, %mul3A_247 : i32
        %get3A_249 = arith.constant 4 : i32
        %get3A_250 = arith.index_cast %get3A_249 : i32 to index
        %get3A_251 = arith.index_cast %mul3A_248 : i32 to index
        %get3A_252 = tpu.vector_load %arg5[%get3A_250, %get3A_251] {strides = array<i32>} : memref<8x8192xf32, #tpu.memory_space<vmem>>, vector<1x16xf32>,
        %get3A_253 = vector.shape_cast %get3A_252 : vector<1x16xf32> to vector<16xf32>
        %ge3A_254 = arith.cmpf oge, %get3A_253, %get3A_85 : vector<16xf32>
        %jit3A_255 = arith.constant 0.000000e+00 : f32
        %broadcast_in_dim3A_256 = vector.broadcast %jit3A_255 : f32 to vector<16xf32>
        %select_n3A_257 = arith.select %ge3A_254, %get3A_253, %broadcast_in_dim3A_256 : vector<16xi1>, vector<16xf32>
        %swap3A_258 = arith.constant 4 : i32
        %swap3A_259 = arith.index_cast %swap3A_258 : i32 to index
        %swap3A_260 = arith.index_cast %mul3A_248 : i32 to index
        %swap3A_261 = tpu.vector_load %arg5[%swap3A_259, %swap3A_260] {strides = array<i32>} : memref<8x8192xf32, #tpu.memory_space<vmem>>, vector<1x16xf32>,
        %swap3A_262 = vector.shape_cast %swap3A_261 : vector<1x16xf32> to vector<16xf32>
        %swap3A_263 = vector.shape_cast %select_n3A_257 : vector<16xf32> to vector<1x16xf32>
        tpu.vector_store %arg5[%swap3A_259, %swap3A_260], %swap3A_263 {strides = array<i32>} : memref<8x8192xf32, #tpu.memory_space<vmem>>, vector<1x16xf32>,
        %mul3A_264 = arith.constant 8 : i32
        %mul3A_265 = arith.muli %scan3A_141, %mul3A_264 : i32
        %add3A_266 = arith.constant 6 : i32
        %add3A_267 = arith.addi %mul3A_265, %add3A_266 : i32
        %mul3A_268 = arith.constant 16 : i32
        %mul3A_269 = arith.muli %add3A_267, %mul3A_268 : i32
        %get3A_270 = arith.constant 4 : i32
        %get3A_271 = arith.index_cast %get3A_270 : i32 to index
        %get3A_272 = arith.index_cast %mul3A_269 : i32 to index
        %get3A_273 = tpu.vector_load %arg5[%get3A_271, %get3A_272] {strides = array<i32>} : memref<8x8192xf32, #tpu.memory_space<vmem>>, vector<1x16xf32>,
        %get3A_274 = vector.shape_cast %get3A_273 : vector<1x16xf32> to vector<16xf32>
        %ge3A_275 = arith.cmpf oge, %get3A_274, %get3A_85 : vector<16xf32>
        %jit3A_276 = arith.constant 0.000000e+00 : f32
        %broadcast_in_dim3A_277 = vector.broadcast %jit3A_276 : f32 to vector<16xf32>
        %select_n3A_278 = arith.select %ge3A_275, %get3A_274, %broadcast_in_dim3A_277 : vector<16xi1>, vector<16xf32>
        %swap3A_279 = arith.constant 4 : i32
        %swap3A_280 = arith.index_cast %swap3A_279 : i32 to index
        %swap3A_281 = arith.index_cast %mul3A_269 : i32 to index
        %swap3A_282 = tpu.vector_load %arg5[%swap3A_280, %swap3A_281] {strides = array<i32>} : memref<8x8192xf32, #tpu.memory_space<vmem>>, vector<1x16xf32>,
        %swap3A_283 = vector.shape_cast %swap3A_282 : vector<1x16xf32> to vector<16xf32>
        %swap3A_284 = vector.shape_cast %select_n3A_278 : vector<16xf32> to vector<1x16xf32>
        tpu.vector_store %arg5[%swap3A_280, %swap3A_281], %swap3A_284 {strides = array<i32>} : memref<8x8192xf32, #tpu.memory_space<vmem>>, vector<1x16xf32>,
        %mul3A_285 = arith.constant 8 : i32
        %mul3A_286 = arith.muli %scan3A_141, %mul3A_285 : i32
        %add3A_287 = arith.constant 7 : i32
        %add3A_288 = arith.addi %mul3A_286, %add3A_287 : i32
        %mul3A_289 = arith.constant 16 : i32
        %mul3A_290 = arith.muli %add3A_288, %mul3A_289 : i32
        %get3A_291 = arith.constant 4 : i32
        %get3A_292 = arith.index_cast %get3A_291 : i32 to index
        %get3A_293 = arith.index_cast %mul3A_290 : i32 to index
        %get3A_294 = tpu.vector_load %arg5[%get3A_292, %get3A_293] {strides = array<i32>} : memref<8x8192xf32, #tpu.memory_space<vmem>>, vector<1x16xf32>,
        %get3A_295 = vector.shape_cast %get3A_294 : vector<1x16xf32> to vector<16xf32>
        %ge3A_296 = arith.cmpf oge, %get3A_295, %get3A_85 : vector<16xf32>
        %jit3A_297 = arith.constant 0.000000e+00 : f32
        %broadcast_in_dim3A_298 = vector.broadcast %jit3A_297 : f32 to vector<16xf32>
        %select_n3A_299 = arith.select %ge3A_296, %get3A_295, %broadcast_in_dim3A_298 : vector<16xi1>, vector<16xf32>
        %swap3A_300 = arith.constant 4 : i32
        %swap3A_301 = arith.index_cast %swap3A_300 : i32 to index
        %swap3A_302 = arith.index_cast %mul3A_290 : i32 to index
        %swap3A_303 = tpu.vector_load %arg5[%swap3A_301, %swap3A_302] {strides = array<i32>} : memref<8x8192xf32, #tpu.memory_space<vmem>>, vector<1x16xf32>,
        %swap3A_304 = vector.shape_cast %swap3A_303 : vector<1x16xf32> to vector<16xf32>
        %swap3A_305 = vector.shape_cast %select_n3A_299 : vector<16xf32> to vector<1x16xf32>
        tpu.vector_store %arg5[%swap3A_301, %swap3A_302], %swap3A_305 {strides = array<i32>} : memref<8x8192xf32, #tpu.memory_space<vmem>>, vector<1x16xf32>,
        %scan3A_306 = arith.constant 0 : i32
        scf.yield %scan3A_306 : i32
      }
      %scan3A_92 = arith.constant 64 : i32
      %mul3A_93 = arith.constant 8 : i32
      %mul3A_94 = arith.muli %scan3A_10, %mul3A_93 : i32
      %add3A_95 = arith.constant 5 : i32
      %add3A_96 = arith.addi %mul3A_94, %add3A_95 : i32
      %mul3A_97 = arith.constant 16 : i32
      %mul3A_98 = arith.muli %add3A_96, %mul3A_97 : i32
      %get3A_99 = arith.index_cast %mul3A_98 : i32 to index
      %get3A_100 = tpu.vector_load %arg6[%get3A_99] {strides = array<i32>} : memref<1024xf32, #tpu.memory_space<vmem>>, vector<16xf32>,
      %get3A_101 = vector.shape_cast %get3A_100 : vector<16xf32> to vector<16xf32>
      %scan3A_102 = arith.constant 0 : i32
      %scan3A_103 = arith.constant 0 : i32
      %scan3A_104 = arith.constant 64 : i32
      %scan3A_105 = arith.addi %scan3A_103, %scan3A_104 : i32
      %scan3A_106 = arith.constant 1 : i32
      %scan3A_107 = scf.for %scan3A_141 = %scan3A_103 to %scan3A_105 step %scan3A_106 iter_args(%scan3A_142 = %scan3A_102) -> (i32)  : i32 {
        %mul3A_143 = arith.constant 8 : i32
        %mul3A_144 = arith.muli %scan3A_141, %mul3A_143 : i32
        %add3A_145 = arith.constant 0 : i32
        %add3A_146 = arith.addi %mul3A_144, %add3A_145 : i32
        %mul3A_147 = arith.constant 16 : i32
        %mul3A_148 = arith.muli %add3A_146, %mul3A_147 : i32
        %get3A_149 = arith.constant 5 : i32
        %get3A_150 = arith.index_cast %get3A_149 : i32 to index
        %get3A_151 = arith.index_cast %mul3A_148 : i32 to index
        %get3A_152 = tpu.vector_load %arg5[%get3A_150, %get3A_151] {strides = array<i32>} : memref<8x8192xf32, #tpu.memory_space<vmem>>, vector<1x16xf32>,
        %get3A_153 = vector.shape_cast %get3A_152 : vector<1x16xf32> to vector<16xf32>
        %ge3A = arith.cmpf oge, %get3A_153, %get3A_101 : vector<16xf32>
        %jit3A = arith.constant 0.000000e+00 : f32
        %broadcast_in_dim3A = vector.broadcast %jit3A : f32 to vector<16xf32>
        %select_n3A = arith.select %ge3A, %get3A_153, %broadcast_in_dim3A : vector<16xi1>, vector<16xf32>
        %swap3A = arith.constant 5 : i32
        %swap3A_154 = arith.index_cast %swap3A : i32 to index
        %swap3A_155 = arith.index_cast %mul3A_148 : i32 to index
        %swap3A_156 = tpu.vector_load %arg5[%swap3A_154, %swap3A_155] {strides = array<i32>} : memref<8x8192xf32, #tpu.memory_space<vmem>>, vector<1x16xf32>,
        %swap3A_157 = vector.shape_cast %swap3A_156 : vector<1x16xf32> to vector<16xf32>
        %swap3A_158 = vector.shape_cast %select_n3A : vector<16xf32> to vector<1x16xf32>
        tpu.vector_store %arg5[%swap3A_154, %swap3A_155], %swap3A_158 {strides = array<i32>} : memref<8x8192xf32, #tpu.memory_space<vmem>>, vector<1x16xf32>,
        %mul3A_159 = arith.constant 8 : i32
        %mul3A_160 = arith.muli %scan3A_141, %mul3A_159 : i32
        %add3A_161 = arith.constant 1 : i32
        %add3A_162 = arith.addi %mul3A_160, %add3A_161 : i32
        %mul3A_163 = arith.constant 16 : i32
        %mul3A_164 = arith.muli %add3A_162, %mul3A_163 : i32
        %get3A_165 = arith.constant 5 : i32
        %get3A_166 = arith.index_cast %get3A_165 : i32 to index
        %get3A_167 = arith.index_cast %mul3A_164 : i32 to index
        %get3A_168 = tpu.vector_load %arg5[%get3A_166, %get3A_167] {strides = array<i32>} : memref<8x8192xf32, #tpu.memory_space<vmem>>, vector<1x16xf32>,
        %get3A_169 = vector.shape_cast %get3A_168 : vector<1x16xf32> to vector<16xf32>
        %ge3A_170 = arith.cmpf oge, %get3A_169, %get3A_101 : vector<16xf32>
        %jit3A_171 = arith.constant 0.000000e+00 : f32
        %broadcast_in_dim3A_172 = vector.broadcast %jit3A_171 : f32 to vector<16xf32>
        %select_n3A_173 = arith.select %ge3A_170, %get3A_169, %broadcast_in_dim3A_172 : vector<16xi1>, vector<16xf32>
        %swap3A_174 = arith.constant 5 : i32
        %swap3A_175 = arith.index_cast %swap3A_174 : i32 to index
        %swap3A_176 = arith.index_cast %mul3A_164 : i32 to index
        %swap3A_177 = tpu.vector_load %arg5[%swap3A_175, %swap3A_176] {strides = array<i32>} : memref<8x8192xf32, #tpu.memory_space<vmem>>, vector<1x16xf32>,
        %swap3A_178 = vector.shape_cast %swap3A_177 : vector<1x16xf32> to vector<16xf32>
        %swap3A_179 = vector.shape_cast %select_n3A_173 : vector<16xf32> to vector<1x16xf32>
        tpu.vector_store %arg5[%swap3A_175, %swap3A_176], %swap3A_179 {strides = array<i32>} : memref<8x8192xf32, #tpu.memory_space<vmem>>, vector<1x16xf32>,
        %mul3A_180 = arith.constant 8 : i32
        %mul3A_181 = arith.muli %scan3A_141, %mul3A_180 : i32
        %add3A_182 = arith.constant 2 : i32
        %add3A_183 = arith.addi %mul3A_181, %add3A_182 : i32
        %mul3A_184 = arith.constant 16 : i32
        %mul3A_185 = arith.muli %add3A_183, %mul3A_184 : i32
        %get3A_186 = arith.constant 5 : i32
        %get3A_187 = arith.index_cast %get3A_186 : i32 to index
        %get3A_188 = arith.index_cast %mul3A_185 : i32 to index
        %get3A_189 = tpu.vector_load %arg5[%get3A_187, %get3A_188] {strides = array<i32>} : memref<8x8192xf32, #tpu.memory_space<vmem>>, vector<1x16xf32>,
        %get3A_190 = vector.shape_cast %get3A_189 : vector<1x16xf32> to vector<16xf32>
        %ge3A_191 = arith.cmpf oge, %get3A_190, %get3A_101 : vector<16xf32>
        %jit3A_192 = arith.constant 0.000000e+00 : f32
        %broadcast_in_dim3A_193 = vector.broadcast %jit3A_192 : f32 to vector<16xf32>
        %select_n3A_194 = arith.select %ge3A_191, %get3A_190, %broadcast_in_dim3A_193 : vector<16xi1>, vector<16xf32>
        %swap3A_195 = arith.constant 5 : i32
        %swap3A_196 = arith.index_cast %swap3A_195 : i32 to index
        %swap3A_197 = arith.index_cast %mul3A_185 : i32 to index
        %swap3A_198 = tpu.vector_load %arg5[%swap3A_196, %swap3A_197] {strides = array<i32>} : memref<8x8192xf32, #tpu.memory_space<vmem>>, vector<1x16xf32>,
        %swap3A_199 = vector.shape_cast %swap3A_198 : vector<1x16xf32> to vector<16xf32>
        %swap3A_200 = vector.shape_cast %select_n3A_194 : vector<16xf32> to vector<1x16xf32>
        tpu.vector_store %arg5[%swap3A_196, %swap3A_197], %swap3A_200 {strides = array<i32>} : memref<8x8192xf32, #tpu.memory_space<vmem>>, vector<1x16xf32>,
        %mul3A_201 = arith.constant 8 : i32
        %mul3A_202 = arith.muli %scan3A_141, %mul3A_201 : i32
        %add3A_203 = arith.constant 3 : i32
        %add3A_204 = arith.addi %mul3A_202, %add3A_203 : i32
        %mul3A_205 = arith.constant 16 : i32
        %mul3A_206 = arith.muli %add3A_204, %mul3A_205 : i32
        %get3A_207 = arith.constant 5 : i32
        %get3A_208 = arith.index_cast %get3A_207 : i32 to index
        %get3A_209 = arith.index_cast %mul3A_206 : i32 to index
        %get3A_210 = tpu.vector_load %arg5[%get3A_208, %get3A_209] {strides = array<i32>} : memref<8x8192xf32, #tpu.memory_space<vmem>>, vector<1x16xf32>,
        %get3A_211 = vector.shape_cast %get3A_210 : vector<1x16xf32> to vector<16xf32>
        %ge3A_212 = arith.cmpf oge, %get3A_211, %get3A_101 : vector<16xf32>
        %jit3A_213 = arith.constant 0.000000e+00 : f32
        %broadcast_in_dim3A_214 = vector.broadcast %jit3A_213 : f32 to vector<16xf32>
        %select_n3A_215 = arith.select %ge3A_212, %get3A_211, %broadcast_in_dim3A_214 : vector<16xi1>, vector<16xf32>
        %swap3A_216 = arith.constant 5 : i32
        %swap3A_217 = arith.index_cast %swap3A_216 : i32 to index
        %swap3A_218 = arith.index_cast %mul3A_206 : i32 to index
        %swap3A_219 = tpu.vector_load %arg5[%swap3A_217, %swap3A_218] {strides = array<i32>} : memref<8x8192xf32, #tpu.memory_space<vmem>>, vector<1x16xf32>,
        %swap3A_220 = vector.shape_cast %swap3A_219 : vector<1x16xf32> to vector<16xf32>
        %swap3A_221 = vector.shape_cast %select_n3A_215 : vector<16xf32> to vector<1x16xf32>
        tpu.vector_store %arg5[%swap3A_217, %swap3A_218], %swap3A_221 {strides = array<i32>} : memref<8x8192xf32, #tpu.memory_space<vmem>>, vector<1x16xf32>,
        %mul3A_222 = arith.constant 8 : i32
        %mul3A_223 = arith.muli %scan3A_141, %mul3A_222 : i32
        %add3A_224 = arith.constant 4 : i32
        %add3A_225 = arith.addi %mul3A_223, %add3A_224 : i32
        %mul3A_226 = arith.constant 16 : i32
        %mul3A_227 = arith.muli %add3A_225, %mul3A_226 : i32
        %get3A_228 = arith.constant 5 : i32
        %get3A_229 = arith.index_cast %get3A_228 : i32 to index
        %get3A_230 = arith.index_cast %mul3A_227 : i32 to index
        %get3A_231 = tpu.vector_load %arg5[%get3A_229, %get3A_230] {strides = array<i32>} : memref<8x8192xf32, #tpu.memory_space<vmem>>, vector<1x16xf32>,
        %get3A_232 = vector.shape_cast %get3A_231 : vector<1x16xf32> to vector<16xf32>
        %ge3A_233 = arith.cmpf oge, %get3A_232, %get3A_101 : vector<16xf32>
        %jit3A_234 = arith.constant 0.000000e+00 : f32
        %broadcast_in_dim3A_235 = vector.broadcast %jit3A_234 : f32 to vector<16xf32>
        %select_n3A_236 = arith.select %ge3A_233, %get3A_232, %broadcast_in_dim3A_235 : vector<16xi1>, vector<16xf32>
        %swap3A_237 = arith.constant 5 : i32
        %swap3A_238 = arith.index_cast %swap3A_237 : i32 to index
        %swap3A_239 = arith.index_cast %mul3A_227 : i32 to index
        %swap3A_240 = tpu.vector_load %arg5[%swap3A_238, %swap3A_239] {strides = array<i32>} : memref<8x8192xf32, #tpu.memory_space<vmem>>, vector<1x16xf32>,
        %swap3A_241 = vector.shape_cast %swap3A_240 : vector<1x16xf32> to vector<16xf32>
        %swap3A_242 = vector.shape_cast %select_n3A_236 : vector<16xf32> to vector<1x16xf32>
        tpu.vector_store %arg5[%swap3A_238, %swap3A_239], %swap3A_242 {strides = array<i32>} : memref<8x8192xf32, #tpu.memory_space<vmem>>, vector<1x16xf32>,
        %mul3A_243 = arith.constant 8 : i32
        %mul3A_244 = arith.muli %scan3A_141, %mul3A_243 : i32
        %add3A_245 = arith.constant 5 : i32
        %add3A_246 = arith.addi %mul3A_244, %add3A_245 : i32
        %mul3A_247 = arith.constant 16 : i32
        %mul3A_248 = arith.muli %add3A_246, %mul3A_247 : i32
        %get3A_249 = arith.constant 5 : i32
        %get3A_250 = arith.index_cast %get3A_249 : i32 to index
        %get3A_251 = arith.index_cast %mul3A_248 : i32 to index
        %get3A_252 = tpu.vector_load %arg5[%get3A_250, %get3A_251] {strides = array<i32>} : memref<8x8192xf32, #tpu.memory_space<vmem>>, vector<1x16xf32>,
        %get3A_253 = vector.shape_cast %get3A_252 : vector<1x16xf32> to vector<16xf32>
        %ge3A_254 = arith.cmpf oge, %get3A_253, %get3A_101 : vector<16xf32>
        %jit3A_255 = arith.constant 0.000000e+00 : f32
        %broadcast_in_dim3A_256 = vector.broadcast %jit3A_255 : f32 to vector<16xf32>
        %select_n3A_257 = arith.select %ge3A_254, %get3A_253, %broadcast_in_dim3A_256 : vector<16xi1>, vector<16xf32>
        %swap3A_258 = arith.constant 5 : i32
        %swap3A_259 = arith.index_cast %swap3A_258 : i32 to index
        %swap3A_260 = arith.index_cast %mul3A_248 : i32 to index
        %swap3A_261 = tpu.vector_load %arg5[%swap3A_259, %swap3A_260] {strides = array<i32>} : memref<8x8192xf32, #tpu.memory_space<vmem>>, vector<1x16xf32>,
        %swap3A_262 = vector.shape_cast %swap3A_261 : vector<1x16xf32> to vector<16xf32>
        %swap3A_263 = vector.shape_cast %select_n3A_257 : vector<16xf32> to vector<1x16xf32>
        tpu.vector_store %arg5[%swap3A_259, %swap3A_260], %swap3A_263 {strides = array<i32>} : memref<8x8192xf32, #tpu.memory_space<vmem>>, vector<1x16xf32>,
        %mul3A_264 = arith.constant 8 : i32
        %mul3A_265 = arith.muli %scan3A_141, %mul3A_264 : i32
        %add3A_266 = arith.constant 6 : i32
        %add3A_267 = arith.addi %mul3A_265, %add3A_266 : i32
        %mul3A_268 = arith.constant 16 : i32
        %mul3A_269 = arith.muli %add3A_267, %mul3A_268 : i32
        %get3A_270 = arith.constant 5 : i32
        %get3A_271 = arith.index_cast %get3A_270 : i32 to index
        %get3A_272 = arith.index_cast %mul3A_269 : i32 to index
        %get3A_273 = tpu.vector_load %arg5[%get3A_271, %get3A_272] {strides = array<i32>} : memref<8x8192xf32, #tpu.memory_space<vmem>>, vector<1x16xf32>,
        %get3A_274 = vector.shape_cast %get3A_273 : vector<1x16xf32> to vector<16xf32>
        %ge3A_275 = arith.cmpf oge, %get3A_274, %get3A_101 : vector<16xf32>
        %jit3A_276 = arith.constant 0.000000e+00 : f32
        %broadcast_in_dim3A_277 = vector.broadcast %jit3A_276 : f32 to vector<16xf32>
        %select_n3A_278 = arith.select %ge3A_275, %get3A_274, %broadcast_in_dim3A_277 : vector<16xi1>, vector<16xf32>
        %swap3A_279 = arith.constant 5 : i32
        %swap3A_280 = arith.index_cast %swap3A_279 : i32 to index
        %swap3A_281 = arith.index_cast %mul3A_269 : i32 to index
        %swap3A_282 = tpu.vector_load %arg5[%swap3A_280, %swap3A_281] {strides = array<i32>} : memref<8x8192xf32, #tpu.memory_space<vmem>>, vector<1x16xf32>,
        %swap3A_283 = vector.shape_cast %swap3A_282 : vector<1x16xf32> to vector<16xf32>
        %swap3A_284 = vector.shape_cast %select_n3A_278 : vector<16xf32> to vector<1x16xf32>
        tpu.vector_store %arg5[%swap3A_280, %swap3A_281], %swap3A_284 {strides = array<i32>} : memref<8x8192xf32, #tpu.memory_space<vmem>>, vector<1x16xf32>,
        %mul3A_285 = arith.constant 8 : i32
        %mul3A_286 = arith.muli %scan3A_141, %mul3A_285 : i32
        %add3A_287 = arith.constant 7 : i32
        %add3A_288 = arith.addi %mul3A_286, %add3A_287 : i32
        %mul3A_289 = arith.constant 16 : i32
        %mul3A_290 = arith.muli %add3A_288, %mul3A_289 : i32
        %get3A_291 = arith.constant 5 : i32
        %get3A_292 = arith.index_cast %get3A_291 : i32 to index
        %get3A_293 = arith.index_cast %mul3A_290 : i32 to index
        %get3A_294 = tpu.vector_load %arg5[%get3A_292, %get3A_293] {strides = array<i32>} : memref<8x8192xf32, #tpu.memory_space<vmem>>, vector<1x16xf32>,
        %get3A_295 = vector.shape_cast %get3A_294 : vector<1x16xf32> to vector<16xf32>
        %ge3A_296 = arith.cmpf oge, %get3A_295, %get3A_101 : vector<16xf32>
        %jit3A_297 = arith.constant 0.000000e+00 : f32
        %broadcast_in_dim3A_298 = vector.broadcast %jit3A_297 : f32 to vector<16xf32>
        %select_n3A_299 = arith.select %ge3A_296, %get3A_295, %broadcast_in_dim3A_298 : vector<16xi1>, vector<16xf32>
        %swap3A_300 = arith.constant 5 : i32
        %swap3A_301 = arith.index_cast %swap3A_300 : i32 to index
        %swap3A_302 = arith.index_cast %mul3A_290 : i32 to index
        %swap3A_303 = tpu.vector_load %arg5[%swap3A_301, %swap3A_302] {strides = array<i32>} : memref<8x8192xf32, #tpu.memory_space<vmem>>, vector<1x16xf32>,
        %swap3A_304 = vector.shape_cast %swap3A_303 : vector<1x16xf32> to vector<16xf32>
        %swap3A_305 = vector.shape_cast %select_n3A_299 : vector<16xf32> to vector<1x16xf32>
        tpu.vector_store %arg5[%swap3A_301, %swap3A_302], %swap3A_305 {strides = array<i32>} : memref<8x8192xf32, #tpu.memory_space<vmem>>, vector<1x16xf32>,
        %scan3A_306 = arith.constant 0 : i32
        scf.yield %scan3A_306 : i32
      }
      %scan3A_108 = arith.constant 64 : i32
      %mul3A_109 = arith.constant 8 : i32
      %mul3A_110 = arith.muli %scan3A_10, %mul3A_109 : i32
      %add3A_111 = arith.constant 6 : i32
      %add3A_112 = arith.addi %mul3A_110, %add3A_111 : i32
      %mul3A_113 = arith.constant 16 : i32
      %mul3A_114 = arith.muli %add3A_112, %mul3A_113 : i32
      %get3A_115 = arith.index_cast %mul3A_114 : i32 to index
      %get3A_116 = tpu.vector_load %arg6[%get3A_115] {strides = array<i32>} : memref<1024xf32, #tpu.memory_space<vmem>>, vector<16xf32>,
      %get3A_117 = vector.shape_cast %get3A_116 : vector<16xf32> to vector<16xf32>
      %scan3A_118 = arith.constant 0 : i32
      %scan3A_119 = arith.constant 0 : i32
      %scan3A_120 = arith.constant 64 : i32
      %scan3A_121 = arith.addi %scan3A_119, %scan3A_120 : i32
      %scan3A_122 = arith.constant 1 : i32
      %scan3A_123 = scf.for %scan3A_141 = %scan3A_119 to %scan3A_121 step %scan3A_122 iter_args(%scan3A_142 = %scan3A_118) -> (i32)  : i32 {
        %mul3A_143 = arith.constant 8 : i32
        %mul3A_144 = arith.muli %scan3A_141, %mul3A_143 : i32
        %add3A_145 = arith.constant 0 : i32
        %add3A_146 = arith.addi %mul3A_144, %add3A_145 : i32
        %mul3A_147 = arith.constant 16 : i32
        %mul3A_148 = arith.muli %add3A_146, %mul3A_147 : i32
        %get3A_149 = arith.constant 6 : i32
        %get3A_150 = arith.index_cast %get3A_149 : i32 to index
        %get3A_151 = arith.index_cast %mul3A_148 : i32 to index
        %get3A_152 = tpu.vector_load %arg5[%get3A_150, %get3A_151] {strides = array<i32>} : memref<8x8192xf32, #tpu.memory_space<vmem>>, vector<1x16xf32>,
        %get3A_153 = vector.shape_cast %get3A_152 : vector<1x16xf32> to vector<16xf32>
        %ge3A = arith.cmpf oge, %get3A_153, %get3A_117 : vector<16xf32>
        %jit3A = arith.constant 0.000000e+00 : f32
        %broadcast_in_dim3A = vector.broadcast %jit3A : f32 to vector<16xf32>
        %select_n3A = arith.select %ge3A, %get3A_153, %broadcast_in_dim3A : vector<16xi1>, vector<16xf32>
        %swap3A = arith.constant 6 : i32
        %swap3A_154 = arith.index_cast %swap3A : i32 to index
        %swap3A_155 = arith.index_cast %mul3A_148 : i32 to index
        %swap3A_156 = tpu.vector_load %arg5[%swap3A_154, %swap3A_155] {strides = array<i32>} : memref<8x8192xf32, #tpu.memory_space<vmem>>, vector<1x16xf32>,
        %swap3A_157 = vector.shape_cast %swap3A_156 : vector<1x16xf32> to vector<16xf32>
        %swap3A_158 = vector.shape_cast %select_n3A : vector<16xf32> to vector<1x16xf32>
        tpu.vector_store %arg5[%swap3A_154, %swap3A_155], %swap3A_158 {strides = array<i32>} : memref<8x8192xf32, #tpu.memory_space<vmem>>, vector<1x16xf32>,
        %mul3A_159 = arith.constant 8 : i32
        %mul3A_160 = arith.muli %scan3A_141, %mul3A_159 : i32
        %add3A_161 = arith.constant 1 : i32
        %add3A_162 = arith.addi %mul3A_160, %add3A_161 : i32
        %mul3A_163 = arith.constant 16 : i32
        %mul3A_164 = arith.muli %add3A_162, %mul3A_163 : i32
        %get3A_165 = arith.constant 6 : i32
        %get3A_166 = arith.index_cast %get3A_165 : i32 to index
        %get3A_167 = arith.index_cast %mul3A_164 : i32 to index
        %get3A_168 = tpu.vector_load %arg5[%get3A_166, %get3A_167] {strides = array<i32>} : memref<8x8192xf32, #tpu.memory_space<vmem>>, vector<1x16xf32>,
        %get3A_169 = vector.shape_cast %get3A_168 : vector<1x16xf32> to vector<16xf32>
        %ge3A_170 = arith.cmpf oge, %get3A_169, %get3A_117 : vector<16xf32>
        %jit3A_171 = arith.constant 0.000000e+00 : f32
        %broadcast_in_dim3A_172 = vector.broadcast %jit3A_171 : f32 to vector<16xf32>
        %select_n3A_173 = arith.select %ge3A_170, %get3A_169, %broadcast_in_dim3A_172 : vector<16xi1>, vector<16xf32>
        %swap3A_174 = arith.constant 6 : i32
        %swap3A_175 = arith.index_cast %swap3A_174 : i32 to index
        %swap3A_176 = arith.index_cast %mul3A_164 : i32 to index
        %swap3A_177 = tpu.vector_load %arg5[%swap3A_175, %swap3A_176] {strides = array<i32>} : memref<8x8192xf32, #tpu.memory_space<vmem>>, vector<1x16xf32>,
        %swap3A_178 = vector.shape_cast %swap3A_177 : vector<1x16xf32> to vector<16xf32>
        %swap3A_179 = vector.shape_cast %select_n3A_173 : vector<16xf32> to vector<1x16xf32>
        tpu.vector_store %arg5[%swap3A_175, %swap3A_176], %swap3A_179 {strides = array<i32>} : memref<8x8192xf32, #tpu.memory_space<vmem>>, vector<1x16xf32>,
        %mul3A_180 = arith.constant 8 : i32
        %mul3A_181 = arith.muli %scan3A_141, %mul3A_180 : i32
        %add3A_182 = arith.constant 2 : i32
        %add3A_183 = arith.addi %mul3A_181, %add3A_182 : i32
        %mul3A_184 = arith.constant 16 : i32
        %mul3A_185 = arith.muli %add3A_183, %mul3A_184 : i32
        %get3A_186 = arith.constant 6 : i32
        %get3A_187 = arith.index_cast %get3A_186 : i32 to index
        %get3A_188 = arith.index_cast %mul3A_185 : i32 to index
        %get3A_189 = tpu.vector_load %arg5[%get3A_187, %get3A_188] {strides = array<i32>} : memref<8x8192xf32, #tpu.memory_space<vmem>>, vector<1x16xf32>,
        %get3A_190 = vector.shape_cast %get3A_189 : vector<1x16xf32> to vector<16xf32>
        %ge3A_191 = arith.cmpf oge, %get3A_190, %get3A_117 : vector<16xf32>
        %jit3A_192 = arith.constant 0.000000e+00 : f32
        %broadcast_in_dim3A_193 = vector.broadcast %jit3A_192 : f32 to vector<16xf32>
        %select_n3A_194 = arith.select %ge3A_191, %get3A_190, %broadcast_in_dim3A_193 : vector<16xi1>, vector<16xf32>
        %swap3A_195 = arith.constant 6 : i32
        %swap3A_196 = arith.index_cast %swap3A_195 : i32 to index
        %swap3A_197 = arith.index_cast %mul3A_185 : i32 to index
        %swap3A_198 = tpu.vector_load %arg5[%swap3A_196, %swap3A_197] {strides = array<i32>} : memref<8x8192xf32, #tpu.memory_space<vmem>>, vector<1x16xf32>,
        %swap3A_199 = vector.shape_cast %swap3A_198 : vector<1x16xf32> to vector<16xf32>
        %swap3A_200 = vector.shape_cast %select_n3A_194 : vector<16xf32> to vector<1x16xf32>
        tpu.vector_store %arg5[%swap3A_196, %swap3A_197], %swap3A_200 {strides = array<i32>} : memref<8x8192xf32, #tpu.memory_space<vmem>>, vector<1x16xf32>,
        %mul3A_201 = arith.constant 8 : i32
        %mul3A_202 = arith.muli %scan3A_141, %mul3A_201 : i32
        %add3A_203 = arith.constant 3 : i32
        %add3A_204 = arith.addi %mul3A_202, %add3A_203 : i32
        %mul3A_205 = arith.constant 16 : i32
        %mul3A_206 = arith.muli %add3A_204, %mul3A_205 : i32
        %get3A_207 = arith.constant 6 : i32
        %get3A_208 = arith.index_cast %get3A_207 : i32 to index
        %get3A_209 = arith.index_cast %mul3A_206 : i32 to index
        %get3A_210 = tpu.vector_load %arg5[%get3A_208, %get3A_209] {strides = array<i32>} : memref<8x8192xf32, #tpu.memory_space<vmem>>, vector<1x16xf32>,
        %get3A_211 = vector.shape_cast %get3A_210 : vector<1x16xf32> to vector<16xf32>
        %ge3A_212 = arith.cmpf oge, %get3A_211, %get3A_117 : vector<16xf32>
        %jit3A_213 = arith.constant 0.000000e+00 : f32
        %broadcast_in_dim3A_214 = vector.broadcast %jit3A_213 : f32 to vector<16xf32>
        %select_n3A_215 = arith.select %ge3A_212, %get3A_211, %broadcast_in_dim3A_214 : vector<16xi1>, vector<16xf32>
        %swap3A_216 = arith.constant 6 : i32
        %swap3A_217 = arith.index_cast %swap3A_216 : i32 to index
        %swap3A_218 = arith.index_cast %mul3A_206 : i32 to index
        %swap3A_219 = tpu.vector_load %arg5[%swap3A_217, %swap3A_218] {strides = array<i32>} : memref<8x8192xf32, #tpu.memory_space<vmem>>, vector<1x16xf32>,
        %swap3A_220 = vector.shape_cast %swap3A_219 : vector<1x16xf32> to vector<16xf32>
        %swap3A_221 = vector.shape_cast %select_n3A_215 : vector<16xf32> to vector<1x16xf32>
        tpu.vector_store %arg5[%swap3A_217, %swap3A_218], %swap3A_221 {strides = array<i32>} : memref<8x8192xf32, #tpu.memory_space<vmem>>, vector<1x16xf32>,
        %mul3A_222 = arith.constant 8 : i32
        %mul3A_223 = arith.muli %scan3A_141, %mul3A_222 : i32
        %add3A_224 = arith.constant 4 : i32
        %add3A_225 = arith.addi %mul3A_223, %add3A_224 : i32
        %mul3A_226 = arith.constant 16 : i32
        %mul3A_227 = arith.muli %add3A_225, %mul3A_226 : i32
        %get3A_228 = arith.constant 6 : i32
        %get3A_229 = arith.index_cast %get3A_228 : i32 to index
        %get3A_230 = arith.index_cast %mul3A_227 : i32 to index
        %get3A_231 = tpu.vector_load %arg5[%get3A_229, %get3A_230] {strides = array<i32>} : memref<8x8192xf32, #tpu.memory_space<vmem>>, vector<1x16xf32>,
        %get3A_232 = vector.shape_cast %get3A_231 : vector<1x16xf32> to vector<16xf32>
        %ge3A_233 = arith.cmpf oge, %get3A_232, %get3A_117 : vector<16xf32>
        %jit3A_234 = arith.constant 0.000000e+00 : f32
        %broadcast_in_dim3A_235 = vector.broadcast %jit3A_234 : f32 to vector<16xf32>
        %select_n3A_236 = arith.select %ge3A_233, %get3A_232, %broadcast_in_dim3A_235 : vector<16xi1>, vector<16xf32>
        %swap3A_237 = arith.constant 6 : i32
        %swap3A_238 = arith.index_cast %swap3A_237 : i32 to index
        %swap3A_239 = arith.index_cast %mul3A_227 : i32 to index
        %swap3A_240 = tpu.vector_load %arg5[%swap3A_238, %swap3A_239] {strides = array<i32>} : memref<8x8192xf32, #tpu.memory_space<vmem>>, vector<1x16xf32>,
        %swap3A_241 = vector.shape_cast %swap3A_240 : vector<1x16xf32> to vector<16xf32>
        %swap3A_242 = vector.shape_cast %select_n3A_236 : vector<16xf32> to vector<1x16xf32>
        tpu.vector_store %arg5[%swap3A_238, %swap3A_239], %swap3A_242 {strides = array<i32>} : memref<8x8192xf32, #tpu.memory_space<vmem>>, vector<1x16xf32>,
        %mul3A_243 = arith.constant 8 : i32
        %mul3A_244 = arith.muli %scan3A_141, %mul3A_243 : i32
        %add3A_245 = arith.constant 5 : i32
        %add3A_246 = arith.addi %mul3A_244, %add3A_245 : i32
        %mul3A_247 = arith.constant 16 : i32
        %mul3A_248 = arith.muli %add3A_246, %mul3A_247 : i32
        %get3A_249 = arith.constant 6 : i32
        %get3A_250 = arith.index_cast %get3A_249 : i32 to index
        %get3A_251 = arith.index_cast %mul3A_248 : i32 to index
        %get3A_252 = tpu.vector_load %arg5[%get3A_250, %get3A_251] {strides = array<i32>} : memref<8x8192xf32, #tpu.memory_space<vmem>>, vector<1x16xf32>,
        %get3A_253 = vector.shape_cast %get3A_252 : vector<1x16xf32> to vector<16xf32>
        %ge3A_254 = arith.cmpf oge, %get3A_253, %get3A_117 : vector<16xf32>
        %jit3A_255 = arith.constant 0.000000e+00 : f32
        %broadcast_in_dim3A_256 = vector.broadcast %jit3A_255 : f32 to vector<16xf32>
        %select_n3A_257 = arith.select %ge3A_254, %get3A_253, %broadcast_in_dim3A_256 : vector<16xi1>, vector<16xf32>
        %swap3A_258 = arith.constant 6 : i32
        %swap3A_259 = arith.index_cast %swap3A_258 : i32 to index
        %swap3A_260 = arith.index_cast %mul3A_248 : i32 to index
        %swap3A_261 = tpu.vector_load %arg5[%swap3A_259, %swap3A_260] {strides = array<i32>} : memref<8x8192xf32, #tpu.memory_space<vmem>>, vector<1x16xf32>,
        %swap3A_262 = vector.shape_cast %swap3A_261 : vector<1x16xf32> to vector<16xf32>
        %swap3A_263 = vector.shape_cast %select_n3A_257 : vector<16xf32> to vector<1x16xf32>
        tpu.vector_store %arg5[%swap3A_259, %swap3A_260], %swap3A_263 {strides = array<i32>} : memref<8x8192xf32, #tpu.memory_space<vmem>>, vector<1x16xf32>,
        %mul3A_264 = arith.constant 8 : i32
        %mul3A_265 = arith.muli %scan3A_141, %mul3A_264 : i32
        %add3A_266 = arith.constant 6 : i32
        %add3A_267 = arith.addi %mul3A_265, %add3A_266 : i32
        %mul3A_268 = arith.constant 16 : i32
        %mul3A_269 = arith.muli %add3A_267, %mul3A_268 : i32
        %get3A_270 = arith.constant 6 : i32
        %get3A_271 = arith.index_cast %get3A_270 : i32 to index
        %get3A_272 = arith.index_cast %mul3A_269 : i32 to index
        %get3A_273 = tpu.vector_load %arg5[%get3A_271, %get3A_272] {strides = array<i32>} : memref<8x8192xf32, #tpu.memory_space<vmem>>, vector<1x16xf32>,
        %get3A_274 = vector.shape_cast %get3A_273 : vector<1x16xf32> to vector<16xf32>
        %ge3A_275 = arith.cmpf oge, %get3A_274, %get3A_117 : vector<16xf32>
        %jit3A_276 = arith.constant 0.000000e+00 : f32
        %broadcast_in_dim3A_277 = vector.broadcast %jit3A_276 : f32 to vector<16xf32>
        %select_n3A_278 = arith.select %ge3A_275, %get3A_274, %broadcast_in_dim3A_277 : vector<16xi1>, vector<16xf32>
        %swap3A_279 = arith.constant 6 : i32
        %swap3A_280 = arith.index_cast %swap3A_279 : i32 to index
        %swap3A_281 = arith.index_cast %mul3A_269 : i32 to index
        %swap3A_282 = tpu.vector_load %arg5[%swap3A_280, %swap3A_281] {strides = array<i32>} : memref<8x8192xf32, #tpu.memory_space<vmem>>, vector<1x16xf32>,
        %swap3A_283 = vector.shape_cast %swap3A_282 : vector<1x16xf32> to vector<16xf32>
        %swap3A_284 = vector.shape_cast %select_n3A_278 : vector<16xf32> to vector<1x16xf32>
        tpu.vector_store %arg5[%swap3A_280, %swap3A_281], %swap3A_284 {strides = array<i32>} : memref<8x8192xf32, #tpu.memory_space<vmem>>, vector<1x16xf32>,
        %mul3A_285 = arith.constant 8 : i32
        %mul3A_286 = arith.muli %scan3A_141, %mul3A_285 : i32
        %add3A_287 = arith.constant 7 : i32
        %add3A_288 = arith.addi %mul3A_286, %add3A_287 : i32
        %mul3A_289 = arith.constant 16 : i32
        %mul3A_290 = arith.muli %add3A_288, %mul3A_289 : i32
        %get3A_291 = arith.constant 6 : i32
        %get3A_292 = arith.index_cast %get3A_291 : i32 to index
        %get3A_293 = arith.index_cast %mul3A_290 : i32 to index
        %get3A_294 = tpu.vector_load %arg5[%get3A_292, %get3A_293] {strides = array<i32>} : memref<8x8192xf32, #tpu.memory_space<vmem>>, vector<1x16xf32>,
        %get3A_295 = vector.shape_cast %get3A_294 : vector<1x16xf32> to vector<16xf32>
        %ge3A_296 = arith.cmpf oge, %get3A_295, %get3A_117 : vector<16xf32>
        %jit3A_297 = arith.constant 0.000000e+00 : f32
        %broadcast_in_dim3A_298 = vector.broadcast %jit3A_297 : f32 to vector<16xf32>
        %select_n3A_299 = arith.select %ge3A_296, %get3A_295, %broadcast_in_dim3A_298 : vector<16xi1>, vector<16xf32>
        %swap3A_300 = arith.constant 6 : i32
        %swap3A_301 = arith.index_cast %swap3A_300 : i32 to index
        %swap3A_302 = arith.index_cast %mul3A_290 : i32 to index
        %swap3A_303 = tpu.vector_load %arg5[%swap3A_301, %swap3A_302] {strides = array<i32>} : memref<8x8192xf32, #tpu.memory_space<vmem>>, vector<1x16xf32>,
        %swap3A_304 = vector.shape_cast %swap3A_303 : vector<1x16xf32> to vector<16xf32>
        %swap3A_305 = vector.shape_cast %select_n3A_299 : vector<16xf32> to vector<1x16xf32>
        tpu.vector_store %arg5[%swap3A_301, %swap3A_302], %swap3A_305 {strides = array<i32>} : memref<8x8192xf32, #tpu.memory_space<vmem>>, vector<1x16xf32>,
        %scan3A_306 = arith.constant 0 : i32
        scf.yield %scan3A_306 : i32
      }
      %scan3A_124 = arith.constant 64 : i32
      %mul3A_125 = arith.constant 8 : i32
      %mul3A_126 = arith.muli %scan3A_10, %mul3A_125 : i32
      %add3A_127 = arith.constant 7 : i32
      %add3A_128 = arith.addi %mul3A_126, %add3A_127 : i32
      %mul3A_129 = arith.constant 16 : i32
      %mul3A_130 = arith.muli %add3A_128, %mul3A_129 : i32
      %get3A_131 = arith.index_cast %mul3A_130 : i32 to index
      %get3A_132 = tpu.vector_load %arg6[%get3A_131] {strides = array<i32>} : memref<1024xf32, #tpu.memory_space<vmem>>, vector<16xf32>,
      %get3A_133 = vector.shape_cast %get3A_132 : vector<16xf32> to vector<16xf32>
      %scan3A_134 = arith.constant 0 : i32
      %scan3A_135 = arith.constant 0 : i32
      %scan3A_136 = arith.constant 64 : i32
      %scan3A_137 = arith.addi %scan3A_135, %scan3A_136 : i32
      %scan3A_138 = arith.constant 1 : i32
      %scan3A_139 = scf.for %scan3A_141 = %scan3A_135 to %scan3A_137 step %scan3A_138 iter_args(%scan3A_142 = %scan3A_134) -> (i32)  : i32 {
        %mul3A_143 = arith.constant 8 : i32
        %mul3A_144 = arith.muli %scan3A_141, %mul3A_143 : i32
        %add3A_145 = arith.constant 0 : i32
        %add3A_146 = arith.addi %mul3A_144, %add3A_145 : i32
        %mul3A_147 = arith.constant 16 : i32
        %mul3A_148 = arith.muli %add3A_146, %mul3A_147 : i32
        %get3A_149 = arith.constant 7 : i32
        %get3A_150 = arith.index_cast %get3A_149 : i32 to index
        %get3A_151 = arith.index_cast %mul3A_148 : i32 to index
        %get3A_152 = tpu.vector_load %arg5[%get3A_150, %get3A_151] {strides = array<i32>} : memref<8x8192xf32, #tpu.memory_space<vmem>>, vector<1x16xf32>,
        %get3A_153 = vector.shape_cast %get3A_152 : vector<1x16xf32> to vector<16xf32>
        %ge3A = arith.cmpf oge, %get3A_153, %get3A_133 : vector<16xf32>
        %jit3A = arith.constant 0.000000e+00 : f32
        %broadcast_in_dim3A = vector.broadcast %jit3A : f32 to vector<16xf32>
        %select_n3A = arith.select %ge3A, %get3A_153, %broadcast_in_dim3A : vector<16xi1>, vector<16xf32>
        %swap3A = arith.constant 7 : i32
        %swap3A_154 = arith.index_cast %swap3A : i32 to index
        %swap3A_155 = arith.index_cast %mul3A_148 : i32 to index
        %swap3A_156 = tpu.vector_load %arg5[%swap3A_154, %swap3A_155] {strides = array<i32>} : memref<8x8192xf32, #tpu.memory_space<vmem>>, vector<1x16xf32>,
        %swap3A_157 = vector.shape_cast %swap3A_156 : vector<1x16xf32> to vector<16xf32>
        %swap3A_158 = vector.shape_cast %select_n3A : vector<16xf32> to vector<1x16xf32>
        tpu.vector_store %arg5[%swap3A_154, %swap3A_155], %swap3A_158 {strides = array<i32>} : memref<8x8192xf32, #tpu.memory_space<vmem>>, vector<1x16xf32>,
        %mul3A_159 = arith.constant 8 : i32
        %mul3A_160 = arith.muli %scan3A_141, %mul3A_159 : i32
        %add3A_161 = arith.constant 1 : i32
        %add3A_162 = arith.addi %mul3A_160, %add3A_161 : i32
        %mul3A_163 = arith.constant 16 : i32
        %mul3A_164 = arith.muli %add3A_162, %mul3A_163 : i32
        %get3A_165 = arith.constant 7 : i32
        %get3A_166 = arith.index_cast %get3A_165 : i32 to index
        %get3A_167 = arith.index_cast %mul3A_164 : i32 to index
        %get3A_168 = tpu.vector_load %arg5[%get3A_166, %get3A_167] {strides = array<i32>} : memref<8x8192xf32, #tpu.memory_space<vmem>>, vector<1x16xf32>,
        %get3A_169 = vector.shape_cast %get3A_168 : vector<1x16xf32> to vector<16xf32>
        %ge3A_170 = arith.cmpf oge, %get3A_169, %get3A_133 : vector<16xf32>
        %jit3A_171 = arith.constant 0.000000e+00 : f32
        %broadcast_in_dim3A_172 = vector.broadcast %jit3A_171 : f32 to vector<16xf32>
        %select_n3A_173 = arith.select %ge3A_170, %get3A_169, %broadcast_in_dim3A_172 : vector<16xi1>, vector<16xf32>
        %swap3A_174 = arith.constant 7 : i32
        %swap3A_175 = arith.index_cast %swap3A_174 : i32 to index
        %swap3A_176 = arith.index_cast %mul3A_164 : i32 to index
        %swap3A_177 = tpu.vector_load %arg5[%swap3A_175, %swap3A_176] {strides = array<i32>} : memref<8x8192xf32, #tpu.memory_space<vmem>>, vector<1x16xf32>,
        %swap3A_178 = vector.shape_cast %swap3A_177 : vector<1x16xf32> to vector<16xf32>
        %swap3A_179 = vector.shape_cast %select_n3A_173 : vector<16xf32> to vector<1x16xf32>
        tpu.vector_store %arg5[%swap3A_175, %swap3A_176], %swap3A_179 {strides = array<i32>} : memref<8x8192xf32, #tpu.memory_space<vmem>>, vector<1x16xf32>,
        %mul3A_180 = arith.constant 8 : i32
        %mul3A_181 = arith.muli %scan3A_141, %mul3A_180 : i32
        %add3A_182 = arith.constant 2 : i32
        %add3A_183 = arith.addi %mul3A_181, %add3A_182 : i32
        %mul3A_184 = arith.constant 16 : i32
        %mul3A_185 = arith.muli %add3A_183, %mul3A_184 : i32
        %get3A_186 = arith.constant 7 : i32
        %get3A_187 = arith.index_cast %get3A_186 : i32 to index
        %get3A_188 = arith.index_cast %mul3A_185 : i32 to index
        %get3A_189 = tpu.vector_load %arg5[%get3A_187, %get3A_188] {strides = array<i32>} : memref<8x8192xf32, #tpu.memory_space<vmem>>, vector<1x16xf32>,
        %get3A_190 = vector.shape_cast %get3A_189 : vector<1x16xf32> to vector<16xf32>
        %ge3A_191 = arith.cmpf oge, %get3A_190, %get3A_133 : vector<16xf32>
        %jit3A_192 = arith.constant 0.000000e+00 : f32
        %broadcast_in_dim3A_193 = vector.broadcast %jit3A_192 : f32 to vector<16xf32>
        %select_n3A_194 = arith.select %ge3A_191, %get3A_190, %broadcast_in_dim3A_193 : vector<16xi1>, vector<16xf32>
        %swap3A_195 = arith.constant 7 : i32
        %swap3A_196 = arith.index_cast %swap3A_195 : i32 to index
        %swap3A_197 = arith.index_cast %mul3A_185 : i32 to index
        %swap3A_198 = tpu.vector_load %arg5[%swap3A_196, %swap3A_197] {strides = array<i32>} : memref<8x8192xf32, #tpu.memory_space<vmem>>, vector<1x16xf32>,
        %swap3A_199 = vector.shape_cast %swap3A_198 : vector<1x16xf32> to vector<16xf32>
        %swap3A_200 = vector.shape_cast %select_n3A_194 : vector<16xf32> to vector<1x16xf32>
        tpu.vector_store %arg5[%swap3A_196, %swap3A_197], %swap3A_200 {strides = array<i32>} : memref<8x8192xf32, #tpu.memory_space<vmem>>, vector<1x16xf32>,
        %mul3A_201 = arith.constant 8 : i32
        %mul3A_202 = arith.muli %scan3A_141, %mul3A_201 : i32
        %add3A_203 = arith.constant 3 : i32
        %add3A_204 = arith.addi %mul3A_202, %add3A_203 : i32
        %mul3A_205 = arith.constant 16 : i32
        %mul3A_206 = arith.muli %add3A_204, %mul3A_205 : i32
        %get3A_207 = arith.constant 7 : i32
        %get3A_208 = arith.index_cast %get3A_207 : i32 to index
        %get3A_209 = arith.index_cast %mul3A_206 : i32 to index
        %get3A_210 = tpu.vector_load %arg5[%get3A_208, %get3A_209] {strides = array<i32>} : memref<8x8192xf32, #tpu.memory_space<vmem>>, vector<1x16xf32>,
        %get3A_211 = vector.shape_cast %get3A_210 : vector<1x16xf32> to vector<16xf32>
        %ge3A_212 = arith.cmpf oge, %get3A_211, %get3A_133 : vector<16xf32>
        %jit3A_213 = arith.constant 0.000000e+00 : f32
        %broadcast_in_dim3A_214 = vector.broadcast %jit3A_213 : f32 to vector<16xf32>
        %select_n3A_215 = arith.select %ge3A_212, %get3A_211, %broadcast_in_dim3A_214 : vector<16xi1>, vector<16xf32>
        %swap3A_216 = arith.constant 7 : i32
        %swap3A_217 = arith.index_cast %swap3A_216 : i32 to index
        %swap3A_218 = arith.index_cast %mul3A_206 : i32 to index
        %swap3A_219 = tpu.vector_load %arg5[%swap3A_217, %swap3A_218] {strides = array<i32>} : memref<8x8192xf32, #tpu.memory_space<vmem>>, vector<1x16xf32>,
        %swap3A_220 = vector.shape_cast %swap3A_219 : vector<1x16xf32> to vector<16xf32>
        %swap3A_221 = vector.shape_cast %select_n3A_215 : vector<16xf32> to vector<1x16xf32>
        tpu.vector_store %arg5[%swap3A_217, %swap3A_218], %swap3A_221 {strides = array<i32>} : memref<8x8192xf32, #tpu.memory_space<vmem>>, vector<1x16xf32>,
        %mul3A_222 = arith.constant 8 : i32
        %mul3A_223 = arith.muli %scan3A_141, %mul3A_222 : i32
        %add3A_224 = arith.constant 4 : i32
        %add3A_225 = arith.addi %mul3A_223, %add3A_224 : i32
        %mul3A_226 = arith.constant 16 : i32
        %mul3A_227 = arith.muli %add3A_225, %mul3A_226 : i32
        %get3A_228 = arith.constant 7 : i32
        %get3A_229 = arith.index_cast %get3A_228 : i32 to index
        %get3A_230 = arith.index_cast %mul3A_227 : i32 to index
        %get3A_231 = tpu.vector_load %arg5[%get3A_229, %get3A_230] {strides = array<i32>} : memref<8x8192xf32, #tpu.memory_space<vmem>>, vector<1x16xf32>,
        %get3A_232 = vector.shape_cast %get3A_231 : vector<1x16xf32> to vector<16xf32>
        %ge3A_233 = arith.cmpf oge, %get3A_232, %get3A_133 : vector<16xf32>
        %jit3A_234 = arith.constant 0.000000e+00 : f32
        %broadcast_in_dim3A_235 = vector.broadcast %jit3A_234 : f32 to vector<16xf32>
        %select_n3A_236 = arith.select %ge3A_233, %get3A_232, %broadcast_in_dim3A_235 : vector<16xi1>, vector<16xf32>
        %swap3A_237 = arith.constant 7 : i32
        %swap3A_238 = arith.index_cast %swap3A_237 : i32 to index
        %swap3A_239 = arith.index_cast %mul3A_227 : i32 to index
        %swap3A_240 = tpu.vector_load %arg5[%swap3A_238, %swap3A_239] {strides = array<i32>} : memref<8x8192xf32, #tpu.memory_space<vmem>>, vector<1x16xf32>,
        %swap3A_241 = vector.shape_cast %swap3A_240 : vector<1x16xf32> to vector<16xf32>
        %swap3A_242 = vector.shape_cast %select_n3A_236 : vector<16xf32> to vector<1x16xf32>
        tpu.vector_store %arg5[%swap3A_238, %swap3A_239], %swap3A_242 {strides = array<i32>} : memref<8x8192xf32, #tpu.memory_space<vmem>>, vector<1x16xf32>,
        %mul3A_243 = arith.constant 8 : i32
        %mul3A_244 = arith.muli %scan3A_141, %mul3A_243 : i32
        %add3A_245 = arith.constant 5 : i32
        %add3A_246 = arith.addi %mul3A_244, %add3A_245 : i32
        %mul3A_247 = arith.constant 16 : i32
        %mul3A_248 = arith.muli %add3A_246, %mul3A_247 : i32
        %get3A_249 = arith.constant 7 : i32
        %get3A_250 = arith.index_cast %get3A_249 : i32 to index
        %get3A_251 = arith.index_cast %mul3A_248 : i32 to index
        %get3A_252 = tpu.vector_load %arg5[%get3A_250, %get3A_251] {strides = array<i32>} : memref<8x8192xf32, #tpu.memory_space<vmem>>, vector<1x16xf32>,
        %get3A_253 = vector.shape_cast %get3A_252 : vector<1x16xf32> to vector<16xf32>
        %ge3A_254 = arith.cmpf oge, %get3A_253, %get3A_133 : vector<16xf32>
        %jit3A_255 = arith.constant 0.000000e+00 : f32
        %broadcast_in_dim3A_256 = vector.broadcast %jit3A_255 : f32 to vector<16xf32>
        %select_n3A_257 = arith.select %ge3A_254, %get3A_253, %broadcast_in_dim3A_256 : vector<16xi1>, vector<16xf32>
        %swap3A_258 = arith.constant 7 : i32
        %swap3A_259 = arith.index_cast %swap3A_258 : i32 to index
        %swap3A_260 = arith.index_cast %mul3A_248 : i32 to index
        %swap3A_261 = tpu.vector_load %arg5[%swap3A_259, %swap3A_260] {strides = array<i32>} : memref<8x8192xf32, #tpu.memory_space<vmem>>, vector<1x16xf32>,
        %swap3A_262 = vector.shape_cast %swap3A_261 : vector<1x16xf32> to vector<16xf32>
        %swap3A_263 = vector.shape_cast %select_n3A_257 : vector<16xf32> to vector<1x16xf32>
        tpu.vector_store %arg5[%swap3A_259, %swap3A_260], %swap3A_263 {strides = array<i32>} : memref<8x8192xf32, #tpu.memory_space<vmem>>, vector<1x16xf32>,
        %mul3A_264 = arith.constant 8 : i32
        %mul3A_265 = arith.muli %scan3A_141, %mul3A_264 : i32
        %add3A_266 = arith.constant 6 : i32
        %add3A_267 = arith.addi %mul3A_265, %add3A_266 : i32
        %mul3A_268 = arith.constant 16 : i32
        %mul3A_269 = arith.muli %add3A_267, %mul3A_268 : i32
        %get3A_270 = arith.constant 7 : i32
        %get3A_271 = arith.index_cast %get3A_270 : i32 to index
        %get3A_272 = arith.index_cast %mul3A_269 : i32 to index
        %get3A_273 = tpu.vector_load %arg5[%get3A_271, %get3A_272] {strides = array<i32>} : memref<8x8192xf32, #tpu.memory_space<vmem>>, vector<1x16xf32>,
        %get3A_274 = vector.shape_cast %get3A_273 : vector<1x16xf32> to vector<16xf32>
        %ge3A_275 = arith.cmpf oge, %get3A_274, %get3A_133 : vector<16xf32>
        %jit3A_276 = arith.constant 0.000000e+00 : f32
        %broadcast_in_dim3A_277 = vector.broadcast %jit3A_276 : f32 to vector<16xf32>
        %select_n3A_278 = arith.select %ge3A_275, %get3A_274, %broadcast_in_dim3A_277 : vector<16xi1>, vector<16xf32>
        %swap3A_279 = arith.constant 7 : i32
        %swap3A_280 = arith.index_cast %swap3A_279 : i32 to index
        %swap3A_281 = arith.index_cast %mul3A_269 : i32 to index
        %swap3A_282 = tpu.vector_load %arg5[%swap3A_280, %swap3A_281] {strides = array<i32>} : memref<8x8192xf32, #tpu.memory_space<vmem>>, vector<1x16xf32>,
        %swap3A_283 = vector.shape_cast %swap3A_282 : vector<1x16xf32> to vector<16xf32>
        %swap3A_284 = vector.shape_cast %select_n3A_278 : vector<16xf32> to vector<1x16xf32>
        tpu.vector_store %arg5[%swap3A_280, %swap3A_281], %swap3A_284 {strides = array<i32>} : memref<8x8192xf32, #tpu.memory_space<vmem>>, vector<1x16xf32>,
        %mul3A_285 = arith.constant 8 : i32
        %mul3A_286 = arith.muli %scan3A_141, %mul3A_285 : i32
        %add3A_287 = arith.constant 7 : i32
        %add3A_288 = arith.addi %mul3A_286, %add3A_287 : i32
        %mul3A_289 = arith.constant 16 : i32
        %mul3A_290 = arith.muli %add3A_288, %mul3A_289 : i32
        %get3A_291 = arith.constant 7 : i32
        %get3A_292 = arith.index_cast %get3A_291 : i32 to index
        %get3A_293 = arith.index_cast %mul3A_290 : i32 to index
        %get3A_294 = tpu.vector_load %arg5[%get3A_292, %get3A_293] {strides = array<i32>} : memref<8x8192xf32, #tpu.memory_space<vmem>>, vector<1x16xf32>,
        %get3A_295 = vector.shape_cast %get3A_294 : vector<1x16xf32> to vector<16xf32>
        %ge3A_296 = arith.cmpf oge, %get3A_295, %get3A_133 : vector<16xf32>
        %jit3A_297 = arith.constant 0.000000e+00 : f32
        %broadcast_in_dim3A_298 = vector.broadcast %jit3A_297 : f32 to vector<16xf32>
        %select_n3A_299 = arith.select %ge3A_296, %get3A_295, %broadcast_in_dim3A_298 : vector<16xi1>, vector<16xf32>
        %swap3A_300 = arith.constant 7 : i32
        %swap3A_301 = arith.index_cast %swap3A_300 : i32 to index
        %swap3A_302 = arith.index_cast %mul3A_290 : i32 to index
        %swap3A_303 = tpu.vector_load %arg5[%swap3A_301, %swap3A_302] {strides = array<i32>} : memref<8x8192xf32, #tpu.memory_space<vmem>>, vector<1x16xf32>,
        %swap3A_304 = vector.shape_cast %swap3A_303 : vector<1x16xf32> to vector<16xf32>
        %swap3A_305 = vector.shape_cast %select_n3A_299 : vector<16xf32> to vector<1x16xf32>
        tpu.vector_store %arg5[%swap3A_301, %swap3A_302], %swap3A_305 {strides = array<i32>} : memref<8x8192xf32, #tpu.memory_space<vmem>>, vector<1x16xf32>,
        %scan3A_306 = arith.constant 0 : i32
        scf.yield %scan3A_306 : i32
      }
      %scan3A_140 = arith.constant 64 : i32
      "tpu.region"() ({
        %run_scoped3A = tpu.sem_alloc : memref<!tpu.dma_semaphore, #tpu.memory_space<semaphore_mem>>
        %dma_start3A = arith.constant 0 : i32
        %dma_start3A_141 = tpu.memref_slice %arg4[%add3A_13, %dma_start3A] : memref<2048x8192xf32, #tpu.memory_space<hbm>> -> memref<8x8192xf32, #tpu.memory_space<hbm>>
        %dma_start3A_142 = arith.constant 0 : i32
        %dma_start3A_143 = tpu.memref_slice %arg4[%add3A_13, %dma_start3A_142] : memref<2048x8192xf32, #tpu.memory_space<hbm>> -> memref<8x8192xf32, #tpu.memory_space<hbm>>
        tpu.enqueue_dma source(%arg5 : memref<8x8192xf32, #tpu.memory_space<vmem>>) target(%dma_start3A_143 : memref<8x8192xf32, #tpu.memory_space<hbm>>) target_semaphore(%run_scoped3A : memref<!tpu.dma_semaphore, #tpu.memory_space<semaphore_mem>>)
        %dma_wait3A = arith.constant 0 : i32
        %dma_wait3A_144 = tpu.memref_slice %arg4[%add3A_13, %dma_wait3A] : memref<2048x8192xf32, #tpu.memory_space<hbm>> -> memref<8x8192xf32, #tpu.memory_space<hbm>>
        %dma_wait3A_145 = arith.constant 0 : i32
        %dma_wait3A_146 = tpu.memref_slice %arg4[%add3A_13, %dma_wait3A_145] : memref<2048x8192xf32, #tpu.memory_space<hbm>> -> memref<8x8192xf32, #tpu.memory_space<hbm>>
        tpu.wait_dma2 semaphore(%run_scoped3A : memref<!tpu.dma_semaphore, #tpu.memory_space<semaphore_mem>>) src(%arg5 : memref<8x8192xf32, #tpu.memory_space<vmem>>) dst(%dma_wait3A_146 : memref<8x8192xf32, #tpu.memory_space<hbm>>)
        tpu.yield
      }) : () -> ()
    }
    %scan3A_9 = arith.constant 8 : i32
    return
  }
}

module attributes {stable_mosaic.version = 14 : i64} {
  func.func @_enc_topk_kernel(%arg0: i32, %arg1: i32, %arg2: memref<256x1024xf32, #tpu.memory_space<vmem>>, %arg3: memref<1024x1024xf32, #tpu.memory_space<vmem>>, %arg4: memref<1x1024xf32, #tpu.memory_space<vmem>>, %arg5: memref<256x1024xf32, #tpu.memory_space<vmem>>, %arg6: memref<1x256x16xf32, #tpu.memory_space<vmem>>, %arg7: memref<8x256x1024xf32, #tpu.memory_space<vmem>>) attributes {dimension_semantics = [#tpu.dimension_semantics<arbitrary>, #tpu.dimension_semantics<arbitrary>], iteration_bounds = array<i64: 8, 8>, scalar_prefetch = 0 : i64, scratch_operands = 1 : i64, tpu.core_type = #tpu.core_type<tc>, window_params = [{transform_indices = @transform_0, window_bounds = array<i64: 256, 1024>}, {transform_indices = @transform_1, window_bounds = array<i64: 1024, 1024>}, {transform_indices = @transform_2, window_bounds = array<i64: 1, 1024>}, {transform_indices = @transform_3, window_bounds = array<i64: 256, 1024>}, {transform_indices = @transform_4, window_bounds = array<i64: 1, 256, 16>}]} {
    %get3A = arith.constant 0 : index
    %get3A_0 = arith.constant 0 : index
    %get3A_1 = vector.load %arg2[%get3A, %get3A_0] : memref<256x1024xf32, #tpu.memory_space<vmem>>, vector<256x1024xf32>
    %get3A_2 = arith.constant 0 : index
    %get3A_3 = arith.constant 0 : index
    %get3A_4 = vector.load %arg3[%get3A_2, %get3A_3] : memref<1024x1024xf32, #tpu.memory_space<vmem>>, vector<1024x1024xf32>
    %dot_general3A = arith.constant dense<0.000000e+00> : vector<256x1024xf32>
    %dot_general3A_5 = tpu.matmul %get3A_1, %get3A_4, %dot_general3A {dimension_numbers = #tpu.dot_dimension_numbers<[1], [1], [0], [0], [0, 0, 1, 0], [], []>, transpose_lhs_hint = false} : vector<256x1024xf32>, vector<1024x1024xf32>, vector<256x1024xf32> -> vector<256x1024xf32>
    %get3A_6 = arith.constant 0 : index
    %get3A_7 = arith.constant 0 : index
    %get3A_8 = vector.load %arg4[%get3A_6, %get3A_7] : memref<1x1024xf32, #tpu.memory_space<vmem>>, vector<1x1024xf32>
    %add3A = vector.broadcast %get3A_8 : vector<1x1024xf32> to vector<256x1024xf32>
    %add3A_9 = arith.addf %dot_general3A_5, %add3A : vector<256x1024xf32>
    %swap3A = arith.index_cast %arg1 : i32 to index
    %swap3A_10 = arith.constant 0 : index
    %swap3A_11 = arith.constant 0 : index
    %swap3A_12 = vector.load %arg7[%swap3A, %swap3A_10, %swap3A_11] : memref<8x256x1024xf32, #tpu.memory_space<vmem>>, vector<1x256x1024xf32>
    %swap3A_13 = vector.shape_cast %swap3A_12 : vector<1x256x1024xf32> to vector<256x1024xf32>
    %swap3A_14 = vector.shape_cast %add3A_9 : vector<256x1024xf32> to vector<1x256x1024xf32>
    tpu.vector_store %arg7[%swap3A, %swap3A_10, %swap3A_11], %swap3A_14 {strides = array<i32>} : memref<8x256x1024xf32, #tpu.memory_space<vmem>>, vector<1x256x1024xf32>,
    %swap3A_15 = arith.constant 0 : index
    %swap3A_16 = arith.constant 0 : index
    %swap3A_17 = vector.load %arg5[%swap3A_15, %swap3A_16] : memref<256x1024xf32, #tpu.memory_space<vmem>>, vector<256x1024xf32>
    tpu.vector_store %arg5[%swap3A_15, %swap3A_16], %add3A_9 {strides = array<i32>} : memref<256x1024xf32, #tpu.memory_space<vmem>>, vector<256x1024xf32>,
    %eq3A = arith.constant 7 : i32
    %eq3A_18 = arith.cmpi eq, %arg1, %eq3A : i32
    %convert_element_type3A = arith.extui %eq3A_18 : i1 to i32
    %cond3A = arith.constant 0 : i32
    %cond3A_19 = arith.cmpi ne, %convert_element_type3A, %cond3A : i32
    scf.if %cond3A_19 {
      %get3A_20 = arith.constant 0 : index
      %get3A_21 = arith.constant 0 : index
      %get3A_22 = arith.constant 0 : index
      %get3A_23 = vector.load %arg7[%get3A_20, %get3A_21, %get3A_22] : memref<8x256x1024xf32, #tpu.memory_space<vmem>>, vector<8x256x1024xf32>
      %get3A_24 = arith.constant 0 : index
      %get3A_25 = arith.constant 0 : index
      %get3A_26 = arith.constant 0 : index
      %get3A_27 = vector.load %arg7[%get3A_24, %get3A_25, %get3A_26] : memref<8x256x1024xf32, #tpu.memory_space<vmem>>, vector<1x256x1024xf32>
      %get3A_28 = vector.shape_cast %get3A_27 : vector<1x256x1024xf32> to vector<256x1024xf32>
      %slice3A = vector.extract_strided_slice %get3A_28 {offsets = [0, 0], sizes = [256, 256], strides = [1, 1]} : vector<256x1024xf32> to vector<256x256xf32>
      %reduce_max3A = arith.constant dense<0xFF800000> : vector<256xf32>
      %reduce_max3A_29 = vector.multi_reduction <maximumf>, %slice3A, %reduce_max3A [1] : vector<256x256xf32> to vector<256xf32>
      %broadcast_in_dim3A = vector.shape_cast %reduce_max3A_29 : vector<256xf32> to vector<256x1xf32>
      %slice3A_30 = vector.extract_strided_slice %get3A_28 {offsets = [0, 256], sizes = [256, 256], strides = [1, 1]} : vector<256x1024xf32> to vector<256x256xf32>
      %reduce_max3A_31 = arith.constant dense<0xFF800000> : vector<256xf32>
      %reduce_max3A_32 = vector.multi_reduction <maximumf>, %slice3A_30, %reduce_max3A_31 [1] : vector<256x256xf32> to vector<256xf32>
      %broadcast_in_dim3A_33 = vector.shape_cast %reduce_max3A_32 : vector<256xf32> to vector<256x1xf32>
      %slice3A_34 = vector.extract_strided_slice %get3A_28 {offsets = [0, 512], sizes = [256, 256], strides = [1, 1]} : vector<256x1024xf32> to vector<256x256xf32>
      %reduce_max3A_35 = arith.constant dense<0xFF800000> : vector<256xf32>
      %reduce_max3A_36 = vector.multi_reduction <maximumf>, %slice3A_34, %reduce_max3A_35 [1] : vector<256x256xf32> to vector<256xf32>
      %broadcast_in_dim3A_37 = vector.shape_cast %reduce_max3A_36 : vector<256xf32> to vector<256x1xf32>
      %slice3A_38 = vector.extract_strided_slice %get3A_28 {offsets = [0, 768], sizes = [256, 256], strides = [1, 1]} : vector<256x1024xf32> to vector<256x256xf32>
      %reduce_max3A_39 = arith.constant dense<0xFF800000> : vector<256xf32>
      %reduce_max3A_40 = vector.multi_reduction <maximumf>, %slice3A_38, %reduce_max3A_39 [1] : vector<256x256xf32> to vector<256xf32>
      %broadcast_in_dim3A_41 = vector.shape_cast %reduce_max3A_40 : vector<256xf32> to vector<256x1xf32>
      %get3A_42 = arith.constant 1 : index
      %get3A_43 = arith.constant 0 : index
      %get3A_44 = arith.constant 0 : index
      %get3A_45 = vector.load %arg7[%get3A_42, %get3A_43, %get3A_44] : memref<8x256x1024xf32, #tpu.memory_space<vmem>>, vector<1x256x1024xf32>
      %get3A_46 = vector.shape_cast %get3A_45 : vector<1x256x1024xf32> to vector<256x1024xf32>
      %slice3A_47 = vector.extract_strided_slice %get3A_46 {offsets = [0, 0], sizes = [256, 256], strides = [1, 1]} : vector<256x1024xf32> to vector<256x256xf32>
      %reduce_max3A_48 = arith.constant dense<0xFF800000> : vector<256xf32>
      %reduce_max3A_49 = vector.multi_reduction <maximumf>, %slice3A_47, %reduce_max3A_48 [1] : vector<256x256xf32> to vector<256xf32>
      %broadcast_in_dim3A_50 = vector.shape_cast %reduce_max3A_49 : vector<256xf32> to vector<256x1xf32>
      %slice3A_51 = vector.extract_strided_slice %get3A_46 {offsets = [0, 256], sizes = [256, 256], strides = [1, 1]} : vector<256x1024xf32> to vector<256x256xf32>
      %reduce_max3A_52 = arith.constant dense<0xFF800000> : vector<256xf32>
      %reduce_max3A_53 = vector.multi_reduction <maximumf>, %slice3A_51, %reduce_max3A_52 [1] : vector<256x256xf32> to vector<256xf32>
      %broadcast_in_dim3A_54 = vector.shape_cast %reduce_max3A_53 : vector<256xf32> to vector<256x1xf32>
      %slice3A_55 = vector.extract_strided_slice %get3A_46 {offsets = [0, 512], sizes = [256, 256], strides = [1, 1]} : vector<256x1024xf32> to vector<256x256xf32>
      %reduce_max3A_56 = arith.constant dense<0xFF800000> : vector<256xf32>
      %reduce_max3A_57 = vector.multi_reduction <maximumf>, %slice3A_55, %reduce_max3A_56 [1] : vector<256x256xf32> to vector<256xf32>
      %broadcast_in_dim3A_58 = vector.shape_cast %reduce_max3A_57 : vector<256xf32> to vector<256x1xf32>
      %slice3A_59 = vector.extract_strided_slice %get3A_46 {offsets = [0, 768], sizes = [256, 256], strides = [1, 1]} : vector<256x1024xf32> to vector<256x256xf32>
      %reduce_max3A_60 = arith.constant dense<0xFF800000> : vector<256xf32>
      %reduce_max3A_61 = vector.multi_reduction <maximumf>, %slice3A_59, %reduce_max3A_60 [1] : vector<256x256xf32> to vector<256xf32>
      %broadcast_in_dim3A_62 = vector.shape_cast %reduce_max3A_61 : vector<256xf32> to vector<256x1xf32>
      %get3A_63 = arith.constant 2 : index
      %get3A_64 = arith.constant 0 : index
      %get3A_65 = arith.constant 0 : index
      %get3A_66 = vector.load %arg7[%get3A_63, %get3A_64, %get3A_65] : memref<8x256x1024xf32, #tpu.memory_space<vmem>>, vector<1x256x1024xf32>
      %get3A_67 = vector.shape_cast %get3A_66 : vector<1x256x1024xf32> to vector<256x1024xf32>
      %slice3A_68 = vector.extract_strided_slice %get3A_67 {offsets = [0, 0], sizes = [256, 256], strides = [1, 1]} : vector<256x1024xf32> to vector<256x256xf32>
      %reduce_max3A_69 = arith.constant dense<0xFF800000> : vector<256xf32>
      %reduce_max3A_70 = vector.multi_reduction <maximumf>, %slice3A_68, %reduce_max3A_69 [1] : vector<256x256xf32> to vector<256xf32>
      %broadcast_in_dim3A_71 = vector.shape_cast %reduce_max3A_70 : vector<256xf32> to vector<256x1xf32>
      %slice3A_72 = vector.extract_strided_slice %get3A_67 {offsets = [0, 256], sizes = [256, 256], strides = [1, 1]} : vector<256x1024xf32> to vector<256x256xf32>
      %reduce_max3A_73 = arith.constant dense<0xFF800000> : vector<256xf32>
      %reduce_max3A_74 = vector.multi_reduction <maximumf>, %slice3A_72, %reduce_max3A_73 [1] : vector<256x256xf32> to vector<256xf32>
      %broadcast_in_dim3A_75 = vector.shape_cast %reduce_max3A_74 : vector<256xf32> to vector<256x1xf32>
      %slice3A_76 = vector.extract_strided_slice %get3A_67 {offsets = [0, 512], sizes = [256, 256], strides = [1, 1]} : vector<256x1024xf32> to vector<256x256xf32>
      %reduce_max3A_77 = arith.constant dense<0xFF800000> : vector<256xf32>
      %reduce_max3A_78 = vector.multi_reduction <maximumf>, %slice3A_76, %reduce_max3A_77 [1] : vector<256x256xf32> to vector<256xf32>
      %broadcast_in_dim3A_79 = vector.shape_cast %reduce_max3A_78 : vector<256xf32> to vector<256x1xf32>
      %slice3A_80 = vector.extract_strided_slice %get3A_67 {offsets = [0, 768], sizes = [256, 256], strides = [1, 1]} : vector<256x1024xf32> to vector<256x256xf32>
      %reduce_max3A_81 = arith.constant dense<0xFF800000> : vector<256xf32>
      %reduce_max3A_82 = vector.multi_reduction <maximumf>, %slice3A_80, %reduce_max3A_81 [1] : vector<256x256xf32> to vector<256xf32>
      %broadcast_in_dim3A_83 = vector.shape_cast %reduce_max3A_82 : vector<256xf32> to vector<256x1xf32>
      %get3A_84 = arith.constant 3 : index
      %get3A_85 = arith.constant 0 : index
      %get3A_86 = arith.constant 0 : index
      %get3A_87 = vector.load %arg7[%get3A_84, %get3A_85, %get3A_86] : memref<8x256x1024xf32, #tpu.memory_space<vmem>>, vector<1x256x1024xf32>
      %get3A_88 = vector.shape_cast %get3A_87 : vector<1x256x1024xf32> to vector<256x1024xf32>
      %slice3A_89 = vector.extract_strided_slice %get3A_88 {offsets = [0, 0], sizes = [256, 256], strides = [1, 1]} : vector<256x1024xf32> to vector<256x256xf32>
      %reduce_max3A_90 = arith.constant dense<0xFF800000> : vector<256xf32>
      %reduce_max3A_91 = vector.multi_reduction <maximumf>, %slice3A_89, %reduce_max3A_90 [1] : vector<256x256xf32> to vector<256xf32>
      %broadcast_in_dim3A_92 = vector.shape_cast %reduce_max3A_91 : vector<256xf32> to vector<256x1xf32>
      %slice3A_93 = vector.extract_strided_slice %get3A_88 {offsets = [0, 256], sizes = [256, 256], strides = [1, 1]} : vector<256x1024xf32> to vector<256x256xf32>
      %reduce_max3A_94 = arith.constant dense<0xFF800000> : vector<256xf32>
      %reduce_max3A_95 = vector.multi_reduction <maximumf>, %slice3A_93, %reduce_max3A_94 [1] : vector<256x256xf32> to vector<256xf32>
      %broadcast_in_dim3A_96 = vector.shape_cast %reduce_max3A_95 : vector<256xf32> to vector<256x1xf32>
      %slice3A_97 = vector.extract_strided_slice %get3A_88 {offsets = [0, 512], sizes = [256, 256], strides = [1, 1]} : vector<256x1024xf32> to vector<256x256xf32>
      %reduce_max3A_98 = arith.constant dense<0xFF800000> : vector<256xf32>
      %reduce_max3A_99 = vector.multi_reduction <maximumf>, %slice3A_97, %reduce_max3A_98 [1] : vector<256x256xf32> to vector<256xf32>
      %broadcast_in_dim3A_100 = vector.shape_cast %reduce_max3A_99 : vector<256xf32> to vector<256x1xf32>
      %slice3A_101 = vector.extract_strided_slice %get3A_88 {offsets = [0, 768], sizes = [256, 256], strides = [1, 1]} : vector<256x1024xf32> to vector<256x256xf32>
      %reduce_max3A_102 = arith.constant dense<0xFF800000> : vector<256xf32>
      %reduce_max3A_103 = vector.multi_reduction <maximumf>, %slice3A_101, %reduce_max3A_102 [1] : vector<256x256xf32> to vector<256xf32>
      %broadcast_in_dim3A_104 = vector.shape_cast %reduce_max3A_103 : vector<256xf32> to vector<256x1xf32>
      %get3A_105 = arith.constant 4 : index
      %get3A_106 = arith.constant 0 : index
      %get3A_107 = arith.constant 0 : index
      %get3A_108 = vector.load %arg7[%get3A_105, %get3A_106, %get3A_107] : memref<8x256x1024xf32, #tpu.memory_space<vmem>>, vector<1x256x1024xf32>
      %get3A_109 = vector.shape_cast %get3A_108 : vector<1x256x1024xf32> to vector<256x1024xf32>
      %slice3A_110 = vector.extract_strided_slice %get3A_109 {offsets = [0, 0], sizes = [256, 256], strides = [1, 1]} : vector<256x1024xf32> to vector<256x256xf32>
      %reduce_max3A_111 = arith.constant dense<0xFF800000> : vector<256xf32>
      %reduce_max3A_112 = vector.multi_reduction <maximumf>, %slice3A_110, %reduce_max3A_111 [1] : vector<256x256xf32> to vector<256xf32>
      %broadcast_in_dim3A_113 = vector.shape_cast %reduce_max3A_112 : vector<256xf32> to vector<256x1xf32>
      %slice3A_114 = vector.extract_strided_slice %get3A_109 {offsets = [0, 256], sizes = [256, 256], strides = [1, 1]} : vector<256x1024xf32> to vector<256x256xf32>
      %reduce_max3A_115 = arith.constant dense<0xFF800000> : vector<256xf32>
      %reduce_max3A_116 = vector.multi_reduction <maximumf>, %slice3A_114, %reduce_max3A_115 [1] : vector<256x256xf32> to vector<256xf32>
      %broadcast_in_dim3A_117 = vector.shape_cast %reduce_max3A_116 : vector<256xf32> to vector<256x1xf32>
      %slice3A_118 = vector.extract_strided_slice %get3A_109 {offsets = [0, 512], sizes = [256, 256], strides = [1, 1]} : vector<256x1024xf32> to vector<256x256xf32>
      %reduce_max3A_119 = arith.constant dense<0xFF800000> : vector<256xf32>
      %reduce_max3A_120 = vector.multi_reduction <maximumf>, %slice3A_118, %reduce_max3A_119 [1] : vector<256x256xf32> to vector<256xf32>
      %broadcast_in_dim3A_121 = vector.shape_cast %reduce_max3A_120 : vector<256xf32> to vector<256x1xf32>
      %slice3A_122 = vector.extract_strided_slice %get3A_109 {offsets = [0, 768], sizes = [256, 256], strides = [1, 1]} : vector<256x1024xf32> to vector<256x256xf32>
      %reduce_max3A_123 = arith.constant dense<0xFF800000> : vector<256xf32>
      %reduce_max3A_124 = vector.multi_reduction <maximumf>, %slice3A_122, %reduce_max3A_123 [1] : vector<256x256xf32> to vector<256xf32>
      %broadcast_in_dim3A_125 = vector.shape_cast %reduce_max3A_124 : vector<256xf32> to vector<256x1xf32>
      %get3A_126 = arith.constant 5 : index
      %get3A_127 = arith.constant 0 : index
      %get3A_128 = arith.constant 0 : index
      %get3A_129 = vector.load %arg7[%get3A_126, %get3A_127, %get3A_128] : memref<8x256x1024xf32, #tpu.memory_space<vmem>>, vector<1x256x1024xf32>
      %get3A_130 = vector.shape_cast %get3A_129 : vector<1x256x1024xf32> to vector<256x1024xf32>
      %slice3A_131 = vector.extract_strided_slice %get3A_130 {offsets = [0, 0], sizes = [256, 256], strides = [1, 1]} : vector<256x1024xf32> to vector<256x256xf32>
      %reduce_max3A_132 = arith.constant dense<0xFF800000> : vector<256xf32>
      %reduce_max3A_133 = vector.multi_reduction <maximumf>, %slice3A_131, %reduce_max3A_132 [1] : vector<256x256xf32> to vector<256xf32>
      %broadcast_in_dim3A_134 = vector.shape_cast %reduce_max3A_133 : vector<256xf32> to vector<256x1xf32>
      %slice3A_135 = vector.extract_strided_slice %get3A_130 {offsets = [0, 256], sizes = [256, 256], strides = [1, 1]} : vector<256x1024xf32> to vector<256x256xf32>
      %reduce_max3A_136 = arith.constant dense<0xFF800000> : vector<256xf32>
      %reduce_max3A_137 = vector.multi_reduction <maximumf>, %slice3A_135, %reduce_max3A_136 [1] : vector<256x256xf32> to vector<256xf32>
      %broadcast_in_dim3A_138 = vector.shape_cast %reduce_max3A_137 : vector<256xf32> to vector<256x1xf32>
      %slice3A_139 = vector.extract_strided_slice %get3A_130 {offsets = [0, 512], sizes = [256, 256], strides = [1, 1]} : vector<256x1024xf32> to vector<256x256xf32>
      %reduce_max3A_140 = arith.constant dense<0xFF800000> : vector<256xf32>
      %reduce_max3A_141 = vector.multi_reduction <maximumf>, %slice3A_139, %reduce_max3A_140 [1] : vector<256x256xf32> to vector<256xf32>
      %broadcast_in_dim3A_142 = vector.shape_cast %reduce_max3A_141 : vector<256xf32> to vector<256x1xf32>
      %slice3A_143 = vector.extract_strided_slice %get3A_130 {offsets = [0, 768], sizes = [256, 256], strides = [1, 1]} : vector<256x1024xf32> to vector<256x256xf32>
      %reduce_max3A_144 = arith.constant dense<0xFF800000> : vector<256xf32>
      %reduce_max3A_145 = vector.multi_reduction <maximumf>, %slice3A_143, %reduce_max3A_144 [1] : vector<256x256xf32> to vector<256xf32>
      %broadcast_in_dim3A_146 = vector.shape_cast %reduce_max3A_145 : vector<256xf32> to vector<256x1xf32>
      %get3A_147 = arith.constant 6 : index
      %get3A_148 = arith.constant 0 : index
      %get3A_149 = arith.constant 0 : index
      %get3A_150 = vector.load %arg7[%get3A_147, %get3A_148, %get3A_149] : memref<8x256x1024xf32, #tpu.memory_space<vmem>>, vector<1x256x1024xf32>
      %get3A_151 = vector.shape_cast %get3A_150 : vector<1x256x1024xf32> to vector<256x1024xf32>
      %slice3A_152 = vector.extract_strided_slice %get3A_151 {offsets = [0, 0], sizes = [256, 256], strides = [1, 1]} : vector<256x1024xf32> to vector<256x256xf32>
      %reduce_max3A_153 = arith.constant dense<0xFF800000> : vector<256xf32>
      %reduce_max3A_154 = vector.multi_reduction <maximumf>, %slice3A_152, %reduce_max3A_153 [1] : vector<256x256xf32> to vector<256xf32>
      %broadcast_in_dim3A_155 = vector.shape_cast %reduce_max3A_154 : vector<256xf32> to vector<256x1xf32>
      %slice3A_156 = vector.extract_strided_slice %get3A_151 {offsets = [0, 256], sizes = [256, 256], strides = [1, 1]} : vector<256x1024xf32> to vector<256x256xf32>
      %reduce_max3A_157 = arith.constant dense<0xFF800000> : vector<256xf32>
      %reduce_max3A_158 = vector.multi_reduction <maximumf>, %slice3A_156, %reduce_max3A_157 [1] : vector<256x256xf32> to vector<256xf32>
      %broadcast_in_dim3A_159 = vector.shape_cast %reduce_max3A_158 : vector<256xf32> to vector<256x1xf32>
      %slice3A_160 = vector.extract_strided_slice %get3A_151 {offsets = [0, 512], sizes = [256, 256], strides = [1, 1]} : vector<256x1024xf32> to vector<256x256xf32>
      %reduce_max3A_161 = arith.constant dense<0xFF800000> : vector<256xf32>
      %reduce_max3A_162 = vector.multi_reduction <maximumf>, %slice3A_160, %reduce_max3A_161 [1] : vector<256x256xf32> to vector<256xf32>
      %broadcast_in_dim3A_163 = vector.shape_cast %reduce_max3A_162 : vector<256xf32> to vector<256x1xf32>
      %slice3A_164 = vector.extract_strided_slice %get3A_151 {offsets = [0, 768], sizes = [256, 256], strides = [1, 1]} : vector<256x1024xf32> to vector<256x256xf32>
      %reduce_max3A_165 = arith.constant dense<0xFF800000> : vector<256xf32>
      %reduce_max3A_166 = vector.multi_reduction <maximumf>, %slice3A_164, %reduce_max3A_165 [1] : vector<256x256xf32> to vector<256xf32>
      %broadcast_in_dim3A_167 = vector.shape_cast %reduce_max3A_166 : vector<256xf32> to vector<256x1xf32>
      %get3A_168 = arith.constant 7 : index
      %get3A_169 = arith.constant 0 : index
      %get3A_170 = arith.constant 0 : index
      %get3A_171 = vector.load %arg7[%get3A_168, %get3A_169, %get3A_170] : memref<8x256x1024xf32, #tpu.memory_space<vmem>>, vector<1x256x1024xf32>
      %get3A_172 = vector.shape_cast %get3A_171 : vector<1x256x1024xf32> to vector<256x1024xf32>
      %slice3A_173 = vector.extract_strided_slice %get3A_172 {offsets = [0, 0], sizes = [256, 256], strides = [1, 1]} : vector<256x1024xf32> to vector<256x256xf32>
      %reduce_max3A_174 = arith.constant dense<0xFF800000> : vector<256xf32>
      %reduce_max3A_175 = vector.multi_reduction <maximumf>, %slice3A_173, %reduce_max3A_174 [1] : vector<256x256xf32> to vector<256xf32>
      %broadcast_in_dim3A_176 = vector.shape_cast %reduce_max3A_175 : vector<256xf32> to vector<256x1xf32>
      %slice3A_177 = vector.extract_strided_slice %get3A_172 {offsets = [0, 256], sizes = [256, 256], strides = [1, 1]} : vector<256x1024xf32> to vector<256x256xf32>
      %reduce_max3A_178 = arith.constant dense<0xFF800000> : vector<256xf32>
      %reduce_max3A_179 = vector.multi_reduction <maximumf>, %slice3A_177, %reduce_max3A_178 [1] : vector<256x256xf32> to vector<256xf32>
      %broadcast_in_dim3A_180 = vector.shape_cast %reduce_max3A_179 : vector<256xf32> to vector<256x1xf32>
      %slice3A_181 = vector.extract_strided_slice %get3A_172 {offsets = [0, 512], sizes = [256, 256], strides = [1, 1]} : vector<256x1024xf32> to vector<256x256xf32>
      %reduce_max3A_182 = arith.constant dense<0xFF800000> : vector<256xf32>
      %reduce_max3A_183 = vector.multi_reduction <maximumf>, %slice3A_181, %reduce_max3A_182 [1] : vector<256x256xf32> to vector<256xf32>
      %broadcast_in_dim3A_184 = vector.shape_cast %reduce_max3A_183 : vector<256xf32> to vector<256x1xf32>
      %slice3A_185 = vector.extract_strided_slice %get3A_172 {offsets = [0, 768], sizes = [256, 256], strides = [1, 1]} : vector<256x1024xf32> to vector<256x256xf32>
      %reduce_max3A_186 = arith.constant dense<0xFF800000> : vector<256xf32>
      %reduce_max3A_187 = vector.multi_reduction <maximumf>, %slice3A_185, %reduce_max3A_186 [1] : vector<256x256xf32> to vector<256xf32>
      %broadcast_in_dim3A_188 = vector.shape_cast %reduce_max3A_187 : vector<256xf32> to vector<256x1xf32>
      %min3A = arith.minimumf %broadcast_in_dim3A, %broadcast_in_dim3A_33 : vector<256x1xf32>
      %max3A = arith.maximumf %broadcast_in_dim3A, %broadcast_in_dim3A_33 : vector<256x1xf32>
      %min3A_189 = arith.minimumf %min3A, %broadcast_in_dim3A_37 : vector<256x1xf32>
      %max3A_190 = arith.maximumf %max3A, %broadcast_in_dim3A_37 : vector<256x1xf32>
      %min3A_191 = arith.minimumf %min3A_189, %broadcast_in_dim3A_41 : vector<256x1xf32>
      %max3A_192 = arith.maximumf %max3A_190, %broadcast_in_dim3A_41 : vector<256x1xf32>
      %min3A_193 = arith.minimumf %min3A_191, %broadcast_in_dim3A_50 : vector<256x1xf32>
      %max3A_194 = arith.maximumf %max3A_192, %broadcast_in_dim3A_50 : vector<256x1xf32>
      %min3A_195 = arith.minimumf %min3A_193, %broadcast_in_dim3A_54 : vector<256x1xf32>
      %max3A_196 = arith.maximumf %max3A_194, %broadcast_in_dim3A_54 : vector<256x1xf32>
      %min3A_197 = arith.minimumf %min3A_195, %broadcast_in_dim3A_58 : vector<256x1xf32>
      %max3A_198 = arith.maximumf %max3A_196, %broadcast_in_dim3A_58 : vector<256x1xf32>
      %min3A_199 = arith.minimumf %min3A_197, %broadcast_in_dim3A_62 : vector<256x1xf32>
      %max3A_200 = arith.maximumf %max3A_198, %broadcast_in_dim3A_62 : vector<256x1xf32>
      %min3A_201 = arith.minimumf %min3A_199, %broadcast_in_dim3A_71 : vector<256x1xf32>
      %max3A_202 = arith.maximumf %max3A_200, %broadcast_in_dim3A_71 : vector<256x1xf32>
      %min3A_203 = arith.minimumf %min3A_201, %broadcast_in_dim3A_75 : vector<256x1xf32>
      %max3A_204 = arith.maximumf %max3A_202, %broadcast_in_dim3A_75 : vector<256x1xf32>
      %min3A_205 = arith.minimumf %min3A_203, %broadcast_in_dim3A_79 : vector<256x1xf32>
      %max3A_206 = arith.maximumf %max3A_204, %broadcast_in_dim3A_79 : vector<256x1xf32>
      %min3A_207 = arith.minimumf %min3A_205, %broadcast_in_dim3A_83 : vector<256x1xf32>
      %max3A_208 = arith.maximumf %max3A_206, %broadcast_in_dim3A_83 : vector<256x1xf32>
      %min3A_209 = arith.minimumf %min3A_207, %broadcast_in_dim3A_92 : vector<256x1xf32>
      %max3A_210 = arith.maximumf %max3A_208, %broadcast_in_dim3A_92 : vector<256x1xf32>
      %min3A_211 = arith.minimumf %min3A_209, %broadcast_in_dim3A_96 : vector<256x1xf32>
      %max3A_212 = arith.maximumf %max3A_210, %broadcast_in_dim3A_96 : vector<256x1xf32>
      %min3A_213 = arith.minimumf %min3A_211, %broadcast_in_dim3A_100 : vector<256x1xf32>
      %max3A_214 = arith.maximumf %max3A_212, %broadcast_in_dim3A_100 : vector<256x1xf32>
      %min3A_215 = arith.minimumf %min3A_213, %broadcast_in_dim3A_104 : vector<256x1xf32>
      %max3A_216 = arith.maximumf %max3A_214, %broadcast_in_dim3A_104 : vector<256x1xf32>
      %min3A_217 = arith.minimumf %min3A_215, %broadcast_in_dim3A_113 : vector<256x1xf32>
      %max3A_218 = arith.maximumf %max3A_216, %broadcast_in_dim3A_113 : vector<256x1xf32>
      %min3A_219 = arith.minimumf %min3A_217, %broadcast_in_dim3A_117 : vector<256x1xf32>
      %max3A_220 = arith.maximumf %max3A_218, %broadcast_in_dim3A_117 : vector<256x1xf32>
      %min3A_221 = arith.minimumf %min3A_219, %broadcast_in_dim3A_121 : vector<256x1xf32>
      %max3A_222 = arith.maximumf %max3A_220, %broadcast_in_dim3A_121 : vector<256x1xf32>
      %min3A_223 = arith.minimumf %min3A_221, %broadcast_in_dim3A_125 : vector<256x1xf32>
      %max3A_224 = arith.maximumf %max3A_222, %broadcast_in_dim3A_125 : vector<256x1xf32>
      %min3A_225 = arith.minimumf %min3A_223, %broadcast_in_dim3A_134 : vector<256x1xf32>
      %max3A_226 = arith.maximumf %max3A_224, %broadcast_in_dim3A_134 : vector<256x1xf32>
      %min3A_227 = arith.minimumf %min3A_225, %broadcast_in_dim3A_138 : vector<256x1xf32>
      %max3A_228 = arith.maximumf %max3A_226, %broadcast_in_dim3A_138 : vector<256x1xf32>
      %min3A_229 = arith.minimumf %min3A_227, %broadcast_in_dim3A_142 : vector<256x1xf32>
      %max3A_230 = arith.maximumf %max3A_228, %broadcast_in_dim3A_142 : vector<256x1xf32>
      %min3A_231 = arith.minimumf %min3A_229, %broadcast_in_dim3A_146 : vector<256x1xf32>
      %max3A_232 = arith.maximumf %max3A_230, %broadcast_in_dim3A_146 : vector<256x1xf32>
      %min3A_233 = arith.minimumf %min3A_231, %broadcast_in_dim3A_155 : vector<256x1xf32>
      %max3A_234 = arith.maximumf %max3A_232, %broadcast_in_dim3A_155 : vector<256x1xf32>
      %min3A_235 = arith.minimumf %min3A_233, %broadcast_in_dim3A_159 : vector<256x1xf32>
      %max3A_236 = arith.maximumf %max3A_234, %broadcast_in_dim3A_159 : vector<256x1xf32>
      %min3A_237 = arith.minimumf %min3A_235, %broadcast_in_dim3A_163 : vector<256x1xf32>
      %max3A_238 = arith.maximumf %max3A_236, %broadcast_in_dim3A_163 : vector<256x1xf32>
      %min3A_239 = arith.minimumf %min3A_237, %broadcast_in_dim3A_167 : vector<256x1xf32>
      %max3A_240 = arith.maximumf %max3A_238, %broadcast_in_dim3A_167 : vector<256x1xf32>
      %min3A_241 = arith.minimumf %min3A_239, %broadcast_in_dim3A_176 : vector<256x1xf32>
      %max3A_242 = arith.maximumf %max3A_240, %broadcast_in_dim3A_176 : vector<256x1xf32>
      %min3A_243 = arith.minimumf %min3A_241, %broadcast_in_dim3A_180 : vector<256x1xf32>
      %max3A_244 = arith.maximumf %max3A_242, %broadcast_in_dim3A_180 : vector<256x1xf32>
      %min3A_245 = arith.minimumf %min3A_243, %broadcast_in_dim3A_184 : vector<256x1xf32>
      %max3A_246 = arith.maximumf %max3A_244, %broadcast_in_dim3A_184 : vector<256x1xf32>
      %min3A_247 = arith.minimumf %min3A_245, %broadcast_in_dim3A_188 : vector<256x1xf32>
      %max3A_248 = arith.maximumf %max3A_246, %broadcast_in_dim3A_188 : vector<256x1xf32>
      %add3A_249 = arith.constant 3.200000e+01 : f32
      %add3A_250 = arith.constant 1.000000e+00 : f32
      %add3A_251 = arith.addf %add3A_249, %add3A_250 : f32
      %broadcast_in_dim3A_252 = vector.broadcast %add3A_251 : f32 to vector<256x1xf32>
      %while3A = arith.constant 3.200000e+01 : f32
      %while3A_253 = arith.constant 3.200000e+01 : f32
      %while3A_254 = arith.constant 0 : i32
      %while3A_255:4 = scf.while (%while3A_262 = %while3A_254, %while3A_263 = %min3A_247, %while3A_264 = %max3A_248, %while3A_265 = %broadcast_in_dim3A_252) : (i32, vector<256x1xf32>, vector<256x1xf32>, vector<256x1xf32>) -> (i32, vector<256x1xf32>, vector<256x1xf32>, vector<256x1xf32>) {
        %lt3A = arith.constant 40 : i32
        %lt3A_266 = arith.cmpi slt, %while3A_262, %lt3A : i32
        %ne3A = vector.broadcast %while3A : f32 to vector<256x1xf32>
        %ne3A_267 = arith.cmpf one, %while3A_265, %ne3A : vector<256x1xf32>
        %reduce_or3A = arith.constant 1.000000e+00 : f32
        %reduce_or3A_268 = arith.constant 0.000000e+00 : f32
        %reduce_or3A_269 = vector.broadcast %reduce_or3A : f32 to vector<256x1xf32>
        %reduce_or3A_270 = vector.broadcast %reduce_or3A_268 : f32 to vector<256x1xf32>
        %reduce_or3A_271 = arith.select %ne3A_267, %reduce_or3A_269, %reduce_or3A_270 : vector<256x1xi1>, vector<256x1xf32>
        %reduce_or3A_272 = vector.shape_cast %reduce_or3A_271 : vector<256x1xf32> to vector<1x256x1xf32>
        %reduce_or3A_273 = arith.constant dense<0xFF800000> : vector<1xf32>
        %reduce_or3A_274 = vector.multi_reduction <maximumf>, %reduce_or3A_272, %reduce_or3A_273 [1, 2] : vector<1x256x1xf32> to vector<1xf32>
        %reduce_or3A_275 = vector.shape_cast %reduce_or3A_274 : vector<1xf32> to vector<1x1x1xf32>
        %reduce_or3A_276 = vector.extract %reduce_or3A_275[0, 0, 0] : f32 from vector<1x1x1xf32>
        %reduce_or3A_277 = arith.constant 0.000000e+00 : f32
        %reduce_or3A_278 = arith.cmpf ogt, %reduce_or3A_276, %reduce_or3A_277 : f32
        %and3A = arith.andi %lt3A_266, %reduce_or3A_278 : i1
        scf.condition(%and3A) %while3A_262, %while3A_263, %while3A_264, %while3A_265 : i32, vector<256x1xf32>, vector<256x1xf32>, vector<256x1xf32>
      } do {
      ^bb0(%while3A_262: i32, %while3A_263: vector<256x1xf32>, %while3A_264: vector<256x1xf32>, %while3A_265: vector<256x1xf32>):
        %add3A_266 = arith.addf %while3A_263, %while3A_264 : vector<256x1xf32>
        %mul3A = arith.constant 5.000000e-01 : f32
        %mul3A_267 = vector.broadcast %mul3A : f32 to vector<256x1xf32>
        %mul3A_268 = arith.mulf %mul3A_267, %add3A_266 : vector<256x1xf32>
        %broadcast_in_dim3A_269 = vector.shape_cast %mul3A_268 : vector<256x1xf32> to vector<1x256x1xf32>
        %ge3A = vector.broadcast %broadcast_in_dim3A_269 : vector<1x256x1xf32> to vector<8x256x1024xf32>
        %ge3A_270 = arith.cmpf oge, %get3A_23, %ge3A : vector<8x256x1024xf32>
        %convert_element_type3A_271 = arith.extui %ge3A_270 : vector<8x256x1024xi1> to vector<8x256x1024xi32>
        %convert_element_type3A_272 = arith.sitofp %convert_element_type3A_271 : vector<8x256x1024xi32> to vector<8x256x1024xf32>
        %reduce_sum3A = arith.constant dense<0.000000e+00> : vector<8x256xf32>
        %reduce_sum3A_273 = vector.multi_reduction <add>, %convert_element_type3A_272, %reduce_sum3A [2] : vector<8x256x1024xf32> to vector<8x256xf32>
        %reduce_sum3A_274 = arith.constant dense<0.000000e+00> : vector<256xf32>
        %reduce_sum3A_275 = vector.multi_reduction <add>, %reduce_sum3A_273, %reduce_sum3A_274 [0] : vector<8x256xf32> to vector<256xf32>
        %broadcast_in_dim3A_276 = vector.shape_cast %reduce_sum3A_275 : vector<256xf32> to vector<256x1xf32>
        %ge3A_277 = vector.broadcast %while3A_253 : f32 to vector<256x1xf32>
        %ge3A_278 = arith.cmpf oge, %broadcast_in_dim3A_276, %ge3A_277 : vector<256x1xf32>
        %add3A_279 = arith.constant 1 : i32
        %add3A_280 = arith.addi %while3A_262, %add3A_279 : i32
        %select_n3A = arith.select %ge3A_278, %mul3A_268, %while3A_263 : vector<256x1xi1>, vector<256x1xf32>
        %select_n3A_281 = arith.select %ge3A_278, %while3A_264, %mul3A_268 : vector<256x1xi1>, vector<256x1xf32>
        %select_n3A_282 = arith.select %ge3A_278, %broadcast_in_dim3A_276, %while3A_265 : vector<256x1xi1>, vector<256x1xf32>
        scf.yield %add3A_280, %select_n3A, %select_n3A_281, %select_n3A_282 : i32, vector<256x1xf32>, vector<256x1xf32>, vector<256x1xf32>
      }
      %reshape3A = vector.shape_cast %while3A_255#1 : vector<256x1xf32> to vector<1x256x1xf32>
      %broadcast_in_dim3A_256 = vector.shape_cast %reshape3A : vector<1x256x1xf32> to vector<1x256x1xf32>
      %broadcast_in_dim3A_257 = vector.broadcast %broadcast_in_dim3A_256 : vector<1x256x1xf32> to vector<1x256x16xf32>
      %swap3A_258 = arith.constant 0 : index
      %swap3A_259 = arith.constant 0 : index
      %swap3A_260 = arith.constant 0 : index
      %swap3A_261 = vector.load %arg6[%swap3A_258, %swap3A_259, %swap3A_260] : memref<1x256x16xf32, #tpu.memory_space<vmem>>, vector<1x256x16xf32>
      tpu.vector_store %arg6[%swap3A_258, %swap3A_259, %swap3A_260], %broadcast_in_dim3A_257 {strides = array<i32>} : memref<1x256x16xf32, #tpu.memory_space<vmem>>, vector<1x256x16xf32>,
    } else {
    }
    return
  }
  func.func @transform_0(%arg0: i32, %arg1: i32) -> (i32, i32) {
    %c0_i32 = arith.constant 0 : i32
    %c0_i32_0 = arith.constant 0 : i32
    return %arg0, %c0_i32 : i32, i32
  }
  func.func @transform_1(%arg0: i32, %arg1: i32) -> (i32, i32) {
    %c0_i32 = arith.constant 0 : i32
    %c0_i32_0 = arith.constant 0 : i32
    return %arg1, %c0_i32 : i32, i32
  }
  func.func @transform_2(%arg0: i32, %arg1: i32) -> (i32, i32) {
    %c0_i32 = arith.constant 0 : i32
    %c0_i32_0 = arith.constant 0 : i32
    return %c0_i32, %arg1 : i32, i32
  }
  func.func @transform_3(%arg0: i32, %arg1: i32) -> (i32, i32) {
    %c0_i32 = arith.constant 0 : i32
    return %arg0, %arg1 : i32, i32
  }
  func.func @transform_4(%arg0: i32, %arg1: i32) -> (i32, i32, i32) {
    %c0_i32 = arith.constant 0 : i32
    %c0_i32_0 = arith.constant 0 : i32
    %c0_i32_1 = arith.constant 0 : i32
    return %arg0, %c0_i32, %c0_i32_0 : i32, i32, i32
  }
}

module attributes {stable_mosaic.version = 14 : i64} {
  func.func @_dec_kernel(%arg0: i32, %arg1: i32, %arg2: memref<256x1024xf32, #tpu.memory_space<vmem>>, %arg3: memref<1x256x16xf32, #tpu.memory_space<vmem>>, %arg4: memref<1024x1024xf32, #tpu.memory_space<vmem>>, %arg5: memref<1x1024xf32, #tpu.memory_space<vmem>>, %arg6: memref<256x1024xf32, #tpu.memory_space<vmem>>, %arg7: memref<256x1024xf32, #tpu.memory_space<vmem>>) attributes {dimension_semantics = [#tpu.dimension_semantics<arbitrary>, #tpu.dimension_semantics<arbitrary>], iteration_bounds = array<i64: 8, 8>, scalar_prefetch = 0 : i64, scratch_operands = 1 : i64, tpu.core_type = #tpu.core_type<tc>, window_params = [{transform_indices = @transform_0, window_bounds = array<i64: 256, 1024>}, {transform_indices = @transform_1, window_bounds = array<i64: 1, 256, 16>}, {transform_indices = @transform_2, window_bounds = array<i64: 1024, 1024>}, {pipeline_mode = #tpu.pipeline_mode<synchronous>, transform_indices = @transform_3, window_bounds = array<i64: 1, 1024>}, {transform_indices = @transform_4, window_bounds = array<i64: 256, 1024>}]} {
    %eq3A = arith.constant 0 : i32
    %eq3A_0 = arith.cmpi eq, %arg1, %eq3A : i32
    %convert_element_type3A = arith.extui %eq3A_0 : i1 to i32
    %cond3A = arith.constant 0 : i32
    %cond3A_1 = arith.cmpi ne, %convert_element_type3A, %cond3A : i32
    scf.if %cond3A_1 {
      %broadcast_in_dim3A_24 = arith.constant 0.000000e+00 : f32
      %broadcast_in_dim3A_25 = vector.broadcast %broadcast_in_dim3A_24 : f32 to vector<256x1024xf32>
      %swap3A_26 = arith.constant 0 : index
      %swap3A_27 = arith.constant 0 : index
      %swap3A_28 = vector.load %arg7[%swap3A_26, %swap3A_27] : memref<256x1024xf32, #tpu.memory_space<vmem>>, vector<256x1024xf32>
      tpu.vector_store %arg7[%swap3A_26, %swap3A_27], %broadcast_in_dim3A_25 {strides = array<i32>} : memref<256x1024xf32, #tpu.memory_space<vmem>>, vector<256x1024xf32>,
    } else {
    }
    %get3A = arith.constant 0 : index
    %get3A_2 = arith.constant 0 : index
    %get3A_3 = vector.load %arg2[%get3A, %get3A_2] : memref<256x1024xf32, #tpu.memory_space<vmem>>, vector<256x1024xf32>
    %get3A_4 = arith.constant 0 : index
    %get3A_5 = arith.constant 0 : index
    %get3A_6 = arith.constant 0 : index
    %get3A_7 = vector.load %arg3[%get3A_4, %get3A_5, %get3A_6] : memref<1x256x16xf32, #tpu.memory_space<vmem>>, vector<1x256x1xf32>
    %get3A_8 = vector.shape_cast %get3A_7 : vector<1x256x1xf32> to vector<256x1xf32>
    %ge3A = vector.broadcast %get3A_8 : vector<256x1xf32> to vector<256x1024xf32>
    %ge3A_9 = arith.cmpf oge, %get3A_3, %ge3A : vector<256x1024xf32>
    %jit3A = arith.constant 0.000000e+00 : f32
    %broadcast_in_dim3A = vector.broadcast %jit3A : f32 to vector<256x1024xf32>
    %select_n3A = arith.select %ge3A_9, %get3A_3, %broadcast_in_dim3A : vector<256x1024xi1>, vector<256x1024xf32>
    %get3A_10 = arith.constant 0 : index
    %get3A_11 = arith.constant 0 : index
    %get3A_12 = vector.load %arg7[%get3A_10, %get3A_11] : memref<256x1024xf32, #tpu.memory_space<vmem>>, vector<256x1024xf32>
    %get3A_13 = arith.constant 0 : index
    %get3A_14 = arith.constant 0 : index
    %get3A_15 = vector.load %arg4[%get3A_13, %get3A_14] : memref<1024x1024xf32, #tpu.memory_space<vmem>>, vector<1024x1024xf32>
    %dot_general3A = arith.constant dense<0.000000e+00> : vector<256x1024xf32>
    %dot_general3A_16 = tpu.matmul %select_n3A, %get3A_15, %dot_general3A {dimension_numbers = #tpu.dot_dimension_numbers<[1], [1], [0], [0], [0, 0, 1, 0], [], []>, transpose_lhs_hint = false} : vector<256x1024xf32>, vector<1024x1024xf32>, vector<256x1024xf32> -> vector<256x1024xf32>
    %add3A = arith.addf %get3A_12, %dot_general3A_16 : vector<256x1024xf32>
    %swap3A = arith.constant 0 : index
    %swap3A_17 = arith.constant 0 : index
    %swap3A_18 = vector.load %arg7[%swap3A, %swap3A_17] : memref<256x1024xf32, #tpu.memory_space<vmem>>, vector<256x1024xf32>
    tpu.vector_store %arg7[%swap3A, %swap3A_17], %add3A {strides = array<i32>} : memref<256x1024xf32, #tpu.memory_space<vmem>>, vector<256x1024xf32>,
    %eq3A_19 = arith.constant 7 : i32
    %eq3A_20 = arith.cmpi eq, %arg1, %eq3A_19 : i32
    %convert_element_type3A_21 = arith.extui %eq3A_20 : i1 to i32
    %cond3A_22 = arith.constant 0 : i32
    %cond3A_23 = arith.cmpi ne, %convert_element_type3A_21, %cond3A_22 : i32
    scf.if %cond3A_23 {
      %get3A_24 = arith.constant 0 : index
      %get3A_25 = arith.constant 0 : index
      %get3A_26 = vector.load %arg7[%get3A_24, %get3A_25] : memref<256x1024xf32, #tpu.memory_space<vmem>>, vector<256x1024xf32>
      %get3A_27 = arith.constant 0 : index
      %get3A_28 = arith.constant 0 : index
      %get3A_29 = vector.load %arg5[%get3A_27, %get3A_28] : memref<1x1024xf32, #tpu.memory_space<vmem>>, vector<1x1024xf32>
      %add3A_30 = vector.broadcast %get3A_29 : vector<1x1024xf32> to vector<256x1024xf32>
      %add3A_31 = arith.addf %get3A_26, %add3A_30 : vector<256x1024xf32>
      %swap3A_32 = arith.constant 0 : index
      %swap3A_33 = arith.constant 0 : index
      %swap3A_34 = vector.load %arg6[%swap3A_32, %swap3A_33] : memref<256x1024xf32, #tpu.memory_space<vmem>>, vector<256x1024xf32>
      tpu.vector_store %arg6[%swap3A_32, %swap3A_33], %add3A_31 {strides = array<i32>} : memref<256x1024xf32, #tpu.memory_space<vmem>>, vector<256x1024xf32>,
    } else {
    }
    return
  }
  func.func @transform_0(%arg0: i32, %arg1: i32) -> (i32, i32) {
    %c0_i32 = arith.constant 0 : i32
    return %arg0, %arg1 : i32, i32
  }
  func.func @transform_1(%arg0: i32, %arg1: i32) -> (i32, i32, i32) {
    %c0_i32 = arith.constant 0 : i32
    %c0_i32_0 = arith.constant 0 : i32
    %c0_i32_1 = arith.constant 0 : i32
    return %arg0, %c0_i32, %c0_i32_0 : i32, i32, i32
  }
  func.func @transform_2(%arg0: i32, %arg1: i32) -> (i32, i32) {
    %c0_i32 = arith.constant 0 : i32
    %c0_i32_0 = arith.constant 0 : i32
    return %c0_i32, %arg1 : i32, i32
  }
  func.func @transform_3(%arg0: i32, %arg1: i32) -> (i32, i32) {
    %c0_i32 = arith.constant 0 : i32
    %c0_i32_0 = arith.constant 0 : i32
    %c0_i32_1 = arith.constant 0 : i32
    return %c0_i32, %c0_i32_0 : i32, i32
  }
  func.func @transform_4(%arg0: i32, %arg1: i32) -> (i32, i32) {
    %c0_i32 = arith.constant 0 : i32
    %c0_i32_0 = arith.constant 0 : i32
    return %arg0, %c0_i32 : i32, i32
  }
}

</mosaic_0001>

<sc_bundles>
// kernel: kernel.11.cloned.1.call-start
scs
__scs_entry_jumppad:
0x0: {  	(pc) =	sbr.rel $0x88, $3  }
0x1: {  	(tag) =	ssettag $0x0;
	lr =	simm.s32 $0x1  }
0x2: {  	[smem:$0x3F9C] =	sst lr;
	_ =	strace $0xD0000000  }
0x3: {  	_ = 	snop  }
0x4: {  	_ = 	snop  }
0x5: {  	_ = 	snop  }
0x6: {  	_ = 	snop  }
0x7: {  	_ = 	snop  }
__scs_overlays_trampoline_lowered:
0x8: {  	[smem:$0x3FAB] =	sst s0  }
0x9: {  	[smem:$0x3FAC] =	sst s1  }
0xa: {  	[smem:$0x3FAD] =	sst s2  }
0xb: {  	[smem:$0x3FAE] =	sst s3  }
0xc: {  	[smem:$0x3FAF] =	sst s4  }
0xd: {  	[smem:$0x3FB0] =	sst s5  }
0xe: {  	[smem:$0x3FB1] =	sst s6  }
0xf: {  	[smem:$0x3FB2] =	sst s7  }
0x10: {  	[smem:$0x3FB3] =	sst s8  }
0x11: {  	[smem:$0x3FB4] =	sst s9;
	s0 =	simm.s32 @!p0 $0x0  }
0x12: {  	s1 =	sld [smem:$0x3F9A];
	s0 =	simm.s32 @p0 $0x1  }
0x13: {  	[smem:$0x3FB5] =	sst s0;
	s0 =	simm.s32 @!p1 $0x0  }
0x14: {  	s2 =	sld [smem:$0x3F99];
	s0 =	simm.s32 @p1 $0x1  }
0x15: {  	[smem:$0x3FB6] =	sst s0;
	s0 =	simm.s32 @!p2 $0x0  }
0x16: {  	s3 =	sld [smem:$0x3FDB];
	s0 =	simm.s32 @p2 $0x1  }
0x17: {  	s4 =	simm.s32 $0x1BF5;
	[smem:$0x3FB8] =	sst s0  }
0x18: {  	s0 =	sld [smem:$0x3F9B];
	_ =	swait.ge [sflag:s4], $0x0  }
0x19: {  	s7 =	sld [smem:$0x3F9C]  }
0x1a: {  	s8 =	sadd.s32 $0xFFFFE003, lr  }
0x1b: {  	s9 =	sadd.s32 $0xFFFFFEF7, lr;
	s5 =	simm.s32 $0xFFFFFFFF;
	p2 =	slt.u32 s8, $0xFFFFF086  }
0x1c: {  	p1 =	slt.u32 s9, $0xF7A;
	s5 =	simm.s32 @!p2 $0x0  }
0x1d: {  	s5 =	simm.s32 @p1 $0x1;
	p0 =	seq.s32 s7, s2  }
0x1e: {  	s7 =	smul.u32 @!p0 $0xF7A, s2;
	p2 =	seq.s32 @!p0 s5, $0x0  }
0x1f: {  	s9 =	smul.u32 $0xF7A, s1;
	s8 =	simm.s32 @!p0 $0x1BF5;
	p2 =	por !p2, p0  }
0x20: {  	[sflag:s8] =	ssyncset.s32 @!p0 $0xFFFFF086;
	s6 =	sadd.s32 @!p0 s3, s7;
	s7 =	simm.s32 @!p0 $0x108  }
0x21: {  	s3 =	sadd.s32 s3, s9;
	s6 =	sadd.s32 @!p0 $0x88, s6;
	s7 =	simm.s32 @p2 $0x1082  }
0x22: {  	[simem:s7], [sflag:s8] =	dma.local @!p0 [hbm:s6], $0xF7A  }
0x23: {  	s9 =	sor.u32 $0xD0000000, s2;
	s6 =	simm.s32 $0x108;
	_ =	swait.ge @!p0 [sflag:s8], $0x0  }
0x24: {  	s3 =	sadd.s32 $0x88, s3;
	s6 =	simm.s32 @!p1 $0x1082;
	[sflag:s4] =	ssyncset.s32 $0xFFFFF086  }
0x25: {  	[simem:s6], [sflag:s4] =	dma.local [hbm:s3], $0xF7A  }
0x26: {  	[smem:$0x3F9C] =	sst s1;
	(tag) =	ssettag s2;
	_ =	strace s9  }
0x27: {  	s1 =	sld [smem:$0x3FAC]  }
0x28: {  	s2 =	sld [smem:$0x3FAD]  }
0x29: {  	s4 =	sld [smem:$0x3FAF]  }
0x2a: {  	p0 =	seq.s32 s5, $0x0;
	s5 =	sld [smem:$0x3FB0]  }
0x2b: {  	s6 =	sld [smem:$0x3FB1]  }
0x2c: {  	s7 =	sld [smem:$0x3FB2]  }
0x2d: {  	s3 =	simm.s32 $0x108;
	s8 =	sld [smem:$0x3FB3]  }
0x2e: {  	s3 =	simm.s32 @!p0 $0x1082;
	s9 =	sld [smem:$0x3FB4]  }
0x2f: {  	lr =	sadd.s32 s0, s3;
	s0 =	sld [smem:$0x3FAB]  }
0x30: {  	s3 =	sld [smem:$0x3FAE]  }
0x31: {  	[smem:$0x3FB7] =	sst s10  }
0x32: {  	s10 =	sld [smem:$0x3FB5];
	_ =	sdelay $0x3  }
0x33: {  	p0 =	seq.s32 s10, $0x1;
	s10 =	sld [smem:$0x3FB7];
	_ =	sdelay $0x3  }
0x34: {  	[smem:$0x3FB7] =	sst s10  }
0x35: {  	s10 =	sld [smem:$0x3FB6];
	_ =	sdelay $0x3  }
0x36: {  	p1 =	seq.s32 s10, $0x1;
	s10 =	sld [smem:$0x3FB7];
	_ =	sdelay $0x3  }
0x37: {  	[smem:$0x3FB7] =	sst s10  }
0x38: {  	s10 =	sld [smem:$0x3FB8]  }
0x39: {  	_ = 	snop;
	(pc) =	sbr.ind lr, $3  }
0x3a: {  	_ = 	snop  }
0x3b: {  	_ = 	snop  }
0x3c: {  	p2 =	seq.s32 s10, $0x1;
	s10 =	sld [smem:$0x3FB7]  }
0x3d: {  	_ =	shalt  }
0x3e: {  	_ =	shalt  }
0x3f: {  	_ =	shalt  }
0x40: {  	_ =	shalt  }
0x41: {  	_ =	shalt  }
0x42: {  	_ =	shalt  }
0x43: {  	_ =	shalt  }
0x44: {  	_ =	shalt  }
0x45: {  	_ =	shalt  }
0x46: {  	_ =	shalt  }
0x47: {  	_ =	shalt  }
0x48: {  	_ =	shalt  }
0x49: {  	_ =	shalt  }
0x4a: {  	_ =	shalt  }
0x4b: {  	_ =	shalt  }
0x4c: {  	_ =	shalt  }
0x4d: {  	_ =	shalt  }
0x4e: {  	_ =	shalt  }
0x4f: {  	_ =	shalt  }
0x50: {  	_ =	shalt  }
0x51: {  	_ =	shalt  }
0x52: {  	_ =	shalt  }
0x53: {  	_ =	shalt  }
0x54: {  	_ =	shalt  }
0x55: {  	_ =	shalt  }
0x56: {  	_ =	shalt  }
0x57: {  	_ =	shalt  }
0x58: {  	_ =	shalt  }
0x59: {  	_ =	shalt  }
0x5a: {  	_ =	shalt  }
0x5b: {  	_ =	shalt  }
0x5c: {  	_ =	shalt  }
0x5d: {  	_ =	shalt  }
0x5e: {  	_ =	shalt  }
0x5f: {  	_ =	shalt  }
0x60: {  	_ =	shalt  }
0x61: {  	_ =	shalt  }
0x62: {  	_ =	shalt  }
0x63: {  	_ =	shalt  }
0x64: {  	_ =	shalt  }
0x65: {  	_ =	shalt  }
0x66: {  	_ =	shalt  }
0x67: {  	_ =	shalt  }
0x68: {  	_ =	shalt  }
0x69: {  	_ =	shalt  }
0x6a: {  	_ =	shalt  }
0x6b: {  	_ =	shalt  }
0x6c: {  	_ =	shalt  }
0x6d: {  	_ =	shalt  }
0x6e: {  	_ =	shalt  }
0x6f: {  	_ =	shalt  }
0x70: {  	_ =	shalt  }
0x71: {  	_ =	shalt  }
0x72: {  	_ =	shalt  }
0x73: {  	_ =	shalt  }
0x74: {  	_ =	shalt  }
0x75: {  	_ =	shalt  }
0x76: {  	_ =	shalt  }
0x77: {  	_ =	shalt  }
0x78: {  	_ =	shalt  }
0x79: {  	_ =	shalt  }
0x7a: {  	_ =	shalt  }
0x7b: {  	_ =	shalt  }
0x7c: {  	_ =	shalt  }
0x7d: {  	_ =	shalt  }
0x7e: {  	_ =	shalt  }
0x7f: {  	_ =	shalt  }
0x80: {  	_ =	shalt  }
0x81: {  	_ =	shalt  }
0x82: {  	_ =	shalt  }
0x83: {  	_ =	shalt  }
0x84: {  	_ =	shalt  }
0x85: {  	_ =	shalt  }
0x86: {  	_ =	shalt  }
0x87: {  	_ =	shalt  }
.Lfunc_end0:
.L_simem_size_0:
called_computation.1_lowered:
.L_overlay_start_0:
0x88: {  	s2 =	sld [smem:$0x3FD9]  }
0x89: {  	s3 =	sld [smem:$0x3FFE];
	_ =	sdelay $0x1  }
0x8a: {  	s1 =	srdreg.scid  }
0x8b: {  	s0 =	sand.u32 $0x1, s1  }
0x8c: {  	s14 =	sshll.u32 s0, $0xA;
	s2 =	sadd.s32 s3, s2  }
0x8d: {  	s2 =	sadd.s32 s2, s14  }
0x8e: {  	[smem:$0x3FC3] =	sst s2  }
0x8f: {  	_ = 	snop  }
0x90: {  	s2 =	sld [smem:$0x3FD0];
	_ =	sdelay $0x2  }
0x91: {  	s15 =	simm.s32 $0xB;
	s4 =	simm.s32 $0x10  }
0x92: {  	[smem:s4], [sflag:s15] =	dma.local [hbm:s2], $0x1  }
0x93: {  	_ =	swait.eq [sflag:s15], $0x1  }
0x94: {  	[sflag:s15] =	ssyncset.done $0x0  }
0x95: {  	[sflag:s15] =	ssyncadd.s32 $0xFFFFFFFF  }
0x96: {  	s16 =	sld [smem:$0x11];
	(tm) =	ssettm $0x1  }
0x97: {  	s17 =	sld [smem:$0x3FFB];
	_ =	sdelay $0x3  }
0x98: {  	_ =	strace s17  }
0x99: {  	s3 =	sld [smem:$0x3FFC];
	_ =	sdelay $0x3  }
0x9a: {  	_ =	strace s3  }
0x9b: {  	s3 =	sld [smem:$0x3FFD];
	_ =	sdelay $0x3  }
0x9c: {  	_ =	strace s3  }
0x9d: {  	_ =	strace $0x8FFFFFFF  }
0x9e: {  	s18 =	sld [smem:$0x3FDB];
	_ =	sdelay $0x1  }
0x9f: {  	s19 =	simm.s32 $_scs_section_size  }
0xa0: {  	s5 =	simm.s32 $_size__tile_overlayer_lowered;
	s6 =	simm.s32 $_tile_overlayer_lowered  }
0xa1: {  	s22 =	simm.s32 $0x1BFF;
	s21 =	sshll.u32 s6, $0x1;
	s3 =	sadd.s32 s19, s18  }
0xa2: {  	s7 =	simm.s32 $0x0;
	s20 =	sshll.u32 s5, $0x1;
	s5 =	sadd.s32 s21, s3  }
0xa3: {  	[timem:s7], [sflag:s22] =	dma.local [hbm:s5], s20  }
0xa4: {  	_ =	swait.ge [sflag:s22], s20  }
0xa5: {  	s4 =	ssub.s32 $0x0, s20;
	[sflag:s22] =	ssyncset.done $0x0  }
0xa6: {  	[sflag:s22] =	ssyncadd.s32 s4;
	_ =	sdelay $0x1  }
0xa7: {  	s23 =	simm.s32 $0x1B8B  }
0xa8: {  	_ =	swait.ge [sflag:s23], $0x1  }
0xa9: {  	[sflag:s23] =	ssyncset.done $0x0  }
0xaa: {  	s25 =	simm.s32 $0x1B8E;
	s24 =	sld [smem:$0x3FFE];
	[sflag:s23] =	ssyncadd.s32 $0xFFFFFFFF  }
0xab: {  	s26 =	simm.s32 $execute0_lowered;
	[smem:$0x3FD2] =	sst s25  }
0xac: {  	s5 =	sshll.u32 s26, $0x1;
	_ =	strace $0x80000046;
	[dreg:$0x1] =	wrdreg $0xFFFFFFFF  }
0xad: {  	s28 =	simm.s32 $_size_execute0_lowered;
	s3 =	sadd.s32 s3, s5;
	[dreg:$0x0] =	wrdreg $0x0  }
0xae: {  	s5 =	sshll.u32 s28, $0x1;
	[dreg:$0x2] =	wrdreg s3  }
0xaf: {  	[dreg:$0x3] =	wrdreg s5  }
0xb0: {  	[dreg:$0x4] =	wrdreg $0xC0  }
0xb1: {  	_ =	task [dreg:s7], $0x5FFFF  }
0xb2: {  	[dreg:$0x1] =	wrdreg $0xFFFFFFFF  }
0xb3: {  	[dreg:$0x0] =	wrdreg $0x60  }
0xb4: {  	[dreg:$0x2] =	wrdreg s16  }
0xb5: {  	[dreg:$0x3] =	wrdreg s24  }
0xb6: {  	[dreg:$0x4] =	wrdreg $0xA  }
0xb7: {  	_ =	task.clear_ibuf [dreg:s7], $0x5FFFF;
	_ =	strace $0x90000046  }
0xb8: {  	s29 =	simm.s32 $0xA;
	_ =	strace $0x80000048  }
0xb9: {  	_ =	swait.ge [sflag:s29], $0x1  }
0xba: {  	[sflag:s29] =	ssyncadd.s32 $0xFFFFFFFF  }
0xbb: {  	_ =	strace $0x90000048  }
0xbc: {  	_ =	sfence  }
0xbd: {  	s30 =	sld [smem:$0x0];
	_ =	sdelay $0x2  }
0xbe: {  	s31 =	sshll.u32 s1, $0xD;
	s1 =	sshrl.u32 s1, $0x2  }
0xbf: {  	s3 =	sand.u32 $0x4000, s31;
	s1 =	sadd.s32 s1, s30  }
0xc0: {  	s0 =	sor.u32 s3, s0;
	s1 =	sshll.u32 s1, $0x11  }
0xc1: {  	s0 =	sor.u32 s1, s0  }
0xc2: {  	s0 =	sadd.s32 $0x8F2B, s0  }
0xc3: {  	[sflag:s0] =	ssyncadd.remote.s32 $0x1  }
0xc4: {  	_ =	sfence.sel $0xFFFF  }
0xc5: {  	[dreg:$0x0] =	wrdreg $0xFFFFFFFF;
	(pc) =	sbr.abs _section_cstart, $3  }
0xc6: {  	[dreg:$0x1] =	wrdreg $0xFFFFFFFF  }
0xc7: {  	_ =	task.clear_ibuf [dreg:s7], $0x2FFFF;
	_ =	strace $0x9FFFFFFF  }
0xc8: {  	(tm) =	ssettm $0x7FFFFFFF  }
0xc9: {  	_ =	shalt  }
tec
execute0_lowered:
.L_overlay_start_1:
0x0: {  	(tag) =	ssettag $0x1  }
0x1: {  	s2 =	rddreg [dreg:$0x0]  }
0x2: {  	s4 =	rddreg [dreg:$0x1]  }
0x3: {  	s0 =	rddreg [dreg:$0x2]  }
0x4: {  	s5 =	srdreg.scid;
	s1 =	stileid.u32  }
0x5: {  	s3 =	simm.s32 $0x0;
	s9 =	simm.s32 $0x1;
	s10 =	simm.s32 $0x0  }
0x6: {  	s5 =	sand.u32 $0x1, s5;
	s6 =	sshll.u32 s1, $0x1;
	[smem:$0x7FF] =	sst s3  }
0x7: {  	s6 =	sor.u32 s5, s6;
	s5 =	ssub.s32 $0x2, s5;
	_ =	strace $0x80000047  }
0x8: {  	s7 =	sshll.u32 s6, $0x7;
	s8 =	sshrl.u32 s5, $0x1;
	s6 =	sshll.u32 s6, $0x10  }
0x9: {  	s7 =	sadd.s32 s7, s4;
	s4 =	sadd.s32 $0x2600, s4;
	s8 =	ssub.s32 s5, s8  }
0xa: {  	s5 =	sadd.s32 $0x1600, s7;
	s7 =	smax.u32 s8, $0x1;
	s8 =	simm.s32 $0x10000  }
.LBB2_1:
0xb: {  	[tilespmem:s8], [sflag:$0x1] =	stream.linear.gather [hbm4b:s5+s3], $0x400, $0x38;
	[tilespmem:$0x10400] =	vst v63  }
0xc: {  	_ =	swait.ge [sflag:s9], $0x400  }
0xd: {  	[sflag:s9] =	ssyncset.done $0x0  }
0xe: {  	s11 =	simm.s32 $0x0;
	[sflag:s9] =	ssyncadd.s32 $0xFFFFFC00  }
.LBB2_2:
0xf: {  	s12 =	sshll.u32 s11, $0xD  }
0x10: {  	s12 =	sadd.s32 s6, s12  }
0x11: {  	s14 =	simm.s32 $0x0;
	s13 =	sadd.s32 s2, s12  }
0x12: {  	[tilespmem:s14], [sflag:$0x1] =	stream.linear.gather [hbm4b:s13+s14], $0x10000, $0x38;
	[tilespmem:$0x10400] =	vst v63  }
0x13: {  	_ =	swait.ge [sflag:s9], $0x10000  }
0x14: {  	s31 =	sshll.u32 s11, $0x7;
	[sflag:s9] =	ssyncset.done $0x0  }
0x15: {  	s13 =	sand.u32 $0x3FFFFF80, s31;
	[sflag:s9] =	ssyncadd.s32 $0xFFFF0000  }
0x16: {  	s14 =	simm.s32 $0x0;
	v0 =	vld [tilespmem:s13+$0x10000]  }
0x17: {  	v3 =	vld [tilespmem:s14+$0x0]  }
0x18: {  	v6 =	vld [tilespmem:s14+$0x10]  }
0x19: {  	v5 =	vld [tilespmem:s14+$0x20]  }
0x1a: {  	v4 =	vld [tilespmem:s14+$0x30]  }
0x1b: {  	v1 =	vld [tilespmem:s14+$0x40]  }
0x1c: {  	v2 =	vld [tilespmem:s14+$0x50];
	vm0 =	vge.f32 v3, v0  }
0x1d: {  	s15 =	simm.s32 $0x1000;
	v7 =	vnsel vm0, $0x0, v3;
	vm0 =	vge.f32 v6, v0;
	v3 =	vld [tilespmem:s14+$0x60]  }
.LBB2_3:
0x1e: {  	s16 =	sshra.s32 s15, $0x2;
	p0 =	sne.s32 s15, $0x3F000;
	[tilespmem:s14+$0x0] =	vst v7;
	v6 =	vnsel vm0, $0x0, v6;
	vm0 =	vge.f32 v5, v0;
	v7 =	vld [tilespmem:s14+$0x70]  }
0x1f: {  	v8 =	vld [tilespmem:s16+$0x0];
	[tilespmem:s14+$0x10] =	vst v6;
	v5 =	vnsel vm0, $0x0, v5;
	vm0 =	vge.f32 v4, v0  }
0x20: {  	v6 =	vld [tilespmem:s16+$0x10];
	[tilespmem:s14+$0x20] =	vst v5;
	v4 =	vnsel vm0, $0x0, v4;
	vm0 =	vge.f32 v1, v0  }
.Ltmp0:
0x21: {  	v5 =	vld [tilespmem:s16+$0x20];
	[tilespmem:s14+$0x30] =	vst v4;
	v1 =	vnsel vm0, $0x0, v1;
	vm0 =	vge.f32 v2, v0;
	(pc) =	sbr.rel @p0 .LBB2_3-.Ltmp0, $4  }
0x22: {  	v4 =	vld [tilespmem:s16+$0x30];
	[tilespmem:s14+$0x40] =	vst v1;
	v2 =	vnsel vm0, $0x0, v2;
	vm0 =	vge.f32 v3, v0  }
0x23: {  	v1 =	vld [tilespmem:s16+$0x40];
	[tilespmem:s14+$0x50] =	vst v2;
	v3 =	vnsel vm0, $0x0, v3;
	vm0 =	vge.f32 v7, v0  }
0x24: {  	vm1 =	vge.f32 v8, v0;
	v2 =	vld [tilespmem:s16+$0x50];
	[tilespmem:s14+$0x60] =	vst v3;
	v9 =	vnsel vm0, $0x0, v7  }
0x25: {  	s15 =	sadd.s32 $0x1000, s15;
	v7 =	vnsel vm1, $0x0, v8;
	vm0 =	vge.f32 v6, v0;
	v3 =	vld [tilespmem:s16+$0x60];
	[tilespmem:s14+$0x70] =	vst v9;
	s14 =	smov.u32 s16  }
0x26: {  	[tilespmem:s14+$0x0] =	vst v7;
	v6 =	vnsel vm0, $0x0, v6;
	vm0 =	vge.f32 v5, v0;
	v7 =	vld [tilespmem:s14+$0x70]  }
0x27: {  	[tilespmem:s14+$0x10] =	vst v6;
	v5 =	vnsel vm0, $0x0, v5;
	vm0 =	vge.f32 v4, v0  }
0x28: {  	[tilespmem:s14+$0x20] =	vst v5;
	v4 =	vnsel vm0, $0x0, v4;
	vm0 =	vge.f32 v1, v0  }
0x29: {  	[tilespmem:s14+$0x30] =	vst v4;
	v1 =	vnsel vm0, $0x0, v1;
	vm0 =	vge.f32 v2, v0  }
0x2a: {  	[tilespmem:s14+$0x40] =	vst v1;
	v1 =	vnsel vm0, $0x0, v2;
	vm0 =	vge.f32 v3, v0  }
0x2b: {  	[tilespmem:s14+$0x50] =	vst v1;
	v1 =	vnsel vm0, $0x0, v3;
	vm0 =	vge.f32 v7, v0  }
0x2c: {  	[tilespmem:s14+$0x60] =	vst v1;
	v0 =	vnsel vm0, $0x0, v7  }
0x2d: {  	[tilespmem:s14+$0x70] =	vst v0  }
0x2e: {  	s14 =	simm.s32 $0x0;
	v0 =	vld [tilespmem:s13+$0x10010]  }
0x2f: {  	v3 =	vld [tilespmem:s14+$0x80]  }
0x30: {  	v6 =	vld [tilespmem:s14+$0x90]  }
0x31: {  	v5 =	vld [tilespmem:s14+$0xA0]  }
0x32: {  	v4 =	vld [tilespmem:s14+$0xB0]  }
0x33: {  	v1 =	vld [tilespmem:s14+$0xC0]  }
0x34: {  	v2 =	vld [tilespmem:s14+$0xD0];
	vm0 =	vge.f32 v3, v0  }
0x35: {  	s15 =	simm.s32 $0x1000;
	v7 =	vnsel vm0, $0x0, v3;
	vm0 =	vge.f32 v6, v0;
	v3 =	vld [tilespmem:s14+$0xE0]  }
.LBB2_5:
0x36: {  	s16 =	sshra.s32 s15, $0x2;
	p0 =	sne.s32 s15, $0x3F000;
	[tilespmem:s14+$0x80] =	vst v7;
	v6 =	vnsel vm0, $0x0, v6;
	vm0 =	vge.f32 v5, v0;
	v7 =	vld [tilespmem:s14+$0xF0]  }
0x37: {  	v8 =	vld [tilespmem:s16+$0x80];
	[tilespmem:s14+$0x90] =	vst v6;
	v5 =	vnsel vm0, $0x0, v5;
	vm0 =	vge.f32 v4, v0  }
0x38: {  	v6 =	vld [tilespmem:s16+$0x90];
	[tilespmem:s14+$0xA0] =	vst v5;
	v4 =	vnsel vm0, $0x0, v4;
	vm0 =	vge.f32 v1, v0  }
.Ltmp1:
0x39: {  	v5 =	vld [tilespmem:s16+$0xA0];
	[tilespmem:s14+$0xB0] =	vst v4;
	v1 =	vnsel vm0, $0x0, v1;
	vm0 =	vge.f32 v2, v0;
	(pc) =	sbr.rel @p0 .LBB2_5-.Ltmp1, $4  }
0x3a: {  	v4 =	vld [tilespmem:s16+$0xB0];
	[tilespmem:s14+$0xC0] =	vst v1;
	v2 =	vnsel vm0, $0x0, v2;
	vm0 =	vge.f32 v3, v0  }
0x3b: {  	v1 =	vld [tilespmem:s16+$0xC0];
	[tilespmem:s14+$0xD0] =	vst v2;
	v3 =	vnsel vm0, $0x0, v3;
	vm0 =	vge.f32 v7, v0  }
0x3c: {  	vm1 =	vge.f32 v8, v0;
	v2 =	vld [tilespmem:s16+$0xD0];
	[tilespmem:s14+$0xE0] =	vst v3;
	v9 =	vnsel vm0, $0x0, v7  }
0x3d: {  	s15 =	sadd.s32 $0x1000, s15;
	v7 =	vnsel vm1, $0x0, v8;
	vm0 =	vge.f32 v6, v0;
	v3 =	vld [tilespmem:s16+$0xE0];
	[tilespmem:s14+$0xF0] =	vst v9;
	s14 =	smov.u32 s16  }
0x3e: {  	[tilespmem:s14+$0x80] =	vst v7;
	v6 =	vnsel vm0, $0x0, v6;
	vm0 =	vge.f32 v5, v0;
	v7 =	vld [tilespmem:s14+$0xF0]  }
0x3f: {  	[tilespmem:s14+$0x90] =	vst v6;
	v5 =	vnsel vm0, $0x0, v5;
	vm0 =	vge.f32 v4, v0  }
0x40: {  	[tilespmem:s14+$0xA0] =	vst v5;
	v4 =	vnsel vm0, $0x0, v4;
	vm0 =	vge.f32 v1, v0  }
0x41: {  	[tilespmem:s14+$0xB0] =	vst v4;
	v1 =	vnsel vm0, $0x0, v1;
	vm0 =	vge.f32 v2, v0  }
0x42: {  	[tilespmem:s14+$0xC0] =	vst v1;
	v1 =	vnsel vm0, $0x0, v2;
	vm0 =	vge.f32 v3, v0  }
0x43: {  	[tilespmem:s14+$0xD0] =	vst v1;
	v1 =	vnsel vm0, $0x0, v3;
	vm0 =	vge.f32 v7, v0  }
0x44: {  	[tilespmem:s14+$0xE0] =	vst v1;
	v0 =	vnsel vm0, $0x0, v7  }
0x45: {  	[tilespmem:s14+$0xF0] =	vst v0  }
0x46: {  	s14 =	simm.s32 $0x0;
	v0 =	vld [tilespmem:s13+$0x10020]  }
0x47: {  	v3 =	vld [tilespmem:s14+$0x100]  }
0x48: {  	v6 =	vld [tilespmem:s14+$0x110]  }
0x49: {  	v5 =	vld [tilespmem:s14+$0x120]  }
0x4a: {  	v4 =	vld [tilespmem:s14+$0x130]  }
0x4b: {  	v1 =	vld [tilespmem:s14+$0x140]  }
0x4c: {  	v2 =	vld [tilespmem:s14+$0x150];
	vm0 =	vge.f32 v3, v0  }
0x4d: {  	s15 =	simm.s32 $0x1000;
	v7 =	vnsel vm0, $0x0, v3;
	vm0 =	vge.f32 v6, v0;
	v3 =	vld [tilespmem:s14+$0x160]  }
.LBB2_7:
0x4e: {  	s16 =	sshra.s32 s15, $0x2;
	p0 =	sne.s32 s15, $0x3F000;
	[tilespmem:s14+$0x100] =	vst v7;
	v6 =	vnsel vm0, $0x0, v6;
	vm0 =	vge.f32 v5, v0;
	v7 =	vld [tilespmem:s14+$0x170]  }
0x4f: {  	v8 =	vld [tilespmem:s16+$0x100];
	[tilespmem:s14+$0x110] =	vst v6;
	v5 =	vnsel vm0, $0x0, v5;
	vm0 =	vge.f32 v4, v0  }
0x50: {  	v6 =	vld [tilespmem:s16+$0x110];
	[tilespmem:s14+$0x120] =	vst v5;
	v4 =	vnsel vm0, $0x0, v4;
	vm0 =	vge.f32 v1, v0  }
.Ltmp2:
0x51: {  	v5 =	vld [tilespmem:s16+$0x120];
	[tilespmem:s14+$0x130] =	vst v4;
	v1 =	vnsel vm0, $0x0, v1;
	vm0 =	vge.f32 v2, v0;
	(pc) =	sbr.rel @p0 .LBB2_7-.Ltmp2, $4  }
0x52: {  	v4 =	vld [tilespmem:s16+$0x130];
	[tilespmem:s14+$0x140] =	vst v1;
	v2 =	vnsel vm0, $0x0, v2;
	vm0 =	vge.f32 v3, v0  }
0x53: {  	v1 =	vld [tilespmem:s16+$0x140];
	[tilespmem:s14+$0x150] =	vst v2;
	v3 =	vnsel vm0, $0x0, v3;
	vm0 =	vge.f32 v7, v0  }
0x54: {  	vm1 =	vge.f32 v8, v0;
	v2 =	vld [tilespmem:s16+$0x150];
	[tilespmem:s14+$0x160] =	vst v3;
	v9 =	vnsel vm0, $0x0, v7  }
0x55: {  	s15 =	sadd.s32 $0x1000, s15;
	v7 =	vnsel vm1, $0x0, v8;
	vm0 =	vge.f32 v6, v0;
	v3 =	vld [tilespmem:s16+$0x160];
	[tilespmem:s14+$0x170] =	vst v9;
	s14 =	smov.u32 s16  }
0x56: {  	[tilespmem:s14+$0x100] =	vst v7;
	v6 =	vnsel vm0, $0x0, v6;
	vm0 =	vge.f32 v5, v0;
	v7 =	vld [tilespmem:s14+$0x170]  }
0x57: {  	[tilespmem:s14+$0x110] =	vst v6;
	v5 =	vnsel vm0, $0x0, v5;
	vm0 =	vge.f32 v4, v0  }
0x58: {  	[tilespmem:s14+$0x120] =	vst v5;
	v4 =	vnsel vm0, $0x0, v4;
	vm0 =	vge.f32 v1, v0  }
0x59: {  	[tilespmem:s14+$0x130] =	vst v4;
	v1 =	vnsel vm0, $0x0, v1;
	vm0 =	vge.f32 v2, v0  }
0x5a: {  	[tilespmem:s14+$0x140] =	vst v1;
	v1 =	vnsel vm0, $0x0, v2;
	vm0 =	vge.f32 v3, v0  }
0x5b: {  	[tilespmem:s14+$0x150] =	vst v1;
	v1 =	vnsel vm0, $0x0, v3;
	vm0 =	vge.f32 v7, v0  }
0x5c: {  	[tilespmem:s14+$0x160] =	vst v1;
	v0 =	vnsel vm0, $0x0, v7  }
0x5d: {  	[tilespmem:s14+$0x170] =	vst v0  }
0x5e: {  	s14 =	simm.s32 $0x0;
	v0 =	vld [tilespmem:s13+$0x10030]  }
0x5f: {  	v3 =	vld [tilespmem:s14+$0x180]  }
0x60: {  	v6 =	vld [tilespmem:s14+$0x190]  }
0x61: {  	v5 =	vld [tilespmem:s14+$0x1A0]  }
0x62: {  	v4 =	vld [tilespmem:s14+$0x1B0]  }
0x63: {  	v1 =	vld [tilespmem:s14+$0x1C0]  }
0x64: {  	v2 =	vld [tilespmem:s14+$0x1D0];
	vm0 =	vge.f32 v3, v0  }
0x65: {  	s15 =	simm.s32 $0x1000;
	v7 =	vnsel vm0, $0x0, v3;
	vm0 =	vge.f32 v6, v0;
	v3 =	vld [tilespmem:s14+$0x1E0]  }
.LBB2_9:
0x66: {  	s16 =	sshra.s32 s15, $0x2;
	p0 =	sne.s32 s15, $0x3F000;
	[tilespmem:s14+$0x180] =	vst v7;
	v6 =	vnsel vm0, $0x0, v6;
	vm0 =	vge.f32 v5, v0;
	v7 =	vld [tilespmem:s14+$0x1F0]  }
0x67: {  	v8 =	vld [tilespmem:s16+$0x180];
	[tilespmem:s14+$0x190] =	vst v6;
	v5 =	vnsel vm0, $0x0, v5;
	vm0 =	vge.f32 v4, v0  }
0x68: {  	v6 =	vld [tilespmem:s16+$0x190];
	[tilespmem:s14+$0x1A0] =	vst v5;
	v4 =	vnsel vm0, $0x0, v4;
	vm0 =	vge.f32 v1, v0  }
.Ltmp3:
0x69: {  	v5 =	vld [tilespmem:s16+$0x1A0];
	[tilespmem:s14+$0x1B0] =	vst v4;
	v1 =	vnsel vm0, $0x0, v1;
	vm0 =	vge.f32 v2, v0;
	(pc) =	sbr.rel @p0 .LBB2_9-.Ltmp3, $4  }
0x6a: {  	v4 =	vld [tilespmem:s16+$0x1B0];
	[tilespmem:s14+$0x1C0] =	vst v1;
	v2 =	vnsel vm0, $0x0, v2;
	vm0 =	vge.f32 v3, v0  }
0x6b: {  	v1 =	vld [tilespmem:s16+$0x1C0];
	[tilespmem:s14+$0x1D0] =	vst v2;
	v3 =	vnsel vm0, $0x0, v3;
	vm0 =	vge.f32 v7, v0  }
0x6c: {  	vm1 =	vge.f32 v8, v0;
	v2 =	vld [tilespmem:s16+$0x1D0];
	[tilespmem:s14+$0x1E0] =	vst v3;
	v9 =	vnsel vm0, $0x0, v7  }
0x6d: {  	s15 =	sadd.s32 $0x1000, s15;
	v7 =	vnsel vm1, $0x0, v8;
	vm0 =	vge.f32 v6, v0;
	v3 =	vld [tilespmem:s16+$0x1E0];
	[tilespmem:s14+$0x1F0] =	vst v9;
	s14 =	smov.u32 s16  }
0x6e: {  	[tilespmem:s14+$0x180] =	vst v7;
	v6 =	vnsel vm0, $0x0, v6;
	vm0 =	vge.f32 v5, v0;
	v7 =	vld [tilespmem:s14+$0x1F0]  }
0x6f: {  	[tilespmem:s14+$0x190] =	vst v6;
	v5 =	vnsel vm0, $0x0, v5;
	vm0 =	vge.f32 v4, v0  }
0x70: {  	[tilespmem:s14+$0x1A0] =	vst v5;
	v4 =	vnsel vm0, $0x0, v4;
	vm0 =	vge.f32 v1, v0  }
0x71: {  	[tilespmem:s14+$0x1B0] =	vst v4;
	v1 =	vnsel vm0, $0x0, v1;
	vm0 =	vge.f32 v2, v0  }
0x72: {  	[tilespmem:s14+$0x1C0] =	vst v1;
	v1 =	vnsel vm0, $0x0, v2;
	vm0 =	vge.f32 v3, v0  }
0x73: {  	[tilespmem:s14+$0x1D0] =	vst v1;
	v1 =	vnsel vm0, $0x0, v3;
	vm0 =	vge.f32 v7, v0  }
0x74: {  	[tilespmem:s14+$0x1E0] =	vst v1;
	v0 =	vnsel vm0, $0x0, v7  }
0x75: {  	[tilespmem:s14+$0x1F0] =	vst v0  }
0x76: {  	s14 =	simm.s32 $0x0;
	v0 =	vld [tilespmem:s13+$0x10040]  }
0x77: {  	v3 =	vld [tilespmem:s14+$0x200]  }
0x78: {  	v6 =	vld [tilespmem:s14+$0x210]  }
0x79: {  	v5 =	vld [tilespmem:s14+$0x220]  }
0x7a: {  	v4 =	vld [tilespmem:s14+$0x230]  }
0x7b: {  	v1 =	vld [tilespmem:s14+$0x240]  }
0x7c: {  	v2 =	vld [tilespmem:s14+$0x250];
	vm0 =	vge.f32 v3, v0  }
0x7d: {  	s15 =	simm.s32 $0x1000;
	v7 =	vnsel vm0, $0x0, v3;
	vm0 =	vge.f32 v6, v0;
	v3 =	vld [tilespmem:s14+$0x260]  }
.LBB2_11:
0x7e: {  	s16 =	sshra.s32 s15, $0x2;
	p0 =	sne.s32 s15, $0x3F000;
	[tilespmem:s14+$0x200] =	vst v7;
	v6 =	vnsel vm0, $0x0, v6;
	vm0 =	vge.f32 v5, v0;
	v7 =	vld [tilespmem:s14+$0x270]  }
0x7f: {  	v8 =	vld [tilespmem:s16+$0x200];
	[tilespmem:s14+$0x210] =	vst v6;
	v5 =	vnsel vm0, $0x0, v5;
	vm0 =	vge.f32 v4, v0  }
0x80: {  	v6 =	vld [tilespmem:s16+$0x210];
	[tilespmem:s14+$0x220] =	vst v5;
	v4 =	vnsel vm0, $0x0, v4;
	vm0 =	vge.f32 v1, v0  }
.Ltmp4:
0x81: {  	v5 =	vld [tilespmem:s16+$0x220];
	[tilespmem:s14+$0x230] =	vst v4;
	v1 =	vnsel vm0, $0x0, v1;
	vm0 =	vge.f32 v2, v0;
	(pc) =	sbr.rel @p0 .LBB2_11-.Ltmp4, $4  }
0x82: {  	v4 =	vld [tilespmem:s16+$0x230];
	[tilespmem:s14+$0x240] =	vst v1;
	v2 =	vnsel vm0, $0x0, v2;
	vm0 =	vge.f32 v3, v0  }
0x83: {  	v1 =	vld [tilespmem:s16+$0x240];
	[tilespmem:s14+$0x250] =	vst v2;
	v3 =	vnsel vm0, $0x0, v3;
	vm0 =	vge.f32 v7, v0  }
0x84: {  	vm1 =	vge.f32 v8, v0;
	v2 =	vld [tilespmem:s16+$0x250];
	[tilespmem:s14+$0x260] =	vst v3;
	v9 =	vnsel vm0, $0x0, v7  }
0x85: {  	s15 =	sadd.s32 $0x1000, s15;
	v7 =	vnsel vm1, $0x0, v8;
	vm0 =	vge.f32 v6, v0;
	v3 =	vld [tilespmem:s16+$0x260];
	[tilespmem:s14+$0x270] =	vst v9;
	s14 =	smov.u32 s16  }
0x86: {  	[tilespmem:s14+$0x200] =	vst v7;
	v6 =	vnsel vm0, $0x0, v6;
	vm0 =	vge.f32 v5, v0;
	v7 =	vld [tilespmem:s14+$0x270]  }
0x87: {  	[tilespmem:s14+$0x210] =	vst v6;
	v5 =	vnsel vm0, $0x0, v5;
	vm0 =	vge.f32 v4, v0  }
0x88: {  	[tilespmem:s14+$0x220] =	vst v5;
	v4 =	vnsel vm0, $0x0, v4;
	vm0 =	vge.f32 v1, v0  }
0x89: {  	[tilespmem:s14+$0x230] =	vst v4;
	v1 =	vnsel vm0, $0x0, v1;
	vm0 =	vge.f32 v2, v0  }
0x8a: {  	[tilespmem:s14+$0x240] =	vst v1;
	v1 =	vnsel vm0, $0x0, v2;
	vm0 =	vge.f32 v3, v0  }
0x8b: {  	[tilespmem:s14+$0x250] =	vst v1;
	v1 =	vnsel vm0, $0x0, v3;
	vm0 =	vge.f32 v7, v0  }
0x8c: {  	[tilespmem:s14+$0x260] =	vst v1;
	v0 =	vnsel vm0, $0x0, v7  }
0x8d: {  	[tilespmem:s14+$0x270] =	vst v0  }
0x8e: {  	s14 =	simm.s32 $0x0;
	v0 =	vld [tilespmem:s13+$0x10050]  }
0x8f: {  	v3 =	vld [tilespmem:s14+$0x280]  }
0x90: {  	v6 =	vld [tilespmem:s14+$0x290]  }
0x91: {  	v5 =	vld [tilespmem:s14+$0x2A0]  }
0x92: {  	v4 =	vld [tilespmem:s14+$0x2B0]  }
0x93: {  	v1 =	vld [tilespmem:s14+$0x2C0]  }
0x94: {  	v2 =	vld [tilespmem:s14+$0x2D0];
	vm0 =	vge.f32 v3, v0  }
0x95: {  	s15 =	simm.s32 $0x1000;
	v7 =	vnsel vm0, $0x0, v3;
	vm0 =	vge.f32 v6, v0;
	v3 =	vld [tilespmem:s14+$0x2E0]  }
.LBB2_13:
0x96: {  	s16 =	sshra.s32 s15, $0x2;
	p0 =	sne.s32 s15, $0x3F000;
	[tilespmem:s14+$0x280] =	vst v7;
	v6 =	vnsel vm0, $0x0, v6;
	vm0 =	vge.f32 v5, v0;
	v7 =	vld [tilespmem:s14+$0x2F0]  }
0x97: {  	v8 =	vld [tilespmem:s16+$0x280];
	[tilespmem:s14+$0x290] =	vst v6;
	v5 =	vnsel vm0, $0x0, v5;
	vm0 =	vge.f32 v4, v0  }
0x98: {  	v6 =	vld [tilespmem:s16+$0x290];
	[tilespmem:s14+$0x2A0] =	vst v5;
	v4 =	vnsel vm0, $0x0, v4;
	vm0 =	vge.f32 v1, v0  }
.Ltmp5:
0x99: {  	v5 =	vld [tilespmem:s16+$0x2A0];
	[tilespmem:s14+$0x2B0] =	vst v4;
	v1 =	vnsel vm0, $0x0, v1;
	vm0 =	vge.f32 v2, v0;
	(pc) =	sbr.rel @p0 .LBB2_13-.Ltmp5, $4  }
0x9a: {  	v4 =	vld [tilespmem:s16+$0x2B0];
	[tilespmem:s14+$0x2C0] =	vst v1;
	v2 =	vnsel vm0, $0x0, v2;
	vm0 =	vge.f32 v3, v0  }
0x9b: {  	v1 =	vld [tilespmem:s16+$0x2C0];
	[tilespmem:s14+$0x2D0] =	vst v2;
	v3 =	vnsel vm0, $0x0, v3;
	vm0 =	vge.f32 v7, v0  }
0x9c: {  	vm1 =	vge.f32 v8, v0;
	v2 =	vld [tilespmem:s16+$0x2D0];
	[tilespmem:s14+$0x2E0] =	vst v3;
	v9 =	vnsel vm0, $0x0, v7  }
0x9d: {  	s15 =	sadd.s32 $0x1000, s15;
	v7 =	vnsel vm1, $0x0, v8;
	vm0 =	vge.f32 v6, v0;
	v3 =	vld [tilespmem:s16+$0x2E0];
	[tilespmem:s14+$0x2F0] =	vst v9;
	s14 =	smov.u32 s16  }
0x9e: {  	[tilespmem:s14+$0x280] =	vst v7;
	v6 =	vnsel vm0, $0x0, v6;
	vm0 =	vge.f32 v5, v0;
	v7 =	vld [tilespmem:s14+$0x2F0]  }
0x9f: {  	[tilespmem:s14+$0x290] =	vst v6;
	v5 =	vnsel vm0, $0x0, v5;
	vm0 =	vge.f32 v4, v0  }
0xa0: {  	[tilespmem:s14+$0x2A0] =	vst v5;
	v4 =	vnsel vm0, $0x0, v4;
	vm0 =	vge.f32 v1, v0  }
0xa1: {  	[tilespmem:s14+$0x2B0] =	vst v4;
	v1 =	vnsel vm0, $0x0, v1;
	vm0 =	vge.f32 v2, v0  }
0xa2: {  	[tilespmem:s14+$0x2C0] =	vst v1;
	v1 =	vnsel vm0, $0x0, v2;
	vm0 =	vge.f32 v3, v0  }
0xa3: {  	[tilespmem:s14+$0x2D0] =	vst v1;
	v1 =	vnsel vm0, $0x0, v3;
	vm0 =	vge.f32 v7, v0  }
0xa4: {  	[tilespmem:s14+$0x2E0] =	vst v1;
	v0 =	vnsel vm0, $0x0, v7  }
0xa5: {  	[tilespmem:s14+$0x2F0] =	vst v0  }
0xa6: {  	s14 =	simm.s32 $0x0;
	v0 =	vld [tilespmem:s13+$0x10060]  }
0xa7: {  	v3 =	vld [tilespmem:s14+$0x300]  }
0xa8: {  	v6 =	vld [tilespmem:s14+$0x310]  }
0xa9: {  	v5 =	vld [tilespmem:s14+$0x320]  }
0xaa: {  	v4 =	vld [tilespmem:s14+$0x330]  }
0xab: {  	v1 =	vld [tilespmem:s14+$0x340]  }
0xac: {  	v2 =	vld [tilespmem:s14+$0x350];
	vm0 =	vge.f32 v3, v0  }
0xad: {  	s15 =	simm.s32 $0x1000;
	v7 =	vnsel vm0, $0x0, v3;
	vm0 =	vge.f32 v6, v0;
	v3 =	vld [tilespmem:s14+$0x360]  }
.LBB2_15:
0xae: {  	s16 =	sshra.s32 s15, $0x2;
	p0 =	sne.s32 s15, $0x3F000;
	[tilespmem:s14+$0x300] =	vst v7;
	v6 =	vnsel vm0, $0x0, v6;
	vm0 =	vge.f32 v5, v0;
	v7 =	vld [tilespmem:s14+$0x370]  }
0xaf: {  	v8 =	vld [tilespmem:s16+$0x300];
	[tilespmem:s14+$0x310] =	vst v6;
	v5 =	vnsel vm0, $0x0, v5;
	vm0 =	vge.f32 v4, v0  }
0xb0: {  	v6 =	vld [tilespmem:s16+$0x310];
	[tilespmem:s14+$0x320] =	vst v5;
	v4 =	vnsel vm0, $0x0, v4;
	vm0 =	vge.f32 v1, v0  }
.Ltmp6:
0xb1: {  	v5 =	vld [tilespmem:s16+$0x320];
	[tilespmem:s14+$0x330] =	vst v4;
	v1 =	vnsel vm0, $0x0, v1;
	vm0 =	vge.f32 v2, v0;
	(pc) =	sbr.rel @p0 .LBB2_15-.Ltmp6, $4  }
0xb2: {  	v4 =	vld [tilespmem:s16+$0x330];
	[tilespmem:s14+$0x340] =	vst v1;
	v2 =	vnsel vm0, $0x0, v2;
	vm0 =	vge.f32 v3, v0  }
0xb3: {  	v1 =	vld [tilespmem:s16+$0x340];
	[tilespmem:s14+$0x350] =	vst v2;
	v3 =	vnsel vm0, $0x0, v3;
	vm0 =	vge.f32 v7, v0  }
0xb4: {  	vm1 =	vge.f32 v8, v0;
	v2 =	vld [tilespmem:s16+$0x350];
	[tilespmem:s14+$0x360] =	vst v3;
	v9 =	vnsel vm0, $0x0, v7  }
0xb5: {  	s15 =	sadd.s32 $0x1000, s15;
	v7 =	vnsel vm1, $0x0, v8;
	vm0 =	vge.f32 v6, v0;
	v3 =	vld [tilespmem:s16+$0x360];
	[tilespmem:s14+$0x370] =	vst v9;
	s14 =	smov.u32 s16  }
0xb6: {  	[tilespmem:s14+$0x300] =	vst v7;
	v6 =	vnsel vm0, $0x0, v6;
	vm0 =	vge.f32 v5, v0;
	v7 =	vld [tilespmem:s14+$0x370]  }
0xb7: {  	[tilespmem:s14+$0x310] =	vst v6;
	v5 =	vnsel vm0, $0x0, v5;
	vm0 =	vge.f32 v4, v0  }
0xb8: {  	[tilespmem:s14+$0x320] =	vst v5;
	v4 =	vnsel vm0, $0x0, v4;
	vm0 =	vge.f32 v1, v0  }
0xb9: {  	[tilespmem:s14+$0x330] =	vst v4;
	v1 =	vnsel vm0, $0x0, v1;
	vm0 =	vge.f32 v2, v0  }
0xba: {  	[tilespmem:s14+$0x340] =	vst v1;
	v1 =	vnsel vm0, $0x0, v2;
	vm0 =	vge.f32 v3, v0  }
0xbb: {  	[tilespmem:s14+$0x350] =	vst v1;
	v1 =	vnsel vm0, $0x0, v3;
	vm0 =	vge.f32 v7, v0  }
0xbc: {  	[tilespmem:s14+$0x360] =	vst v1;
	v0 =	vnsel vm0, $0x0, v7  }
0xbd: {  	[tilespmem:s14+$0x370] =	vst v0  }
0xbe: {  	v0 =	vld [tilespmem:s13+$0x10070];
	s13 =	simm.s32 $0x0  }
0xbf: {  	v3 =	vld [tilespmem:s13+$0x380]  }
0xc0: {  	v6 =	vld [tilespmem:s13+$0x390]  }
0xc1: {  	v5 =	vld [tilespmem:s13+$0x3A0]  }
0xc2: {  	v4 =	vld [tilespmem:s13+$0x3B0]  }
0xc3: {  	v1 =	vld [tilespmem:s13+$0x3C0]  }
0xc4: {  	v2 =	vld [tilespmem:s13+$0x3D0];
	vm0 =	vge.f32 v3, v0  }
0xc5: {  	s14 =	simm.s32 $0x1000;
	v7 =	vnsel vm0, $0x0, v3;
	vm0 =	vge.f32 v6, v0;
	v3 =	vld [tilespmem:s13+$0x3E0]  }
.LBB2_17:
0xc6: {  	s15 =	sshra.s32 s14, $0x2;
	p0 =	sne.s32 s14, $0x3F000;
	[tilespmem:s13+$0x380] =	vst v7;
	v6 =	vnsel vm0, $0x0, v6;
	vm0 =	vge.f32 v5, v0;
	v7 =	vld [tilespmem:s13+$0x3F0]  }
0xc7: {  	v8 =	vld [tilespmem:s15+$0x380];
	[tilespmem:s13+$0x390] =	vst v6;
	v5 =	vnsel vm0, $0x0, v5;
	vm0 =	vge.f32 v4, v0  }
0xc8: {  	v6 =	vld [tilespmem:s15+$0x390];
	[tilespmem:s13+$0x3A0] =	vst v5;
	v4 =	vnsel vm0, $0x0, v4;
	vm0 =	vge.f32 v1, v0  }
.Ltmp7:
0xc9: {  	v5 =	vld [tilespmem:s15+$0x3A0];
	[tilespmem:s13+$0x3B0] =	vst v4;
	v1 =	vnsel vm0, $0x0, v1;
	vm0 =	vge.f32 v2, v0;
	(pc) =	sbr.rel @p0 .LBB2_17-.Ltmp7, $4  }
0xca: {  	v4 =	vld [tilespmem:s15+$0x3B0];
	[tilespmem:s13+$0x3C0] =	vst v1;
	v2 =	vnsel vm0, $0x0, v2;
	vm0 =	vge.f32 v3, v0  }
0xcb: {  	v1 =	vld [tilespmem:s15+$0x3C0];
	[tilespmem:s13+$0x3D0] =	vst v2;
	v3 =	vnsel vm0, $0x0, v3;
	vm0 =	vge.f32 v7, v0  }
0xcc: {  	vm1 =	vge.f32 v8, v0;
	v2 =	vld [tilespmem:s15+$0x3D0];
	[tilespmem:s13+$0x3E0] =	vst v3;
	v9 =	vnsel vm0, $0x0, v7  }
0xcd: {  	s14 =	sadd.s32 $0x1000, s14;
	v7 =	vnsel vm1, $0x0, v8;
	vm0 =	vge.f32 v6, v0;
	v3 =	vld [tilespmem:s15+$0x3E0];
	[tilespmem:s13+$0x3F0] =	vst v9;
	s13 =	smov.u32 s15  }
0xce: {  	[tilespmem:s13+$0x380] =	vst v7;
	v6 =	vnsel vm0, $0x0, v6;
	vm10 =	vge.f32 v5, v0;
	v61 =	vld [tilespmem:s13+$0x3F0]  }
0xcf: {  	[tilespmem:s13+$0x390] =	vst v6;
	v5 =	vnsel vm10, $0x0, v5;
	vm11 =	vge.f32 v4, v0  }
0xd0: {  	[tilespmem:s13+$0x3A0] =	vst v5;
	v4 =	vnsel vm11, $0x0, v4;
	vm12 =	vge.f32 v1, v0  }
0xd1: {  	[tilespmem:s13+$0x3B0] =	vst v4;
	v1 =	vnsel vm12, $0x0, v1;
	vm13 =	vge.f32 v2, v0  }
0xd2: {  	[tilespmem:s13+$0x3C0] =	vst v1;
	v62 =	vnsel vm13, $0x0, v2;
	vm14 =	vge.f32 v3, v0  }
0xd3: {  	s11 =	sadd.s32 $0x1, s11;
	[tilespmem:s13+$0x3D0] =	vst v62;
	v63 =	vnsel vm14, $0x0, v3;
	vm15 =	vge.f32 v61, v0  }
0xd4: {  	p0 =	sne.s32 s11, $0x8;
	[tilespmem:s13+$0x3E0] =	vst v63;
	v0 =	vnsel vm15, $0x0, v61  }
.Ltmp8:
0xd5: {  	s12 =	sadd.s32 s4, s12;
	[tilespmem:s13+$0x3F0] =	vst v0;
	(pc) =	sbr.rel @p0 .LBB2_2-.Ltmp8, $4  }
0xd6: {  	[hbm4b:s12+s3] =	stream.linear.scatter [tilespmem:s3], [sflag:$0x1], $0x10000, $0x38;
	[tilespmem:$0x10400] =	vst v63  }
0xd7: {  	_ =	swait.ge [sflag:s9], $0x10000  }
0xd8: {  	[sflag:s9] =	ssyncset.done $0x0  }
0xd9: {  	[sflag:s9] =	ssyncadd.s32 $0xFFFF0000  }
0xda: {  	s10 =	sadd.s32 $0x1, s10  }
0xdb: {  	p0 =	sne.s32 s10, s7  }
.Ltmp9:
0xdc: {  	_ = 	snop;
	(pc) =	sbr.rel @p0 .LBB2_1-.Ltmp9, $1  }
0xdd: {  	_ =	sdelay $0x3  }
0xde: {  	_ =	sfence.sel $0x180000  }
0xdf: {  	[bflag:$0x0] =	sbarrier.arrive $0xFFFF  }
0xe0: {  	p0 =	sne.s32 s1, $0x0;
	_ =	strace $0x90000047  }
0xe1: {  	s0 =	sadd.s32 @!p0 $0x100000, s0;
	[bflag:$0x2] =	sbarrier.arrive $0xFFFF  }
0xe2: {  	[sflag:s0] =	ssyncadd.tile.s32 @!p0 $0x1;
	_ =	shalt  }
.Lfunc_end2:
_tile_overlayer_lowered:
.L_overlay_start_2:
0xe3: {  	(tag) =	ssettag $0x2  }
0xe4: {  	s0 =	rddreg [dreg:$0x0];
	s2 =	stileid.u32  }
0xe5: {  	s1 =	rddreg [dreg:$0x1];
	p0 =	sne.s32 s2, $0x0  }
0xe6: {  	s3 =	rddreg [dreg:$0x2];
	[bflag:$0x3] =	sbarrier.arrive $0xFFFF;
	s2 =	simm.s32 @!p0 $0x1C01  }
0xe7: {  	[timem:s3], [sflag:s2] =	dma.local @!p0 [hbm:s0], s1  }
0xe8: {  	s0 =	simm.s32 @!p0 $0x1  }
0xe9: {  	_ =	swait.ge @!p0 [sflag:s0], s1  }
0xea: {  	s1 =	ssub.s32 @!p0 $0x0, s1;
	[sflag:s0] =	ssyncset.done @!p0 $0x0  }
0xeb: {  	[sflag:s0] =	ssyncadd.s32 @!p0 s1  }
0xec: {  	[bflag:$0x3] =	sbarrier.arrive $0xFFFF  }
0xed: {  	_ =	shalt  }

// kernel: kernel.8.cloned.1.call-start
scs
__scs_entry_jumppad:
0x0: {  	(pc) =	sbr.rel $0x88, $3  }
0x1: {  	(tag) =	ssettag $0x0;
	lr =	simm.s32 $0x1  }
0x2: {  	[smem:$0x3F9C] =	sst lr;
	_ =	strace $0xD0000000  }
0x3: {  	_ = 	snop  }
0x4: {  	_ = 	snop  }
0x5: {  	_ = 	snop  }
0x6: {  	_ = 	snop  }
0x7: {  	_ = 	snop  }
__scs_overlays_trampoline_lowered:
0x8: {  	[smem:$0x3FAB] =	sst s0  }
0x9: {  	[smem:$0x3FAC] =	sst s1  }
0xa: {  	[smem:$0x3FAD] =	sst s2  }
0xb: {  	[smem:$0x3FAE] =	sst s3  }
0xc: {  	[smem:$0x3FAF] =	sst s4  }
0xd: {  	[smem:$0x3FB0] =	sst s5  }
0xe: {  	[smem:$0x3FB1] =	sst s6  }
0xf: {  	[smem:$0x3FB2] =	sst s7  }
0x10: {  	[smem:$0x3FB3] =	sst s8  }
0x11: {  	[smem:$0x3FB4] =	sst s9;
	s0 =	simm.s32 @!p0 $0x0  }
0x12: {  	s1 =	sld [smem:$0x3F9A];
	s0 =	simm.s32 @p0 $0x1  }
0x13: {  	[smem:$0x3FB5] =	sst s0;
	s0 =	simm.s32 @!p1 $0x0  }
0x14: {  	s2 =	sld [smem:$0x3F99];
	s0 =	simm.s32 @p1 $0x1  }
0x15: {  	[smem:$0x3FB6] =	sst s0;
	s0 =	simm.s32 @!p2 $0x0  }
0x16: {  	s3 =	sld [smem:$0x3FDB];
	s0 =	simm.s32 @p2 $0x1  }
0x17: {  	s4 =	simm.s32 $0x1BF5;
	[smem:$0x3FB8] =	sst s0  }
0x18: {  	s0 =	sld [smem:$0x3F9B];
	_ =	swait.ge [sflag:s4], $0x0  }
0x19: {  	s7 =	sld [smem:$0x3F9C]  }
0x1a: {  	s8 =	sadd.s32 $0xFFFFE003, lr  }
0x1b: {  	s9 =	sadd.s32 $0xFFFFFEF7, lr;
	s5 =	simm.s32 $0xFFFFFFFF;
	p2 =	slt.u32 s8, $0xFFFFF086  }
0x1c: {  	p1 =	slt.u32 s9, $0xF7A;
	s5 =	simm.s32 @!p2 $0x0  }
0x1d: {  	s5 =	simm.s32 @p1 $0x1;
	p0 =	seq.s32 s7, s2  }
0x1e: {  	s7 =	smul.u32 @!p0 $0xF7A, s2;
	p2 =	seq.s32 @!p0 s5, $0x0  }
0x1f: {  	s9 =	smul.u32 $0xF7A, s1;
	s8 =	simm.s32 @!p0 $0x1BF5;
	p2 =	por !p2, p0  }
0x20: {  	[sflag:s8] =	ssyncset.s32 @!p0 $0xFFFFF086;
	s6 =	sadd.s32 @!p0 s3, s7;
	s7 =	simm.s32 @!p0 $0x108  }
0x21: {  	s3 =	sadd.s32 s3, s9;
	s6 =	sadd.s32 @!p0 $0x88, s6;
	s7 =	simm.s32 @p2 $0x1082  }
0x22: {  	[simem:s7], [sflag:s8] =	dma.local @!p0 [hbm:s6], $0xF7A  }
0x23: {  	s9 =	sor.u32 $0xD0000000, s2;
	s6 =	simm.s32 $0x108;
	_ =	swait.ge @!p0 [sflag:s8], $0x0  }
0x24: {  	s3 =	sadd.s32 $0x88, s3;
	s6 =	simm.s32 @!p1 $0x1082;
	[sflag:s4] =	ssyncset.s32 $0xFFFFF086  }
0x25: {  	[simem:s6], [sflag:s4] =	dma.local [hbm:s3], $0xF7A  }
0x26: {  	[smem:$0x3F9C] =	sst s1;
	(tag) =	ssettag s2;
	_ =	strace s9  }
0x27: {  	s1 =	sld [smem:$0x3FAC]  }
0x28: {  	s2 =	sld [smem:$0x3FAD]  }
0x29: {  	s4 =	sld [smem:$0x3FAF]  }
0x2a: {  	p0 =	seq.s32 s5, $0x0;
	s5 =	sld [smem:$0x3FB0]  }
0x2b: {  	s6 =	sld [smem:$0x3FB1]  }
0x2c: {  	s7 =	sld [smem:$0x3FB2]  }
0x2d: {  	s3 =	simm.s32 $0x108;
	s8 =	sld [smem:$0x3FB3]  }
0x2e: {  	s3 =	simm.s32 @!p0 $0x1082;
	s9 =	sld [smem:$0x3FB4]  }
0x2f: {  	lr =	sadd.s32 s0, s3;
	s0 =	sld [smem:$0x3FAB]  }
0x30: {  	s3 =	sld [smem:$0x3FAE]  }
0x31: {  	[smem:$0x3FB7] =	sst s10  }
0x32: {  	s10 =	sld [smem:$0x3FB5];
	_ =	sdelay $0x3  }
0x33: {  	p0 =	seq.s32 s10, $0x1;
	s10 =	sld [smem:$0x3FB7];
	_ =	sdelay $0x3  }
0x34: {  	[smem:$0x3FB7] =	sst s10  }
0x35: {  	s10 =	sld [smem:$0x3FB6];
	_ =	sdelay $0x3  }
0x36: {  	p1 =	seq.s32 s10, $0x1;
	s10 =	sld [smem:$0x3FB7];
	_ =	sdelay $0x3  }
0x37: {  	[smem:$0x3FB7] =	sst s10  }
0x38: {  	s10 =	sld [smem:$0x3FB8]  }
0x39: {  	_ = 	snop;
	(pc) =	sbr.ind lr, $3  }
0x3a: {  	_ = 	snop  }
0x3b: {  	_ = 	snop  }
0x3c: {  	p2 =	seq.s32 s10, $0x1;
	s10 =	sld [smem:$0x3FB7]  }
0x3d: {  	_ =	shalt  }
0x3e: {  	_ =	shalt  }
0x3f: {  	_ =	shalt  }
0x40: {  	_ =	shalt  }
0x41: {  	_ =	shalt  }
0x42: {  	_ =	shalt  }
0x43: {  	_ =	shalt  }
0x44: {  	_ =	shalt  }
0x45: {  	_ =	shalt  }
0x46: {  	_ =	shalt  }
0x47: {  	_ =	shalt  }
0x48: {  	_ =	shalt  }
0x49: {  	_ =	shalt  }
0x4a: {  	_ =	shalt  }
0x4b: {  	_ =	shalt  }
0x4c: {  	_ =	shalt  }
0x4d: {  	_ =	shalt  }
0x4e: {  	_ =	shalt  }
0x4f: {  	_ =	shalt  }
0x50: {  	_ =	shalt  }
0x51: {  	_ =	shalt  }
0x52: {  	_ =	shalt  }
0x53: {  	_ =	shalt  }
0x54: {  	_ =	shalt  }
0x55: {  	_ =	shalt  }
0x56: {  	_ =	shalt  }
0x57: {  	_ =	shalt  }
0x58: {  	_ =	shalt  }
0x59: {  	_ =	shalt  }
0x5a: {  	_ =	shalt  }
0x5b: {  	_ =	shalt  }
0x5c: {  	_ =	shalt  }
0x5d: {  	_ =	shalt  }
0x5e: {  	_ =	shalt  }
0x5f: {  	_ =	shalt  }
0x60: {  	_ =	shalt  }
0x61: {  	_ =	shalt  }
0x62: {  	_ =	shalt  }
0x63: {  	_ =	shalt  }
0x64: {  	_ =	shalt  }
0x65: {  	_ =	shalt  }
0x66: {  	_ =	shalt  }
0x67: {  	_ =	shalt  }
0x68: {  	_ =	shalt  }
0x69: {  	_ =	shalt  }
0x6a: {  	_ =	shalt  }
0x6b: {  	_ =	shalt  }
0x6c: {  	_ =	shalt  }
0x6d: {  	_ =	shalt  }
0x6e: {  	_ =	shalt  }
0x6f: {  	_ =	shalt  }
0x70: {  	_ =	shalt  }
0x71: {  	_ =	shalt  }
0x72: {  	_ =	shalt  }
0x73: {  	_ =	shalt  }
0x74: {  	_ =	shalt  }
0x75: {  	_ =	shalt  }
0x76: {  	_ =	shalt  }
0x77: {  	_ =	shalt  }
0x78: {  	_ =	shalt  }
0x79: {  	_ =	shalt  }
0x7a: {  	_ =	shalt  }
0x7b: {  	_ =	shalt  }
0x7c: {  	_ =	shalt  }
0x7d: {  	_ =	shalt  }
0x7e: {  	_ =	shalt  }
0x7f: {  	_ =	shalt  }
0x80: {  	_ =	shalt  }
0x81: {  	_ =	shalt  }
0x82: {  	_ =	shalt  }
0x83: {  	_ =	shalt  }
0x84: {  	_ =	shalt  }
0x85: {  	_ =	shalt  }
0x86: {  	_ =	shalt  }
0x87: {  	_ =	shalt  }
.Lfunc_end0:
.L_simem_size_0:
called_computation_lowered:
.L_overlay_start_0:
0x88: {  	s2 =	sld [smem:$0x3FD9]  }
0x89: {  	s3 =	sld [smem:$0x3FFE];
	_ =	sdelay $0x1  }
0x8a: {  	s1 =	srdreg.scid  }
0x8b: {  	s0 =	sand.u32 $0x1, s1  }
0x8c: {  	s17 =	sshll.u32 s0, $0xA;
	s2 =	sadd.s32 s3, s2  }
0x8d: {  	s2 =	sadd.s32 s2, s17  }
0x8e: {  	[smem:$0x3FC3] =	sst s2  }
0x8f: {  	_ = 	snop  }
0x90: {  	(tm) =	ssettm $0x1  }
0x91: {  	s18 =	sld [smem:$0x3FFB];
	_ =	sdelay $0x3  }
0x92: {  	_ =	strace s18  }
0x93: {  	s2 =	sld [smem:$0x3FFC];
	_ =	sdelay $0x3  }
0x94: {  	_ =	strace s2  }
0x95: {  	s2 =	sld [smem:$0x3FFD];
	_ =	sdelay $0x3  }
0x96: {  	_ =	strace s2  }
0x97: {  	_ =	strace $0x8FFFFFFF  }
0x98: {  	s19 =	sld [smem:$0x3FDB];
	_ =	sdelay $0x1  }
0x99: {  	s20 =	simm.s32 $_scs_section_size  }
0x9a: {  	s4 =	simm.s32 $_size__tile_overlayer_lowered;
	s5 =	simm.s32 $_tile_overlayer_lowered  }
0x9b: {  	s6 =	simm.s32 $0x1BFF;
	s21 =	sshll.u32 s5, $0x1;
	s3 =	sadd.s32 s20, s19  }
0x9c: {  	s22 =	simm.s32 $0x0;
	s4 =	sshll.u32 s4, $0x1;
	s5 =	sadd.s32 s21, s3  }
0x9d: {  	[timem:s22], [sflag:s6] =	dma.local [hbm:s5], s4  }
0x9e: {  	_ =	swait.ge [sflag:s6], s4  }
0x9f: {  	s4 =	ssub.s32 $0x0, s4;
	[sflag:s6] =	ssyncset.done $0x0  }
0xa0: {  	[sflag:s6] =	ssyncadd.s32 s4;
	_ =	sdelay $0x1  }
0xa1: {  	s23 =	simm.s32 $0x1B8B  }
0xa2: {  	_ =	swait.ge [sflag:s23], $0x1  }
0xa3: {  	[sflag:s23] =	ssyncset.done $0x0  }
0xa4: {  	[sflag:s23] =	ssyncadd.s32 $0xFFFFFFFF  }
0xa5: {  	s4 =	sld [smem:$0x0]  }
0xa6: {  	s5 =	sand.u32 $0xFFFFFFFE, s1  }
0xa7: {  	p0 =	sne.s32 s1, s5  }
0xa8: {  	s5 =	sshll.u32 @p0 s5, $0xE  }
0xa9: {  	s5 =	sadd.s32 @p0 $0x11B8D, s5;
	s6 =	sshll.u32 @p0 s4, $0x11  }
0xaa: {  	s5 =	sor.u32 @p0 s6, s5  }
0xab: {  	[sflag:s5] =	ssyncadd.remote.s32 @p0 $0x1;
	_ =	sdelay $0x1  }
0xac: {  	s5 =	simm.s32 @p0 $0x1B8D  }
0xad: {  	_ =	swait.eq @p0 [sflag:s5], $0x1  }
0xae: {  	[sflag:s5] =	ssyncadd.s32 @p0 $0xFFFFFFFF  }
0xaf: {  	s6 =	sshll.u32 @!p0 s1, $0xE  }
0xb0: {  	s6 =	sor.u32 @!p0 $0x4000, s6;
	s5 =	simm.s32 @!p0 $0x1B8D  }
0xb1: {  	s4 =	sshll.u32 @!p0 s4, $0x11;
	s6 =	sadd.s32 @!p0 $0x11B8D, s6;
	_ =	swait.eq @!p0 [sflag:s5], $0x1  }
0xb2: {  	s4 =	sor.u32 @!p0 s4, s6;
	[sflag:s5] =	ssyncadd.s32 @!p0 $0xFFFFFFFF  }
0xb3: {  	s25 =	simm.s32 $0x1B8E;
	s24 =	sld [smem:$0x3FFE];
	[sflag:s4] =	ssyncadd.remote.s32 @!p0 $0x1  }
0xb4: {  	s26 =	simm.s32 $execute0_lowered;
	[smem:$0x3FD2] =	sst s25  }
0xb5: {  	s5 =	sshll.u32 s26, $0x1;
	_ =	strace $0x80000049;
	[dreg:$0x1] =	wrdreg $0xFFFFFFFF  }
0xb6: {  	s28 =	simm.s32 $_size_execute0_lowered;
	s3 =	sadd.s32 s3, s5;
	[dreg:$0x0] =	wrdreg $0x0  }
0xb7: {  	s5 =	sshll.u32 s28, $0x1;
	[dreg:$0x2] =	wrdreg s3  }
0xb8: {  	[dreg:$0x3] =	wrdreg s5  }
0xb9: {  	[dreg:$0x4] =	wrdreg $0xC0  }
0xba: {  	_ =	task [dreg:s22], $0x5FFFF  }
0xbb: {  	[dreg:$0x1] =	wrdreg $0xFFFFFFFF  }
0xbc: {  	[dreg:$0x0] =	wrdreg $0x60  }
0xbd: {  	[dreg:$0x2] =	wrdreg s24  }
0xbe: {  	[dreg:$0x3] =	wrdreg $0x9  }
0xbf: {  	_ =	task.clear_ibuf [dreg:s22], $0x4FFFF;
	_ =	strace $0x90000049  }
0xc0: {  	s29 =	simm.s32 $0x9;
	_ =	strace $0x8000004B  }
0xc1: {  	_ =	swait.ge [sflag:s29], $0x1  }
0xc2: {  	[sflag:s29] =	ssyncadd.s32 $0xFFFFFFFF  }
0xc3: {  	_ =	strace $0x9000004B  }
0xc4: {  	_ =	sfence  }
0xc5: {  	s30 =	sld [smem:$0x0];
	_ =	sdelay $0x2  }
0xc6: {  	s31 =	sshll.u32 s1, $0xD;
	s1 =	sshrl.u32 s1, $0x2  }
0xc7: {  	s4 =	sand.u32 $0x4000, s31;
	s1 =	sadd.s32 s1, s30  }
0xc8: {  	s0 =	sor.u32 s4, s0;
	s1 =	sshll.u32 s1, $0x11  }
0xc9: {  	s0 =	sor.u32 s1, s0  }
0xca: {  	s0 =	sadd.s32 $0x8F2B, s0  }
0xcb: {  	[sflag:s0] =	ssyncadd.remote.s32 $0x1  }
0xcc: {  	_ =	sfence.sel $0xFFFF  }
0xcd: {  	[dreg:$0x0] =	wrdreg $0xFFFFFFFF;
	(pc) =	sbr.abs _section_cstart, $3  }
0xce: {  	[dreg:$0x1] =	wrdreg $0xFFFFFFFF  }
0xcf: {  	_ =	task.clear_ibuf [dreg:s22], $0x2FFFF;
	_ =	strace $0x9FFFFFFF  }
0xd0: {  	(tm) =	ssettm $0x7FFFFFFF  }
0xd1: {  	_ =	shalt  }
tec
execute0_lowered:
.L_overlay_start_1:
0x0: {  	(tag) =	ssettag $0x1  }
0x1: {  	s4 =	rddreg [dreg:$0x0]  }
0x2: {  	s0 =	rddreg [dreg:$0x1]  }
0x3: {  	s2 =	simm.s32 $0x0;
	s3 =	srdreg.scid;
	s1 =	stileid.u32  }
0x4: {  	s9 =	simm.s32 $0x1;
	s10 =	simm.s32 $0x0;
	[smem:$0x7FF] =	sst s2  }
0x5: {  	s3 =	sand.u32 $0x1, s3;
	s5 =	sshll.u32 s1, $0x1;
	_ =	strace $0x8000004A  }
0x6: {  	s6 =	sor.u32 s3, s5;
	s31 =	ssub.s32 $0x2, s3;
	s3 =	sadd.s32 $0x202600, s4  }
0x7: {  	s7 =	sshll.u32 s6, $0x7;
	s8 =	sshrl.u32 s31, $0x1;
	s6 =	sshll.u32 s6, $0x10  }
0x8: {  	s7 =	sadd.s32 s7, s4;
	s4 =	sadd.s32 $0x403600, s4;
	s8 =	ssub.s32 s31, s8  }
0x9: {  	s5 =	sadd.s32 $0x402600, s7;
	s7 =	smax.u32 s8, $0x1;
	s8 =	simm.s32 $0x10000  }
.LBB2_1:
0xa: {  	[tilespmem:s8], [sflag:$0x1] =	stream.linear.gather [hbm4b:s5+s2], $0x400, $0x38;
	[tilespmem:$0x10400] =	vst v63  }
0xb: {  	_ =	swait.ge [sflag:s9], $0x400  }
0xc: {  	[sflag:s9] =	ssyncset.done $0x0  }
0xd: {  	s11 =	simm.s32 $0x0;
	[sflag:s9] =	ssyncadd.s32 $0xFFFFFC00  }
.LBB2_2:
0xe: {  	s12 =	sshll.u32 s11, $0xD  }
0xf: {  	s12 =	sadd.s32 s6, s12  }
0x10: {  	s14 =	simm.s32 $0x0;
	s13 =	sadd.s32 s3, s12  }
0x11: {  	[tilespmem:s14], [sflag:$0x1] =	stream.linear.gather [hbm4b:s13+s14], $0x10000, $0x38;
	[tilespmem:$0x10400] =	vst v63  }
0x12: {  	_ =	swait.ge [sflag:s9], $0x10000  }
0x13: {  	s31 =	sshll.u32 s11, $0x7;
	[sflag:s9] =	ssyncset.done $0x0  }
0x14: {  	s13 =	sand.u32 $0x3FFFFF80, s31;
	[sflag:s9] =	ssyncadd.s32 $0xFFFF0000  }
0x15: {  	s14 =	simm.s32 $0x0;
	v0 =	vld [tilespmem:s13+$0x10000]  }
0x16: {  	v3 =	vld [tilespmem:s14+$0x0]  }
0x17: {  	v6 =	vld [tilespmem:s14+$0x10]  }
0x18: {  	v5 =	vld [tilespmem:s14+$0x20]  }
0x19: {  	v4 =	vld [tilespmem:s14+$0x30]  }
0x1a: {  	v1 =	vld [tilespmem:s14+$0x40]  }
0x1b: {  	v2 =	vld [tilespmem:s14+$0x50];
	vm0 =	vge.f32 v3, v0  }
0x1c: {  	s15 =	simm.s32 $0x1000;
	v7 =	vnsel vm0, $0x0, v3;
	vm0 =	vge.f32 v6, v0;
	v3 =	vld [tilespmem:s14+$0x60]  }
.LBB2_3:
0x1d: {  	s16 =	sshra.s32 s15, $0x2;
	p0 =	sne.s32 s15, $0x3F000;
	[tilespmem:s14+$0x0] =	vst v7;
	v6 =	vnsel vm0, $0x0, v6;
	vm0 =	vge.f32 v5, v0;
	v7 =	vld [tilespmem:s14+$0x70]  }
0x1e: {  	v8 =	vld [tilespmem:s16+$0x0];
	[tilespmem:s14+$0x10] =	vst v6;
	v5 =	vnsel vm0, $0x0, v5;
	vm0 =	vge.f32 v4, v0  }
0x1f: {  	v6 =	vld [tilespmem:s16+$0x10];
	[tilespmem:s14+$0x20] =	vst v5;
	v4 =	vnsel vm0, $0x0, v4;
	vm0 =	vge.f32 v1, v0  }
.Ltmp0:
0x20: {  	v5 =	vld [tilespmem:s16+$0x20];
	[tilespmem:s14+$0x30] =	vst v4;
	v1 =	vnsel vm0, $0x0, v1;
	vm0 =	vge.f32 v2, v0;
	(pc) =	sbr.rel @p0 .LBB2_3-.Ltmp0, $4  }
0x21: {  	v4 =	vld [tilespmem:s16+$0x30];
	[tilespmem:s14+$0x40] =	vst v1;
	v2 =	vnsel vm0, $0x0, v2;
	vm0 =	vge.f32 v3, v0  }
0x22: {  	v1 =	vld [tilespmem:s16+$0x40];
	[tilespmem:s14+$0x50] =	vst v2;
	v3 =	vnsel vm0, $0x0, v3;
	vm0 =	vge.f32 v7, v0  }
0x23: {  	vm1 =	vge.f32 v8, v0;
	v2 =	vld [tilespmem:s16+$0x50];
	[tilespmem:s14+$0x60] =	vst v3;
	v9 =	vnsel vm0, $0x0, v7  }
0x24: {  	s15 =	sadd.s32 $0x1000, s15;
	v7 =	vnsel vm1, $0x0, v8;
	vm0 =	vge.f32 v6, v0;
	v3 =	vld [tilespmem:s16+$0x60];
	[tilespmem:s14+$0x70] =	vst v9;
	s14 =	smov.u32 s16  }
0x25: {  	[tilespmem:s14+$0x0] =	vst v7;
	v6 =	vnsel vm0, $0x0, v6;
	vm0 =	vge.f32 v5, v0;
	v7 =	vld [tilespmem:s14+$0x70]  }
0x26: {  	[tilespmem:s14+$0x10] =	vst v6;
	v5 =	vnsel vm0, $0x0, v5;
	vm0 =	vge.f32 v4, v0  }
0x27: {  	[tilespmem:s14+$0x20] =	vst v5;
	v4 =	vnsel vm0, $0x0, v4;
	vm0 =	vge.f32 v1, v0  }
0x28: {  	[tilespmem:s14+$0x30] =	vst v4;
	v1 =	vnsel vm0, $0x0, v1;
	vm0 =	vge.f32 v2, v0  }
0x29: {  	[tilespmem:s14+$0x40] =	vst v1;
	v1 =	vnsel vm0, $0x0, v2;
	vm0 =	vge.f32 v3, v0  }
0x2a: {  	[tilespmem:s14+$0x50] =	vst v1;
	v1 =	vnsel vm0, $0x0, v3;
	vm0 =	vge.f32 v7, v0  }
0x2b: {  	[tilespmem:s14+$0x60] =	vst v1;
	v0 =	vnsel vm0, $0x0, v7  }
0x2c: {  	[tilespmem:s14+$0x70] =	vst v0  }
0x2d: {  	s14 =	simm.s32 $0x0;
	v0 =	vld [tilespmem:s13+$0x10010]  }
0x2e: {  	v3 =	vld [tilespmem:s14+$0x80]  }
0x2f: {  	v6 =	vld [tilespmem:s14+$0x90]  }
0x30: {  	v5 =	vld [tilespmem:s14+$0xA0]  }
0x31: {  	v4 =	vld [tilespmem:s14+$0xB0]  }
0x32: {  	v1 =	vld [tilespmem:s14+$0xC0]  }
0x33: {  	v2 =	vld [tilespmem:s14+$0xD0];
	vm0 =	vge.f32 v3, v0  }
0x34: {  	s15 =	simm.s32 $0x1000;
	v7 =	vnsel vm0, $0x0, v3;
	vm0 =	vge.f32 v6, v0;
	v3 =	vld [tilespmem:s14+$0xE0]  }
.LBB2_5:
0x35: {  	s16 =	sshra.s32 s15, $0x2;
	p0 =	sne.s32 s15, $0x3F000;
	[tilespmem:s14+$0x80] =	vst v7;
	v6 =	vnsel vm0, $0x0, v6;
	vm0 =	vge.f32 v5, v0;
	v7 =	vld [tilespmem:s14+$0xF0]  }
0x36: {  	v8 =	vld [tilespmem:s16+$0x80];
	[tilespmem:s14+$0x90] =	vst v6;
	v5 =	vnsel vm0, $0x0, v5;
	vm0 =	vge.f32 v4, v0  }
0x37: {  	v6 =	vld [tilespmem:s16+$0x90];
	[tilespmem:s14+$0xA0] =	vst v5;
	v4 =	vnsel vm0, $0x0, v4;
	vm0 =	vge.f32 v1, v0  }
.Ltmp1:
0x38: {  	v5 =	vld [tilespmem:s16+$0xA0];
	[tilespmem:s14+$0xB0] =	vst v4;
	v1 =	vnsel vm0, $0x0, v1;
	vm0 =	vge.f32 v2, v0;
	(pc) =	sbr.rel @p0 .LBB2_5-.Ltmp1, $4  }
0x39: {  	v4 =	vld [tilespmem:s16+$0xB0];
	[tilespmem:s14+$0xC0] =	vst v1;
	v2 =	vnsel vm0, $0x0, v2;
	vm0 =	vge.f32 v3, v0  }
0x3a: {  	v1 =	vld [tilespmem:s16+$0xC0];
	[tilespmem:s14+$0xD0] =	vst v2;
	v3 =	vnsel vm0, $0x0, v3;
	vm0 =	vge.f32 v7, v0  }
0x3b: {  	vm1 =	vge.f32 v8, v0;
	v2 =	vld [tilespmem:s16+$0xD0];
	[tilespmem:s14+$0xE0] =	vst v3;
	v9 =	vnsel vm0, $0x0, v7  }
0x3c: {  	s15 =	sadd.s32 $0x1000, s15;
	v7 =	vnsel vm1, $0x0, v8;
	vm0 =	vge.f32 v6, v0;
	v3 =	vld [tilespmem:s16+$0xE0];
	[tilespmem:s14+$0xF0] =	vst v9;
	s14 =	smov.u32 s16  }
0x3d: {  	[tilespmem:s14+$0x80] =	vst v7;
	v6 =	vnsel vm0, $0x0, v6;
	vm0 =	vge.f32 v5, v0;
	v7 =	vld [tilespmem:s14+$0xF0]  }
0x3e: {  	[tilespmem:s14+$0x90] =	vst v6;
	v5 =	vnsel vm0, $0x0, v5;
	vm0 =	vge.f32 v4, v0  }
0x3f: {  	[tilespmem:s14+$0xA0] =	vst v5;
	v4 =	vnsel vm0, $0x0, v4;
	vm0 =	vge.f32 v1, v0  }
0x40: {  	[tilespmem:s14+$0xB0] =	vst v4;
	v1 =	vnsel vm0, $0x0, v1;
	vm0 =	vge.f32 v2, v0  }
0x41: {  	[tilespmem:s14+$0xC0] =	vst v1;
	v1 =	vnsel vm0, $0x0, v2;
	vm0 =	vge.f32 v3, v0  }
0x42: {  	[tilespmem:s14+$0xD0] =	vst v1;
	v1 =	vnsel vm0, $0x0, v3;
	vm0 =	vge.f32 v7, v0  }
0x43: {  	[tilespmem:s14+$0xE0] =	vst v1;
	v0 =	vnsel vm0, $0x0, v7  }
0x44: {  	[tilespmem:s14+$0xF0] =	vst v0  }
0x45: {  	s14 =	simm.s32 $0x0;
	v0 =	vld [tilespmem:s13+$0x10020]  }
0x46: {  	v3 =	vld [tilespmem:s14+$0x100]  }
0x47: {  	v6 =	vld [tilespmem:s14+$0x110]  }
0x48: {  	v5 =	vld [tilespmem:s14+$0x120]  }
0x49: {  	v4 =	vld [tilespmem:s14+$0x130]  }
0x4a: {  	v1 =	vld [tilespmem:s14+$0x140]  }
0x4b: {  	v2 =	vld [tilespmem:s14+$0x150];
	vm0 =	vge.f32 v3, v0  }
0x4c: {  	s15 =	simm.s32 $0x1000;
	v7 =	vnsel vm0, $0x0, v3;
	vm0 =	vge.f32 v6, v0;
	v3 =	vld [tilespmem:s14+$0x160]  }
.LBB2_7:
0x4d: {  	s16 =	sshra.s32 s15, $0x2;
	p0 =	sne.s32 s15, $0x3F000;
	[tilespmem:s14+$0x100] =	vst v7;
	v6 =	vnsel vm0, $0x0, v6;
	vm0 =	vge.f32 v5, v0;
	v7 =	vld [tilespmem:s14+$0x170]  }
0x4e: {  	v8 =	vld [tilespmem:s16+$0x100];
	[tilespmem:s14+$0x110] =	vst v6;
	v5 =	vnsel vm0, $0x0, v5;
	vm0 =	vge.f32 v4, v0  }
0x4f: {  	v6 =	vld [tilespmem:s16+$0x110];
	[tilespmem:s14+$0x120] =	vst v5;
	v4 =	vnsel vm0, $0x0, v4;
	vm0 =	vge.f32 v1, v0  }
.Ltmp2:
0x50: {  	v5 =	vld [tilespmem:s16+$0x120];
	[tilespmem:s14+$0x130] =	vst v4;
	v1 =	vnsel vm0, $0x0, v1;
	vm0 =	vge.f32 v2, v0;
	(pc) =	sbr.rel @p0 .LBB2_7-.Ltmp2, $4  }
0x51: {  	v4 =	vld [tilespmem:s16+$0x130];
	[tilespmem:s14+$0x140] =	vst v1;
	v2 =	vnsel vm0, $0x0, v2;
	vm0 =	vge.f32 v3, v0  }
0x52: {  	v1 =	vld [tilespmem:s16+$0x140];
	[tilespmem:s14+$0x150] =	vst v2;
	v3 =	vnsel vm0, $0x0, v3;
	vm0 =	vge.f32 v7, v0  }
0x53: {  	vm1 =	vge.f32 v8, v0;
	v2 =	vld [tilespmem:s16+$0x150];
	[tilespmem:s14+$0x160] =	vst v3;
	v9 =	vnsel vm0, $0x0, v7  }
0x54: {  	s15 =	sadd.s32 $0x1000, s15;
	v7 =	vnsel vm1, $0x0, v8;
	vm0 =	vge.f32 v6, v0;
	v3 =	vld [tilespmem:s16+$0x160];
	[tilespmem:s14+$0x170] =	vst v9;
	s14 =	smov.u32 s16  }
0x55: {  	[tilespmem:s14+$0x100] =	vst v7;
	v6 =	vnsel vm0, $0x0, v6;
	vm0 =	vge.f32 v5, v0;
	v7 =	vld [tilespmem:s14+$0x170]  }
0x56: {  	[tilespmem:s14+$0x110] =	vst v6;
	v5 =	vnsel vm0, $0x0, v5;
	vm0 =	vge.f32 v4, v0  }
0x57: {  	[tilespmem:s14+$0x120] =	vst v5;
	v4 =	vnsel vm0, $0x0, v4;
	vm0 =	vge.f32 v1, v0  }
0x58: {  	[tilespmem:s14+$0x130] =	vst v4;
	v1 =	vnsel vm0, $0x0, v1;
	vm0 =	vge.f32 v2, v0  }
0x59: {  	[tilespmem:s14+$0x140] =	vst v1;
	v1 =	vnsel vm0, $0x0, v2;
	vm0 =	vge.f32 v3, v0  }
0x5a: {  	[tilespmem:s14+$0x150] =	vst v1;
	v1 =	vnsel vm0, $0x0, v3;
	vm0 =	vge.f32 v7, v0  }
0x5b: {  	[tilespmem:s14+$0x160] =	vst v1;
	v0 =	vnsel vm0, $0x0, v7  }
0x5c: {  	[tilespmem:s14+$0x170] =	vst v0  }
0x5d: {  	s14 =	simm.s32 $0x0;
	v0 =	vld [tilespmem:s13+$0x10030]  }
0x5e: {  	v3 =	vld [tilespmem:s14+$0x180]  }
0x5f: {  	v6 =	vld [tilespmem:s14+$0x190]  }
0x60: {  	v5 =	vld [tilespmem:s14+$0x1A0]  }
0x61: {  	v4 =	vld [tilespmem:s14+$0x1B0]  }
0x62: {  	v1 =	vld [tilespmem:s14+$0x1C0]  }
0x63: {  	v2 =	vld [tilespmem:s14+$0x1D0];
	vm0 =	vge.f32 v3, v0  }
0x64: {  	s15 =	simm.s32 $0x1000;
	v7 =	vnsel vm0, $0x0, v3;
	vm0 =	vge.f32 v6, v0;
	v3 =	vld [tilespmem:s14+$0x1E0]  }
.LBB2_9:
0x65: {  	s16 =	sshra.s32 s15, $0x2;
	p0 =	sne.s32 s15, $0x3F000;
	[tilespmem:s14+$0x180] =	vst v7;
	v6 =	vnsel vm0, $0x0, v6;
	vm0 =	vge.f32 v5, v0;
	v7 =	vld [tilespmem:s14+$0x1F0]  }
0x66: {  	v8 =	vld [tilespmem:s16+$0x180];
	[tilespmem:s14+$0x190] =	vst v6;
	v5 =	vnsel vm0, $0x0, v5;
	vm0 =	vge.f32 v4, v0  }
0x67: {  	v6 =	vld [tilespmem:s16+$0x190];
	[tilespmem:s14+$0x1A0] =	vst v5;
	v4 =	vnsel vm0, $0x0, v4;
	vm0 =	vge.f32 v1, v0  }
.Ltmp3:
0x68: {  	v5 =	vld [tilespmem:s16+$0x1A0];
	[tilespmem:s14+$0x1B0] =	vst v4;
	v1 =	vnsel vm0, $0x0, v1;
	vm0 =	vge.f32 v2, v0;
	(pc) =	sbr.rel @p0 .LBB2_9-.Ltmp3, $4  }
0x69: {  	v4 =	vld [tilespmem:s16+$0x1B0];
	[tilespmem:s14+$0x1C0] =	vst v1;
	v2 =	vnsel vm0, $0x0, v2;
	vm0 =	vge.f32 v3, v0  }
0x6a: {  	v1 =	vld [tilespmem:s16+$0x1C0];
	[tilespmem:s14+$0x1D0] =	vst v2;
	v3 =	vnsel vm0, $0x0, v3;
	vm0 =	vge.f32 v7, v0  }
0x6b: {  	vm1 =	vge.f32 v8, v0;
	v2 =	vld [tilespmem:s16+$0x1D0];
	[tilespmem:s14+$0x1E0] =	vst v3;
	v9 =	vnsel vm0, $0x0, v7  }
0x6c: {  	s15 =	sadd.s32 $0x1000, s15;
	v7 =	vnsel vm1, $0x0, v8;
	vm0 =	vge.f32 v6, v0;
	v3 =	vld [tilespmem:s16+$0x1E0];
	[tilespmem:s14+$0x1F0] =	vst v9;
	s14 =	smov.u32 s16  }
0x6d: {  	[tilespmem:s14+$0x180] =	vst v7;
	v6 =	vnsel vm0, $0x0, v6;
	vm0 =	vge.f32 v5, v0;
	v7 =	vld [tilespmem:s14+$0x1F0]  }
0x6e: {  	[tilespmem:s14+$0x190] =	vst v6;
	v5 =	vnsel vm0, $0x0, v5;
	vm0 =	vge.f32 v4, v0  }
0x6f: {  	[tilespmem:s14+$0x1A0] =	vst v5;
	v4 =	vnsel vm0, $0x0, v4;
	vm0 =	vge.f32 v1, v0  }
0x70: {  	[tilespmem:s14+$0x1B0] =	vst v4;
	v1 =	vnsel vm0, $0x0, v1;
	vm0 =	vge.f32 v2, v0  }
0x71: {  	[tilespmem:s14+$0x1C0] =	vst v1;
	v1 =	vnsel vm0, $0x0, v2;
	vm0 =	vge.f32 v3, v0  }
0x72: {  	[tilespmem:s14+$0x1D0] =	vst v1;
	v1 =	vnsel vm0, $0x0, v3;
	vm0 =	vge.f32 v7, v0  }
0x73: {  	[tilespmem:s14+$0x1E0] =	vst v1;
	v0 =	vnsel vm0, $0x0, v7  }
0x74: {  	[tilespmem:s14+$0x1F0] =	vst v0  }
0x75: {  	s14 =	simm.s32 $0x0;
	v0 =	vld [tilespmem:s13+$0x10040]  }
0x76: {  	v3 =	vld [tilespmem:s14+$0x200]  }
0x77: {  	v6 =	vld [tilespmem:s14+$0x210]  }
0x78: {  	v5 =	vld [tilespmem:s14+$0x220]  }
0x79: {  	v4 =	vld [tilespmem:s14+$0x230]  }
0x7a: {  	v1 =	vld [tilespmem:s14+$0x240]  }
0x7b: {  	v2 =	vld [tilespmem:s14+$0x250];
	vm0 =	vge.f32 v3, v0  }
0x7c: {  	s15 =	simm.s32 $0x1000;
	v7 =	vnsel vm0, $0x0, v3;
	vm0 =	vge.f32 v6, v0;
	v3 =	vld [tilespmem:s14+$0x260]  }
.LBB2_11:
0x7d: {  	s16 =	sshra.s32 s15, $0x2;
	p0 =	sne.s32 s15, $0x3F000;
	[tilespmem:s14+$0x200] =	vst v7;
	v6 =	vnsel vm0, $0x0, v6;
	vm0 =	vge.f32 v5, v0;
	v7 =	vld [tilespmem:s14+$0x270]  }
0x7e: {  	v8 =	vld [tilespmem:s16+$0x200];
	[tilespmem:s14+$0x210] =	vst v6;
	v5 =	vnsel vm0, $0x0, v5;
	vm0 =	vge.f32 v4, v0  }
0x7f: {  	v6 =	vld [tilespmem:s16+$0x210];
	[tilespmem:s14+$0x220] =	vst v5;
	v4 =	vnsel vm0, $0x0, v4;
	vm0 =	vge.f32 v1, v0  }
.Ltmp4:
0x80: {  	v5 =	vld [tilespmem:s16+$0x220];
	[tilespmem:s14+$0x230] =	vst v4;
	v1 =	vnsel vm0, $0x0, v1;
	vm0 =	vge.f32 v2, v0;
	(pc) =	sbr.rel @p0 .LBB2_11-.Ltmp4, $4  }
0x81: {  	v4 =	vld [tilespmem:s16+$0x230];
	[tilespmem:s14+$0x240] =	vst v1;
	v2 =	vnsel vm0, $0x0, v2;
	vm0 =	vge.f32 v3, v0  }
0x82: {  	v1 =	vld [tilespmem:s16+$0x240];
	[tilespmem:s14+$0x250] =	vst v2;
	v3 =	vnsel vm0, $0x0, v3;
	vm0 =	vge.f32 v7, v0  }
0x83: {  	vm1 =	vge.f32 v8, v0;
	v2 =	vld [tilespmem:s16+$0x250];
	[tilespmem:s14+$0x260] =	vst v3;
	v9 =	vnsel vm0, $0x0, v7  }
0x84: {  	s15 =	sadd.s32 $0x1000, s15;
	v7 =	vnsel vm1, $0x0, v8;
	vm0 =	vge.f32 v6, v0;
	v3 =	vld [tilespmem:s16+$0x260];
	[tilespmem:s14+$0x270] =	vst v9;
	s14 =	smov.u32 s16  }
0x85: {  	[tilespmem:s14+$0x200] =	vst v7;
	v6 =	vnsel vm0, $0x0, v6;
	vm0 =	vge.f32 v5, v0;
	v7 =	vld [tilespmem:s14+$0x270]  }
0x86: {  	[tilespmem:s14+$0x210] =	vst v6;
	v5 =	vnsel vm0, $0x0, v5;
	vm0 =	vge.f32 v4, v0  }
0x87: {  	[tilespmem:s14+$0x220] =	vst v5;
	v4 =	vnsel vm0, $0x0, v4;
	vm0 =	vge.f32 v1, v0  }
0x88: {  	[tilespmem:s14+$0x230] =	vst v4;
	v1 =	vnsel vm0, $0x0, v1;
	vm0 =	vge.f32 v2, v0  }
0x89: {  	[tilespmem:s14+$0x240] =	vst v1;
	v1 =	vnsel vm0, $0x0, v2;
	vm0 =	vge.f32 v3, v0  }
0x8a: {  	[tilespmem:s14+$0x250] =	vst v1;
	v1 =	vnsel vm0, $0x0, v3;
	vm0 =	vge.f32 v7, v0  }
0x8b: {  	[tilespmem:s14+$0x260] =	vst v1;
	v0 =	vnsel vm0, $0x0, v7  }
0x8c: {  	[tilespmem:s14+$0x270] =	vst v0  }
0x8d: {  	s14 =	simm.s32 $0x0;
	v0 =	vld [tilespmem:s13+$0x10050]  }
0x8e: {  	v3 =	vld [tilespmem:s14+$0x280]  }
0x8f: {  	v6 =	vld [tilespmem:s14+$0x290]  }
0x90: {  	v5 =	vld [tilespmem:s14+$0x2A0]  }
0x91: {  	v4 =	vld [tilespmem:s14+$0x2B0]  }
0x92: {  	v1 =	vld [tilespmem:s14+$0x2C0]  }
0x93: {  	v2 =	vld [tilespmem:s14+$0x2D0];
	vm0 =	vge.f32 v3, v0  }
0x94: {  	s15 =	simm.s32 $0x1000;
	v7 =	vnsel vm0, $0x0, v3;
	vm0 =	vge.f32 v6, v0;
	v3 =	vld [tilespmem:s14+$0x2E0]  }
.LBB2_13:
0x95: {  	s16 =	sshra.s32 s15, $0x2;
	p0 =	sne.s32 s15, $0x3F000;
	[tilespmem:s14+$0x280] =	vst v7;
	v6 =	vnsel vm0, $0x0, v6;
	vm0 =	vge.f32 v5, v0;
	v7 =	vld [tilespmem:s14+$0x2F0]  }
0x96: {  	v8 =	vld [tilespmem:s16+$0x280];
	[tilespmem:s14+$0x290] =	vst v6;
	v5 =	vnsel vm0, $0x0, v5;
	vm0 =	vge.f32 v4, v0  }
0x97: {  	v6 =	vld [tilespmem:s16+$0x290];
	[tilespmem:s14+$0x2A0] =	vst v5;
	v4 =	vnsel vm0, $0x0, v4;
	vm0 =	vge.f32 v1, v0  }
.Ltmp5:
0x98: {  	v5 =	vld [tilespmem:s16+$0x2A0];
	[tilespmem:s14+$0x2B0] =	vst v4;
	v1 =	vnsel vm0, $0x0, v1;
	vm0 =	vge.f32 v2, v0;
	(pc) =	sbr.rel @p0 .LBB2_13-.Ltmp5, $4  }
0x99: {  	v4 =	vld [tilespmem:s16+$0x2B0];
	[tilespmem:s14+$0x2C0] =	vst v1;
	v2 =	vnsel vm0, $0x0, v2;
	vm0 =	vge.f32 v3, v0  }
0x9a: {  	v1 =	vld [tilespmem:s16+$0x2C0];
	[tilespmem:s14+$0x2D0] =	vst v2;
	v3 =	vnsel vm0, $0x0, v3;
	vm0 =	vge.f32 v7, v0  }
0x9b: {  	vm1 =	vge.f32 v8, v0;
	v2 =	vld [tilespmem:s16+$0x2D0];
	[tilespmem:s14+$0x2E0] =	vst v3;
	v9 =	vnsel vm0, $0x0, v7  }
0x9c: {  	s15 =	sadd.s32 $0x1000, s15;
	v7 =	vnsel vm1, $0x0, v8;
	vm0 =	vge.f32 v6, v0;
	v3 =	vld [tilespmem:s16+$0x2E0];
	[tilespmem:s14+$0x2F0] =	vst v9;
	s14 =	smov.u32 s16  }
0x9d: {  	[tilespmem:s14+$0x280] =	vst v7;
	v6 =	vnsel vm0, $0x0, v6;
	vm0 =	vge.f32 v5, v0;
	v7 =	vld [tilespmem:s14+$0x2F0]  }
0x9e: {  	[tilespmem:s14+$0x290] =	vst v6;
	v5 =	vnsel vm0, $0x0, v5;
	vm0 =	vge.f32 v4, v0  }
0x9f: {  	[tilespmem:s14+$0x2A0] =	vst v5;
	v4 =	vnsel vm0, $0x0, v4;
	vm0 =	vge.f32 v1, v0  }
0xa0: {  	[tilespmem:s14+$0x2B0] =	vst v4;
	v1 =	vnsel vm0, $0x0, v1;
	vm0 =	vge.f32 v2, v0  }
0xa1: {  	[tilespmem:s14+$0x2C0] =	vst v1;
	v1 =	vnsel vm0, $0x0, v2;
	vm0 =	vge.f32 v3, v0  }
0xa2: {  	[tilespmem:s14+$0x2D0] =	vst v1;
	v1 =	vnsel vm0, $0x0, v3;
	vm0 =	vge.f32 v7, v0  }
0xa3: {  	[tilespmem:s14+$0x2E0] =	vst v1;
	v0 =	vnsel vm0, $0x0, v7  }
0xa4: {  	[tilespmem:s14+$0x2F0] =	vst v0  }
0xa5: {  	s14 =	simm.s32 $0x0;
	v0 =	vld [tilespmem:s13+$0x10060]  }
0xa6: {  	v3 =	vld [tilespmem:s14+$0x300]  }
0xa7: {  	v6 =	vld [tilespmem:s14+$0x310]  }
0xa8: {  	v5 =	vld [tilespmem:s14+$0x320]  }
0xa9: {  	v4 =	vld [tilespmem:s14+$0x330]  }
0xaa: {  	v1 =	vld [tilespmem:s14+$0x340]  }
0xab: {  	v2 =	vld [tilespmem:s14+$0x350];
	vm0 =	vge.f32 v3, v0  }
0xac: {  	s15 =	simm.s32 $0x1000;
	v7 =	vnsel vm0, $0x0, v3;
	vm0 =	vge.f32 v6, v0;
	v3 =	vld [tilespmem:s14+$0x360]  }
.LBB2_15:
0xad: {  	s16 =	sshra.s32 s15, $0x2;
	p0 =	sne.s32 s15, $0x3F000;
	[tilespmem:s14+$0x300] =	vst v7;
	v6 =	vnsel vm0, $0x0, v6;
	vm0 =	vge.f32 v5, v0;
	v7 =	vld [tilespmem:s14+$0x370]  }
0xae: {  	v8 =	vld [tilespmem:s16+$0x300];
	[tilespmem:s14+$0x310] =	vst v6;
	v5 =	vnsel vm0, $0x0, v5;
	vm0 =	vge.f32 v4, v0  }
0xaf: {  	v6 =	vld [tilespmem:s16+$0x310];
	[tilespmem:s14+$0x320] =	vst v5;
	v4 =	vnsel vm0, $0x0, v4;
	vm0 =	vge.f32 v1, v0  }
.Ltmp6:
0xb0: {  	v5 =	vld [tilespmem:s16+$0x320];
	[tilespmem:s14+$0x330] =	vst v4;
	v1 =	vnsel vm0, $0x0, v1;
	vm0 =	vge.f32 v2, v0;
	(pc) =	sbr.rel @p0 .LBB2_15-.Ltmp6, $4  }
0xb1: {  	v4 =	vld [tilespmem:s16+$0x330];
	[tilespmem:s14+$0x340] =	vst v1;
	v2 =	vnsel vm0, $0x0, v2;
	vm0 =	vge.f32 v3, v0  }
0xb2: {  	v1 =	vld [tilespmem:s16+$0x340];
	[tilespmem:s14+$0x350] =	vst v2;
	v3 =	vnsel vm0, $0x0, v3;
	vm0 =	vge.f32 v7, v0  }
0xb3: {  	vm1 =	vge.f32 v8, v0;
	v2 =	vld [tilespmem:s16+$0x350];
	[tilespmem:s14+$0x360] =	vst v3;
	v9 =	vnsel vm0, $0x0, v7  }
0xb4: {  	s15 =	sadd.s32 $0x1000, s15;
	v7 =	vnsel vm1, $0x0, v8;
	vm0 =	vge.f32 v6, v0;
	v3 =	vld [tilespmem:s16+$0x360];
	[tilespmem:s14+$0x370] =	vst v9;
	s14 =	smov.u32 s16  }
0xb5: {  	[tilespmem:s14+$0x300] =	vst v7;
	v6 =	vnsel vm0, $0x0, v6;
	vm0 =	vge.f32 v5, v0;
	v7 =	vld [tilespmem:s14+$0x370]  }
0xb6: {  	[tilespmem:s14+$0x310] =	vst v6;
	v5 =	vnsel vm0, $0x0, v5;
	vm0 =	vge.f32 v4, v0  }
0xb7: {  	[tilespmem:s14+$0x320] =	vst v5;
	v4 =	vnsel vm0, $0x0, v4;
	vm0 =	vge.f32 v1, v0  }
0xb8: {  	[tilespmem:s14+$0x330] =	vst v4;
	v1 =	vnsel vm0, $0x0, v1;
	vm0 =	vge.f32 v2, v0  }
0xb9: {  	[tilespmem:s14+$0x340] =	vst v1;
	v1 =	vnsel vm0, $0x0, v2;
	vm0 =	vge.f32 v3, v0  }
0xba: {  	[tilespmem:s14+$0x350] =	vst v1;
	v1 =	vnsel vm0, $0x0, v3;
	vm0 =	vge.f32 v7, v0  }
0xbb: {  	[tilespmem:s14+$0x360] =	vst v1;
	v0 =	vnsel vm0, $0x0, v7  }
0xbc: {  	[tilespmem:s14+$0x370] =	vst v0  }
0xbd: {  	v0 =	vld [tilespmem:s13+$0x10070];
	s13 =	simm.s32 $0x0  }
0xbe: {  	v3 =	vld [tilespmem:s13+$0x380]  }
0xbf: {  	v6 =	vld [tilespmem:s13+$0x390]  }
0xc0: {  	v5 =	vld [tilespmem:s13+$0x3A0]  }
0xc1: {  	v4 =	vld [tilespmem:s13+$0x3B0]  }
0xc2: {  	v1 =	vld [tilespmem:s13+$0x3C0]  }
0xc3: {  	v2 =	vld [tilespmem:s13+$0x3D0];
	vm0 =	vge.f32 v3, v0  }
0xc4: {  	s14 =	simm.s32 $0x1000;
	v7 =	vnsel vm0, $0x0, v3;
	vm0 =	vge.f32 v6, v0;
	v3 =	vld [tilespmem:s13+$0x3E0]  }
.LBB2_17:
0xc5: {  	s15 =	sshra.s32 s14, $0x2;
	p0 =	sne.s32 s14, $0x3F000;
	[tilespmem:s13+$0x380] =	vst v7;
	v6 =	vnsel vm0, $0x0, v6;
	vm0 =	vge.f32 v5, v0;
	v7 =	vld [tilespmem:s13+$0x3F0]  }
0xc6: {  	v8 =	vld [tilespmem:s15+$0x380];
	[tilespmem:s13+$0x390] =	vst v6;
	v5 =	vnsel vm0, $0x0, v5;
	vm0 =	vge.f32 v4, v0  }
0xc7: {  	v6 =	vld [tilespmem:s15+$0x390];
	[tilespmem:s13+$0x3A0] =	vst v5;
	v4 =	vnsel vm0, $0x0, v4;
	vm0 =	vge.f32 v1, v0  }
.Ltmp7:
0xc8: {  	v5 =	vld [tilespmem:s15+$0x3A0];
	[tilespmem:s13+$0x3B0] =	vst v4;
	v1 =	vnsel vm0, $0x0, v1;
	vm0 =	vge.f32 v2, v0;
	(pc) =	sbr.rel @p0 .LBB2_17-.Ltmp7, $4  }
0xc9: {  	v4 =	vld [tilespmem:s15+$0x3B0];
	[tilespmem:s13+$0x3C0] =	vst v1;
	v2 =	vnsel vm0, $0x0, v2;
	vm0 =	vge.f32 v3, v0  }
0xca: {  	v1 =	vld [tilespmem:s15+$0x3C0];
	[tilespmem:s13+$0x3D0] =	vst v2;
	v3 =	vnsel vm0, $0x0, v3;
	vm0 =	vge.f32 v7, v0  }
0xcb: {  	vm1 =	vge.f32 v8, v0;
	v2 =	vld [tilespmem:s15+$0x3D0];
	[tilespmem:s13+$0x3E0] =	vst v3;
	v9 =	vnsel vm0, $0x0, v7  }
0xcc: {  	s14 =	sadd.s32 $0x1000, s14;
	v7 =	vnsel vm1, $0x0, v8;
	vm0 =	vge.f32 v6, v0;
	v3 =	vld [tilespmem:s15+$0x3E0];
	[tilespmem:s13+$0x3F0] =	vst v9;
	s13 =	smov.u32 s15  }
0xcd: {  	[tilespmem:s13+$0x380] =	vst v7;
	v6 =	vnsel vm0, $0x0, v6;
	vm10 =	vge.f32 v5, v0;
	v61 =	vld [tilespmem:s13+$0x3F0]  }
0xce: {  	[tilespmem:s13+$0x390] =	vst v6;
	v5 =	vnsel vm10, $0x0, v5;
	vm11 =	vge.f32 v4, v0  }
0xcf: {  	[tilespmem:s13+$0x3A0] =	vst v5;
	v4 =	vnsel vm11, $0x0, v4;
	vm12 =	vge.f32 v1, v0  }
0xd0: {  	[tilespmem:s13+$0x3B0] =	vst v4;
	v1 =	vnsel vm12, $0x0, v1;
	vm13 =	vge.f32 v2, v0  }
0xd1: {  	[tilespmem:s13+$0x3C0] =	vst v1;
	v62 =	vnsel vm13, $0x0, v2;
	vm14 =	vge.f32 v3, v0  }
0xd2: {  	s11 =	sadd.s32 $0x1, s11;
	[tilespmem:s13+$0x3D0] =	vst v62;
	v63 =	vnsel vm14, $0x0, v3;
	vm15 =	vge.f32 v61, v0  }
0xd3: {  	p0 =	sne.s32 s11, $0x8;
	[tilespmem:s13+$0x3E0] =	vst v63;
	v0 =	vnsel vm15, $0x0, v61  }
.Ltmp8:
0xd4: {  	s12 =	sadd.s32 s4, s12;
	[tilespmem:s13+$0x3F0] =	vst v0;
	(pc) =	sbr.rel @p0 .LBB2_2-.Ltmp8, $4  }
0xd5: {  	[hbm4b:s12+s2] =	stream.linear.scatter [tilespmem:s2], [sflag:$0x1], $0x10000, $0x38;
	[tilespmem:$0x10400] =	vst v63  }
0xd6: {  	_ =	swait.ge [sflag:s9], $0x10000  }
0xd7: {  	[sflag:s9] =	ssyncset.done $0x0  }
0xd8: {  	[sflag:s9] =	ssyncadd.s32 $0xFFFF0000  }
0xd9: {  	s10 =	sadd.s32 $0x1, s10  }
0xda: {  	p0 =	sne.s32 s10, s7  }
.Ltmp9:
0xdb: {  	_ = 	snop;
	(pc) =	sbr.rel @p0 .LBB2_1-.Ltmp9, $1  }
0xdc: {  	_ =	sdelay $0x3  }
0xdd: {  	_ =	sfence.sel $0x180000  }
0xde: {  	[bflag:$0x0] =	sbarrier.arrive $0xFFFF  }
0xdf: {  	p0 =	sne.s32 s1, $0x0;
	_ =	strace $0x9000004A  }
0xe0: {  	s0 =	sadd.s32 @!p0 $0x100000, s0;
	[bflag:$0x2] =	sbarrier.arrive $0xFFFF  }
0xe1: {  	[sflag:s0] =	ssyncadd.tile.s32 @!p0 $0x1;
	_ =	shalt  }
.Lfunc_end2:
_tile_overlayer_lowered:
.L_overlay_start_2:
0xe2: {  	(tag) =	ssettag $0x2  }
0xe3: {  	s0 =	rddreg [dreg:$0x0];
	s2 =	stileid.u32  }
0xe4: {  	s1 =	rddreg [dreg:$0x1];
	p0 =	sne.s32 s2, $0x0  }
0xe5: {  	s3 =	rddreg [dreg:$0x2];
	[bflag:$0x3] =	sbarrier.arrive $0xFFFF;
	s2 =	simm.s32 @!p0 $0x1C01  }
0xe6: {  	[timem:s3], [sflag:s2] =	dma.local @!p0 [hbm:s0], s1  }
0xe7: {  	s0 =	simm.s32 @!p0 $0x1  }
0xe8: {  	_ =	swait.ge @!p0 [sflag:s0], s1  }
0xe9: {  	s1 =	ssub.s32 @!p0 $0x0, s1;
	[sflag:s0] =	ssyncset.done @!p0 $0x0  }
0xea: {  	[sflag:s0] =	ssyncadd.s32 @!p0 s1  }
0xeb: {  	[bflag:$0x3] =	sbarrier.arrive $0xFFFF  }
0xec: {  	_ =	shalt  }

</sc_bundles>
